<compile_context>
chip_gen: v7x
topology: tpu7x:2x2x1
jax: 0.10.2.dev20260603
libtpu: 0.0.44.dev20260713+nightly
codegen_flags: <defaults>
</compile_context>

<pallas_src>
import functools

import jax
import jax.numpy as jnp
import numpy as np
from jax import lax
from jax.experimental import pallas as pl
from jax.experimental.pallas import tpu as pltpu
from jax.experimental.pallas import tpu_sc as plsc

B = 4096
F = 26
D = 16
FIELD = 3846
V = F * FIELD
H1, H2 = 256, 128
EOD = F * D

NC, NS = 2, 16
NW = NC * NS
SPW = B // NW
XPW = SPW * F

NPAIR = (F * (F - 1)) // 2
NSLOT = 2 * NPAIR
NSLOT_PAD = 656
FFM_CHUNKS = [(0, NSLOT_PAD)]


VPAD = 102400
_VC = 4096
_NVC = VPAD // _VC
_CH = _VC // 8


def _ffm_base(j):
    return (j >> 3) * 8 * VPAD + (j & 7)


def _pair_tables():
    cols, bases = [], []
    for i in range(F - 1):
        for j in range(i + 1, F):
            cols.append(i)
            bases.append(_ffm_base(j))
            cols.append(j)
            bases.append(_ffm_base(i))
    while len(cols) < NSLOT_PAD:
        cols.append(0)
        bases.append(0)
    return np.asarray(cols, np.int32), np.asarray(bases, np.int32)


_PCOL_NP, _PBASE_NP = _pair_tables()


def _sc_body(xi_hbm, xis_hbm, wffm_hbm, wemb_hbm, wlin_hbm, pcol_hbm,
             pbase_hbm, out_sc, out_emb,
             xi_v, xis_v, pcol_v, pbase_v, idx_v, rows_v, idx_v1, rows_v1,
             emb_v, lin_v, out_v, sem, sem1, sem2, sem3):
    wid = lax.axis_index("s") * NC + lax.axis_index("c")
    sbase = wid * SPW
    xbase = wid * XPW

    pltpu.sync_copy(xi_hbm.at[pl.ds(xbase, XPW)], xi_v)
    pltpu.sync_copy(xis_hbm.at[pl.ds(xbase, XPW)], xis_v)
    pltpu.sync_copy(pcol_hbm, pcol_v)
    pltpu.sync_copy(pbase_hbm, pbase_v)

    emb_handles = []
    for k in range(SPW // 4):
        emb_handles.append(pltpu.async_copy(
            wemb_hbm.at[xis_v.at[pl.ds(k * 104, 104)]],
            emb_v.at[k], sem2))
    lin_handles = []
    for k in range(F):
        lin_handles.append(pltpu.async_copy(
            wlin_hbm.at[xi_v.at[pl.ds(k * 128, 128)]],
            lin_v.at[pl.ds(k * 128, 128)], sem3))
    for h in lin_handles:
        h.wait()

    iota = lax.iota(jnp.int32, 16)

    def build_and_fire(s, idxb, rowsb, semx):
        for c in range(NSLOT_PAD // 16):
            cols = pcol_v[pl.ds(c * 16, 16)]
            bases = pbase_v[pl.ds(c * 16, 16)]
            xiv = plsc.load_gather(xi_v, [s * F + cols])
            idxb[pl.ds(c * 16, 16)] = (xiv << 3) + bases
        for off, ln in FFM_CHUNKS:
            pltpu.async_copy(
                wffm_hbm.at[idxb.at[pl.ds(off, ln)]],
                rowsb.at[pl.ds(off, ln)], semx)

    def wait_gathers(idxb, rowsb, semx):
        for off, ln in FFM_CHUNKS:
            pltpu.make_async_copy(
                wffm_hbm.at[idxb.at[pl.ds(off, ln)]],
                rowsb.at[pl.ds(off, ln)], semx).wait()

    def accumulate(s, rowsb, acc):
        def pair_chunk(t, accs5):
            accs5 = list(accs5)
            base = 2 * t * 25
            for u in range(25):
                accs5[u % 5] = accs5[u % 5] + (rowsb[base + 2 * u]
                                               * rowsb[base + 2 * u + 1])
            return tuple(accs5)

        z = jnp.zeros((16,), jnp.float32)
        accs5 = lax.fori_loop(0, 13, pair_chunk, (z, z, z, z, z))
        ffm = jnp.sum((accs5[0] + accs5[1]) + (accs5[2] + accs5[3])
                      + accs5[4])
        v0 = plsc.load_gather(lin_v, [s * F + iota])
        i1 = jnp.where(iota < F - 16, s * F + 16 + iota, 0)
        v1 = jnp.where(iota < F - 16, plsc.load_gather(lin_v, [i1]),
                       jnp.zeros((16,), jnp.float32))
        val = ffm + jnp.sum(v0 + v1)
        lane = lax.rem(s, 16)
        acc = jnp.where(iota == lane, val, acc)

        @pl.when(lane == 15)
        def _():
            plsc.store_scatter(out_v, [(s - 15) + iota], acc)

        return acc

    build_and_fire(0, idx_v, rows_v, sem)

    def body(t, acc):
        s0 = 2 * t
        build_and_fire(s0 + 1, idx_v1, rows_v1, sem1)
        wait_gathers(idx_v, rows_v, sem)
        acc = accumulate(s0, rows_v, acc)
        build_and_fire(lax.rem(s0 + 2, SPW), idx_v, rows_v, sem)
        wait_gathers(idx_v1, rows_v1, sem1)
        return accumulate(s0 + 1, rows_v1, acc)

    lax.fori_loop(0, SPW // 2, body, jnp.zeros((16,), jnp.float32))
    wait_gathers(idx_v, rows_v, sem)
    pltpu.sync_copy(out_v, out_sc.at[pl.ds(sbase, SPW)])
    for h in emb_handles:
        h.wait()
    pltpu.sync_copy(emb_v, out_emb.at[pl.ds(wid * (SPW // 4), SPW // 4)])


_sc_call = functools.partial(
    pl.kernel,
    out_type=(
        jax.ShapeDtypeStruct((B,), jnp.float32),
        jax.ShapeDtypeStruct((B // 4, 4 * F, D), jnp.float32),
    ),
    name="sc_ffm_gather",
    mesh=plsc.VectorSubcoreMesh(core_axis_name="c", subcore_axis_name="s"),
    scratch_types=[
        pltpu.VMEM((XPW,), jnp.int32),
        pltpu.VMEM((XPW,), jnp.int32),
        pltpu.VMEM((NSLOT_PAD,), jnp.int32),
        pltpu.VMEM((NSLOT_PAD,), jnp.int32),
        pltpu.VMEM((NSLOT_PAD,), jnp.int32),
        pltpu.VMEM((NSLOT_PAD, D), jnp.float32),
        pltpu.VMEM((NSLOT_PAD,), jnp.int32),
        pltpu.VMEM((NSLOT_PAD, D), jnp.float32),
        pltpu.VMEM((SPW // 4, 4 * F, D), jnp.float32),
        pltpu.VMEM((XPW,), jnp.float32),
        pltpu.VMEM((SPW,), jnp.float32),
        pltpu.SemaphoreType.DMA,
        pltpu.SemaphoreType.DMA,
        pltpu.SemaphoreType.DMA,
        pltpu.SemaphoreType.DMA,
    ],
    compiler_params=pltpu.CompilerParams(
        needs_layout_passes=False, use_tc_tiling_on_sc=False),
)(_sc_body)


def _tr_body(in_ref, out_ref):
    x = in_ref[0]
    for k in range(8):
        xk = x[:, k * _CH:(k + 1) * _CH]
        out_ref[:, k * D:(k + 1) * D] = xk.T


def _transpose_table(wt):
    g = wt.shape[0]
    out2d = pl.pallas_call(
        _tr_body,
        grid=(g, _NVC),
        in_specs=[pl.BlockSpec((1, D, _VC), lambda j, c: (j, 0, c))],
        out_specs=pl.BlockSpec((_VC // 8, 128), lambda j, c: (j * _NVC + c, 0)),
        out_shape=jax.ShapeDtypeStruct((g * VPAD // 8, 128), jnp.float32),
    )(wt)
    return out2d.reshape(g * VPAD, D)


def _scramble(v):
    return ((v >> 12) << 12) + ((v & 511) << 3) + ((v & 4095) >> 9)


_TVC = 4096
_TNC = VPAD // _TVC


def _tile_tr_body(in_ref, out_ref):
    out_ref[...] = in_ref[...].T


def _transpose_ffm(wv):
    out2d = pl.pallas_call(
        _tile_tr_body,
        grid=(4, 25),
        in_specs=[pl.BlockSpec((128, _TVC), lambda a, c: (a, c))],
        out_specs=pl.BlockSpec((_TVC, 128), lambda a, c: (a * _TNC + c, 0)),
        out_shape=jax.ShapeDtypeStruct((4 * VPAD, 128), jnp.float32),
    )(wv)
    return out2d.reshape(4 * VPAD * 8, D)


def _mlp_body(h_ref, w1, b1, g1, be1, w2, b2, g2, be2, w3, b3, blin, sc_ref,
              out_ref):
    eps = 1e-5
    z = jnp.dot(h_ref[...], w1[...], preferred_element_type=jnp.float32)
    z = z + b1[...][None, :]
    mu = jnp.mean(z, axis=0, keepdims=True)
    var = jnp.mean((z - mu) ** 2, axis=0, keepdims=True)
    h1 = jnp.maximum((z - mu) / jnp.sqrt(var + eps) * g1[...][None, :]
                     + be1[...][None, :], 0.0)
    z2 = jnp.dot(h1, w2[...], preferred_element_type=jnp.float32)
    z2 = z2 + b2[...][None, :]
    mu2 = jnp.mean(z2, axis=0, keepdims=True)
    var2 = jnp.mean((z2 - mu2) ** 2, axis=0, keepdims=True)
    h2 = jnp.maximum((z2 - mu2) / jnp.sqrt(var2 + eps) * g2[...][None, :]
                     + be2[...][None, :], 0.0)
    mlp = jnp.dot(h2, w3[...], preferred_element_type=jnp.float32)[:, 0]
    out_ref[...] = jax.nn.sigmoid(sc_ref[...] + mlp + b3[0] + blin[0])


_mlp_call = pl.pallas_call(
    _mlp_body,
    out_shape=jax.ShapeDtypeStruct((B,), jnp.float32),
)


def kernel(x, offsets, W_embed, W_lin, b_lin, W_ffm, W1, b1, g1, be1,
           W2, b2, g2, be2, W3, b3):
    xi = (x + offsets[None, :]).reshape(B * F)
    xis = _scramble(xi)
    wffm2 = _transpose_ffm(jnp.transpose(W_ffm, (0, 2, 1)).reshape(F * D, V))
    wemb = _transpose_table(jnp.transpose(W_embed, (1, 0))[None])
    wlin1 = W_lin.reshape(V)
    pcol = jnp.asarray(_PCOL_NP)
    pbase = jnp.asarray(_PBASE_NP)
    sc_out, emb = _sc_call(xi, xis, wffm2, wemb, wlin1, pcol, pbase)
    h = emb.reshape(B, EOD)
    return _mlp_call(h, W1, b1, g1, be1, W2, b2, g2, be2, W3, b3, b_lin,
                     sc_out)

# --- scband reference (transcript-rebuilt; emitter-appended) ---
"""Pipeline reference for scband-deep-field-aware-factorization-machine-model-17368847745101 (READ-ONLY COPY).

The authoritative reference and input builder live on the scoring server;
editing this copy changes nothing except your own understanding.
"""

import jax, jax.numpy as jnp
import numpy as np

B = 4096
F = 26
D = 16
FIELD = 3846
V = F * FIELD
H1, H2 = 256, 128
EOD = F * D


def setup_inputs(seed: int = 0) -> dict:
    key = jax.random.key(seed)
    ks = jax.random.split(key, 8)
    x = jax.random.randint(ks[0], (B, F), 0, FIELD, dtype=jnp.int32)
    offsets = jnp.arange(F, dtype=jnp.int32) * FIELD
    W_embed = jax.random.normal(ks[1], (V, D), dtype=jnp.float32) * 0.01
    W_lin = jax.random.normal(ks[2], (V, 1), dtype=jnp.float32) * 0.01
    b_lin = jnp.zeros((1,), dtype=jnp.float32)
    W_ffm = jax.random.normal(ks[3], (F, V, D), dtype=jnp.float32) * 0.01
    W1 = jax.random.normal(ks[4], (EOD, H1), dtype=jnp.float32) * (1.0 / np.sqrt(EOD))
    b1 = jnp.zeros((H1,), dtype=jnp.float32)
    g1 = jnp.ones((H1,), dtype=jnp.float32)
    be1 = jnp.zeros((H1,), dtype=jnp.float32)
    W2 = jax.random.normal(ks[5], (H1, H2), dtype=jnp.float32) * (1.0 / np.sqrt(H1))
    b2 = jnp.zeros((H2,), dtype=jnp.float32)
    g2 = jnp.ones((H2,), dtype=jnp.float32)
    be2 = jnp.zeros((H2,), dtype=jnp.float32)
    W3 = jax.random.normal(ks[6], (H2, 1), dtype=jnp.float32) * (1.0 / np.sqrt(H2))
    b3 = jnp.zeros((1,), dtype=jnp.float32)
    return {"x": x, "offsets": offsets, "W_embed": W_embed, "W_lin": W_lin, "b_lin": b_lin, "W_ffm": W_ffm, "W1": W1, "b1": b1, "g1": g1, "be1": be1, "W2": W2, "b2": b2, "g2": g2, "be2": be2, "W3": W3, "b3": b3}


def _batchnorm(h, g, b, eps=1e-5):
    mu = jnp.mean(h, axis=0, keepdims=True)
    var = jnp.var(h, axis=0, keepdims=True)
    return (h - mu) / jnp.sqrt(var + eps) * g + b


def reference(x, offsets, W_embed, W_lin, b_lin, W_ffm, W1, b1, g1, be1, W2, b2, g2, be2, W3, b3):
    xi = x + offsets[None, :]  # [B, F]
    embed_x = jnp.take(W_embed, xi, axis=0)  # [B, F, D]
    # Field-aware factorization machine: one embedding table per field
    xs = [jnp.take(W_ffm[f], xi, axis=0) for f in range(F)]  # each [B, F, D]
    ix = []
    for i in range(F - 1):
        for j in range(i + 1, F):
            ix.append(xs[j][:, i] * xs[i][:, j])
    ix = jnp.stack(ix, axis=1)  # [B, P, D]
    ffm_term = jnp.sum(jnp.sum(ix, axis=1), axis=1, keepdims=True)  # [B, 1]
    lin = jnp.sum(jnp.take(W_lin, xi, axis=0), axis=1) + b_lin  # [B, 1]
    h = embed_x.reshape(B, EOD)
    h = jnp.maximum(_batchnorm(h @ W1 + b1, g1, be1), 0.0)
    h = jnp.maximum(_batchnorm(h @ W2 + b2, g2, be2), 0.0)
    mlp = h @ W3 + b3  # [B, 1]
    out = lin + ffm_term + mlp
    return jax.nn.sigmoid(out.squeeze(1))

if __name__ == "__main__":
    import jax
    _d = setup_inputs()
    print(jax.jit(kernel)(*tuple(_d.values())))

</pallas_src>

<mosaic_0001>
#map = affine_map<(d0, d1) -> (0)>
#map1 = affine_map<(d0, d1) -> (0, 0)>
#map2 = affine_map<(d0, d1) -> (0, 0, 0)>
module attributes {stable_mosaic.version = 14 : i64} {
  func.func @sc_ffm_gather(%arg0: i32, %arg1: i32, %arg2: memref<106496xi32, #tpu.memory_space<hbm>>, %arg3: memref<106496xi32, #tpu.memory_space<hbm>>, %arg4: memref<3276800x16xf32, #tpu.memory_space<hbm>>, %arg5: memref<102400x16xf32, #tpu.memory_space<hbm>>, %arg6: memref<99996xf32, #tpu.memory_space<hbm>>, %arg7: memref<656xi32, #tpu.memory_space<hbm>>, %arg8: memref<656xi32, #tpu.memory_space<hbm>>, %arg9: memref<4096xf32, #tpu.memory_space<hbm>>, %arg10: memref<1024x104x16xf32, #tpu.memory_space<hbm>>, %arg11: memref<3328xi32, #tpu.memory_space<vmem>>, %arg12: memref<3328xi32, #tpu.memory_space<vmem>>, %arg13: memref<656xi32, #tpu.memory_space<vmem>>, %arg14: memref<656xi32, #tpu.memory_space<vmem>>, %arg15: memref<656xi32, #tpu.memory_space<vmem>>, %arg16: memref<656x16xf32, #tpu.memory_space<vmem>>, %arg17: memref<656xi32, #tpu.memory_space<vmem>>, %arg18: memref<656x16xf32, #tpu.memory_space<vmem>>, %arg19: memref<32x104x16xf32, #tpu.memory_space<vmem>>, %arg20: memref<3328xf32, #tpu.memory_space<vmem>>, %arg21: memref<128xf32, #tpu.memory_space<vmem>>, %arg22: memref<!tpu.dma_semaphore, #tpu.memory_space<semaphore_mem>>, %arg23: memref<!tpu.dma_semaphore, #tpu.memory_space<semaphore_mem>>, %arg24: memref<!tpu.dma_semaphore, #tpu.memory_space<semaphore_mem>>, %arg25: memref<!tpu.dma_semaphore, #tpu.memory_space<semaphore_mem>>) attributes {dimension_semantics = [#tpu.dimension_semantics<core_parallel>, #tpu.dimension_semantics<subcore_parallel>], iteration_bounds = array<i64: 2, 16>, scalar_prefetch = 0 : i64, scratch_operands = 15 : i64, tpu.core_type = #tpu.core_type<sc_vector_subcore>, window_params = [{transform_indices = #map}, {transform_indices = #map}, {transform_indices = #map1}, {transform_indices = #map1}, {transform_indices = #map}, {transform_indices = #map}, {transform_indices = #map}, {transform_indices = #map}, {transform_indices = #map2}]} {
    %mul3A = arith.constant 2 : i32
    %mul3A_0 = arith.muli %arg1, %mul3A : i32
    %add3A = arith.addi %mul3A_0, %arg0 : i32
    %mul3A_1 = arith.constant 128 : i32
    %mul3A_2 = arith.muli %add3A, %mul3A_1 : i32
    %mul3A_3 = arith.constant 3328 : i32
    %mul3A_4 = arith.muli %add3A, %mul3A_3 : i32
    "tpu.region"() ({
      %run_scoped3A = tpu.sem_alloc : memref<!tpu.dma_semaphore, #tpu.memory_space<semaphore_mem>>
      %dma_start3A_1549 = tpu.memref_slice %arg2[%mul3A_4] : memref<106496xi32, #tpu.memory_space<hbm>> -> memref<3328xi32, #tpu.memory_space<hbm>>
      %dma_start3A_1550 = tpu.memref_slice %arg2[%mul3A_4] : memref<106496xi32, #tpu.memory_space<hbm>> -> memref<3328xi32, #tpu.memory_space<hbm>>
      tpu.enqueue_dma source(%dma_start3A_1550 : memref<3328xi32, #tpu.memory_space<hbm>>) target(%arg11 : memref<3328xi32, #tpu.memory_space<vmem>>) target_semaphore(%run_scoped3A : memref<!tpu.dma_semaphore, #tpu.memory_space<semaphore_mem>>)
      %dma_wait3A_1551 = tpu.memref_slice %arg2[%mul3A_4] : memref<106496xi32, #tpu.memory_space<hbm>> -> memref<3328xi32, #tpu.memory_space<hbm>>
      %dma_wait3A_1552 = tpu.memref_slice %arg2[%mul3A_4] : memref<106496xi32, #tpu.memory_space<hbm>> -> memref<3328xi32, #tpu.memory_space<hbm>>
      tpu.wait_dma2 semaphore(%run_scoped3A : memref<!tpu.dma_semaphore, #tpu.memory_space<semaphore_mem>>) src(%dma_wait3A_1552 : memref<3328xi32, #tpu.memory_space<hbm>>) dst(%arg11 : memref<3328xi32, #tpu.memory_space<vmem>>)
      tpu.yield
    }) : () -> ()
    "tpu.region"() ({
      %run_scoped3A = tpu.sem_alloc : memref<!tpu.dma_semaphore, #tpu.memory_space<semaphore_mem>>
      %dma_start3A_1549 = tpu.memref_slice %arg3[%mul3A_4] : memref<106496xi32, #tpu.memory_space<hbm>> -> memref<3328xi32, #tpu.memory_space<hbm>>
      %dma_start3A_1550 = tpu.memref_slice %arg3[%mul3A_4] : memref<106496xi32, #tpu.memory_space<hbm>> -> memref<3328xi32, #tpu.memory_space<hbm>>
      tpu.enqueue_dma source(%dma_start3A_1550 : memref<3328xi32, #tpu.memory_space<hbm>>) target(%arg12 : memref<3328xi32, #tpu.memory_space<vmem>>) target_semaphore(%run_scoped3A : memref<!tpu.dma_semaphore, #tpu.memory_space<semaphore_mem>>)
      %dma_wait3A_1551 = tpu.memref_slice %arg3[%mul3A_4] : memref<106496xi32, #tpu.memory_space<hbm>> -> memref<3328xi32, #tpu.memory_space<hbm>>
      %dma_wait3A_1552 = tpu.memref_slice %arg3[%mul3A_4] : memref<106496xi32, #tpu.memory_space<hbm>> -> memref<3328xi32, #tpu.memory_space<hbm>>
      tpu.wait_dma2 semaphore(%run_scoped3A : memref<!tpu.dma_semaphore, #tpu.memory_space<semaphore_mem>>) src(%dma_wait3A_1552 : memref<3328xi32, #tpu.memory_space<hbm>>) dst(%arg12 : memref<3328xi32, #tpu.memory_space<vmem>>)
      tpu.yield
    }) : () -> ()
    "tpu.region"() ({
      %run_scoped3A = tpu.sem_alloc : memref<!tpu.dma_semaphore, #tpu.memory_space<semaphore_mem>>
      tpu.enqueue_dma source(%arg7 : memref<656xi32, #tpu.memory_space<hbm>>) target(%arg13 : memref<656xi32, #tpu.memory_space<vmem>>) target_semaphore(%run_scoped3A : memref<!tpu.dma_semaphore, #tpu.memory_space<semaphore_mem>>)
      tpu.wait_dma2 semaphore(%run_scoped3A : memref<!tpu.dma_semaphore, #tpu.memory_space<semaphore_mem>>) src(%arg7 : memref<656xi32, #tpu.memory_space<hbm>>) dst(%arg13 : memref<656xi32, #tpu.memory_space<vmem>>)
      tpu.yield
    }) : () -> ()
    "tpu.region"() ({
      %run_scoped3A = tpu.sem_alloc : memref<!tpu.dma_semaphore, #tpu.memory_space<semaphore_mem>>
      tpu.enqueue_dma source(%arg8 : memref<656xi32, #tpu.memory_space<hbm>>) target(%arg14 : memref<656xi32, #tpu.memory_space<vmem>>) target_semaphore(%run_scoped3A : memref<!tpu.dma_semaphore, #tpu.memory_space<semaphore_mem>>)
      tpu.wait_dma2 semaphore(%run_scoped3A : memref<!tpu.dma_semaphore, #tpu.memory_space<semaphore_mem>>) src(%arg8 : memref<656xi32, #tpu.memory_space<hbm>>) dst(%arg14 : memref<656xi32, #tpu.memory_space<vmem>>)
      tpu.yield
    }) : () -> ()
    %dma_start3A = arith.constant 0 : i32
    %dma_start3A_5 = arith.constant 0 : i32
    %dma_start3A_6 = arith.constant 0 : i32
    %dma_start3A_7 = tpu.memref_slice %arg19[%dma_start3A, %dma_start3A_5, %dma_start3A_6] : memref<32x104x16xf32, #tpu.memory_space<vmem>> -> memref<1x104x16xf32, #tpu.memory_space<vmem>>
    %dma_start3A_8 = tpu.memref_squeeze %dma_start3A_7 : memref<1x104x16xf32, #tpu.memory_space<vmem>> -> memref<104x16xf32, #tpu.memory_space<vmem>>
    %dma_start3A_9 = arith.constant 0 : i32
    %dma_start3A_10 = tpu.memref_slice %arg12[%dma_start3A_9] : memref<3328xi32, #tpu.memory_space<vmem>> -> memref<104xi32, #tpu.memory_space<vmem>>
    %dma_start3A_11 = arith.constant 0 : i32
    %dma_start3A_12 = arith.constant 0 : i32
    %dma_start3A_13 = tpu.memref_slice %arg5[%dma_start3A_11, %dma_start3A_12] : memref<102400x16xf32, #tpu.memory_space<hbm>> -> memref<102400x16xf32, #tpu.memory_space<hbm>>
    tpu.enqueue_indirect_dma source(%dma_start3A_13 : memref<102400x16xf32, #tpu.memory_space<hbm>>) target(%dma_start3A_8 : memref<104x16xf32, #tpu.memory_space<vmem>>) offsets(%dma_start3A_10 : memref<104xi32, #tpu.memory_space<vmem>>) semaphore(%arg24 : memref<!tpu.dma_semaphore, #tpu.memory_space<semaphore_mem>>)
    %dma_start3A_14 = arith.constant 1 : i32
    %dma_start3A_15 = arith.constant 0 : i32
    %dma_start3A_16 = arith.constant 0 : i32
    %dma_start3A_17 = tpu.memref_slice %arg19[%dma_start3A_14, %dma_start3A_15, %dma_start3A_16] : memref<32x104x16xf32, #tpu.memory_space<vmem>> -> memref<1x104x16xf32, #tpu.memory_space<vmem>>
    %dma_start3A_18 = tpu.memref_squeeze %dma_start3A_17 : memref<1x104x16xf32, #tpu.memory_space<vmem>> -> memref<104x16xf32, #tpu.memory_space<vmem>>
    %dma_start3A_19 = arith.constant 104 : i32
    %dma_start3A_20 = tpu.memref_slice %arg12[%dma_start3A_19] : memref<3328xi32, #tpu.memory_space<vmem>> -> memref<104xi32, #tpu.memory_space<vmem>>
    %dma_start3A_21 = arith.constant 0 : i32
    %dma_start3A_22 = arith.constant 0 : i32
    %dma_start3A_23 = tpu.memref_slice %arg5[%dma_start3A_21, %dma_start3A_22] : memref<102400x16xf32, #tpu.memory_space<hbm>> -> memref<102400x16xf32, #tpu.memory_space<hbm>>
    tpu.enqueue_indirect_dma source(%dma_start3A_23 : memref<102400x16xf32, #tpu.memory_space<hbm>>) target(%dma_start3A_18 : memref<104x16xf32, #tpu.memory_space<vmem>>) offsets(%dma_start3A_20 : memref<104xi32, #tpu.memory_space<vmem>>) semaphore(%arg24 : memref<!tpu.dma_semaphore, #tpu.memory_space<semaphore_mem>>)
    %dma_start3A_24 = arith.constant 2 : i32
    %dma_start3A_25 = arith.constant 0 : i32
    %dma_start3A_26 = arith.constant 0 : i32
    %dma_start3A_27 = tpu.memref_slice %arg19[%dma_start3A_24, %dma_start3A_25, %dma_start3A_26] : memref<32x104x16xf32, #tpu.memory_space<vmem>> -> memref<1x104x16xf32, #tpu.memory_space<vmem>>
    %dma_start3A_28 = tpu.memref_squeeze %dma_start3A_27 : memref<1x104x16xf32, #tpu.memory_space<vmem>> -> memref<104x16xf32, #tpu.memory_space<vmem>>
    %dma_start3A_29 = arith.constant 208 : i32
    %dma_start3A_30 = tpu.memref_slice %arg12[%dma_start3A_29] : memref<3328xi32, #tpu.memory_space<vmem>> -> memref<104xi32, #tpu.memory_space<vmem>>
    %dma_start3A_31 = arith.constant 0 : i32
    %dma_start3A_32 = arith.constant 0 : i32
    %dma_start3A_33 = tpu.memref_slice %arg5[%dma_start3A_31, %dma_start3A_32] : memref<102400x16xf32, #tpu.memory_space<hbm>> -> memref<102400x16xf32, #tpu.memory_space<hbm>>
    tpu.enqueue_indirect_dma source(%dma_start3A_33 : memref<102400x16xf32, #tpu.memory_space<hbm>>) target(%dma_start3A_28 : memref<104x16xf32, #tpu.memory_space<vmem>>) offsets(%dma_start3A_30 : memref<104xi32, #tpu.memory_space<vmem>>) semaphore(%arg24 : memref<!tpu.dma_semaphore, #tpu.memory_space<semaphore_mem>>)
    %dma_start3A_34 = arith.constant 3 : i32
    %dma_start3A_35 = arith.constant 0 : i32
    %dma_start3A_36 = arith.constant 0 : i32
    %dma_start3A_37 = tpu.memref_slice %arg19[%dma_start3A_34, %dma_start3A_35, %dma_start3A_36] : memref<32x104x16xf32, #tpu.memory_space<vmem>> -> memref<1x104x16xf32, #tpu.memory_space<vmem>>
    %dma_start3A_38 = tpu.memref_squeeze %dma_start3A_37 : memref<1x104x16xf32, #tpu.memory_space<vmem>> -> memref<104x16xf32, #tpu.memory_space<vmem>>
    %dma_start3A_39 = arith.constant 312 : i32
    %dma_start3A_40 = tpu.memref_slice %arg12[%dma_start3A_39] : memref<3328xi32, #tpu.memory_space<vmem>> -> memref<104xi32, #tpu.memory_space<vmem>>
    %dma_start3A_41 = arith.constant 0 : i32
    %dma_start3A_42 = arith.constant 0 : i32
    %dma_start3A_43 = tpu.memref_slice %arg5[%dma_start3A_41, %dma_start3A_42] : memref<102400x16xf32, #tpu.memory_space<hbm>> -> memref<102400x16xf32, #tpu.memory_space<hbm>>
    tpu.enqueue_indirect_dma source(%dma_start3A_43 : memref<102400x16xf32, #tpu.memory_space<hbm>>) target(%dma_start3A_38 : memref<104x16xf32, #tpu.memory_space<vmem>>) offsets(%dma_start3A_40 : memref<104xi32, #tpu.memory_space<vmem>>) semaphore(%arg24 : memref<!tpu.dma_semaphore, #tpu.memory_space<semaphore_mem>>)
    %dma_start3A_44 = arith.constant 4 : i32
    %dma_start3A_45 = arith.constant 0 : i32
    %dma_start3A_46 = arith.constant 0 : i32
    %dma_start3A_47 = tpu.memref_slice %arg19[%dma_start3A_44, %dma_start3A_45, %dma_start3A_46] : memref<32x104x16xf32, #tpu.memory_space<vmem>> -> memref<1x104x16xf32, #tpu.memory_space<vmem>>
    %dma_start3A_48 = tpu.memref_squeeze %dma_start3A_47 : memref<1x104x16xf32, #tpu.memory_space<vmem>> -> memref<104x16xf32, #tpu.memory_space<vmem>>
    %dma_start3A_49 = arith.constant 416 : i32
    %dma_start3A_50 = tpu.memref_slice %arg12[%dma_start3A_49] : memref<3328xi32, #tpu.memory_space<vmem>> -> memref<104xi32, #tpu.memory_space<vmem>>
    %dma_start3A_51 = arith.constant 0 : i32
    %dma_start3A_52 = arith.constant 0 : i32
    %dma_start3A_53 = tpu.memref_slice %arg5[%dma_start3A_51, %dma_start3A_52] : memref<102400x16xf32, #tpu.memory_space<hbm>> -> memref<102400x16xf32, #tpu.memory_space<hbm>>
    tpu.enqueue_indirect_dma source(%dma_start3A_53 : memref<102400x16xf32, #tpu.memory_space<hbm>>) target(%dma_start3A_48 : memref<104x16xf32, #tpu.memory_space<vmem>>) offsets(%dma_start3A_50 : memref<104xi32, #tpu.memory_space<vmem>>) semaphore(%arg24 : memref<!tpu.dma_semaphore, #tpu.memory_space<semaphore_mem>>)
    %dma_start3A_54 = arith.constant 5 : i32
    %dma_start3A_55 = arith.constant 0 : i32
    %dma_start3A_56 = arith.constant 0 : i32
    %dma_start3A_57 = tpu.memref_slice %arg19[%dma_start3A_54, %dma_start3A_55, %dma_start3A_56] : memref<32x104x16xf32, #tpu.memory_space<vmem>> -> memref<1x104x16xf32, #tpu.memory_space<vmem>>
    %dma_start3A_58 = tpu.memref_squeeze %dma_start3A_57 : memref<1x104x16xf32, #tpu.memory_space<vmem>> -> memref<104x16xf32, #tpu.memory_space<vmem>>
    %dma_start3A_59 = arith.constant 520 : i32
    %dma_start3A_60 = tpu.memref_slice %arg12[%dma_start3A_59] : memref<3328xi32, #tpu.memory_space<vmem>> -> memref<104xi32, #tpu.memory_space<vmem>>
    %dma_start3A_61 = arith.constant 0 : i32
    %dma_start3A_62 = arith.constant 0 : i32
    %dma_start3A_63 = tpu.memref_slice %arg5[%dma_start3A_61, %dma_start3A_62] : memref<102400x16xf32, #tpu.memory_space<hbm>> -> memref<102400x16xf32, #tpu.memory_space<hbm>>
    tpu.enqueue_indirect_dma source(%dma_start3A_63 : memref<102400x16xf32, #tpu.memory_space<hbm>>) target(%dma_start3A_58 : memref<104x16xf32, #tpu.memory_space<vmem>>) offsets(%dma_start3A_60 : memref<104xi32, #tpu.memory_space<vmem>>) semaphore(%arg24 : memref<!tpu.dma_semaphore, #tpu.memory_space<semaphore_mem>>)
    %dma_start3A_64 = arith.constant 6 : i32
    %dma_start3A_65 = arith.constant 0 : i32
    %dma_start3A_66 = arith.constant 0 : i32
    %dma_start3A_67 = tpu.memref_slice %arg19[%dma_start3A_64, %dma_start3A_65, %dma_start3A_66] : memref<32x104x16xf32, #tpu.memory_space<vmem>> -> memref<1x104x16xf32, #tpu.memory_space<vmem>>
    %dma_start3A_68 = tpu.memref_squeeze %dma_start3A_67 : memref<1x104x16xf32, #tpu.memory_space<vmem>> -> memref<104x16xf32, #tpu.memory_space<vmem>>
    %dma_start3A_69 = arith.constant 624 : i32
    %dma_start3A_70 = tpu.memref_slice %arg12[%dma_start3A_69] : memref<3328xi32, #tpu.memory_space<vmem>> -> memref<104xi32, #tpu.memory_space<vmem>>
    %dma_start3A_71 = arith.constant 0 : i32
    %dma_start3A_72 = arith.constant 0 : i32
    %dma_start3A_73 = tpu.memref_slice %arg5[%dma_start3A_71, %dma_start3A_72] : memref<102400x16xf32, #tpu.memory_space<hbm>> -> memref<102400x16xf32, #tpu.memory_space<hbm>>
    tpu.enqueue_indirect_dma source(%dma_start3A_73 : memref<102400x16xf32, #tpu.memory_space<hbm>>) target(%dma_start3A_68 : memref<104x16xf32, #tpu.memory_space<vmem>>) offsets(%dma_start3A_70 : memref<104xi32, #tpu.memory_space<vmem>>) semaphore(%arg24 : memref<!tpu.dma_semaphore, #tpu.memory_space<semaphore_mem>>)
    %dma_start3A_74 = arith.constant 7 : i32
    %dma_start3A_75 = arith.constant 0 : i32
    %dma_start3A_76 = arith.constant 0 : i32
    %dma_start3A_77 = tpu.memref_slice %arg19[%dma_start3A_74, %dma_start3A_75, %dma_start3A_76] : memref<32x104x16xf32, #tpu.memory_space<vmem>> -> memref<1x104x16xf32, #tpu.memory_space<vmem>>
    %dma_start3A_78 = tpu.memref_squeeze %dma_start3A_77 : memref<1x104x16xf32, #tpu.memory_space<vmem>> -> memref<104x16xf32, #tpu.memory_space<vmem>>
    %dma_start3A_79 = arith.constant 728 : i32
    %dma_start3A_80 = tpu.memref_slice %arg12[%dma_start3A_79] : memref<3328xi32, #tpu.memory_space<vmem>> -> memref<104xi32, #tpu.memory_space<vmem>>
    %dma_start3A_81 = arith.constant 0 : i32
    %dma_start3A_82 = arith.constant 0 : i32
    %dma_start3A_83 = tpu.memref_slice %arg5[%dma_start3A_81, %dma_start3A_82] : memref<102400x16xf32, #tpu.memory_space<hbm>> -> memref<102400x16xf32, #tpu.memory_space<hbm>>
    tpu.enqueue_indirect_dma source(%dma_start3A_83 : memref<102400x16xf32, #tpu.memory_space<hbm>>) target(%dma_start3A_78 : memref<104x16xf32, #tpu.memory_space<vmem>>) offsets(%dma_start3A_80 : memref<104xi32, #tpu.memory_space<vmem>>) semaphore(%arg24 : memref<!tpu.dma_semaphore, #tpu.memory_space<semaphore_mem>>)
    %dma_start3A_84 = arith.constant 8 : i32
    %dma_start3A_85 = arith.constant 0 : i32
    %dma_start3A_86 = arith.constant 0 : i32
    %dma_start3A_87 = tpu.memref_slice %arg19[%dma_start3A_84, %dma_start3A_85, %dma_start3A_86] : memref<32x104x16xf32, #tpu.memory_space<vmem>> -> memref<1x104x16xf32, #tpu.memory_space<vmem>>
    %dma_start3A_88 = tpu.memref_squeeze %dma_start3A_87 : memref<1x104x16xf32, #tpu.memory_space<vmem>> -> memref<104x16xf32, #tpu.memory_space<vmem>>
    %dma_start3A_89 = arith.constant 832 : i32
    %dma_start3A_90 = tpu.memref_slice %arg12[%dma_start3A_89] : memref<3328xi32, #tpu.memory_space<vmem>> -> memref<104xi32, #tpu.memory_space<vmem>>
    %dma_start3A_91 = arith.constant 0 : i32
    %dma_start3A_92 = arith.constant 0 : i32
    %dma_start3A_93 = tpu.memref_slice %arg5[%dma_start3A_91, %dma_start3A_92] : memref<102400x16xf32, #tpu.memory_space<hbm>> -> memref<102400x16xf32, #tpu.memory_space<hbm>>
    tpu.enqueue_indirect_dma source(%dma_start3A_93 : memref<102400x16xf32, #tpu.memory_space<hbm>>) target(%dma_start3A_88 : memref<104x16xf32, #tpu.memory_space<vmem>>) offsets(%dma_start3A_90 : memref<104xi32, #tpu.memory_space<vmem>>) semaphore(%arg24 : memref<!tpu.dma_semaphore, #tpu.memory_space<semaphore_mem>>)
    %dma_start3A_94 = arith.constant 9 : i32
    %dma_start3A_95 = arith.constant 0 : i32
    %dma_start3A_96 = arith.constant 0 : i32
    %dma_start3A_97 = tpu.memref_slice %arg19[%dma_start3A_94, %dma_start3A_95, %dma_start3A_96] : memref<32x104x16xf32, #tpu.memory_space<vmem>> -> memref<1x104x16xf32, #tpu.memory_space<vmem>>
    %dma_start3A_98 = tpu.memref_squeeze %dma_start3A_97 : memref<1x104x16xf32, #tpu.memory_space<vmem>> -> memref<104x16xf32, #tpu.memory_space<vmem>>
    %dma_start3A_99 = arith.constant 936 : i32
    %dma_start3A_100 = tpu.memref_slice %arg12[%dma_start3A_99] : memref<3328xi32, #tpu.memory_space<vmem>> -> memref<104xi32, #tpu.memory_space<vmem>>
    %dma_start3A_101 = arith.constant 0 : i32
    %dma_start3A_102 = arith.constant 0 : i32
    %dma_start3A_103 = tpu.memref_slice %arg5[%dma_start3A_101, %dma_start3A_102] : memref<102400x16xf32, #tpu.memory_space<hbm>> -> memref<102400x16xf32, #tpu.memory_space<hbm>>
    tpu.enqueue_indirect_dma source(%dma_start3A_103 : memref<102400x16xf32, #tpu.memory_space<hbm>>) target(%dma_start3A_98 : memref<104x16xf32, #tpu.memory_space<vmem>>) offsets(%dma_start3A_100 : memref<104xi32, #tpu.memory_space<vmem>>) semaphore(%arg24 : memref<!tpu.dma_semaphore, #tpu.memory_space<semaphore_mem>>)
    %dma_start3A_104 = arith.constant 10 : i32
    %dma_start3A_105 = arith.constant 0 : i32
    %dma_start3A_106 = arith.constant 0 : i32
    %dma_start3A_107 = tpu.memref_slice %arg19[%dma_start3A_104, %dma_start3A_105, %dma_start3A_106] : memref<32x104x16xf32, #tpu.memory_space<vmem>> -> memref<1x104x16xf32, #tpu.memory_space<vmem>>
    %dma_start3A_108 = tpu.memref_squeeze %dma_start3A_107 : memref<1x104x16xf32, #tpu.memory_space<vmem>> -> memref<104x16xf32, #tpu.memory_space<vmem>>
    %dma_start3A_109 = arith.constant 1040 : i32
    %dma_start3A_110 = tpu.memref_slice %arg12[%dma_start3A_109] : memref<3328xi32, #tpu.memory_space<vmem>> -> memref<104xi32, #tpu.memory_space<vmem>>
    %dma_start3A_111 = arith.constant 0 : i32
    %dma_start3A_112 = arith.constant 0 : i32
    %dma_start3A_113 = tpu.memref_slice %arg5[%dma_start3A_111, %dma_start3A_112] : memref<102400x16xf32, #tpu.memory_space<hbm>> -> memref<102400x16xf32, #tpu.memory_space<hbm>>
    tpu.enqueue_indirect_dma source(%dma_start3A_113 : memref<102400x16xf32, #tpu.memory_space<hbm>>) target(%dma_start3A_108 : memref<104x16xf32, #tpu.memory_space<vmem>>) offsets(%dma_start3A_110 : memref<104xi32, #tpu.memory_space<vmem>>) semaphore(%arg24 : memref<!tpu.dma_semaphore, #tpu.memory_space<semaphore_mem>>)
    %dma_start3A_114 = arith.constant 11 : i32
    %dma_start3A_115 = arith.constant 0 : i32
    %dma_start3A_116 = arith.constant 0 : i32
    %dma_start3A_117 = tpu.memref_slice %arg19[%dma_start3A_114, %dma_start3A_115, %dma_start3A_116] : memref<32x104x16xf32, #tpu.memory_space<vmem>> -> memref<1x104x16xf32, #tpu.memory_space<vmem>>
    %dma_start3A_118 = tpu.memref_squeeze %dma_start3A_117 : memref<1x104x16xf32, #tpu.memory_space<vmem>> -> memref<104x16xf32, #tpu.memory_space<vmem>>
    %dma_start3A_119 = arith.constant 1144 : i32
    %dma_start3A_120 = tpu.memref_slice %arg12[%dma_start3A_119] : memref<3328xi32, #tpu.memory_space<vmem>> -> memref<104xi32, #tpu.memory_space<vmem>>
    %dma_start3A_121 = arith.constant 0 : i32
    %dma_start3A_122 = arith.constant 0 : i32
    %dma_start3A_123 = tpu.memref_slice %arg5[%dma_start3A_121, %dma_start3A_122] : memref<102400x16xf32, #tpu.memory_space<hbm>> -> memref<102400x16xf32, #tpu.memory_space<hbm>>
    tpu.enqueue_indirect_dma source(%dma_start3A_123 : memref<102400x16xf32, #tpu.memory_space<hbm>>) target(%dma_start3A_118 : memref<104x16xf32, #tpu.memory_space<vmem>>) offsets(%dma_start3A_120 : memref<104xi32, #tpu.memory_space<vmem>>) semaphore(%arg24 : memref<!tpu.dma_semaphore, #tpu.memory_space<semaphore_mem>>)
    %dma_start3A_124 = arith.constant 12 : i32
    %dma_start3A_125 = arith.constant 0 : i32
    %dma_start3A_126 = arith.constant 0 : i32
    %dma_start3A_127 = tpu.memref_slice %arg19[%dma_start3A_124, %dma_start3A_125, %dma_start3A_126] : memref<32x104x16xf32, #tpu.memory_space<vmem>> -> memref<1x104x16xf32, #tpu.memory_space<vmem>>
    %dma_start3A_128 = tpu.memref_squeeze %dma_start3A_127 : memref<1x104x16xf32, #tpu.memory_space<vmem>> -> memref<104x16xf32, #tpu.memory_space<vmem>>
    %dma_start3A_129 = arith.constant 1248 : i32
    %dma_start3A_130 = tpu.memref_slice %arg12[%dma_start3A_129] : memref<3328xi32, #tpu.memory_space<vmem>> -> memref<104xi32, #tpu.memory_space<vmem>>
    %dma_start3A_131 = arith.constant 0 : i32
    %dma_start3A_132 = arith.constant 0 : i32
    %dma_start3A_133 = tpu.memref_slice %arg5[%dma_start3A_131, %dma_start3A_132] : memref<102400x16xf32, #tpu.memory_space<hbm>> -> memref<102400x16xf32, #tpu.memory_space<hbm>>
    tpu.enqueue_indirect_dma source(%dma_start3A_133 : memref<102400x16xf32, #tpu.memory_space<hbm>>) target(%dma_start3A_128 : memref<104x16xf32, #tpu.memory_space<vmem>>) offsets(%dma_start3A_130 : memref<104xi32, #tpu.memory_space<vmem>>) semaphore(%arg24 : memref<!tpu.dma_semaphore, #tpu.memory_space<semaphore_mem>>)
    %dma_start3A_134 = arith.constant 13 : i32
    %dma_start3A_135 = arith.constant 0 : i32
    %dma_start3A_136 = arith.constant 0 : i32
    %dma_start3A_137 = tpu.memref_slice %arg19[%dma_start3A_134, %dma_start3A_135, %dma_start3A_136] : memref<32x104x16xf32, #tpu.memory_space<vmem>> -> memref<1x104x16xf32, #tpu.memory_space<vmem>>
    %dma_start3A_138 = tpu.memref_squeeze %dma_start3A_137 : memref<1x104x16xf32, #tpu.memory_space<vmem>> -> memref<104x16xf32, #tpu.memory_space<vmem>>
    %dma_start3A_139 = arith.constant 1352 : i32
    %dma_start3A_140 = tpu.memref_slice %arg12[%dma_start3A_139] : memref<3328xi32, #tpu.memory_space<vmem>> -> memref<104xi32, #tpu.memory_space<vmem>>
    %dma_start3A_141 = arith.constant 0 : i32
    %dma_start3A_142 = arith.constant 0 : i32
    %dma_start3A_143 = tpu.memref_slice %arg5[%dma_start3A_141, %dma_start3A_142] : memref<102400x16xf32, #tpu.memory_space<hbm>> -> memref<102400x16xf32, #tpu.memory_space<hbm>>
    tpu.enqueue_indirect_dma source(%dma_start3A_143 : memref<102400x16xf32, #tpu.memory_space<hbm>>) target(%dma_start3A_138 : memref<104x16xf32, #tpu.memory_space<vmem>>) offsets(%dma_start3A_140 : memref<104xi32, #tpu.memory_space<vmem>>) semaphore(%arg24 : memref<!tpu.dma_semaphore, #tpu.memory_space<semaphore_mem>>)
    %dma_start3A_144 = arith.constant 14 : i32
    %dma_start3A_145 = arith.constant 0 : i32
    %dma_start3A_146 = arith.constant 0 : i32
    %dma_start3A_147 = tpu.memref_slice %arg19[%dma_start3A_144, %dma_start3A_145, %dma_start3A_146] : memref<32x104x16xf32, #tpu.memory_space<vmem>> -> memref<1x104x16xf32, #tpu.memory_space<vmem>>
    %dma_start3A_148 = tpu.memref_squeeze %dma_start3A_147 : memref<1x104x16xf32, #tpu.memory_space<vmem>> -> memref<104x16xf32, #tpu.memory_space<vmem>>
    %dma_start3A_149 = arith.constant 1456 : i32
    %dma_start3A_150 = tpu.memref_slice %arg12[%dma_start3A_149] : memref<3328xi32, #tpu.memory_space<vmem>> -> memref<104xi32, #tpu.memory_space<vmem>>
    %dma_start3A_151 = arith.constant 0 : i32
    %dma_start3A_152 = arith.constant 0 : i32
    %dma_start3A_153 = tpu.memref_slice %arg5[%dma_start3A_151, %dma_start3A_152] : memref<102400x16xf32, #tpu.memory_space<hbm>> -> memref<102400x16xf32, #tpu.memory_space<hbm>>
    tpu.enqueue_indirect_dma source(%dma_start3A_153 : memref<102400x16xf32, #tpu.memory_space<hbm>>) target(%dma_start3A_148 : memref<104x16xf32, #tpu.memory_space<vmem>>) offsets(%dma_start3A_150 : memref<104xi32, #tpu.memory_space<vmem>>) semaphore(%arg24 : memref<!tpu.dma_semaphore, #tpu.memory_space<semaphore_mem>>)
    %dma_start3A_154 = arith.constant 15 : i32
    %dma_start3A_155 = arith.constant 0 : i32
    %dma_start3A_156 = arith.constant 0 : i32
    %dma_start3A_157 = tpu.memref_slice %arg19[%dma_start3A_154, %dma_start3A_155, %dma_start3A_156] : memref<32x104x16xf32, #tpu.memory_space<vmem>> -> memref<1x104x16xf32, #tpu.memory_space<vmem>>
    %dma_start3A_158 = tpu.memref_squeeze %dma_start3A_157 : memref<1x104x16xf32, #tpu.memory_space<vmem>> -> memref<104x16xf32, #tpu.memory_space<vmem>>
    %dma_start3A_159 = arith.constant 1560 : i32
    %dma_start3A_160 = tpu.memref_slice %arg12[%dma_start3A_159] : memref<3328xi32, #tpu.memory_space<vmem>> -> memref<104xi32, #tpu.memory_space<vmem>>
    %dma_start3A_161 = arith.constant 0 : i32
    %dma_start3A_162 = arith.constant 0 : i32
    %dma_start3A_163 = tpu.memref_slice %arg5[%dma_start3A_161, %dma_start3A_162] : memref<102400x16xf32, #tpu.memory_space<hbm>> -> memref<102400x16xf32, #tpu.memory_space<hbm>>
    tpu.enqueue_indirect_dma source(%dma_start3A_163 : memref<102400x16xf32, #tpu.memory_space<hbm>>) target(%dma_start3A_158 : memref<104x16xf32, #tpu.memory_space<vmem>>) offsets(%dma_start3A_160 : memref<104xi32, #tpu.memory_space<vmem>>) semaphore(%arg24 : memref<!tpu.dma_semaphore, #tpu.memory_space<semaphore_mem>>)
    %dma_start3A_164 = arith.constant 16 : i32
    %dma_start3A_165 = arith.constant 0 : i32
    %dma_start3A_166 = arith.constant 0 : i32
    %dma_start3A_167 = tpu.memref_slice %arg19[%dma_start3A_164, %dma_start3A_165, %dma_start3A_166] : memref<32x104x16xf32, #tpu.memory_space<vmem>> -> memref<1x104x16xf32, #tpu.memory_space<vmem>>
    %dma_start3A_168 = tpu.memref_squeeze %dma_start3A_167 : memref<1x104x16xf32, #tpu.memory_space<vmem>> -> memref<104x16xf32, #tpu.memory_space<vmem>>
    %dma_start3A_169 = arith.constant 1664 : i32
    %dma_start3A_170 = tpu.memref_slice %arg12[%dma_start3A_169] : memref<3328xi32, #tpu.memory_space<vmem>> -> memref<104xi32, #tpu.memory_space<vmem>>
    %dma_start3A_171 = arith.constant 0 : i32
    %dma_start3A_172 = arith.constant 0 : i32
    %dma_start3A_173 = tpu.memref_slice %arg5[%dma_start3A_171, %dma_start3A_172] : memref<102400x16xf32, #tpu.memory_space<hbm>> -> memref<102400x16xf32, #tpu.memory_space<hbm>>
    tpu.enqueue_indirect_dma source(%dma_start3A_173 : memref<102400x16xf32, #tpu.memory_space<hbm>>) target(%dma_start3A_168 : memref<104x16xf32, #tpu.memory_space<vmem>>) offsets(%dma_start3A_170 : memref<104xi32, #tpu.memory_space<vmem>>) semaphore(%arg24 : memref<!tpu.dma_semaphore, #tpu.memory_space<semaphore_mem>>)
    %dma_start3A_174 = arith.constant 17 : i32
    %dma_start3A_175 = arith.constant 0 : i32
    %dma_start3A_176 = arith.constant 0 : i32
    %dma_start3A_177 = tpu.memref_slice %arg19[%dma_start3A_174, %dma_start3A_175, %dma_start3A_176] : memref<32x104x16xf32, #tpu.memory_space<vmem>> -> memref<1x104x16xf32, #tpu.memory_space<vmem>>
    %dma_start3A_178 = tpu.memref_squeeze %dma_start3A_177 : memref<1x104x16xf32, #tpu.memory_space<vmem>> -> memref<104x16xf32, #tpu.memory_space<vmem>>
    %dma_start3A_179 = arith.constant 1768 : i32
    %dma_start3A_180 = tpu.memref_slice %arg12[%dma_start3A_179] : memref<3328xi32, #tpu.memory_space<vmem>> -> memref<104xi32, #tpu.memory_space<vmem>>
    %dma_start3A_181 = arith.constant 0 : i32
    %dma_start3A_182 = arith.constant 0 : i32
    %dma_start3A_183 = tpu.memref_slice %arg5[%dma_start3A_181, %dma_start3A_182] : memref<102400x16xf32, #tpu.memory_space<hbm>> -> memref<102400x16xf32, #tpu.memory_space<hbm>>
    tpu.enqueue_indirect_dma source(%dma_start3A_183 : memref<102400x16xf32, #tpu.memory_space<hbm>>) target(%dma_start3A_178 : memref<104x16xf32, #tpu.memory_space<vmem>>) offsets(%dma_start3A_180 : memref<104xi32, #tpu.memory_space<vmem>>) semaphore(%arg24 : memref<!tpu.dma_semaphore, #tpu.memory_space<semaphore_mem>>)
    %dma_start3A_184 = arith.constant 18 : i32
    %dma_start3A_185 = arith.constant 0 : i32
    %dma_start3A_186 = arith.constant 0 : i32
    %dma_start3A_187 = tpu.memref_slice %arg19[%dma_start3A_184, %dma_start3A_185, %dma_start3A_186] : memref<32x104x16xf32, #tpu.memory_space<vmem>> -> memref<1x104x16xf32, #tpu.memory_space<vmem>>
    %dma_start3A_188 = tpu.memref_squeeze %dma_start3A_187 : memref<1x104x16xf32, #tpu.memory_space<vmem>> -> memref<104x16xf32, #tpu.memory_space<vmem>>
    %dma_start3A_189 = arith.constant 1872 : i32
    %dma_start3A_190 = tpu.memref_slice %arg12[%dma_start3A_189] : memref<3328xi32, #tpu.memory_space<vmem>> -> memref<104xi32, #tpu.memory_space<vmem>>
    %dma_start3A_191 = arith.constant 0 : i32
    %dma_start3A_192 = arith.constant 0 : i32
    %dma_start3A_193 = tpu.memref_slice %arg5[%dma_start3A_191, %dma_start3A_192] : memref<102400x16xf32, #tpu.memory_space<hbm>> -> memref<102400x16xf32, #tpu.memory_space<hbm>>
    tpu.enqueue_indirect_dma source(%dma_start3A_193 : memref<102400x16xf32, #tpu.memory_space<hbm>>) target(%dma_start3A_188 : memref<104x16xf32, #tpu.memory_space<vmem>>) offsets(%dma_start3A_190 : memref<104xi32, #tpu.memory_space<vmem>>) semaphore(%arg24 : memref<!tpu.dma_semaphore, #tpu.memory_space<semaphore_mem>>)
    %dma_start3A_194 = arith.constant 19 : i32
    %dma_start3A_195 = arith.constant 0 : i32
    %dma_start3A_196 = arith.constant 0 : i32
    %dma_start3A_197 = tpu.memref_slice %arg19[%dma_start3A_194, %dma_start3A_195, %dma_start3A_196] : memref<32x104x16xf32, #tpu.memory_space<vmem>> -> memref<1x104x16xf32, #tpu.memory_space<vmem>>
    %dma_start3A_198 = tpu.memref_squeeze %dma_start3A_197 : memref<1x104x16xf32, #tpu.memory_space<vmem>> -> memref<104x16xf32, #tpu.memory_space<vmem>>
    %dma_start3A_199 = arith.constant 1976 : i32
    %dma_start3A_200 = tpu.memref_slice %arg12[%dma_start3A_199] : memref<3328xi32, #tpu.memory_space<vmem>> -> memref<104xi32, #tpu.memory_space<vmem>>
    %dma_start3A_201 = arith.constant 0 : i32
    %dma_start3A_202 = arith.constant 0 : i32
    %dma_start3A_203 = tpu.memref_slice %arg5[%dma_start3A_201, %dma_start3A_202] : memref<102400x16xf32, #tpu.memory_space<hbm>> -> memref<102400x16xf32, #tpu.memory_space<hbm>>
    tpu.enqueue_indirect_dma source(%dma_start3A_203 : memref<102400x16xf32, #tpu.memory_space<hbm>>) target(%dma_start3A_198 : memref<104x16xf32, #tpu.memory_space<vmem>>) offsets(%dma_start3A_200 : memref<104xi32, #tpu.memory_space<vmem>>) semaphore(%arg24 : memref<!tpu.dma_semaphore, #tpu.memory_space<semaphore_mem>>)
    %dma_start3A_204 = arith.constant 20 : i32
    %dma_start3A_205 = arith.constant 0 : i32
    %dma_start3A_206 = arith.constant 0 : i32
    %dma_start3A_207 = tpu.memref_slice %arg19[%dma_start3A_204, %dma_start3A_205, %dma_start3A_206] : memref<32x104x16xf32, #tpu.memory_space<vmem>> -> memref<1x104x16xf32, #tpu.memory_space<vmem>>
    %dma_start3A_208 = tpu.memref_squeeze %dma_start3A_207 : memref<1x104x16xf32, #tpu.memory_space<vmem>> -> memref<104x16xf32, #tpu.memory_space<vmem>>
    %dma_start3A_209 = arith.constant 2080 : i32
    %dma_start3A_210 = tpu.memref_slice %arg12[%dma_start3A_209] : memref<3328xi32, #tpu.memory_space<vmem>> -> memref<104xi32, #tpu.memory_space<vmem>>
    %dma_start3A_211 = arith.constant 0 : i32
    %dma_start3A_212 = arith.constant 0 : i32
    %dma_start3A_213 = tpu.memref_slice %arg5[%dma_start3A_211, %dma_start3A_212] : memref<102400x16xf32, #tpu.memory_space<hbm>> -> memref<102400x16xf32, #tpu.memory_space<hbm>>
    tpu.enqueue_indirect_dma source(%dma_start3A_213 : memref<102400x16xf32, #tpu.memory_space<hbm>>) target(%dma_start3A_208 : memref<104x16xf32, #tpu.memory_space<vmem>>) offsets(%dma_start3A_210 : memref<104xi32, #tpu.memory_space<vmem>>) semaphore(%arg24 : memref<!tpu.dma_semaphore, #tpu.memory_space<semaphore_mem>>)
    %dma_start3A_214 = arith.constant 21 : i32
    %dma_start3A_215 = arith.constant 0 : i32
    %dma_start3A_216 = arith.constant 0 : i32
    %dma_start3A_217 = tpu.memref_slice %arg19[%dma_start3A_214, %dma_start3A_215, %dma_start3A_216] : memref<32x104x16xf32, #tpu.memory_space<vmem>> -> memref<1x104x16xf32, #tpu.memory_space<vmem>>
    %dma_start3A_218 = tpu.memref_squeeze %dma_start3A_217 : memref<1x104x16xf32, #tpu.memory_space<vmem>> -> memref<104x16xf32, #tpu.memory_space<vmem>>
    %dma_start3A_219 = arith.constant 2184 : i32
    %dma_start3A_220 = tpu.memref_slice %arg12[%dma_start3A_219] : memref<3328xi32, #tpu.memory_space<vmem>> -> memref<104xi32, #tpu.memory_space<vmem>>
    %dma_start3A_221 = arith.constant 0 : i32
    %dma_start3A_222 = arith.constant 0 : i32
    %dma_start3A_223 = tpu.memref_slice %arg5[%dma_start3A_221, %dma_start3A_222] : memref<102400x16xf32, #tpu.memory_space<hbm>> -> memref<102400x16xf32, #tpu.memory_space<hbm>>
    tpu.enqueue_indirect_dma source(%dma_start3A_223 : memref<102400x16xf32, #tpu.memory_space<hbm>>) target(%dma_start3A_218 : memref<104x16xf32, #tpu.memory_space<vmem>>) offsets(%dma_start3A_220 : memref<104xi32, #tpu.memory_space<vmem>>) semaphore(%arg24 : memref<!tpu.dma_semaphore, #tpu.memory_space<semaphore_mem>>)
    %dma_start3A_224 = arith.constant 22 : i32
    %dma_start3A_225 = arith.constant 0 : i32
    %dma_start3A_226 = arith.constant 0 : i32
    %dma_start3A_227 = tpu.memref_slice %arg19[%dma_start3A_224, %dma_start3A_225, %dma_start3A_226] : memref<32x104x16xf32, #tpu.memory_space<vmem>> -> memref<1x104x16xf32, #tpu.memory_space<vmem>>
    %dma_start3A_228 = tpu.memref_squeeze %dma_start3A_227 : memref<1x104x16xf32, #tpu.memory_space<vmem>> -> memref<104x16xf32, #tpu.memory_space<vmem>>
    %dma_start3A_229 = arith.constant 2288 : i32
    %dma_start3A_230 = tpu.memref_slice %arg12[%dma_start3A_229] : memref<3328xi32, #tpu.memory_space<vmem>> -> memref<104xi32, #tpu.memory_space<vmem>>
    %dma_start3A_231 = arith.constant 0 : i32
    %dma_start3A_232 = arith.constant 0 : i32
    %dma_start3A_233 = tpu.memref_slice %arg5[%dma_start3A_231, %dma_start3A_232] : memref<102400x16xf32, #tpu.memory_space<hbm>> -> memref<102400x16xf32, #tpu.memory_space<hbm>>
    tpu.enqueue_indirect_dma source(%dma_start3A_233 : memref<102400x16xf32, #tpu.memory_space<hbm>>) target(%dma_start3A_228 : memref<104x16xf32, #tpu.memory_space<vmem>>) offsets(%dma_start3A_230 : memref<104xi32, #tpu.memory_space<vmem>>) semaphore(%arg24 : memref<!tpu.dma_semaphore, #tpu.memory_space<semaphore_mem>>)
    %dma_start3A_234 = arith.constant 23 : i32
    %dma_start3A_235 = arith.constant 0 : i32
    %dma_start3A_236 = arith.constant 0 : i32
    %dma_start3A_237 = tpu.memref_slice %arg19[%dma_start3A_234, %dma_start3A_235, %dma_start3A_236] : memref<32x104x16xf32, #tpu.memory_space<vmem>> -> memref<1x104x16xf32, #tpu.memory_space<vmem>>
    %dma_start3A_238 = tpu.memref_squeeze %dma_start3A_237 : memref<1x104x16xf32, #tpu.memory_space<vmem>> -> memref<104x16xf32, #tpu.memory_space<vmem>>
    %dma_start3A_239 = arith.constant 2392 : i32
    %dma_start3A_240 = tpu.memref_slice %arg12[%dma_start3A_239] : memref<3328xi32, #tpu.memory_space<vmem>> -> memref<104xi32, #tpu.memory_space<vmem>>
    %dma_start3A_241 = arith.constant 0 : i32
    %dma_start3A_242 = arith.constant 0 : i32
    %dma_start3A_243 = tpu.memref_slice %arg5[%dma_start3A_241, %dma_start3A_242] : memref<102400x16xf32, #tpu.memory_space<hbm>> -> memref<102400x16xf32, #tpu.memory_space<hbm>>
    tpu.enqueue_indirect_dma source(%dma_start3A_243 : memref<102400x16xf32, #tpu.memory_space<hbm>>) target(%dma_start3A_238 : memref<104x16xf32, #tpu.memory_space<vmem>>) offsets(%dma_start3A_240 : memref<104xi32, #tpu.memory_space<vmem>>) semaphore(%arg24 : memref<!tpu.dma_semaphore, #tpu.memory_space<semaphore_mem>>)
    %dma_start3A_244 = arith.constant 24 : i32
    %dma_start3A_245 = arith.constant 0 : i32
    %dma_start3A_246 = arith.constant 0 : i32
    %dma_start3A_247 = tpu.memref_slice %arg19[%dma_start3A_244, %dma_start3A_245, %dma_start3A_246] : memref<32x104x16xf32, #tpu.memory_space<vmem>> -> memref<1x104x16xf32, #tpu.memory_space<vmem>>
    %dma_start3A_248 = tpu.memref_squeeze %dma_start3A_247 : memref<1x104x16xf32, #tpu.memory_space<vmem>> -> memref<104x16xf32, #tpu.memory_space<vmem>>
    %dma_start3A_249 = arith.constant 2496 : i32
    %dma_start3A_250 = tpu.memref_slice %arg12[%dma_start3A_249] : memref<3328xi32, #tpu.memory_space<vmem>> -> memref<104xi32, #tpu.memory_space<vmem>>
    %dma_start3A_251 = arith.constant 0 : i32
    %dma_start3A_252 = arith.constant 0 : i32
    %dma_start3A_253 = tpu.memref_slice %arg5[%dma_start3A_251, %dma_start3A_252] : memref<102400x16xf32, #tpu.memory_space<hbm>> -> memref<102400x16xf32, #tpu.memory_space<hbm>>
    tpu.enqueue_indirect_dma source(%dma_start3A_253 : memref<102400x16xf32, #tpu.memory_space<hbm>>) target(%dma_start3A_248 : memref<104x16xf32, #tpu.memory_space<vmem>>) offsets(%dma_start3A_250 : memref<104xi32, #tpu.memory_space<vmem>>) semaphore(%arg24 : memref<!tpu.dma_semaphore, #tpu.memory_space<semaphore_mem>>)
    %dma_start3A_254 = arith.constant 25 : i32
    %dma_start3A_255 = arith.constant 0 : i32
    %dma_start3A_256 = arith.constant 0 : i32
    %dma_start3A_257 = tpu.memref_slice %arg19[%dma_start3A_254, %dma_start3A_255, %dma_start3A_256] : memref<32x104x16xf32, #tpu.memory_space<vmem>> -> memref<1x104x16xf32, #tpu.memory_space<vmem>>
    %dma_start3A_258 = tpu.memref_squeeze %dma_start3A_257 : memref<1x104x16xf32, #tpu.memory_space<vmem>> -> memref<104x16xf32, #tpu.memory_space<vmem>>
    %dma_start3A_259 = arith.constant 2600 : i32
    %dma_start3A_260 = tpu.memref_slice %arg12[%dma_start3A_259] : memref<3328xi32, #tpu.memory_space<vmem>> -> memref<104xi32, #tpu.memory_space<vmem>>
    %dma_start3A_261 = arith.constant 0 : i32
    %dma_start3A_262 = arith.constant 0 : i32
    %dma_start3A_263 = tpu.memref_slice %arg5[%dma_start3A_261, %dma_start3A_262] : memref<102400x16xf32, #tpu.memory_space<hbm>> -> memref<102400x16xf32, #tpu.memory_space<hbm>>
    tpu.enqueue_indirect_dma source(%dma_start3A_263 : memref<102400x16xf32, #tpu.memory_space<hbm>>) target(%dma_start3A_258 : memref<104x16xf32, #tpu.memory_space<vmem>>) offsets(%dma_start3A_260 : memref<104xi32, #tpu.memory_space<vmem>>) semaphore(%arg24 : memref<!tpu.dma_semaphore, #tpu.memory_space<semaphore_mem>>)
    %dma_start3A_264 = arith.constant 26 : i32
    %dma_start3A_265 = arith.constant 0 : i32
    %dma_start3A_266 = arith.constant 0 : i32
    %dma_start3A_267 = tpu.memref_slice %arg19[%dma_start3A_264, %dma_start3A_265, %dma_start3A_266] : memref<32x104x16xf32, #tpu.memory_space<vmem>> -> memref<1x104x16xf32, #tpu.memory_space<vmem>>
    %dma_start3A_268 = tpu.memref_squeeze %dma_start3A_267 : memref<1x104x16xf32, #tpu.memory_space<vmem>> -> memref<104x16xf32, #tpu.memory_space<vmem>>
    %dma_start3A_269 = arith.constant 2704 : i32
    %dma_start3A_270 = tpu.memref_slice %arg12[%dma_start3A_269] : memref<3328xi32, #tpu.memory_space<vmem>> -> memref<104xi32, #tpu.memory_space<vmem>>
    %dma_start3A_271 = arith.constant 0 : i32
    %dma_start3A_272 = arith.constant 0 : i32
    %dma_start3A_273 = tpu.memref_slice %arg5[%dma_start3A_271, %dma_start3A_272] : memref<102400x16xf32, #tpu.memory_space<hbm>> -> memref<102400x16xf32, #tpu.memory_space<hbm>>
    tpu.enqueue_indirect_dma source(%dma_start3A_273 : memref<102400x16xf32, #tpu.memory_space<hbm>>) target(%dma_start3A_268 : memref<104x16xf32, #tpu.memory_space<vmem>>) offsets(%dma_start3A_270 : memref<104xi32, #tpu.memory_space<vmem>>) semaphore(%arg24 : memref<!tpu.dma_semaphore, #tpu.memory_space<semaphore_mem>>)
    %dma_start3A_274 = arith.constant 27 : i32
    %dma_start3A_275 = arith.constant 0 : i32
    %dma_start3A_276 = arith.constant 0 : i32
    %dma_start3A_277 = tpu.memref_slice %arg19[%dma_start3A_274, %dma_start3A_275, %dma_start3A_276] : memref<32x104x16xf32, #tpu.memory_space<vmem>> -> memref<1x104x16xf32, #tpu.memory_space<vmem>>
    %dma_start3A_278 = tpu.memref_squeeze %dma_start3A_277 : memref<1x104x16xf32, #tpu.memory_space<vmem>> -> memref<104x16xf32, #tpu.memory_space<vmem>>
    %dma_start3A_279 = arith.constant 2808 : i32
    %dma_start3A_280 = tpu.memref_slice %arg12[%dma_start3A_279] : memref<3328xi32, #tpu.memory_space<vmem>> -> memref<104xi32, #tpu.memory_space<vmem>>
    %dma_start3A_281 = arith.constant 0 : i32
    %dma_start3A_282 = arith.constant 0 : i32
    %dma_start3A_283 = tpu.memref_slice %arg5[%dma_start3A_281, %dma_start3A_282] : memref<102400x16xf32, #tpu.memory_space<hbm>> -> memref<102400x16xf32, #tpu.memory_space<hbm>>
    tpu.enqueue_indirect_dma source(%dma_start3A_283 : memref<102400x16xf32, #tpu.memory_space<hbm>>) target(%dma_start3A_278 : memref<104x16xf32, #tpu.memory_space<vmem>>) offsets(%dma_start3A_280 : memref<104xi32, #tpu.memory_space<vmem>>) semaphore(%arg24 : memref<!tpu.dma_semaphore, #tpu.memory_space<semaphore_mem>>)
    %dma_start3A_284 = arith.constant 28 : i32
    %dma_start3A_285 = arith.constant 0 : i32
    %dma_start3A_286 = arith.constant 0 : i32
    %dma_start3A_287 = tpu.memref_slice %arg19[%dma_start3A_284, %dma_start3A_285, %dma_start3A_286] : memref<32x104x16xf32, #tpu.memory_space<vmem>> -> memref<1x104x16xf32, #tpu.memory_space<vmem>>
    %dma_start3A_288 = tpu.memref_squeeze %dma_start3A_287 : memref<1x104x16xf32, #tpu.memory_space<vmem>> -> memref<104x16xf32, #tpu.memory_space<vmem>>
    %dma_start3A_289 = arith.constant 2912 : i32
    %dma_start3A_290 = tpu.memref_slice %arg12[%dma_start3A_289] : memref<3328xi32, #tpu.memory_space<vmem>> -> memref<104xi32, #tpu.memory_space<vmem>>
    %dma_start3A_291 = arith.constant 0 : i32
    %dma_start3A_292 = arith.constant 0 : i32
    %dma_start3A_293 = tpu.memref_slice %arg5[%dma_start3A_291, %dma_start3A_292] : memref<102400x16xf32, #tpu.memory_space<hbm>> -> memref<102400x16xf32, #tpu.memory_space<hbm>>
    tpu.enqueue_indirect_dma source(%dma_start3A_293 : memref<102400x16xf32, #tpu.memory_space<hbm>>) target(%dma_start3A_288 : memref<104x16xf32, #tpu.memory_space<vmem>>) offsets(%dma_start3A_290 : memref<104xi32, #tpu.memory_space<vmem>>) semaphore(%arg24 : memref<!tpu.dma_semaphore, #tpu.memory_space<semaphore_mem>>)
    %dma_start3A_294 = arith.constant 29 : i32
    %dma_start3A_295 = arith.constant 0 : i32
    %dma_start3A_296 = arith.constant 0 : i32
    %dma_start3A_297 = tpu.memref_slice %arg19[%dma_start3A_294, %dma_start3A_295, %dma_start3A_296] : memref<32x104x16xf32, #tpu.memory_space<vmem>> -> memref<1x104x16xf32, #tpu.memory_space<vmem>>
    %dma_start3A_298 = tpu.memref_squeeze %dma_start3A_297 : memref<1x104x16xf32, #tpu.memory_space<vmem>> -> memref<104x16xf32, #tpu.memory_space<vmem>>
    %dma_start3A_299 = arith.constant 3016 : i32
    %dma_start3A_300 = tpu.memref_slice %arg12[%dma_start3A_299] : memref<3328xi32, #tpu.memory_space<vmem>> -> memref<104xi32, #tpu.memory_space<vmem>>
    %dma_start3A_301 = arith.constant 0 : i32
    %dma_start3A_302 = arith.constant 0 : i32
    %dma_start3A_303 = tpu.memref_slice %arg5[%dma_start3A_301, %dma_start3A_302] : memref<102400x16xf32, #tpu.memory_space<hbm>> -> memref<102400x16xf32, #tpu.memory_space<hbm>>
    tpu.enqueue_indirect_dma source(%dma_start3A_303 : memref<102400x16xf32, #tpu.memory_space<hbm>>) target(%dma_start3A_298 : memref<104x16xf32, #tpu.memory_space<vmem>>) offsets(%dma_start3A_300 : memref<104xi32, #tpu.memory_space<vmem>>) semaphore(%arg24 : memref<!tpu.dma_semaphore, #tpu.memory_space<semaphore_mem>>)
    %dma_start3A_304 = arith.constant 30 : i32
    %dma_start3A_305 = arith.constant 0 : i32
    %dma_start3A_306 = arith.constant 0 : i32
    %dma_start3A_307 = tpu.memref_slice %arg19[%dma_start3A_304, %dma_start3A_305, %dma_start3A_306] : memref<32x104x16xf32, #tpu.memory_space<vmem>> -> memref<1x104x16xf32, #tpu.memory_space<vmem>>
    %dma_start3A_308 = tpu.memref_squeeze %dma_start3A_307 : memref<1x104x16xf32, #tpu.memory_space<vmem>> -> memref<104x16xf32, #tpu.memory_space<vmem>>
    %dma_start3A_309 = arith.constant 3120 : i32
    %dma_start3A_310 = tpu.memref_slice %arg12[%dma_start3A_309] : memref<3328xi32, #tpu.memory_space<vmem>> -> memref<104xi32, #tpu.memory_space<vmem>>
    %dma_start3A_311 = arith.constant 0 : i32
    %dma_start3A_312 = arith.constant 0 : i32
    %dma_start3A_313 = tpu.memref_slice %arg5[%dma_start3A_311, %dma_start3A_312] : memref<102400x16xf32, #tpu.memory_space<hbm>> -> memref<102400x16xf32, #tpu.memory_space<hbm>>
    tpu.enqueue_indirect_dma source(%dma_start3A_313 : memref<102400x16xf32, #tpu.memory_space<hbm>>) target(%dma_start3A_308 : memref<104x16xf32, #tpu.memory_space<vmem>>) offsets(%dma_start3A_310 : memref<104xi32, #tpu.memory_space<vmem>>) semaphore(%arg24 : memref<!tpu.dma_semaphore, #tpu.memory_space<semaphore_mem>>)
    %dma_start3A_314 = arith.constant 31 : i32
    %dma_start3A_315 = arith.constant 0 : i32
    %dma_start3A_316 = arith.constant 0 : i32
    %dma_start3A_317 = tpu.memref_slice %arg19[%dma_start3A_314, %dma_start3A_315, %dma_start3A_316] : memref<32x104x16xf32, #tpu.memory_space<vmem>> -> memref<1x104x16xf32, #tpu.memory_space<vmem>>
    %dma_start3A_318 = tpu.memref_squeeze %dma_start3A_317 : memref<1x104x16xf32, #tpu.memory_space<vmem>> -> memref<104x16xf32, #tpu.memory_space<vmem>>
    %dma_start3A_319 = arith.constant 3224 : i32
    %dma_start3A_320 = tpu.memref_slice %arg12[%dma_start3A_319] : memref<3328xi32, #tpu.memory_space<vmem>> -> memref<104xi32, #tpu.memory_space<vmem>>
    %dma_start3A_321 = arith.constant 0 : i32
    %dma_start3A_322 = arith.constant 0 : i32
    %dma_start3A_323 = tpu.memref_slice %arg5[%dma_start3A_321, %dma_start3A_322] : memref<102400x16xf32, #tpu.memory_space<hbm>> -> memref<102400x16xf32, #tpu.memory_space<hbm>>
    tpu.enqueue_indirect_dma source(%dma_start3A_323 : memref<102400x16xf32, #tpu.memory_space<hbm>>) target(%dma_start3A_318 : memref<104x16xf32, #tpu.memory_space<vmem>>) offsets(%dma_start3A_320 : memref<104xi32, #tpu.memory_space<vmem>>) semaphore(%arg24 : memref<!tpu.dma_semaphore, #tpu.memory_space<semaphore_mem>>)
    %dma_start3A_324 = arith.constant 0 : i32
    %dma_start3A_325 = tpu.memref_slice %arg20[%dma_start3A_324] : memref<3328xf32, #tpu.memory_space<vmem>> -> memref<128xf32, #tpu.memory_space<vmem>>
    %dma_start3A_326 = arith.constant 0 : i32
    %dma_start3A_327 = tpu.memref_slice %arg11[%dma_start3A_326] : memref<3328xi32, #tpu.memory_space<vmem>> -> memref<128xi32, #tpu.memory_space<vmem>>
    %dma_start3A_328 = arith.constant 0 : i32
    %dma_start3A_329 = tpu.memref_slice %arg6[%dma_start3A_328] : memref<99996xf32, #tpu.memory_space<hbm>> -> memref<99996xf32, #tpu.memory_space<hbm>>
    tpu.enqueue_indirect_dma source(%dma_start3A_329 : memref<99996xf32, #tpu.memory_space<hbm>>) target(%dma_start3A_325 : memref<128xf32, #tpu.memory_space<vmem>>) offsets(%dma_start3A_327 : memref<128xi32, #tpu.memory_space<vmem>>) semaphore(%arg25 : memref<!tpu.dma_semaphore, #tpu.memory_space<semaphore_mem>>)
    %dma_start3A_330 = arith.constant 128 : i32
    %dma_start3A_331 = tpu.memref_slice %arg20[%dma_start3A_330] : memref<3328xf32, #tpu.memory_space<vmem>> -> memref<128xf32, #tpu.memory_space<vmem>>
    %dma_start3A_332 = arith.constant 128 : i32
    %dma_start3A_333 = tpu.memref_slice %arg11[%dma_start3A_332] : memref<3328xi32, #tpu.memory_space<vmem>> -> memref<128xi32, #tpu.memory_space<vmem>>
    %dma_start3A_334 = arith.constant 0 : i32
    %dma_start3A_335 = tpu.memref_slice %arg6[%dma_start3A_334] : memref<99996xf32, #tpu.memory_space<hbm>> -> memref<99996xf32, #tpu.memory_space<hbm>>
    tpu.enqueue_indirect_dma source(%dma_start3A_335 : memref<99996xf32, #tpu.memory_space<hbm>>) target(%dma_start3A_331 : memref<128xf32, #tpu.memory_space<vmem>>) offsets(%dma_start3A_333 : memref<128xi32, #tpu.memory_space<vmem>>) semaphore(%arg25 : memref<!tpu.dma_semaphore, #tpu.memory_space<semaphore_mem>>)
    %dma_start3A_336 = arith.constant 256 : i32
    %dma_start3A_337 = tpu.memref_slice %arg20[%dma_start3A_336] : memref<3328xf32, #tpu.memory_space<vmem>> -> memref<128xf32, #tpu.memory_space<vmem>>
    %dma_start3A_338 = arith.constant 256 : i32
    %dma_start3A_339 = tpu.memref_slice %arg11[%dma_start3A_338] : memref<3328xi32, #tpu.memory_space<vmem>> -> memref<128xi32, #tpu.memory_space<vmem>>
    %dma_start3A_340 = arith.constant 0 : i32
    %dma_start3A_341 = tpu.memref_slice %arg6[%dma_start3A_340] : memref<99996xf32, #tpu.memory_space<hbm>> -> memref<99996xf32, #tpu.memory_space<hbm>>
    tpu.enqueue_indirect_dma source(%dma_start3A_341 : memref<99996xf32, #tpu.memory_space<hbm>>) target(%dma_start3A_337 : memref<128xf32, #tpu.memory_space<vmem>>) offsets(%dma_start3A_339 : memref<128xi32, #tpu.memory_space<vmem>>) semaphore(%arg25 : memref<!tpu.dma_semaphore, #tpu.memory_space<semaphore_mem>>)
    %dma_start3A_342 = arith.constant 384 : i32
    %dma_start3A_343 = tpu.memref_slice %arg20[%dma_start3A_342] : memref<3328xf32, #tpu.memory_space<vmem>> -> memref<128xf32, #tpu.memory_space<vmem>>
    %dma_start3A_344 = arith.constant 384 : i32
    %dma_start3A_345 = tpu.memref_slice %arg11[%dma_start3A_344] : memref<3328xi32, #tpu.memory_space<vmem>> -> memref<128xi32, #tpu.memory_space<vmem>>
    %dma_start3A_346 = arith.constant 0 : i32
    %dma_start3A_347 = tpu.memref_slice %arg6[%dma_start3A_346] : memref<99996xf32, #tpu.memory_space<hbm>> -> memref<99996xf32, #tpu.memory_space<hbm>>
    tpu.enqueue_indirect_dma source(%dma_start3A_347 : memref<99996xf32, #tpu.memory_space<hbm>>) target(%dma_start3A_343 : memref<128xf32, #tpu.memory_space<vmem>>) offsets(%dma_start3A_345 : memref<128xi32, #tpu.memory_space<vmem>>) semaphore(%arg25 : memref<!tpu.dma_semaphore, #tpu.memory_space<semaphore_mem>>)
    %dma_start3A_348 = arith.constant 512 : i32
    %dma_start3A_349 = tpu.memref_slice %arg20[%dma_start3A_348] : memref<3328xf32, #tpu.memory_space<vmem>> -> memref<128xf32, #tpu.memory_space<vmem>>
    %dma_start3A_350 = arith.constant 512 : i32
    %dma_start3A_351 = tpu.memref_slice %arg11[%dma_start3A_350] : memref<3328xi32, #tpu.memory_space<vmem>> -> memref<128xi32, #tpu.memory_space<vmem>>
    %dma_start3A_352 = arith.constant 0 : i32
    %dma_start3A_353 = tpu.memref_slice %arg6[%dma_start3A_352] : memref<99996xf32, #tpu.memory_space<hbm>> -> memref<99996xf32, #tpu.memory_space<hbm>>
    tpu.enqueue_indirect_dma source(%dma_start3A_353 : memref<99996xf32, #tpu.memory_space<hbm>>) target(%dma_start3A_349 : memref<128xf32, #tpu.memory_space<vmem>>) offsets(%dma_start3A_351 : memref<128xi32, #tpu.memory_space<vmem>>) semaphore(%arg25 : memref<!tpu.dma_semaphore, #tpu.memory_space<semaphore_mem>>)
    %dma_start3A_354 = arith.constant 640 : i32
    %dma_start3A_355 = tpu.memref_slice %arg20[%dma_start3A_354] : memref<3328xf32, #tpu.memory_space<vmem>> -> memref<128xf32, #tpu.memory_space<vmem>>
    %dma_start3A_356 = arith.constant 640 : i32
    %dma_start3A_357 = tpu.memref_slice %arg11[%dma_start3A_356] : memref<3328xi32, #tpu.memory_space<vmem>> -> memref<128xi32, #tpu.memory_space<vmem>>
    %dma_start3A_358 = arith.constant 0 : i32
    %dma_start3A_359 = tpu.memref_slice %arg6[%dma_start3A_358] : memref<99996xf32, #tpu.memory_space<hbm>> -> memref<99996xf32, #tpu.memory_space<hbm>>
    tpu.enqueue_indirect_dma source(%dma_start3A_359 : memref<99996xf32, #tpu.memory_space<hbm>>) target(%dma_start3A_355 : memref<128xf32, #tpu.memory_space<vmem>>) offsets(%dma_start3A_357 : memref<128xi32, #tpu.memory_space<vmem>>) semaphore(%arg25 : memref<!tpu.dma_semaphore, #tpu.memory_space<semaphore_mem>>)
    %dma_start3A_360 = arith.constant 768 : i32
    %dma_start3A_361 = tpu.memref_slice %arg20[%dma_start3A_360] : memref<3328xf32, #tpu.memory_space<vmem>> -> memref<128xf32, #tpu.memory_space<vmem>>
    %dma_start3A_362 = arith.constant 768 : i32
    %dma_start3A_363 = tpu.memref_slice %arg11[%dma_start3A_362] : memref<3328xi32, #tpu.memory_space<vmem>> -> memref<128xi32, #tpu.memory_space<vmem>>
    %dma_start3A_364 = arith.constant 0 : i32
    %dma_start3A_365 = tpu.memref_slice %arg6[%dma_start3A_364] : memref<99996xf32, #tpu.memory_space<hbm>> -> memref<99996xf32, #tpu.memory_space<hbm>>
    tpu.enqueue_indirect_dma source(%dma_start3A_365 : memref<99996xf32, #tpu.memory_space<hbm>>) target(%dma_start3A_361 : memref<128xf32, #tpu.memory_space<vmem>>) offsets(%dma_start3A_363 : memref<128xi32, #tpu.memory_space<vmem>>) semaphore(%arg25 : memref<!tpu.dma_semaphore, #tpu.memory_space<semaphore_mem>>)
    %dma_start3A_366 = arith.constant 896 : i32
    %dma_start3A_367 = tpu.memref_slice %arg20[%dma_start3A_366] : memref<3328xf32, #tpu.memory_space<vmem>> -> memref<128xf32, #tpu.memory_space<vmem>>
    %dma_start3A_368 = arith.constant 896 : i32
    %dma_start3A_369 = tpu.memref_slice %arg11[%dma_start3A_368] : memref<3328xi32, #tpu.memory_space<vmem>> -> memref<128xi32, #tpu.memory_space<vmem>>
    %dma_start3A_370 = arith.constant 0 : i32
    %dma_start3A_371 = tpu.memref_slice %arg6[%dma_start3A_370] : memref<99996xf32, #tpu.memory_space<hbm>> -> memref<99996xf32, #tpu.memory_space<hbm>>
    tpu.enqueue_indirect_dma source(%dma_start3A_371 : memref<99996xf32, #tpu.memory_space<hbm>>) target(%dma_start3A_367 : memref<128xf32, #tpu.memory_space<vmem>>) offsets(%dma_start3A_369 : memref<128xi32, #tpu.memory_space<vmem>>) semaphore(%arg25 : memref<!tpu.dma_semaphore, #tpu.memory_space<semaphore_mem>>)
    %dma_start3A_372 = arith.constant 1024 : i32
    %dma_start3A_373 = tpu.memref_slice %arg20[%dma_start3A_372] : memref<3328xf32, #tpu.memory_space<vmem>> -> memref<128xf32, #tpu.memory_space<vmem>>
    %dma_start3A_374 = arith.constant 1024 : i32
    %dma_start3A_375 = tpu.memref_slice %arg11[%dma_start3A_374] : memref<3328xi32, #tpu.memory_space<vmem>> -> memref<128xi32, #tpu.memory_space<vmem>>
    %dma_start3A_376 = arith.constant 0 : i32
    %dma_start3A_377 = tpu.memref_slice %arg6[%dma_start3A_376] : memref<99996xf32, #tpu.memory_space<hbm>> -> memref<99996xf32, #tpu.memory_space<hbm>>
    tpu.enqueue_indirect_dma source(%dma_start3A_377 : memref<99996xf32, #tpu.memory_space<hbm>>) target(%dma_start3A_373 : memref<128xf32, #tpu.memory_space<vmem>>) offsets(%dma_start3A_375 : memref<128xi32, #tpu.memory_space<vmem>>) semaphore(%arg25 : memref<!tpu.dma_semaphore, #tpu.memory_space<semaphore_mem>>)
    %dma_start3A_378 = arith.constant 1152 : i32
    %dma_start3A_379 = tpu.memref_slice %arg20[%dma_start3A_378] : memref<3328xf32, #tpu.memory_space<vmem>> -> memref<128xf32, #tpu.memory_space<vmem>>
    %dma_start3A_380 = arith.constant 1152 : i32
    %dma_start3A_381 = tpu.memref_slice %arg11[%dma_start3A_380] : memref<3328xi32, #tpu.memory_space<vmem>> -> memref<128xi32, #tpu.memory_space<vmem>>
    %dma_start3A_382 = arith.constant 0 : i32
    %dma_start3A_383 = tpu.memref_slice %arg6[%dma_start3A_382] : memref<99996xf32, #tpu.memory_space<hbm>> -> memref<99996xf32, #tpu.memory_space<hbm>>
    tpu.enqueue_indirect_dma source(%dma_start3A_383 : memref<99996xf32, #tpu.memory_space<hbm>>) target(%dma_start3A_379 : memref<128xf32, #tpu.memory_space<vmem>>) offsets(%dma_start3A_381 : memref<128xi32, #tpu.memory_space<vmem>>) semaphore(%arg25 : memref<!tpu.dma_semaphore, #tpu.memory_space<semaphore_mem>>)
    %dma_start3A_384 = arith.constant 1280 : i32
    %dma_start3A_385 = tpu.memref_slice %arg20[%dma_start3A_384] : memref<3328xf32, #tpu.memory_space<vmem>> -> memref<128xf32, #tpu.memory_space<vmem>>
    %dma_start3A_386 = arith.constant 1280 : i32
    %dma_start3A_387 = tpu.memref_slice %arg11[%dma_start3A_386] : memref<3328xi32, #tpu.memory_space<vmem>> -> memref<128xi32, #tpu.memory_space<vmem>>
    %dma_start3A_388 = arith.constant 0 : i32
    %dma_start3A_389 = tpu.memref_slice %arg6[%dma_start3A_388] : memref<99996xf32, #tpu.memory_space<hbm>> -> memref<99996xf32, #tpu.memory_space<hbm>>
    tpu.enqueue_indirect_dma source(%dma_start3A_389 : memref<99996xf32, #tpu.memory_space<hbm>>) target(%dma_start3A_385 : memref<128xf32, #tpu.memory_space<vmem>>) offsets(%dma_start3A_387 : memref<128xi32, #tpu.memory_space<vmem>>) semaphore(%arg25 : memref<!tpu.dma_semaphore, #tpu.memory_space<semaphore_mem>>)
    %dma_start3A_390 = arith.constant 1408 : i32
    %dma_start3A_391 = tpu.memref_slice %arg20[%dma_start3A_390] : memref<3328xf32, #tpu.memory_space<vmem>> -> memref<128xf32, #tpu.memory_space<vmem>>
    %dma_start3A_392 = arith.constant 1408 : i32
    %dma_start3A_393 = tpu.memref_slice %arg11[%dma_start3A_392] : memref<3328xi32, #tpu.memory_space<vmem>> -> memref<128xi32, #tpu.memory_space<vmem>>
    %dma_start3A_394 = arith.constant 0 : i32
    %dma_start3A_395 = tpu.memref_slice %arg6[%dma_start3A_394] : memref<99996xf32, #tpu.memory_space<hbm>> -> memref<99996xf32, #tpu.memory_space<hbm>>
    tpu.enqueue_indirect_dma source(%dma_start3A_395 : memref<99996xf32, #tpu.memory_space<hbm>>) target(%dma_start3A_391 : memref<128xf32, #tpu.memory_space<vmem>>) offsets(%dma_start3A_393 : memref<128xi32, #tpu.memory_space<vmem>>) semaphore(%arg25 : memref<!tpu.dma_semaphore, #tpu.memory_space<semaphore_mem>>)
    %dma_start3A_396 = arith.constant 1536 : i32
    %dma_start3A_397 = tpu.memref_slice %arg20[%dma_start3A_396] : memref<3328xf32, #tpu.memory_space<vmem>> -> memref<128xf32, #tpu.memory_space<vmem>>
    %dma_start3A_398 = arith.constant 1536 : i32
    %dma_start3A_399 = tpu.memref_slice %arg11[%dma_start3A_398] : memref<3328xi32, #tpu.memory_space<vmem>> -> memref<128xi32, #tpu.memory_space<vmem>>
    %dma_start3A_400 = arith.constant 0 : i32
    %dma_start3A_401 = tpu.memref_slice %arg6[%dma_start3A_400] : memref<99996xf32, #tpu.memory_space<hbm>> -> memref<99996xf32, #tpu.memory_space<hbm>>
    tpu.enqueue_indirect_dma source(%dma_start3A_401 : memref<99996xf32, #tpu.memory_space<hbm>>) target(%dma_start3A_397 : memref<128xf32, #tpu.memory_space<vmem>>) offsets(%dma_start3A_399 : memref<128xi32, #tpu.memory_space<vmem>>) semaphore(%arg25 : memref<!tpu.dma_semaphore, #tpu.memory_space<semaphore_mem>>)
    %dma_start3A_402 = arith.constant 1664 : i32
    %dma_start3A_403 = tpu.memref_slice %arg20[%dma_start3A_402] : memref<3328xf32, #tpu.memory_space<vmem>> -> memref<128xf32, #tpu.memory_space<vmem>>
    %dma_start3A_404 = arith.constant 1664 : i32
    %dma_start3A_405 = tpu.memref_slice %arg11[%dma_start3A_404] : memref<3328xi32, #tpu.memory_space<vmem>> -> memref<128xi32, #tpu.memory_space<vmem>>
    %dma_start3A_406 = arith.constant 0 : i32
    %dma_start3A_407 = tpu.memref_slice %arg6[%dma_start3A_406] : memref<99996xf32, #tpu.memory_space<hbm>> -> memref<99996xf32, #tpu.memory_space<hbm>>
    tpu.enqueue_indirect_dma source(%dma_start3A_407 : memref<99996xf32, #tpu.memory_space<hbm>>) target(%dma_start3A_403 : memref<128xf32, #tpu.memory_space<vmem>>) offsets(%dma_start3A_405 : memref<128xi32, #tpu.memory_space<vmem>>) semaphore(%arg25 : memref<!tpu.dma_semaphore, #tpu.memory_space<semaphore_mem>>)
    %dma_start3A_408 = arith.constant 1792 : i32
    %dma_start3A_409 = tpu.memref_slice %arg20[%dma_start3A_408] : memref<3328xf32, #tpu.memory_space<vmem>> -> memref<128xf32, #tpu.memory_space<vmem>>
    %dma_start3A_410 = arith.constant 1792 : i32
    %dma_start3A_411 = tpu.memref_slice %arg11[%dma_start3A_410] : memref<3328xi32, #tpu.memory_space<vmem>> -> memref<128xi32, #tpu.memory_space<vmem>>
    %dma_start3A_412 = arith.constant 0 : i32
    %dma_start3A_413 = tpu.memref_slice %arg6[%dma_start3A_412] : memref<99996xf32, #tpu.memory_space<hbm>> -> memref<99996xf32, #tpu.memory_space<hbm>>
    tpu.enqueue_indirect_dma source(%dma_start3A_413 : memref<99996xf32, #tpu.memory_space<hbm>>) target(%dma_start3A_409 : memref<128xf32, #tpu.memory_space<vmem>>) offsets(%dma_start3A_411 : memref<128xi32, #tpu.memory_space<vmem>>) semaphore(%arg25 : memref<!tpu.dma_semaphore, #tpu.memory_space<semaphore_mem>>)
    %dma_start3A_414 = arith.constant 1920 : i32
    %dma_start3A_415 = tpu.memref_slice %arg20[%dma_start3A_414] : memref<3328xf32, #tpu.memory_space<vmem>> -> memref<128xf32, #tpu.memory_space<vmem>>
    %dma_start3A_416 = arith.constant 1920 : i32
    %dma_start3A_417 = tpu.memref_slice %arg11[%dma_start3A_416] : memref<3328xi32, #tpu.memory_space<vmem>> -> memref<128xi32, #tpu.memory_space<vmem>>
    %dma_start3A_418 = arith.constant 0 : i32
    %dma_start3A_419 = tpu.memref_slice %arg6[%dma_start3A_418] : memref<99996xf32, #tpu.memory_space<hbm>> -> memref<99996xf32, #tpu.memory_space<hbm>>
    tpu.enqueue_indirect_dma source(%dma_start3A_419 : memref<99996xf32, #tpu.memory_space<hbm>>) target(%dma_start3A_415 : memref<128xf32, #tpu.memory_space<vmem>>) offsets(%dma_start3A_417 : memref<128xi32, #tpu.memory_space<vmem>>) semaphore(%arg25 : memref<!tpu.dma_semaphore, #tpu.memory_space<semaphore_mem>>)
    %dma_start3A_420 = arith.constant 2048 : i32
    %dma_start3A_421 = tpu.memref_slice %arg20[%dma_start3A_420] : memref<3328xf32, #tpu.memory_space<vmem>> -> memref<128xf32, #tpu.memory_space<vmem>>
    %dma_start3A_422 = arith.constant 2048 : i32
    %dma_start3A_423 = tpu.memref_slice %arg11[%dma_start3A_422] : memref<3328xi32, #tpu.memory_space<vmem>> -> memref<128xi32, #tpu.memory_space<vmem>>
    %dma_start3A_424 = arith.constant 0 : i32
    %dma_start3A_425 = tpu.memref_slice %arg6[%dma_start3A_424] : memref<99996xf32, #tpu.memory_space<hbm>> -> memref<99996xf32, #tpu.memory_space<hbm>>
    tpu.enqueue_indirect_dma source(%dma_start3A_425 : memref<99996xf32, #tpu.memory_space<hbm>>) target(%dma_start3A_421 : memref<128xf32, #tpu.memory_space<vmem>>) offsets(%dma_start3A_423 : memref<128xi32, #tpu.memory_space<vmem>>) semaphore(%arg25 : memref<!tpu.dma_semaphore, #tpu.memory_space<semaphore_mem>>)
    %dma_start3A_426 = arith.constant 2176 : i32
    %dma_start3A_427 = tpu.memref_slice %arg20[%dma_start3A_426] : memref<3328xf32, #tpu.memory_space<vmem>> -> memref<128xf32, #tpu.memory_space<vmem>>
    %dma_start3A_428 = arith.constant 2176 : i32
    %dma_start3A_429 = tpu.memref_slice %arg11[%dma_start3A_428] : memref<3328xi32, #tpu.memory_space<vmem>> -> memref<128xi32, #tpu.memory_space<vmem>>
    %dma_start3A_430 = arith.constant 0 : i32
    %dma_start3A_431 = tpu.memref_slice %arg6[%dma_start3A_430] : memref<99996xf32, #tpu.memory_space<hbm>> -> memref<99996xf32, #tpu.memory_space<hbm>>
    tpu.enqueue_indirect_dma source(%dma_start3A_431 : memref<99996xf32, #tpu.memory_space<hbm>>) target(%dma_start3A_427 : memref<128xf32, #tpu.memory_space<vmem>>) offsets(%dma_start3A_429 : memref<128xi32, #tpu.memory_space<vmem>>) semaphore(%arg25 : memref<!tpu.dma_semaphore, #tpu.memory_space<semaphore_mem>>)
    %dma_start3A_432 = arith.constant 2304 : i32
    %dma_start3A_433 = tpu.memref_slice %arg20[%dma_start3A_432] : memref<3328xf32, #tpu.memory_space<vmem>> -> memref<128xf32, #tpu.memory_space<vmem>>
    %dma_start3A_434 = arith.constant 2304 : i32
    %dma_start3A_435 = tpu.memref_slice %arg11[%dma_start3A_434] : memref<3328xi32, #tpu.memory_space<vmem>> -> memref<128xi32, #tpu.memory_space<vmem>>
    %dma_start3A_436 = arith.constant 0 : i32
    %dma_start3A_437 = tpu.memref_slice %arg6[%dma_start3A_436] : memref<99996xf32, #tpu.memory_space<hbm>> -> memref<99996xf32, #tpu.memory_space<hbm>>
    tpu.enqueue_indirect_dma source(%dma_start3A_437 : memref<99996xf32, #tpu.memory_space<hbm>>) target(%dma_start3A_433 : memref<128xf32, #tpu.memory_space<vmem>>) offsets(%dma_start3A_435 : memref<128xi32, #tpu.memory_space<vmem>>) semaphore(%arg25 : memref<!tpu.dma_semaphore, #tpu.memory_space<semaphore_mem>>)
    %dma_start3A_438 = arith.constant 2432 : i32
    %dma_start3A_439 = tpu.memref_slice %arg20[%dma_start3A_438] : memref<3328xf32, #tpu.memory_space<vmem>> -> memref<128xf32, #tpu.memory_space<vmem>>
    %dma_start3A_440 = arith.constant 2432 : i32
    %dma_start3A_441 = tpu.memref_slice %arg11[%dma_start3A_440] : memref<3328xi32, #tpu.memory_space<vmem>> -> memref<128xi32, #tpu.memory_space<vmem>>
    %dma_start3A_442 = arith.constant 0 : i32
    %dma_start3A_443 = tpu.memref_slice %arg6[%dma_start3A_442] : memref<99996xf32, #tpu.memory_space<hbm>> -> memref<99996xf32, #tpu.memory_space<hbm>>
    tpu.enqueue_indirect_dma source(%dma_start3A_443 : memref<99996xf32, #tpu.memory_space<hbm>>) target(%dma_start3A_439 : memref<128xf32, #tpu.memory_space<vmem>>) offsets(%dma_start3A_441 : memref<128xi32, #tpu.memory_space<vmem>>) semaphore(%arg25 : memref<!tpu.dma_semaphore, #tpu.memory_space<semaphore_mem>>)
    %dma_start3A_444 = arith.constant 2560 : i32
    %dma_start3A_445 = tpu.memref_slice %arg20[%dma_start3A_444] : memref<3328xf32, #tpu.memory_space<vmem>> -> memref<128xf32, #tpu.memory_space<vmem>>
    %dma_start3A_446 = arith.constant 2560 : i32
    %dma_start3A_447 = tpu.memref_slice %arg11[%dma_start3A_446] : memref<3328xi32, #tpu.memory_space<vmem>> -> memref<128xi32, #tpu.memory_space<vmem>>
    %dma_start3A_448 = arith.constant 0 : i32
    %dma_start3A_449 = tpu.memref_slice %arg6[%dma_start3A_448] : memref<99996xf32, #tpu.memory_space<hbm>> -> memref<99996xf32, #tpu.memory_space<hbm>>
    tpu.enqueue_indirect_dma source(%dma_start3A_449 : memref<99996xf32, #tpu.memory_space<hbm>>) target(%dma_start3A_445 : memref<128xf32, #tpu.memory_space<vmem>>) offsets(%dma_start3A_447 : memref<128xi32, #tpu.memory_space<vmem>>) semaphore(%arg25 : memref<!tpu.dma_semaphore, #tpu.memory_space<semaphore_mem>>)
    %dma_start3A_450 = arith.constant 2688 : i32
    %dma_start3A_451 = tpu.memref_slice %arg20[%dma_start3A_450] : memref<3328xf32, #tpu.memory_space<vmem>> -> memref<128xf32, #tpu.memory_space<vmem>>
    %dma_start3A_452 = arith.constant 2688 : i32
    %dma_start3A_453 = tpu.memref_slice %arg11[%dma_start3A_452] : memref<3328xi32, #tpu.memory_space<vmem>> -> memref<128xi32, #tpu.memory_space<vmem>>
    %dma_start3A_454 = arith.constant 0 : i32
    %dma_start3A_455 = tpu.memref_slice %arg6[%dma_start3A_454] : memref<99996xf32, #tpu.memory_space<hbm>> -> memref<99996xf32, #tpu.memory_space<hbm>>
    tpu.enqueue_indirect_dma source(%dma_start3A_455 : memref<99996xf32, #tpu.memory_space<hbm>>) target(%dma_start3A_451 : memref<128xf32, #tpu.memory_space<vmem>>) offsets(%dma_start3A_453 : memref<128xi32, #tpu.memory_space<vmem>>) semaphore(%arg25 : memref<!tpu.dma_semaphore, #tpu.memory_space<semaphore_mem>>)
    %dma_start3A_456 = arith.constant 2816 : i32
    %dma_start3A_457 = tpu.memref_slice %arg20[%dma_start3A_456] : memref<3328xf32, #tpu.memory_space<vmem>> -> memref<128xf32, #tpu.memory_space<vmem>>
    %dma_start3A_458 = arith.constant 2816 : i32
    %dma_start3A_459 = tpu.memref_slice %arg11[%dma_start3A_458] : memref<3328xi32, #tpu.memory_space<vmem>> -> memref<128xi32, #tpu.memory_space<vmem>>
    %dma_start3A_460 = arith.constant 0 : i32
    %dma_start3A_461 = tpu.memref_slice %arg6[%dma_start3A_460] : memref<99996xf32, #tpu.memory_space<hbm>> -> memref<99996xf32, #tpu.memory_space<hbm>>
    tpu.enqueue_indirect_dma source(%dma_start3A_461 : memref<99996xf32, #tpu.memory_space<hbm>>) target(%dma_start3A_457 : memref<128xf32, #tpu.memory_space<vmem>>) offsets(%dma_start3A_459 : memref<128xi32, #tpu.memory_space<vmem>>) semaphore(%arg25 : memref<!tpu.dma_semaphore, #tpu.memory_space<semaphore_mem>>)
    %dma_start3A_462 = arith.constant 2944 : i32
    %dma_start3A_463 = tpu.memref_slice %arg20[%dma_start3A_462] : memref<3328xf32, #tpu.memory_space<vmem>> -> memref<128xf32, #tpu.memory_space<vmem>>
    %dma_start3A_464 = arith.constant 2944 : i32
    %dma_start3A_465 = tpu.memref_slice %arg11[%dma_start3A_464] : memref<3328xi32, #tpu.memory_space<vmem>> -> memref<128xi32, #tpu.memory_space<vmem>>
    %dma_start3A_466 = arith.constant 0 : i32
    %dma_start3A_467 = tpu.memref_slice %arg6[%dma_start3A_466] : memref<99996xf32, #tpu.memory_space<hbm>> -> memref<99996xf32, #tpu.memory_space<hbm>>
    tpu.enqueue_indirect_dma source(%dma_start3A_467 : memref<99996xf32, #tpu.memory_space<hbm>>) target(%dma_start3A_463 : memref<128xf32, #tpu.memory_space<vmem>>) offsets(%dma_start3A_465 : memref<128xi32, #tpu.memory_space<vmem>>) semaphore(%arg25 : memref<!tpu.dma_semaphore, #tpu.memory_space<semaphore_mem>>)
    %dma_start3A_468 = arith.constant 3072 : i32
    %dma_start3A_469 = tpu.memref_slice %arg20[%dma_start3A_468] : memref<3328xf32, #tpu.memory_space<vmem>> -> memref<128xf32, #tpu.memory_space<vmem>>
    %dma_start3A_470 = arith.constant 3072 : i32
    %dma_start3A_471 = tpu.memref_slice %arg11[%dma_start3A_470] : memref<3328xi32, #tpu.memory_space<vmem>> -> memref<128xi32, #tpu.memory_space<vmem>>
    %dma_start3A_472 = arith.constant 0 : i32
    %dma_start3A_473 = tpu.memref_slice %arg6[%dma_start3A_472] : memref<99996xf32, #tpu.memory_space<hbm>> -> memref<99996xf32, #tpu.memory_space<hbm>>
    tpu.enqueue_indirect_dma source(%dma_start3A_473 : memref<99996xf32, #tpu.memory_space<hbm>>) target(%dma_start3A_469 : memref<128xf32, #tpu.memory_space<vmem>>) offsets(%dma_start3A_471 : memref<128xi32, #tpu.memory_space<vmem>>) semaphore(%arg25 : memref<!tpu.dma_semaphore, #tpu.memory_space<semaphore_mem>>)
    %dma_start3A_474 = arith.constant 3200 : i32
    %dma_start3A_475 = tpu.memref_slice %arg20[%dma_start3A_474] : memref<3328xf32, #tpu.memory_space<vmem>> -> memref<128xf32, #tpu.memory_space<vmem>>
    %dma_start3A_476 = arith.constant 3200 : i32
    %dma_start3A_477 = tpu.memref_slice %arg11[%dma_start3A_476] : memref<3328xi32, #tpu.memory_space<vmem>> -> memref<128xi32, #tpu.memory_space<vmem>>
    %dma_start3A_478 = arith.constant 0 : i32
    %dma_start3A_479 = tpu.memref_slice %arg6[%dma_start3A_478] : memref<99996xf32, #tpu.memory_space<hbm>> -> memref<99996xf32, #tpu.memory_space<hbm>>
    tpu.enqueue_indirect_dma source(%dma_start3A_479 : memref<99996xf32, #tpu.memory_space<hbm>>) target(%dma_start3A_475 : memref<128xf32, #tpu.memory_space<vmem>>) offsets(%dma_start3A_477 : memref<128xi32, #tpu.memory_space<vmem>>) semaphore(%arg25 : memref<!tpu.dma_semaphore, #tpu.memory_space<semaphore_mem>>)
    %dma_wait3A = arith.constant 0 : i32
    %dma_wait3A_480 = tpu.memref_slice %arg20[%dma_wait3A] : memref<3328xf32, #tpu.memory_space<vmem>> -> memref<128xf32, #tpu.memory_space<vmem>>
    %dma_wait3A_481 = arith.constant 0 : i32
    %dma_wait3A_482 = tpu.memref_slice %arg11[%dma_wait3A_481] : memref<3328xi32, #tpu.memory_space<vmem>> -> memref<128xi32, #tpu.memory_space<vmem>>
    %dma_wait3A_483 = arith.constant 0 : i32
    %dma_wait3A_484 = tpu.memref_slice %arg6[%dma_wait3A_483] : memref<99996xf32, #tpu.memory_space<hbm>> -> memref<99996xf32, #tpu.memory_space<hbm>>
    tpu.wait_indirect_dma semaphore(%arg25 : memref<!tpu.dma_semaphore, #tpu.memory_space<semaphore_mem>>) src(%dma_wait3A_484 : memref<99996xf32, #tpu.memory_space<hbm>>) dst(%dma_wait3A_480 : memref<128xf32, #tpu.memory_space<vmem>>)
    %dma_wait3A_485 = arith.constant 128 : i32
    %dma_wait3A_486 = tpu.memref_slice %arg20[%dma_wait3A_485] : memref<3328xf32, #tpu.memory_space<vmem>> -> memref<128xf32, #tpu.memory_space<vmem>>
    %dma_wait3A_487 = arith.constant 128 : i32
    %dma_wait3A_488 = tpu.memref_slice %arg11[%dma_wait3A_487] : memref<3328xi32, #tpu.memory_space<vmem>> -> memref<128xi32, #tpu.memory_space<vmem>>
    %dma_wait3A_489 = arith.constant 0 : i32
    %dma_wait3A_490 = tpu.memref_slice %arg6[%dma_wait3A_489] : memref<99996xf32, #tpu.memory_space<hbm>> -> memref<99996xf32, #tpu.memory_space<hbm>>
    tpu.wait_indirect_dma semaphore(%arg25 : memref<!tpu.dma_semaphore, #tpu.memory_space<semaphore_mem>>) src(%dma_wait3A_490 : memref<99996xf32, #tpu.memory_space<hbm>>) dst(%dma_wait3A_486 : memref<128xf32, #tpu.memory_space<vmem>>)
    %dma_wait3A_491 = arith.constant 256 : i32
    %dma_wait3A_492 = tpu.memref_slice %arg20[%dma_wait3A_491] : memref<3328xf32, #tpu.memory_space<vmem>> -> memref<128xf32, #tpu.memory_space<vmem>>
    %dma_wait3A_493 = arith.constant 256 : i32
    %dma_wait3A_494 = tpu.memref_slice %arg11[%dma_wait3A_493] : memref<3328xi32, #tpu.memory_space<vmem>> -> memref<128xi32, #tpu.memory_space<vmem>>
    %dma_wait3A_495 = arith.constant 0 : i32
    %dma_wait3A_496 = tpu.memref_slice %arg6[%dma_wait3A_495] : memref<99996xf32, #tpu.memory_space<hbm>> -> memref<99996xf32, #tpu.memory_space<hbm>>
    tpu.wait_indirect_dma semaphore(%arg25 : memref<!tpu.dma_semaphore, #tpu.memory_space<semaphore_mem>>) src(%dma_wait3A_496 : memref<99996xf32, #tpu.memory_space<hbm>>) dst(%dma_wait3A_492 : memref<128xf32, #tpu.memory_space<vmem>>)
    %dma_wait3A_497 = arith.constant 384 : i32
    %dma_wait3A_498 = tpu.memref_slice %arg20[%dma_wait3A_497] : memref<3328xf32, #tpu.memory_space<vmem>> -> memref<128xf32, #tpu.memory_space<vmem>>
    %dma_wait3A_499 = arith.constant 384 : i32
    %dma_wait3A_500 = tpu.memref_slice %arg11[%dma_wait3A_499] : memref<3328xi32, #tpu.memory_space<vmem>> -> memref<128xi32, #tpu.memory_space<vmem>>
    %dma_wait3A_501 = arith.constant 0 : i32
    %dma_wait3A_502 = tpu.memref_slice %arg6[%dma_wait3A_501] : memref<99996xf32, #tpu.memory_space<hbm>> -> memref<99996xf32, #tpu.memory_space<hbm>>
    tpu.wait_indirect_dma semaphore(%arg25 : memref<!tpu.dma_semaphore, #tpu.memory_space<semaphore_mem>>) src(%dma_wait3A_502 : memref<99996xf32, #tpu.memory_space<hbm>>) dst(%dma_wait3A_498 : memref<128xf32, #tpu.memory_space<vmem>>)
    %dma_wait3A_503 = arith.constant 512 : i32
    %dma_wait3A_504 = tpu.memref_slice %arg20[%dma_wait3A_503] : memref<3328xf32, #tpu.memory_space<vmem>> -> memref<128xf32, #tpu.memory_space<vmem>>
    %dma_wait3A_505 = arith.constant 512 : i32
    %dma_wait3A_506 = tpu.memref_slice %arg11[%dma_wait3A_505] : memref<3328xi32, #tpu.memory_space<vmem>> -> memref<128xi32, #tpu.memory_space<vmem>>
    %dma_wait3A_507 = arith.constant 0 : i32
    %dma_wait3A_508 = tpu.memref_slice %arg6[%dma_wait3A_507] : memref<99996xf32, #tpu.memory_space<hbm>> -> memref<99996xf32, #tpu.memory_space<hbm>>
    tpu.wait_indirect_dma semaphore(%arg25 : memref<!tpu.dma_semaphore, #tpu.memory_space<semaphore_mem>>) src(%dma_wait3A_508 : memref<99996xf32, #tpu.memory_space<hbm>>) dst(%dma_wait3A_504 : memref<128xf32, #tpu.memory_space<vmem>>)
    %dma_wait3A_509 = arith.constant 640 : i32
    %dma_wait3A_510 = tpu.memref_slice %arg20[%dma_wait3A_509] : memref<3328xf32, #tpu.memory_space<vmem>> -> memref<128xf32, #tpu.memory_space<vmem>>
    %dma_wait3A_511 = arith.constant 640 : i32
    %dma_wait3A_512 = tpu.memref_slice %arg11[%dma_wait3A_511] : memref<3328xi32, #tpu.memory_space<vmem>> -> memref<128xi32, #tpu.memory_space<vmem>>
    %dma_wait3A_513 = arith.constant 0 : i32
    %dma_wait3A_514 = tpu.memref_slice %arg6[%dma_wait3A_513] : memref<99996xf32, #tpu.memory_space<hbm>> -> memref<99996xf32, #tpu.memory_space<hbm>>
    tpu.wait_indirect_dma semaphore(%arg25 : memref<!tpu.dma_semaphore, #tpu.memory_space<semaphore_mem>>) src(%dma_wait3A_514 : memref<99996xf32, #tpu.memory_space<hbm>>) dst(%dma_wait3A_510 : memref<128xf32, #tpu.memory_space<vmem>>)
    %dma_wait3A_515 = arith.constant 768 : i32
    %dma_wait3A_516 = tpu.memref_slice %arg20[%dma_wait3A_515] : memref<3328xf32, #tpu.memory_space<vmem>> -> memref<128xf32, #tpu.memory_space<vmem>>
    %dma_wait3A_517 = arith.constant 768 : i32
    %dma_wait3A_518 = tpu.memref_slice %arg11[%dma_wait3A_517] : memref<3328xi32, #tpu.memory_space<vmem>> -> memref<128xi32, #tpu.memory_space<vmem>>
    %dma_wait3A_519 = arith.constant 0 : i32
    %dma_wait3A_520 = tpu.memref_slice %arg6[%dma_wait3A_519] : memref<99996xf32, #tpu.memory_space<hbm>> -> memref<99996xf32, #tpu.memory_space<hbm>>
    tpu.wait_indirect_dma semaphore(%arg25 : memref<!tpu.dma_semaphore, #tpu.memory_space<semaphore_mem>>) src(%dma_wait3A_520 : memref<99996xf32, #tpu.memory_space<hbm>>) dst(%dma_wait3A_516 : memref<128xf32, #tpu.memory_space<vmem>>)
    %dma_wait3A_521 = arith.constant 896 : i32
    %dma_wait3A_522 = tpu.memref_slice %arg20[%dma_wait3A_521] : memref<3328xf32, #tpu.memory_space<vmem>> -> memref<128xf32, #tpu.memory_space<vmem>>
    %dma_wait3A_523 = arith.constant 896 : i32
    %dma_wait3A_524 = tpu.memref_slice %arg11[%dma_wait3A_523] : memref<3328xi32, #tpu.memory_space<vmem>> -> memref<128xi32, #tpu.memory_space<vmem>>
    %dma_wait3A_525 = arith.constant 0 : i32
    %dma_wait3A_526 = tpu.memref_slice %arg6[%dma_wait3A_525] : memref<99996xf32, #tpu.memory_space<hbm>> -> memref<99996xf32, #tpu.memory_space<hbm>>
    tpu.wait_indirect_dma semaphore(%arg25 : memref<!tpu.dma_semaphore, #tpu.memory_space<semaphore_mem>>) src(%dma_wait3A_526 : memref<99996xf32, #tpu.memory_space<hbm>>) dst(%dma_wait3A_522 : memref<128xf32, #tpu.memory_space<vmem>>)
    %dma_wait3A_527 = arith.constant 1024 : i32
    %dma_wait3A_528 = tpu.memref_slice %arg20[%dma_wait3A_527] : memref<3328xf32, #tpu.memory_space<vmem>> -> memref<128xf32, #tpu.memory_space<vmem>>
    %dma_wait3A_529 = arith.constant 1024 : i32
    %dma_wait3A_530 = tpu.memref_slice %arg11[%dma_wait3A_529] : memref<3328xi32, #tpu.memory_space<vmem>> -> memref<128xi32, #tpu.memory_space<vmem>>
    %dma_wait3A_531 = arith.constant 0 : i32
    %dma_wait3A_532 = tpu.memref_slice %arg6[%dma_wait3A_531] : memref<99996xf32, #tpu.memory_space<hbm>> -> memref<99996xf32, #tpu.memory_space<hbm>>
    tpu.wait_indirect_dma semaphore(%arg25 : memref<!tpu.dma_semaphore, #tpu.memory_space<semaphore_mem>>) src(%dma_wait3A_532 : memref<99996xf32, #tpu.memory_space<hbm>>) dst(%dma_wait3A_528 : memref<128xf32, #tpu.memory_space<vmem>>)
    %dma_wait3A_533 = arith.constant 1152 : i32
    %dma_wait3A_534 = tpu.memref_slice %arg20[%dma_wait3A_533] : memref<3328xf32, #tpu.memory_space<vmem>> -> memref<128xf32, #tpu.memory_space<vmem>>
    %dma_wait3A_535 = arith.constant 1152 : i32
    %dma_wait3A_536 = tpu.memref_slice %arg11[%dma_wait3A_535] : memref<3328xi32, #tpu.memory_space<vmem>> -> memref<128xi32, #tpu.memory_space<vmem>>
    %dma_wait3A_537 = arith.constant 0 : i32
    %dma_wait3A_538 = tpu.memref_slice %arg6[%dma_wait3A_537] : memref<99996xf32, #tpu.memory_space<hbm>> -> memref<99996xf32, #tpu.memory_space<hbm>>
    tpu.wait_indirect_dma semaphore(%arg25 : memref<!tpu.dma_semaphore, #tpu.memory_space<semaphore_mem>>) src(%dma_wait3A_538 : memref<99996xf32, #tpu.memory_space<hbm>>) dst(%dma_wait3A_534 : memref<128xf32, #tpu.memory_space<vmem>>)
    %dma_wait3A_539 = arith.constant 1280 : i32
    %dma_wait3A_540 = tpu.memref_slice %arg20[%dma_wait3A_539] : memref<3328xf32, #tpu.memory_space<vmem>> -> memref<128xf32, #tpu.memory_space<vmem>>
    %dma_wait3A_541 = arith.constant 1280 : i32
    %dma_wait3A_542 = tpu.memref_slice %arg11[%dma_wait3A_541] : memref<3328xi32, #tpu.memory_space<vmem>> -> memref<128xi32, #tpu.memory_space<vmem>>
    %dma_wait3A_543 = arith.constant 0 : i32
    %dma_wait3A_544 = tpu.memref_slice %arg6[%dma_wait3A_543] : memref<99996xf32, #tpu.memory_space<hbm>> -> memref<99996xf32, #tpu.memory_space<hbm>>
    tpu.wait_indirect_dma semaphore(%arg25 : memref<!tpu.dma_semaphore, #tpu.memory_space<semaphore_mem>>) src(%dma_wait3A_544 : memref<99996xf32, #tpu.memory_space<hbm>>) dst(%dma_wait3A_540 : memref<128xf32, #tpu.memory_space<vmem>>)
    %dma_wait3A_545 = arith.constant 1408 : i32
    %dma_wait3A_546 = tpu.memref_slice %arg20[%dma_wait3A_545] : memref<3328xf32, #tpu.memory_space<vmem>> -> memref<128xf32, #tpu.memory_space<vmem>>
    %dma_wait3A_547 = arith.constant 1408 : i32
    %dma_wait3A_548 = tpu.memref_slice %arg11[%dma_wait3A_547] : memref<3328xi32, #tpu.memory_space<vmem>> -> memref<128xi32, #tpu.memory_space<vmem>>
    %dma_wait3A_549 = arith.constant 0 : i32
    %dma_wait3A_550 = tpu.memref_slice %arg6[%dma_wait3A_549] : memref<99996xf32, #tpu.memory_space<hbm>> -> memref<99996xf32, #tpu.memory_space<hbm>>
    tpu.wait_indirect_dma semaphore(%arg25 : memref<!tpu.dma_semaphore, #tpu.memory_space<semaphore_mem>>) src(%dma_wait3A_550 : memref<99996xf32, #tpu.memory_space<hbm>>) dst(%dma_wait3A_546 : memref<128xf32, #tpu.memory_space<vmem>>)
    %dma_wait3A_551 = arith.constant 1536 : i32
    %dma_wait3A_552 = tpu.memref_slice %arg20[%dma_wait3A_551] : memref<3328xf32, #tpu.memory_space<vmem>> -> memref<128xf32, #tpu.memory_space<vmem>>
    %dma_wait3A_553 = arith.constant 1536 : i32
    %dma_wait3A_554 = tpu.memref_slice %arg11[%dma_wait3A_553] : memref<3328xi32, #tpu.memory_space<vmem>> -> memref<128xi32, #tpu.memory_space<vmem>>
    %dma_wait3A_555 = arith.constant 0 : i32
    %dma_wait3A_556 = tpu.memref_slice %arg6[%dma_wait3A_555] : memref<99996xf32, #tpu.memory_space<hbm>> -> memref<99996xf32, #tpu.memory_space<hbm>>
    tpu.wait_indirect_dma semaphore(%arg25 : memref<!tpu.dma_semaphore, #tpu.memory_space<semaphore_mem>>) src(%dma_wait3A_556 : memref<99996xf32, #tpu.memory_space<hbm>>) dst(%dma_wait3A_552 : memref<128xf32, #tpu.memory_space<vmem>>)
    %dma_wait3A_557 = arith.constant 1664 : i32
    %dma_wait3A_558 = tpu.memref_slice %arg20[%dma_wait3A_557] : memref<3328xf32, #tpu.memory_space<vmem>> -> memref<128xf32, #tpu.memory_space<vmem>>
    %dma_wait3A_559 = arith.constant 1664 : i32
    %dma_wait3A_560 = tpu.memref_slice %arg11[%dma_wait3A_559] : memref<3328xi32, #tpu.memory_space<vmem>> -> memref<128xi32, #tpu.memory_space<vmem>>
    %dma_wait3A_561 = arith.constant 0 : i32
    %dma_wait3A_562 = tpu.memref_slice %arg6[%dma_wait3A_561] : memref<99996xf32, #tpu.memory_space<hbm>> -> memref<99996xf32, #tpu.memory_space<hbm>>
    tpu.wait_indirect_dma semaphore(%arg25 : memref<!tpu.dma_semaphore, #tpu.memory_space<semaphore_mem>>) src(%dma_wait3A_562 : memref<99996xf32, #tpu.memory_space<hbm>>) dst(%dma_wait3A_558 : memref<128xf32, #tpu.memory_space<vmem>>)
    %dma_wait3A_563 = arith.constant 1792 : i32
    %dma_wait3A_564 = tpu.memref_slice %arg20[%dma_wait3A_563] : memref<3328xf32, #tpu.memory_space<vmem>> -> memref<128xf32, #tpu.memory_space<vmem>>
    %dma_wait3A_565 = arith.constant 1792 : i32
    %dma_wait3A_566 = tpu.memref_slice %arg11[%dma_wait3A_565] : memref<3328xi32, #tpu.memory_space<vmem>> -> memref<128xi32, #tpu.memory_space<vmem>>
    %dma_wait3A_567 = arith.constant 0 : i32
    %dma_wait3A_568 = tpu.memref_slice %arg6[%dma_wait3A_567] : memref<99996xf32, #tpu.memory_space<hbm>> -> memref<99996xf32, #tpu.memory_space<hbm>>
    tpu.wait_indirect_dma semaphore(%arg25 : memref<!tpu.dma_semaphore, #tpu.memory_space<semaphore_mem>>) src(%dma_wait3A_568 : memref<99996xf32, #tpu.memory_space<hbm>>) dst(%dma_wait3A_564 : memref<128xf32, #tpu.memory_space<vmem>>)
    %dma_wait3A_569 = arith.constant 1920 : i32
    %dma_wait3A_570 = tpu.memref_slice %arg20[%dma_wait3A_569] : memref<3328xf32, #tpu.memory_space<vmem>> -> memref<128xf32, #tpu.memory_space<vmem>>
    %dma_wait3A_571 = arith.constant 1920 : i32
    %dma_wait3A_572 = tpu.memref_slice %arg11[%dma_wait3A_571] : memref<3328xi32, #tpu.memory_space<vmem>> -> memref<128xi32, #tpu.memory_space<vmem>>
    %dma_wait3A_573 = arith.constant 0 : i32
    %dma_wait3A_574 = tpu.memref_slice %arg6[%dma_wait3A_573] : memref<99996xf32, #tpu.memory_space<hbm>> -> memref<99996xf32, #tpu.memory_space<hbm>>
    tpu.wait_indirect_dma semaphore(%arg25 : memref<!tpu.dma_semaphore, #tpu.memory_space<semaphore_mem>>) src(%dma_wait3A_574 : memref<99996xf32, #tpu.memory_space<hbm>>) dst(%dma_wait3A_570 : memref<128xf32, #tpu.memory_space<vmem>>)
    %dma_wait3A_575 = arith.constant 2048 : i32
    %dma_wait3A_576 = tpu.memref_slice %arg20[%dma_wait3A_575] : memref<3328xf32, #tpu.memory_space<vmem>> -> memref<128xf32, #tpu.memory_space<vmem>>
    %dma_wait3A_577 = arith.constant 2048 : i32
    %dma_wait3A_578 = tpu.memref_slice %arg11[%dma_wait3A_577] : memref<3328xi32, #tpu.memory_space<vmem>> -> memref<128xi32, #tpu.memory_space<vmem>>
    %dma_wait3A_579 = arith.constant 0 : i32
    %dma_wait3A_580 = tpu.memref_slice %arg6[%dma_wait3A_579] : memref<99996xf32, #tpu.memory_space<hbm>> -> memref<99996xf32, #tpu.memory_space<hbm>>
    tpu.wait_indirect_dma semaphore(%arg25 : memref<!tpu.dma_semaphore, #tpu.memory_space<semaphore_mem>>) src(%dma_wait3A_580 : memref<99996xf32, #tpu.memory_space<hbm>>) dst(%dma_wait3A_576 : memref<128xf32, #tpu.memory_space<vmem>>)
    %dma_wait3A_581 = arith.constant 2176 : i32
    %dma_wait3A_582 = tpu.memref_slice %arg20[%dma_wait3A_581] : memref<3328xf32, #tpu.memory_space<vmem>> -> memref<128xf32, #tpu.memory_space<vmem>>
    %dma_wait3A_583 = arith.constant 2176 : i32
    %dma_wait3A_584 = tpu.memref_slice %arg11[%dma_wait3A_583] : memref<3328xi32, #tpu.memory_space<vmem>> -> memref<128xi32, #tpu.memory_space<vmem>>
    %dma_wait3A_585 = arith.constant 0 : i32
    %dma_wait3A_586 = tpu.memref_slice %arg6[%dma_wait3A_585] : memref<99996xf32, #tpu.memory_space<hbm>> -> memref<99996xf32, #tpu.memory_space<hbm>>
    tpu.wait_indirect_dma semaphore(%arg25 : memref<!tpu.dma_semaphore, #tpu.memory_space<semaphore_mem>>) src(%dma_wait3A_586 : memref<99996xf32, #tpu.memory_space<hbm>>) dst(%dma_wait3A_582 : memref<128xf32, #tpu.memory_space<vmem>>)
    %dma_wait3A_587 = arith.constant 2304 : i32
    %dma_wait3A_588 = tpu.memref_slice %arg20[%dma_wait3A_587] : memref<3328xf32, #tpu.memory_space<vmem>> -> memref<128xf32, #tpu.memory_space<vmem>>
    %dma_wait3A_589 = arith.constant 2304 : i32
    %dma_wait3A_590 = tpu.memref_slice %arg11[%dma_wait3A_589] : memref<3328xi32, #tpu.memory_space<vmem>> -> memref<128xi32, #tpu.memory_space<vmem>>
    %dma_wait3A_591 = arith.constant 0 : i32
    %dma_wait3A_592 = tpu.memref_slice %arg6[%dma_wait3A_591] : memref<99996xf32, #tpu.memory_space<hbm>> -> memref<99996xf32, #tpu.memory_space<hbm>>
    tpu.wait_indirect_dma semaphore(%arg25 : memref<!tpu.dma_semaphore, #tpu.memory_space<semaphore_mem>>) src(%dma_wait3A_592 : memref<99996xf32, #tpu.memory_space<hbm>>) dst(%dma_wait3A_588 : memref<128xf32, #tpu.memory_space<vmem>>)
    %dma_wait3A_593 = arith.constant 2432 : i32
    %dma_wait3A_594 = tpu.memref_slice %arg20[%dma_wait3A_593] : memref<3328xf32, #tpu.memory_space<vmem>> -> memref<128xf32, #tpu.memory_space<vmem>>
    %dma_wait3A_595 = arith.constant 2432 : i32
    %dma_wait3A_596 = tpu.memref_slice %arg11[%dma_wait3A_595] : memref<3328xi32, #tpu.memory_space<vmem>> -> memref<128xi32, #tpu.memory_space<vmem>>
    %dma_wait3A_597 = arith.constant 0 : i32
    %dma_wait3A_598 = tpu.memref_slice %arg6[%dma_wait3A_597] : memref<99996xf32, #tpu.memory_space<hbm>> -> memref<99996xf32, #tpu.memory_space<hbm>>
    tpu.wait_indirect_dma semaphore(%arg25 : memref<!tpu.dma_semaphore, #tpu.memory_space<semaphore_mem>>) src(%dma_wait3A_598 : memref<99996xf32, #tpu.memory_space<hbm>>) dst(%dma_wait3A_594 : memref<128xf32, #tpu.memory_space<vmem>>)
    %dma_wait3A_599 = arith.constant 2560 : i32
    %dma_wait3A_600 = tpu.memref_slice %arg20[%dma_wait3A_599] : memref<3328xf32, #tpu.memory_space<vmem>> -> memref<128xf32, #tpu.memory_space<vmem>>
    %dma_wait3A_601 = arith.constant 2560 : i32
    %dma_wait3A_602 = tpu.memref_slice %arg11[%dma_wait3A_601] : memref<3328xi32, #tpu.memory_space<vmem>> -> memref<128xi32, #tpu.memory_space<vmem>>
    %dma_wait3A_603 = arith.constant 0 : i32
    %dma_wait3A_604 = tpu.memref_slice %arg6[%dma_wait3A_603] : memref<99996xf32, #tpu.memory_space<hbm>> -> memref<99996xf32, #tpu.memory_space<hbm>>
    tpu.wait_indirect_dma semaphore(%arg25 : memref<!tpu.dma_semaphore, #tpu.memory_space<semaphore_mem>>) src(%dma_wait3A_604 : memref<99996xf32, #tpu.memory_space<hbm>>) dst(%dma_wait3A_600 : memref<128xf32, #tpu.memory_space<vmem>>)
    %dma_wait3A_605 = arith.constant 2688 : i32
    %dma_wait3A_606 = tpu.memref_slice %arg20[%dma_wait3A_605] : memref<3328xf32, #tpu.memory_space<vmem>> -> memref<128xf32, #tpu.memory_space<vmem>>
    %dma_wait3A_607 = arith.constant 2688 : i32
    %dma_wait3A_608 = tpu.memref_slice %arg11[%dma_wait3A_607] : memref<3328xi32, #tpu.memory_space<vmem>> -> memref<128xi32, #tpu.memory_space<vmem>>
    %dma_wait3A_609 = arith.constant 0 : i32
    %dma_wait3A_610 = tpu.memref_slice %arg6[%dma_wait3A_609] : memref<99996xf32, #tpu.memory_space<hbm>> -> memref<99996xf32, #tpu.memory_space<hbm>>
    tpu.wait_indirect_dma semaphore(%arg25 : memref<!tpu.dma_semaphore, #tpu.memory_space<semaphore_mem>>) src(%dma_wait3A_610 : memref<99996xf32, #tpu.memory_space<hbm>>) dst(%dma_wait3A_606 : memref<128xf32, #tpu.memory_space<vmem>>)
    %dma_wait3A_611 = arith.constant 2816 : i32
    %dma_wait3A_612 = tpu.memref_slice %arg20[%dma_wait3A_611] : memref<3328xf32, #tpu.memory_space<vmem>> -> memref<128xf32, #tpu.memory_space<vmem>>
    %dma_wait3A_613 = arith.constant 2816 : i32
    %dma_wait3A_614 = tpu.memref_slice %arg11[%dma_wait3A_613] : memref<3328xi32, #tpu.memory_space<vmem>> -> memref<128xi32, #tpu.memory_space<vmem>>
    %dma_wait3A_615 = arith.constant 0 : i32
    %dma_wait3A_616 = tpu.memref_slice %arg6[%dma_wait3A_615] : memref<99996xf32, #tpu.memory_space<hbm>> -> memref<99996xf32, #tpu.memory_space<hbm>>
    tpu.wait_indirect_dma semaphore(%arg25 : memref<!tpu.dma_semaphore, #tpu.memory_space<semaphore_mem>>) src(%dma_wait3A_616 : memref<99996xf32, #tpu.memory_space<hbm>>) dst(%dma_wait3A_612 : memref<128xf32, #tpu.memory_space<vmem>>)
    %dma_wait3A_617 = arith.constant 2944 : i32
    %dma_wait3A_618 = tpu.memref_slice %arg20[%dma_wait3A_617] : memref<3328xf32, #tpu.memory_space<vmem>> -> memref<128xf32, #tpu.memory_space<vmem>>
    %dma_wait3A_619 = arith.constant 2944 : i32
    %dma_wait3A_620 = tpu.memref_slice %arg11[%dma_wait3A_619] : memref<3328xi32, #tpu.memory_space<vmem>> -> memref<128xi32, #tpu.memory_space<vmem>>
    %dma_wait3A_621 = arith.constant 0 : i32
    %dma_wait3A_622 = tpu.memref_slice %arg6[%dma_wait3A_621] : memref<99996xf32, #tpu.memory_space<hbm>> -> memref<99996xf32, #tpu.memory_space<hbm>>
    tpu.wait_indirect_dma semaphore(%arg25 : memref<!tpu.dma_semaphore, #tpu.memory_space<semaphore_mem>>) src(%dma_wait3A_622 : memref<99996xf32, #tpu.memory_space<hbm>>) dst(%dma_wait3A_618 : memref<128xf32, #tpu.memory_space<vmem>>)
    %dma_wait3A_623 = arith.constant 3072 : i32
    %dma_wait3A_624 = tpu.memref_slice %arg20[%dma_wait3A_623] : memref<3328xf32, #tpu.memory_space<vmem>> -> memref<128xf32, #tpu.memory_space<vmem>>
    %dma_wait3A_625 = arith.constant 3072 : i32
    %dma_wait3A_626 = tpu.memref_slice %arg11[%dma_wait3A_625] : memref<3328xi32, #tpu.memory_space<vmem>> -> memref<128xi32, #tpu.memory_space<vmem>>
    %dma_wait3A_627 = arith.constant 0 : i32
    %dma_wait3A_628 = tpu.memref_slice %arg6[%dma_wait3A_627] : memref<99996xf32, #tpu.memory_space<hbm>> -> memref<99996xf32, #tpu.memory_space<hbm>>
    tpu.wait_indirect_dma semaphore(%arg25 : memref<!tpu.dma_semaphore, #tpu.memory_space<semaphore_mem>>) src(%dma_wait3A_628 : memref<99996xf32, #tpu.memory_space<hbm>>) dst(%dma_wait3A_624 : memref<128xf32, #tpu.memory_space<vmem>>)
    %dma_wait3A_629 = arith.constant 3200 : i32
    %dma_wait3A_630 = tpu.memref_slice %arg20[%dma_wait3A_629] : memref<3328xf32, #tpu.memory_space<vmem>> -> memref<128xf32, #tpu.memory_space<vmem>>
    %dma_wait3A_631 = arith.constant 3200 : i32
    %dma_wait3A_632 = tpu.memref_slice %arg11[%dma_wait3A_631] : memref<3328xi32, #tpu.memory_space<vmem>> -> memref<128xi32, #tpu.memory_space<vmem>>
    %dma_wait3A_633 = arith.constant 0 : i32
    %dma_wait3A_634 = tpu.memref_slice %arg6[%dma_wait3A_633] : memref<99996xf32, #tpu.memory_space<hbm>> -> memref<99996xf32, #tpu.memory_space<hbm>>
    tpu.wait_indirect_dma semaphore(%arg25 : memref<!tpu.dma_semaphore, #tpu.memory_space<semaphore_mem>>) src(%dma_wait3A_634 : memref<99996xf32, #tpu.memory_space<hbm>>) dst(%dma_wait3A_630 : memref<128xf32, #tpu.memory_space<vmem>>)
    %iota3A = tpu.iota {dimensions = array<i32: 0>} : vector<16xi32>
    %get3A = arith.constant 0 : index
    %get3A_635 = tpu.vector_load %arg13[%get3A] {strides = array<i32>} : memref<656xi32, #tpu.memory_space<vmem>>, vector<16xi32>,
    %get3A_636 = arith.constant 0 : index
    %get3A_637 = tpu.vector_load %arg14[%get3A_636] {strides = array<i32>} : memref<656xi32, #tpu.memory_space<vmem>>, vector<16xi32>,
    %add3A_638 = arith.constant 0 : i32
    %add3A_639 = vector.broadcast %add3A_638 : i32 to vector<16xi32>
    %add3A_640 = arith.addi %add3A_639, %get3A_635 : vector<16xi32>
    %gather3A = tpu.vector_load_idx %arg11[%add3A_640] : memref<3328xi32, #tpu.memory_space<vmem>>[vector<16xi32>], vector<16xi32>,
    %shift_left3A = arith.constant 3 : i32
    %shift_left3A_641 = vector.broadcast %shift_left3A : i32 to vector<16xi32>
    %shift_left3A_642 = arith.shli %gather3A, %shift_left3A_641 : vector<16xi32>
    %add3A_643 = arith.addi %shift_left3A_642, %get3A_637 : vector<16xi32>
    %swap3A = arith.constant 0 : index
    %swap3A_644 = tpu.vector_load %arg15[%swap3A] {strides = array<i32>} : memref<656xi32, #tpu.memory_space<vmem>>, vector<16xi32>,
    tpu.vector_store %arg15[%swap3A], %add3A_643 {strides = array<i32>} : memref<656xi32, #tpu.memory_space<vmem>>, vector<16xi32>,
    %get3A_645 = arith.constant 16 : index
    %get3A_646 = tpu.vector_load %arg13[%get3A_645] {strides = array<i32>} : memref<656xi32, #tpu.memory_space<vmem>>, vector<16xi32>,
    %get3A_647 = arith.constant 16 : index
    %get3A_648 = tpu.vector_load %arg14[%get3A_647] {strides = array<i32>} : memref<656xi32, #tpu.memory_space<vmem>>, vector<16xi32>,
    %add3A_649 = arith.constant 0 : i32
    %add3A_650 = vector.broadcast %add3A_649 : i32 to vector<16xi32>
    %add3A_651 = arith.addi %add3A_650, %get3A_646 : vector<16xi32>
    %gather3A_652 = tpu.vector_load_idx %arg11[%add3A_651] : memref<3328xi32, #tpu.memory_space<vmem>>[vector<16xi32>], vector<16xi32>,
    %shift_left3A_653 = arith.constant 3 : i32
    %shift_left3A_654 = vector.broadcast %shift_left3A_653 : i32 to vector<16xi32>
    %shift_left3A_655 = arith.shli %gather3A_652, %shift_left3A_654 : vector<16xi32>
    %add3A_656 = arith.addi %shift_left3A_655, %get3A_648 : vector<16xi32>
    %swap3A_657 = arith.constant 16 : index
    %swap3A_658 = tpu.vector_load %arg15[%swap3A_657] {strides = array<i32>} : memref<656xi32, #tpu.memory_space<vmem>>, vector<16xi32>,
    tpu.vector_store %arg15[%swap3A_657], %add3A_656 {strides = array<i32>} : memref<656xi32, #tpu.memory_space<vmem>>, vector<16xi32>,
    %get3A_659 = arith.constant 32 : index
    %get3A_660 = tpu.vector_load %arg13[%get3A_659] {strides = array<i32>} : memref<656xi32, #tpu.memory_space<vmem>>, vector<16xi32>,
    %get3A_661 = arith.constant 32 : index
    %get3A_662 = tpu.vector_load %arg14[%get3A_661] {strides = array<i32>} : memref<656xi32, #tpu.memory_space<vmem>>, vector<16xi32>,
    %add3A_663 = arith.constant 0 : i32
    %add3A_664 = vector.broadcast %add3A_663 : i32 to vector<16xi32>
    %add3A_665 = arith.addi %add3A_664, %get3A_660 : vector<16xi32>
    %gather3A_666 = tpu.vector_load_idx %arg11[%add3A_665] : memref<3328xi32, #tpu.memory_space<vmem>>[vector<16xi32>], vector<16xi32>,
    %shift_left3A_667 = arith.constant 3 : i32
    %shift_left3A_668 = vector.broadcast %shift_left3A_667 : i32 to vector<16xi32>
    %shift_left3A_669 = arith.shli %gather3A_666, %shift_left3A_668 : vector<16xi32>
    %add3A_670 = arith.addi %shift_left3A_669, %get3A_662 : vector<16xi32>
    %swap3A_671 = arith.constant 32 : index
    %swap3A_672 = tpu.vector_load %arg15[%swap3A_671] {strides = array<i32>} : memref<656xi32, #tpu.memory_space<vmem>>, vector<16xi32>,
    tpu.vector_store %arg15[%swap3A_671], %add3A_670 {strides = array<i32>} : memref<656xi32, #tpu.memory_space<vmem>>, vector<16xi32>,
    %get3A_673 = arith.constant 48 : index
    %get3A_674 = tpu.vector_load %arg13[%get3A_673] {strides = array<i32>} : memref<656xi32, #tpu.memory_space<vmem>>, vector<16xi32>,
    %get3A_675 = arith.constant 48 : index
    %get3A_676 = tpu.vector_load %arg14[%get3A_675] {strides = array<i32>} : memref<656xi32, #tpu.memory_space<vmem>>, vector<16xi32>,
    %add3A_677 = arith.constant 0 : i32
    %add3A_678 = vector.broadcast %add3A_677 : i32 to vector<16xi32>
    %add3A_679 = arith.addi %add3A_678, %get3A_674 : vector<16xi32>
    %gather3A_680 = tpu.vector_load_idx %arg11[%add3A_679] : memref<3328xi32, #tpu.memory_space<vmem>>[vector<16xi32>], vector<16xi32>,
    %shift_left3A_681 = arith.constant 3 : i32
    %shift_left3A_682 = vector.broadcast %shift_left3A_681 : i32 to vector<16xi32>
    %shift_left3A_683 = arith.shli %gather3A_680, %shift_left3A_682 : vector<16xi32>
    %add3A_684 = arith.addi %shift_left3A_683, %get3A_676 : vector<16xi32>
    %swap3A_685 = arith.constant 48 : index
    %swap3A_686 = tpu.vector_load %arg15[%swap3A_685] {strides = array<i32>} : memref<656xi32, #tpu.memory_space<vmem>>, vector<16xi32>,
    tpu.vector_store %arg15[%swap3A_685], %add3A_684 {strides = array<i32>} : memref<656xi32, #tpu.memory_space<vmem>>, vector<16xi32>,
    %get3A_687 = arith.constant 64 : index
    %get3A_688 = tpu.vector_load %arg13[%get3A_687] {strides = array<i32>} : memref<656xi32, #tpu.memory_space<vmem>>, vector<16xi32>,
    %get3A_689 = arith.constant 64 : index
    %get3A_690 = tpu.vector_load %arg14[%get3A_689] {strides = array<i32>} : memref<656xi32, #tpu.memory_space<vmem>>, vector<16xi32>,
    %add3A_691 = arith.constant 0 : i32
    %add3A_692 = vector.broadcast %add3A_691 : i32 to vector<16xi32>
    %add3A_693 = arith.addi %add3A_692, %get3A_688 : vector<16xi32>
    %gather3A_694 = tpu.vector_load_idx %arg11[%add3A_693] : memref<3328xi32, #tpu.memory_space<vmem>>[vector<16xi32>], vector<16xi32>,
    %shift_left3A_695 = arith.constant 3 : i32
    %shift_left3A_696 = vector.broadcast %shift_left3A_695 : i32 to vector<16xi32>
    %shift_left3A_697 = arith.shli %gather3A_694, %shift_left3A_696 : vector<16xi32>
    %add3A_698 = arith.addi %shift_left3A_697, %get3A_690 : vector<16xi32>
    %swap3A_699 = arith.constant 64 : index
    %swap3A_700 = tpu.vector_load %arg15[%swap3A_699] {strides = array<i32>} : memref<656xi32, #tpu.memory_space<vmem>>, vector<16xi32>,
    tpu.vector_store %arg15[%swap3A_699], %add3A_698 {strides = array<i32>} : memref<656xi32, #tpu.memory_space<vmem>>, vector<16xi32>,
    %get3A_701 = arith.constant 80 : index
    %get3A_702 = tpu.vector_load %arg13[%get3A_701] {strides = array<i32>} : memref<656xi32, #tpu.memory_space<vmem>>, vector<16xi32>,
    %get3A_703 = arith.constant 80 : index
    %get3A_704 = tpu.vector_load %arg14[%get3A_703] {strides = array<i32>} : memref<656xi32, #tpu.memory_space<vmem>>, vector<16xi32>,
    %add3A_705 = arith.constant 0 : i32
    %add3A_706 = vector.broadcast %add3A_705 : i32 to vector<16xi32>
    %add3A_707 = arith.addi %add3A_706, %get3A_702 : vector<16xi32>
    %gather3A_708 = tpu.vector_load_idx %arg11[%add3A_707] : memref<3328xi32, #tpu.memory_space<vmem>>[vector<16xi32>], vector<16xi32>,
    %shift_left3A_709 = arith.constant 3 : i32
    %shift_left3A_710 = vector.broadcast %shift_left3A_709 : i32 to vector<16xi32>
    %shift_left3A_711 = arith.shli %gather3A_708, %shift_left3A_710 : vector<16xi32>
    %add3A_712 = arith.addi %shift_left3A_711, %get3A_704 : vector<16xi32>
    %swap3A_713 = arith.constant 80 : index
    %swap3A_714 = tpu.vector_load %arg15[%swap3A_713] {strides = array<i32>} : memref<656xi32, #tpu.memory_space<vmem>>, vector<16xi32>,
    tpu.vector_store %arg15[%swap3A_713], %add3A_712 {strides = array<i32>} : memref<656xi32, #tpu.memory_space<vmem>>, vector<16xi32>,
    %get3A_715 = arith.constant 96 : index
    %get3A_716 = tpu.vector_load %arg13[%get3A_715] {strides = array<i32>} : memref<656xi32, #tpu.memory_space<vmem>>, vector<16xi32>,
    %get3A_717 = arith.constant 96 : index
    %get3A_718 = tpu.vector_load %arg14[%get3A_717] {strides = array<i32>} : memref<656xi32, #tpu.memory_space<vmem>>, vector<16xi32>,
    %add3A_719 = arith.constant 0 : i32
    %add3A_720 = vector.broadcast %add3A_719 : i32 to vector<16xi32>
    %add3A_721 = arith.addi %add3A_720, %get3A_716 : vector<16xi32>
    %gather3A_722 = tpu.vector_load_idx %arg11[%add3A_721] : memref<3328xi32, #tpu.memory_space<vmem>>[vector<16xi32>], vector<16xi32>,
    %shift_left3A_723 = arith.constant 3 : i32
    %shift_left3A_724 = vector.broadcast %shift_left3A_723 : i32 to vector<16xi32>
    %shift_left3A_725 = arith.shli %gather3A_722, %shift_left3A_724 : vector<16xi32>
    %add3A_726 = arith.addi %shift_left3A_725, %get3A_718 : vector<16xi32>
    %swap3A_727 = arith.constant 96 : index
    %swap3A_728 = tpu.vector_load %arg15[%swap3A_727] {strides = array<i32>} : memref<656xi32, #tpu.memory_space<vmem>>, vector<16xi32>,
    tpu.vector_store %arg15[%swap3A_727], %add3A_726 {strides = array<i32>} : memref<656xi32, #tpu.memory_space<vmem>>, vector<16xi32>,
    %get3A_729 = arith.constant 112 : index
    %get3A_730 = tpu.vector_load %arg13[%get3A_729] {strides = array<i32>} : memref<656xi32, #tpu.memory_space<vmem>>, vector<16xi32>,
    %get3A_731 = arith.constant 112 : index
    %get3A_732 = tpu.vector_load %arg14[%get3A_731] {strides = array<i32>} : memref<656xi32, #tpu.memory_space<vmem>>, vector<16xi32>,
    %add3A_733 = arith.constant 0 : i32
    %add3A_734 = vector.broadcast %add3A_733 : i32 to vector<16xi32>
    %add3A_735 = arith.addi %add3A_734, %get3A_730 : vector<16xi32>
    %gather3A_736 = tpu.vector_load_idx %arg11[%add3A_735] : memref<3328xi32, #tpu.memory_space<vmem>>[vector<16xi32>], vector<16xi32>,
    %shift_left3A_737 = arith.constant 3 : i32
    %shift_left3A_738 = vector.broadcast %shift_left3A_737 : i32 to vector<16xi32>
    %shift_left3A_739 = arith.shli %gather3A_736, %shift_left3A_738 : vector<16xi32>
    %add3A_740 = arith.addi %shift_left3A_739, %get3A_732 : vector<16xi32>
    %swap3A_741 = arith.constant 112 : index
    %swap3A_742 = tpu.vector_load %arg15[%swap3A_741] {strides = array<i32>} : memref<656xi32, #tpu.memory_space<vmem>>, vector<16xi32>,
    tpu.vector_store %arg15[%swap3A_741], %add3A_740 {strides = array<i32>} : memref<656xi32, #tpu.memory_space<vmem>>, vector<16xi32>,
    %get3A_743 = arith.constant 128 : index
    %get3A_744 = tpu.vector_load %arg13[%get3A_743] {strides = array<i32>} : memref<656xi32, #tpu.memory_space<vmem>>, vector<16xi32>,
    %get3A_745 = arith.constant 128 : index
    %get3A_746 = tpu.vector_load %arg14[%get3A_745] {strides = array<i32>} : memref<656xi32, #tpu.memory_space<vmem>>, vector<16xi32>,
    %add3A_747 = arith.constant 0 : i32
    %add3A_748 = vector.broadcast %add3A_747 : i32 to vector<16xi32>
    %add3A_749 = arith.addi %add3A_748, %get3A_744 : vector<16xi32>
    %gather3A_750 = tpu.vector_load_idx %arg11[%add3A_749] : memref<3328xi32, #tpu.memory_space<vmem>>[vector<16xi32>], vector<16xi32>,
    %shift_left3A_751 = arith.constant 3 : i32
    %shift_left3A_752 = vector.broadcast %shift_left3A_751 : i32 to vector<16xi32>
    %shift_left3A_753 = arith.shli %gather3A_750, %shift_left3A_752 : vector<16xi32>
    %add3A_754 = arith.addi %shift_left3A_753, %get3A_746 : vector<16xi32>
    %swap3A_755 = arith.constant 128 : index
    %swap3A_756 = tpu.vector_load %arg15[%swap3A_755] {strides = array<i32>} : memref<656xi32, #tpu.memory_space<vmem>>, vector<16xi32>,
    tpu.vector_store %arg15[%swap3A_755], %add3A_754 {strides = array<i32>} : memref<656xi32, #tpu.memory_space<vmem>>, vector<16xi32>,
    %get3A_757 = arith.constant 144 : index
    %get3A_758 = tpu.vector_load %arg13[%get3A_757] {strides = array<i32>} : memref<656xi32, #tpu.memory_space<vmem>>, vector<16xi32>,
    %get3A_759 = arith.constant 144 : index
    %get3A_760 = tpu.vector_load %arg14[%get3A_759] {strides = array<i32>} : memref<656xi32, #tpu.memory_space<vmem>>, vector<16xi32>,
    %add3A_761 = arith.constant 0 : i32
    %add3A_762 = vector.broadcast %add3A_761 : i32 to vector<16xi32>
    %add3A_763 = arith.addi %add3A_762, %get3A_758 : vector<16xi32>
    %gather3A_764 = tpu.vector_load_idx %arg11[%add3A_763] : memref<3328xi32, #tpu.memory_space<vmem>>[vector<16xi32>], vector<16xi32>,
    %shift_left3A_765 = arith.constant 3 : i32
    %shift_left3A_766 = vector.broadcast %shift_left3A_765 : i32 to vector<16xi32>
    %shift_left3A_767 = arith.shli %gather3A_764, %shift_left3A_766 : vector<16xi32>
    %add3A_768 = arith.addi %shift_left3A_767, %get3A_760 : vector<16xi32>
    %swap3A_769 = arith.constant 144 : index
    %swap3A_770 = tpu.vector_load %arg15[%swap3A_769] {strides = array<i32>} : memref<656xi32, #tpu.memory_space<vmem>>, vector<16xi32>,
    tpu.vector_store %arg15[%swap3A_769], %add3A_768 {strides = array<i32>} : memref<656xi32, #tpu.memory_space<vmem>>, vector<16xi32>,
    %get3A_771 = arith.constant 160 : index
    %get3A_772 = tpu.vector_load %arg13[%get3A_771] {strides = array<i32>} : memref<656xi32, #tpu.memory_space<vmem>>, vector<16xi32>,
    %get3A_773 = arith.constant 160 : index
    %get3A_774 = tpu.vector_load %arg14[%get3A_773] {strides = array<i32>} : memref<656xi32, #tpu.memory_space<vmem>>, vector<16xi32>,
    %add3A_775 = arith.constant 0 : i32
    %add3A_776 = vector.broadcast %add3A_775 : i32 to vector<16xi32>
    %add3A_777 = arith.addi %add3A_776, %get3A_772 : vector<16xi32>
    %gather3A_778 = tpu.vector_load_idx %arg11[%add3A_777] : memref<3328xi32, #tpu.memory_space<vmem>>[vector<16xi32>], vector<16xi32>,
    %shift_left3A_779 = arith.constant 3 : i32
    %shift_left3A_780 = vector.broadcast %shift_left3A_779 : i32 to vector<16xi32>
    %shift_left3A_781 = arith.shli %gather3A_778, %shift_left3A_780 : vector<16xi32>
    %add3A_782 = arith.addi %shift_left3A_781, %get3A_774 : vector<16xi32>
    %swap3A_783 = arith.constant 160 : index
    %swap3A_784 = tpu.vector_load %arg15[%swap3A_783] {strides = array<i32>} : memref<656xi32, #tpu.memory_space<vmem>>, vector<16xi32>,
    tpu.vector_store %arg15[%swap3A_783], %add3A_782 {strides = array<i32>} : memref<656xi32, #tpu.memory_space<vmem>>, vector<16xi32>,
    %get3A_785 = arith.constant 176 : index
    %get3A_786 = tpu.vector_load %arg13[%get3A_785] {strides = array<i32>} : memref<656xi32, #tpu.memory_space<vmem>>, vector<16xi32>,
    %get3A_787 = arith.constant 176 : index
    %get3A_788 = tpu.vector_load %arg14[%get3A_787] {strides = array<i32>} : memref<656xi32, #tpu.memory_space<vmem>>, vector<16xi32>,
    %add3A_789 = arith.constant 0 : i32
    %add3A_790 = vector.broadcast %add3A_789 : i32 to vector<16xi32>
    %add3A_791 = arith.addi %add3A_790, %get3A_786 : vector<16xi32>
    %gather3A_792 = tpu.vector_load_idx %arg11[%add3A_791] : memref<3328xi32, #tpu.memory_space<vmem>>[vector<16xi32>], vector<16xi32>,
    %shift_left3A_793 = arith.constant 3 : i32
    %shift_left3A_794 = vector.broadcast %shift_left3A_793 : i32 to vector<16xi32>
    %shift_left3A_795 = arith.shli %gather3A_792, %shift_left3A_794 : vector<16xi32>
    %add3A_796 = arith.addi %shift_left3A_795, %get3A_788 : vector<16xi32>
    %swap3A_797 = arith.constant 176 : index
    %swap3A_798 = tpu.vector_load %arg15[%swap3A_797] {strides = array<i32>} : memref<656xi32, #tpu.memory_space<vmem>>, vector<16xi32>,
    tpu.vector_store %arg15[%swap3A_797], %add3A_796 {strides = array<i32>} : memref<656xi32, #tpu.memory_space<vmem>>, vector<16xi32>,
    %get3A_799 = arith.constant 192 : index
    %get3A_800 = tpu.vector_load %arg13[%get3A_799] {strides = array<i32>} : memref<656xi32, #tpu.memory_space<vmem>>, vector<16xi32>,
    %get3A_801 = arith.constant 192 : index
    %get3A_802 = tpu.vector_load %arg14[%get3A_801] {strides = array<i32>} : memref<656xi32, #tpu.memory_space<vmem>>, vector<16xi32>,
    %add3A_803 = arith.constant 0 : i32
    %add3A_804 = vector.broadcast %add3A_803 : i32 to vector<16xi32>
    %add3A_805 = arith.addi %add3A_804, %get3A_800 : vector<16xi32>
    %gather3A_806 = tpu.vector_load_idx %arg11[%add3A_805] : memref<3328xi32, #tpu.memory_space<vmem>>[vector<16xi32>], vector<16xi32>,
    %shift_left3A_807 = arith.constant 3 : i32
    %shift_left3A_808 = vector.broadcast %shift_left3A_807 : i32 to vector<16xi32>
    %shift_left3A_809 = arith.shli %gather3A_806, %shift_left3A_808 : vector<16xi32>
    %add3A_810 = arith.addi %shift_left3A_809, %get3A_802 : vector<16xi32>
    %swap3A_811 = arith.constant 192 : index
    %swap3A_812 = tpu.vector_load %arg15[%swap3A_811] {strides = array<i32>} : memref<656xi32, #tpu.memory_space<vmem>>, vector<16xi32>,
    tpu.vector_store %arg15[%swap3A_811], %add3A_810 {strides = array<i32>} : memref<656xi32, #tpu.memory_space<vmem>>, vector<16xi32>,
    %get3A_813 = arith.constant 208 : index
    %get3A_814 = tpu.vector_load %arg13[%get3A_813] {strides = array<i32>} : memref<656xi32, #tpu.memory_space<vmem>>, vector<16xi32>,
    %get3A_815 = arith.constant 208 : index
    %get3A_816 = tpu.vector_load %arg14[%get3A_815] {strides = array<i32>} : memref<656xi32, #tpu.memory_space<vmem>>, vector<16xi32>,
    %add3A_817 = arith.constant 0 : i32
    %add3A_818 = vector.broadcast %add3A_817 : i32 to vector<16xi32>
    %add3A_819 = arith.addi %add3A_818, %get3A_814 : vector<16xi32>
    %gather3A_820 = tpu.vector_load_idx %arg11[%add3A_819] : memref<3328xi32, #tpu.memory_space<vmem>>[vector<16xi32>], vector<16xi32>,
    %shift_left3A_821 = arith.constant 3 : i32
    %shift_left3A_822 = vector.broadcast %shift_left3A_821 : i32 to vector<16xi32>
    %shift_left3A_823 = arith.shli %gather3A_820, %shift_left3A_822 : vector<16xi32>
    %add3A_824 = arith.addi %shift_left3A_823, %get3A_816 : vector<16xi32>
    %swap3A_825 = arith.constant 208 : index
    %swap3A_826 = tpu.vector_load %arg15[%swap3A_825] {strides = array<i32>} : memref<656xi32, #tpu.memory_space<vmem>>, vector<16xi32>,
    tpu.vector_store %arg15[%swap3A_825], %add3A_824 {strides = array<i32>} : memref<656xi32, #tpu.memory_space<vmem>>, vector<16xi32>,
    %get3A_827 = arith.constant 224 : index
    %get3A_828 = tpu.vector_load %arg13[%get3A_827] {strides = array<i32>} : memref<656xi32, #tpu.memory_space<vmem>>, vector<16xi32>,
    %get3A_829 = arith.constant 224 : index
    %get3A_830 = tpu.vector_load %arg14[%get3A_829] {strides = array<i32>} : memref<656xi32, #tpu.memory_space<vmem>>, vector<16xi32>,
    %add3A_831 = arith.constant 0 : i32
    %add3A_832 = vector.broadcast %add3A_831 : i32 to vector<16xi32>
    %add3A_833 = arith.addi %add3A_832, %get3A_828 : vector<16xi32>
    %gather3A_834 = tpu.vector_load_idx %arg11[%add3A_833] : memref<3328xi32, #tpu.memory_space<vmem>>[vector<16xi32>], vector<16xi32>,
    %shift_left3A_835 = arith.constant 3 : i32
    %shift_left3A_836 = vector.broadcast %shift_left3A_835 : i32 to vector<16xi32>
    %shift_left3A_837 = arith.shli %gather3A_834, %shift_left3A_836 : vector<16xi32>
    %add3A_838 = arith.addi %shift_left3A_837, %get3A_830 : vector<16xi32>
    %swap3A_839 = arith.constant 224 : index
    %swap3A_840 = tpu.vector_load %arg15[%swap3A_839] {strides = array<i32>} : memref<656xi32, #tpu.memory_space<vmem>>, vector<16xi32>,
    tpu.vector_store %arg15[%swap3A_839], %add3A_838 {strides = array<i32>} : memref<656xi32, #tpu.memory_space<vmem>>, vector<16xi32>,
    %get3A_841 = arith.constant 240 : index
    %get3A_842 = tpu.vector_load %arg13[%get3A_841] {strides = array<i32>} : memref<656xi32, #tpu.memory_space<vmem>>, vector<16xi32>,
    %get3A_843 = arith.constant 240 : index
    %get3A_844 = tpu.vector_load %arg14[%get3A_843] {strides = array<i32>} : memref<656xi32, #tpu.memory_space<vmem>>, vector<16xi32>,
    %add3A_845 = arith.constant 0 : i32
    %add3A_846 = vector.broadcast %add3A_845 : i32 to vector<16xi32>
    %add3A_847 = arith.addi %add3A_846, %get3A_842 : vector<16xi32>
    %gather3A_848 = tpu.vector_load_idx %arg11[%add3A_847] : memref<3328xi32, #tpu.memory_space<vmem>>[vector<16xi32>], vector<16xi32>,
    %shift_left3A_849 = arith.constant 3 : i32
    %shift_left3A_850 = vector.broadcast %shift_left3A_849 : i32 to vector<16xi32>
    %shift_left3A_851 = arith.shli %gather3A_848, %shift_left3A_850 : vector<16xi32>
    %add3A_852 = arith.addi %shift_left3A_851, %get3A_844 : vector<16xi32>
    %swap3A_853 = arith.constant 240 : index
    %swap3A_854 = tpu.vector_load %arg15[%swap3A_853] {strides = array<i32>} : memref<656xi32, #tpu.memory_space<vmem>>, vector<16xi32>,
    tpu.vector_store %arg15[%swap3A_853], %add3A_852 {strides = array<i32>} : memref<656xi32, #tpu.memory_space<vmem>>, vector<16xi32>,
    %get3A_855 = arith.constant 256 : index
    %get3A_856 = tpu.vector_load %arg13[%get3A_855] {strides = array<i32>} : memref<656xi32, #tpu.memory_space<vmem>>, vector<16xi32>,
    %get3A_857 = arith.constant 256 : index
    %get3A_858 = tpu.vector_load %arg14[%get3A_857] {strides = array<i32>} : memref<656xi32, #tpu.memory_space<vmem>>, vector<16xi32>,
    %add3A_859 = arith.constant 0 : i32
    %add3A_860 = vector.broadcast %add3A_859 : i32 to vector<16xi32>
    %add3A_861 = arith.addi %add3A_860, %get3A_856 : vector<16xi32>
    %gather3A_862 = tpu.vector_load_idx %arg11[%add3A_861] : memref<3328xi32, #tpu.memory_space<vmem>>[vector<16xi32>], vector<16xi32>,
    %shift_left3A_863 = arith.constant 3 : i32
    %shift_left3A_864 = vector.broadcast %shift_left3A_863 : i32 to vector<16xi32>
    %shift_left3A_865 = arith.shli %gather3A_862, %shift_left3A_864 : vector<16xi32>
    %add3A_866 = arith.addi %shift_left3A_865, %get3A_858 : vector<16xi32>
    %swap3A_867 = arith.constant 256 : index
    %swap3A_868 = tpu.vector_load %arg15[%swap3A_867] {strides = array<i32>} : memref<656xi32, #tpu.memory_space<vmem>>, vector<16xi32>,
    tpu.vector_store %arg15[%swap3A_867], %add3A_866 {strides = array<i32>} : memref<656xi32, #tpu.memory_space<vmem>>, vector<16xi32>,
    %get3A_869 = arith.constant 272 : index
    %get3A_870 = tpu.vector_load %arg13[%get3A_869] {strides = array<i32>} : memref<656xi32, #tpu.memory_space<vmem>>, vector<16xi32>,
    %get3A_871 = arith.constant 272 : index
    %get3A_872 = tpu.vector_load %arg14[%get3A_871] {strides = array<i32>} : memref<656xi32, #tpu.memory_space<vmem>>, vector<16xi32>,
    %add3A_873 = arith.constant 0 : i32
    %add3A_874 = vector.broadcast %add3A_873 : i32 to vector<16xi32>
    %add3A_875 = arith.addi %add3A_874, %get3A_870 : vector<16xi32>
    %gather3A_876 = tpu.vector_load_idx %arg11[%add3A_875] : memref<3328xi32, #tpu.memory_space<vmem>>[vector<16xi32>], vector<16xi32>,
    %shift_left3A_877 = arith.constant 3 : i32
    %shift_left3A_878 = vector.broadcast %shift_left3A_877 : i32 to vector<16xi32>
    %shift_left3A_879 = arith.shli %gather3A_876, %shift_left3A_878 : vector<16xi32>
    %add3A_880 = arith.addi %shift_left3A_879, %get3A_872 : vector<16xi32>
    %swap3A_881 = arith.constant 272 : index
    %swap3A_882 = tpu.vector_load %arg15[%swap3A_881] {strides = array<i32>} : memref<656xi32, #tpu.memory_space<vmem>>, vector<16xi32>,
    tpu.vector_store %arg15[%swap3A_881], %add3A_880 {strides = array<i32>} : memref<656xi32, #tpu.memory_space<vmem>>, vector<16xi32>,
    %get3A_883 = arith.constant 288 : index
    %get3A_884 = tpu.vector_load %arg13[%get3A_883] {strides = array<i32>} : memref<656xi32, #tpu.memory_space<vmem>>, vector<16xi32>,
    %get3A_885 = arith.constant 288 : index
    %get3A_886 = tpu.vector_load %arg14[%get3A_885] {strides = array<i32>} : memref<656xi32, #tpu.memory_space<vmem>>, vector<16xi32>,
    %add3A_887 = arith.constant 0 : i32
    %add3A_888 = vector.broadcast %add3A_887 : i32 to vector<16xi32>
    %add3A_889 = arith.addi %add3A_888, %get3A_884 : vector<16xi32>
    %gather3A_890 = tpu.vector_load_idx %arg11[%add3A_889] : memref<3328xi32, #tpu.memory_space<vmem>>[vector<16xi32>], vector<16xi32>,
    %shift_left3A_891 = arith.constant 3 : i32
    %shift_left3A_892 = vector.broadcast %shift_left3A_891 : i32 to vector<16xi32>
    %shift_left3A_893 = arith.shli %gather3A_890, %shift_left3A_892 : vector<16xi32>
    %add3A_894 = arith.addi %shift_left3A_893, %get3A_886 : vector<16xi32>
    %swap3A_895 = arith.constant 288 : index
    %swap3A_896 = tpu.vector_load %arg15[%swap3A_895] {strides = array<i32>} : memref<656xi32, #tpu.memory_space<vmem>>, vector<16xi32>,
    tpu.vector_store %arg15[%swap3A_895], %add3A_894 {strides = array<i32>} : memref<656xi32, #tpu.memory_space<vmem>>, vector<16xi32>,
    %get3A_897 = arith.constant 304 : index
    %get3A_898 = tpu.vector_load %arg13[%get3A_897] {strides = array<i32>} : memref<656xi32, #tpu.memory_space<vmem>>, vector<16xi32>,
    %get3A_899 = arith.constant 304 : index
    %get3A_900 = tpu.vector_load %arg14[%get3A_899] {strides = array<i32>} : memref<656xi32, #tpu.memory_space<vmem>>, vector<16xi32>,
    %add3A_901 = arith.constant 0 : i32
    %add3A_902 = vector.broadcast %add3A_901 : i32 to vector<16xi32>
    %add3A_903 = arith.addi %add3A_902, %get3A_898 : vector<16xi32>
    %gather3A_904 = tpu.vector_load_idx %arg11[%add3A_903] : memref<3328xi32, #tpu.memory_space<vmem>>[vector<16xi32>], vector<16xi32>,
    %shift_left3A_905 = arith.constant 3 : i32
    %shift_left3A_906 = vector.broadcast %shift_left3A_905 : i32 to vector<16xi32>
    %shift_left3A_907 = arith.shli %gather3A_904, %shift_left3A_906 : vector<16xi32>
    %add3A_908 = arith.addi %shift_left3A_907, %get3A_900 : vector<16xi32>
    %swap3A_909 = arith.constant 304 : index
    %swap3A_910 = tpu.vector_load %arg15[%swap3A_909] {strides = array<i32>} : memref<656xi32, #tpu.memory_space<vmem>>, vector<16xi32>,
    tpu.vector_store %arg15[%swap3A_909], %add3A_908 {strides = array<i32>} : memref<656xi32, #tpu.memory_space<vmem>>, vector<16xi32>,
    %get3A_911 = arith.constant 320 : index
    %get3A_912 = tpu.vector_load %arg13[%get3A_911] {strides = array<i32>} : memref<656xi32, #tpu.memory_space<vmem>>, vector<16xi32>,
    %get3A_913 = arith.constant 320 : index
    %get3A_914 = tpu.vector_load %arg14[%get3A_913] {strides = array<i32>} : memref<656xi32, #tpu.memory_space<vmem>>, vector<16xi32>,
    %add3A_915 = arith.constant 0 : i32
    %add3A_916 = vector.broadcast %add3A_915 : i32 to vector<16xi32>
    %add3A_917 = arith.addi %add3A_916, %get3A_912 : vector<16xi32>
    %gather3A_918 = tpu.vector_load_idx %arg11[%add3A_917] : memref<3328xi32, #tpu.memory_space<vmem>>[vector<16xi32>], vector<16xi32>,
    %shift_left3A_919 = arith.constant 3 : i32
    %shift_left3A_920 = vector.broadcast %shift_left3A_919 : i32 to vector<16xi32>
    %shift_left3A_921 = arith.shli %gather3A_918, %shift_left3A_920 : vector<16xi32>
    %add3A_922 = arith.addi %shift_left3A_921, %get3A_914 : vector<16xi32>
    %swap3A_923 = arith.constant 320 : index
    %swap3A_924 = tpu.vector_load %arg15[%swap3A_923] {strides = array<i32>} : memref<656xi32, #tpu.memory_space<vmem>>, vector<16xi32>,
    tpu.vector_store %arg15[%swap3A_923], %add3A_922 {strides = array<i32>} : memref<656xi32, #tpu.memory_space<vmem>>, vector<16xi32>,
    %get3A_925 = arith.constant 336 : index
    %get3A_926 = tpu.vector_load %arg13[%get3A_925] {strides = array<i32>} : memref<656xi32, #tpu.memory_space<vmem>>, vector<16xi32>,
    %get3A_927 = arith.constant 336 : index
    %get3A_928 = tpu.vector_load %arg14[%get3A_927] {strides = array<i32>} : memref<656xi32, #tpu.memory_space<vmem>>, vector<16xi32>,
    %add3A_929 = arith.constant 0 : i32
    %add3A_930 = vector.broadcast %add3A_929 : i32 to vector<16xi32>
    %add3A_931 = arith.addi %add3A_930, %get3A_926 : vector<16xi32>
    %gather3A_932 = tpu.vector_load_idx %arg11[%add3A_931] : memref<3328xi32, #tpu.memory_space<vmem>>[vector<16xi32>], vector<16xi32>,
    %shift_left3A_933 = arith.constant 3 : i32
    %shift_left3A_934 = vector.broadcast %shift_left3A_933 : i32 to vector<16xi32>
    %shift_left3A_935 = arith.shli %gather3A_932, %shift_left3A_934 : vector<16xi32>
    %add3A_936 = arith.addi %shift_left3A_935, %get3A_928 : vector<16xi32>
    %swap3A_937 = arith.constant 336 : index
    %swap3A_938 = tpu.vector_load %arg15[%swap3A_937] {strides = array<i32>} : memref<656xi32, #tpu.memory_space<vmem>>, vector<16xi32>,
    tpu.vector_store %arg15[%swap3A_937], %add3A_936 {strides = array<i32>} : memref<656xi32, #tpu.memory_space<vmem>>, vector<16xi32>,
    %get3A_939 = arith.constant 352 : index
    %get3A_940 = tpu.vector_load %arg13[%get3A_939] {strides = array<i32>} : memref<656xi32, #tpu.memory_space<vmem>>, vector<16xi32>,
    %get3A_941 = arith.constant 352 : index
    %get3A_942 = tpu.vector_load %arg14[%get3A_941] {strides = array<i32>} : memref<656xi32, #tpu.memory_space<vmem>>, vector<16xi32>,
    %add3A_943 = arith.constant 0 : i32
    %add3A_944 = vector.broadcast %add3A_943 : i32 to vector<16xi32>
    %add3A_945 = arith.addi %add3A_944, %get3A_940 : vector<16xi32>
    %gather3A_946 = tpu.vector_load_idx %arg11[%add3A_945] : memref<3328xi32, #tpu.memory_space<vmem>>[vector<16xi32>], vector<16xi32>,
    %shift_left3A_947 = arith.constant 3 : i32
    %shift_left3A_948 = vector.broadcast %shift_left3A_947 : i32 to vector<16xi32>
    %shift_left3A_949 = arith.shli %gather3A_946, %shift_left3A_948 : vector<16xi32>
    %add3A_950 = arith.addi %shift_left3A_949, %get3A_942 : vector<16xi32>
    %swap3A_951 = arith.constant 352 : index
    %swap3A_952 = tpu.vector_load %arg15[%swap3A_951] {strides = array<i32>} : memref<656xi32, #tpu.memory_space<vmem>>, vector<16xi32>,
    tpu.vector_store %arg15[%swap3A_951], %add3A_950 {strides = array<i32>} : memref<656xi32, #tpu.memory_space<vmem>>, vector<16xi32>,
    %get3A_953 = arith.constant 368 : index
    %get3A_954 = tpu.vector_load %arg13[%get3A_953] {strides = array<i32>} : memref<656xi32, #tpu.memory_space<vmem>>, vector<16xi32>,
    %get3A_955 = arith.constant 368 : index
    %get3A_956 = tpu.vector_load %arg14[%get3A_955] {strides = array<i32>} : memref<656xi32, #tpu.memory_space<vmem>>, vector<16xi32>,
    %add3A_957 = arith.constant 0 : i32
    %add3A_958 = vector.broadcast %add3A_957 : i32 to vector<16xi32>
    %add3A_959 = arith.addi %add3A_958, %get3A_954 : vector<16xi32>
    %gather3A_960 = tpu.vector_load_idx %arg11[%add3A_959] : memref<3328xi32, #tpu.memory_space<vmem>>[vector<16xi32>], vector<16xi32>,
    %shift_left3A_961 = arith.constant 3 : i32
    %shift_left3A_962 = vector.broadcast %shift_left3A_961 : i32 to vector<16xi32>
    %shift_left3A_963 = arith.shli %gather3A_960, %shift_left3A_962 : vector<16xi32>
    %add3A_964 = arith.addi %shift_left3A_963, %get3A_956 : vector<16xi32>
    %swap3A_965 = arith.constant 368 : index
    %swap3A_966 = tpu.vector_load %arg15[%swap3A_965] {strides = array<i32>} : memref<656xi32, #tpu.memory_space<vmem>>, vector<16xi32>,
    tpu.vector_store %arg15[%swap3A_965], %add3A_964 {strides = array<i32>} : memref<656xi32, #tpu.memory_space<vmem>>, vector<16xi32>,
    %get3A_967 = arith.constant 384 : index
    %get3A_968 = tpu.vector_load %arg13[%get3A_967] {strides = array<i32>} : memref<656xi32, #tpu.memory_space<vmem>>, vector<16xi32>,
    %get3A_969 = arith.constant 384 : index
    %get3A_970 = tpu.vector_load %arg14[%get3A_969] {strides = array<i32>} : memref<656xi32, #tpu.memory_space<vmem>>, vector<16xi32>,
    %add3A_971 = arith.constant 0 : i32
    %add3A_972 = vector.broadcast %add3A_971 : i32 to vector<16xi32>
    %add3A_973 = arith.addi %add3A_972, %get3A_968 : vector<16xi32>
    %gather3A_974 = tpu.vector_load_idx %arg11[%add3A_973] : memref<3328xi32, #tpu.memory_space<vmem>>[vector<16xi32>], vector<16xi32>,
    %shift_left3A_975 = arith.constant 3 : i32
    %shift_left3A_976 = vector.broadcast %shift_left3A_975 : i32 to vector<16xi32>
    %shift_left3A_977 = arith.shli %gather3A_974, %shift_left3A_976 : vector<16xi32>
    %add3A_978 = arith.addi %shift_left3A_977, %get3A_970 : vector<16xi32>
    %swap3A_979 = arith.constant 384 : index
    %swap3A_980 = tpu.vector_load %arg15[%swap3A_979] {strides = array<i32>} : memref<656xi32, #tpu.memory_space<vmem>>, vector<16xi32>,
    tpu.vector_store %arg15[%swap3A_979], %add3A_978 {strides = array<i32>} : memref<656xi32, #tpu.memory_space<vmem>>, vector<16xi32>,
    %get3A_981 = arith.constant 400 : index
    %get3A_982 = tpu.vector_load %arg13[%get3A_981] {strides = array<i32>} : memref<656xi32, #tpu.memory_space<vmem>>, vector<16xi32>,
    %get3A_983 = arith.constant 400 : index
    %get3A_984 = tpu.vector_load %arg14[%get3A_983] {strides = array<i32>} : memref<656xi32, #tpu.memory_space<vmem>>, vector<16xi32>,
    %add3A_985 = arith.constant 0 : i32
    %add3A_986 = vector.broadcast %add3A_985 : i32 to vector<16xi32>
    %add3A_987 = arith.addi %add3A_986, %get3A_982 : vector<16xi32>
    %gather3A_988 = tpu.vector_load_idx %arg11[%add3A_987] : memref<3328xi32, #tpu.memory_space<vmem>>[vector<16xi32>], vector<16xi32>,
    %shift_left3A_989 = arith.constant 3 : i32
    %shift_left3A_990 = vector.broadcast %shift_left3A_989 : i32 to vector<16xi32>
    %shift_left3A_991 = arith.shli %gather3A_988, %shift_left3A_990 : vector<16xi32>
    %add3A_992 = arith.addi %shift_left3A_991, %get3A_984 : vector<16xi32>
    %swap3A_993 = arith.constant 400 : index
    %swap3A_994 = tpu.vector_load %arg15[%swap3A_993] {strides = array<i32>} : memref<656xi32, #tpu.memory_space<vmem>>, vector<16xi32>,
    tpu.vector_store %arg15[%swap3A_993], %add3A_992 {strides = array<i32>} : memref<656xi32, #tpu.memory_space<vmem>>, vector<16xi32>,
    %get3A_995 = arith.constant 416 : index
    %get3A_996 = tpu.vector_load %arg13[%get3A_995] {strides = array<i32>} : memref<656xi32, #tpu.memory_space<vmem>>, vector<16xi32>,
    %get3A_997 = arith.constant 416 : index
    %get3A_998 = tpu.vector_load %arg14[%get3A_997] {strides = array<i32>} : memref<656xi32, #tpu.memory_space<vmem>>, vector<16xi32>,
    %add3A_999 = arith.constant 0 : i32
    %add3A_1000 = vector.broadcast %add3A_999 : i32 to vector<16xi32>
    %add3A_1001 = arith.addi %add3A_1000, %get3A_996 : vector<16xi32>
    %gather3A_1002 = tpu.vector_load_idx %arg11[%add3A_1001] : memref<3328xi32, #tpu.memory_space<vmem>>[vector<16xi32>], vector<16xi32>,
    %shift_left3A_1003 = arith.constant 3 : i32
    %shift_left3A_1004 = vector.broadcast %shift_left3A_1003 : i32 to vector<16xi32>
    %shift_left3A_1005 = arith.shli %gather3A_1002, %shift_left3A_1004 : vector<16xi32>
    %add3A_1006 = arith.addi %shift_left3A_1005, %get3A_998 : vector<16xi32>
    %swap3A_1007 = arith.constant 416 : index
    %swap3A_1008 = tpu.vector_load %arg15[%swap3A_1007] {strides = array<i32>} : memref<656xi32, #tpu.memory_space<vmem>>, vector<16xi32>,
    tpu.vector_store %arg15[%swap3A_1007], %add3A_1006 {strides = array<i32>} : memref<656xi32, #tpu.memory_space<vmem>>, vector<16xi32>,
    %get3A_1009 = arith.constant 432 : index
    %get3A_1010 = tpu.vector_load %arg13[%get3A_1009] {strides = array<i32>} : memref<656xi32, #tpu.memory_space<vmem>>, vector<16xi32>,
    %get3A_1011 = arith.constant 432 : index
    %get3A_1012 = tpu.vector_load %arg14[%get3A_1011] {strides = array<i32>} : memref<656xi32, #tpu.memory_space<vmem>>, vector<16xi32>,
    %add3A_1013 = arith.constant 0 : i32
    %add3A_1014 = vector.broadcast %add3A_1013 : i32 to vector<16xi32>
    %add3A_1015 = arith.addi %add3A_1014, %get3A_1010 : vector<16xi32>
    %gather3A_1016 = tpu.vector_load_idx %arg11[%add3A_1015] : memref<3328xi32, #tpu.memory_space<vmem>>[vector<16xi32>], vector<16xi32>,
    %shift_left3A_1017 = arith.constant 3 : i32
    %shift_left3A_1018 = vector.broadcast %shift_left3A_1017 : i32 to vector<16xi32>
    %shift_left3A_1019 = arith.shli %gather3A_1016, %shift_left3A_1018 : vector<16xi32>
    %add3A_1020 = arith.addi %shift_left3A_1019, %get3A_1012 : vector<16xi32>
    %swap3A_1021 = arith.constant 432 : index
    %swap3A_1022 = tpu.vector_load %arg15[%swap3A_1021] {strides = array<i32>} : memref<656xi32, #tpu.memory_space<vmem>>, vector<16xi32>,
    tpu.vector_store %arg15[%swap3A_1021], %add3A_1020 {strides = array<i32>} : memref<656xi32, #tpu.memory_space<vmem>>, vector<16xi32>,
    %get3A_1023 = arith.constant 448 : index
    %get3A_1024 = tpu.vector_load %arg13[%get3A_1023] {strides = array<i32>} : memref<656xi32, #tpu.memory_space<vmem>>, vector<16xi32>,
    %get3A_1025 = arith.constant 448 : index
    %get3A_1026 = tpu.vector_load %arg14[%get3A_1025] {strides = array<i32>} : memref<656xi32, #tpu.memory_space<vmem>>, vector<16xi32>,
    %add3A_1027 = arith.constant 0 : i32
    %add3A_1028 = vector.broadcast %add3A_1027 : i32 to vector<16xi32>
    %add3A_1029 = arith.addi %add3A_1028, %get3A_1024 : vector<16xi32>
    %gather3A_1030 = tpu.vector_load_idx %arg11[%add3A_1029] : memref<3328xi32, #tpu.memory_space<vmem>>[vector<16xi32>], vector<16xi32>,
    %shift_left3A_1031 = arith.constant 3 : i32
    %shift_left3A_1032 = vector.broadcast %shift_left3A_1031 : i32 to vector<16xi32>
    %shift_left3A_1033 = arith.shli %gather3A_1030, %shift_left3A_1032 : vector<16xi32>
    %add3A_1034 = arith.addi %shift_left3A_1033, %get3A_1026 : vector<16xi32>
    %swap3A_1035 = arith.constant 448 : index
    %swap3A_1036 = tpu.vector_load %arg15[%swap3A_1035] {strides = array<i32>} : memref<656xi32, #tpu.memory_space<vmem>>, vector<16xi32>,
    tpu.vector_store %arg15[%swap3A_1035], %add3A_1034 {strides = array<i32>} : memref<656xi32, #tpu.memory_space<vmem>>, vector<16xi32>,
    %get3A_1037 = arith.constant 464 : index
    %get3A_1038 = tpu.vector_load %arg13[%get3A_1037] {strides = array<i32>} : memref<656xi32, #tpu.memory_space<vmem>>, vector<16xi32>,
    %get3A_1039 = arith.constant 464 : index
    %get3A_1040 = tpu.vector_load %arg14[%get3A_1039] {strides = array<i32>} : memref<656xi32, #tpu.memory_space<vmem>>, vector<16xi32>,
    %add3A_1041 = arith.constant 0 : i32
    %add3A_1042 = vector.broadcast %add3A_1041 : i32 to vector<16xi32>
    %add3A_1043 = arith.addi %add3A_1042, %get3A_1038 : vector<16xi32>
    %gather3A_1044 = tpu.vector_load_idx %arg11[%add3A_1043] : memref<3328xi32, #tpu.memory_space<vmem>>[vector<16xi32>], vector<16xi32>,
    %shift_left3A_1045 = arith.constant 3 : i32
    %shift_left3A_1046 = vector.broadcast %shift_left3A_1045 : i32 to vector<16xi32>
    %shift_left3A_1047 = arith.shli %gather3A_1044, %shift_left3A_1046 : vector<16xi32>
    %add3A_1048 = arith.addi %shift_left3A_1047, %get3A_1040 : vector<16xi32>
    %swap3A_1049 = arith.constant 464 : index
    %swap3A_1050 = tpu.vector_load %arg15[%swap3A_1049] {strides = array<i32>} : memref<656xi32, #tpu.memory_space<vmem>>, vector<16xi32>,
    tpu.vector_store %arg15[%swap3A_1049], %add3A_1048 {strides = array<i32>} : memref<656xi32, #tpu.memory_space<vmem>>, vector<16xi32>,
    %get3A_1051 = arith.constant 480 : index
    %get3A_1052 = tpu.vector_load %arg13[%get3A_1051] {strides = array<i32>} : memref<656xi32, #tpu.memory_space<vmem>>, vector<16xi32>,
    %get3A_1053 = arith.constant 480 : index
    %get3A_1054 = tpu.vector_load %arg14[%get3A_1053] {strides = array<i32>} : memref<656xi32, #tpu.memory_space<vmem>>, vector<16xi32>,
    %add3A_1055 = arith.constant 0 : i32
    %add3A_1056 = vector.broadcast %add3A_1055 : i32 to vector<16xi32>
    %add3A_1057 = arith.addi %add3A_1056, %get3A_1052 : vector<16xi32>
    %gather3A_1058 = tpu.vector_load_idx %arg11[%add3A_1057] : memref<3328xi32, #tpu.memory_space<vmem>>[vector<16xi32>], vector<16xi32>,
    %shift_left3A_1059 = arith.constant 3 : i32
    %shift_left3A_1060 = vector.broadcast %shift_left3A_1059 : i32 to vector<16xi32>
    %shift_left3A_1061 = arith.shli %gather3A_1058, %shift_left3A_1060 : vector<16xi32>
    %add3A_1062 = arith.addi %shift_left3A_1061, %get3A_1054 : vector<16xi32>
    %swap3A_1063 = arith.constant 480 : index
    %swap3A_1064 = tpu.vector_load %arg15[%swap3A_1063] {strides = array<i32>} : memref<656xi32, #tpu.memory_space<vmem>>, vector<16xi32>,
    tpu.vector_store %arg15[%swap3A_1063], %add3A_1062 {strides = array<i32>} : memref<656xi32, #tpu.memory_space<vmem>>, vector<16xi32>,
    %get3A_1065 = arith.constant 496 : index
    %get3A_1066 = tpu.vector_load %arg13[%get3A_1065] {strides = array<i32>} : memref<656xi32, #tpu.memory_space<vmem>>, vector<16xi32>,
    %get3A_1067 = arith.constant 496 : index
    %get3A_1068 = tpu.vector_load %arg14[%get3A_1067] {strides = array<i32>} : memref<656xi32, #tpu.memory_space<vmem>>, vector<16xi32>,
    %add3A_1069 = arith.constant 0 : i32
    %add3A_1070 = vector.broadcast %add3A_1069 : i32 to vector<16xi32>
    %add3A_1071 = arith.addi %add3A_1070, %get3A_1066 : vector<16xi32>
    %gather3A_1072 = tpu.vector_load_idx %arg11[%add3A_1071] : memref<3328xi32, #tpu.memory_space<vmem>>[vector<16xi32>], vector<16xi32>,
    %shift_left3A_1073 = arith.constant 3 : i32
    %shift_left3A_1074 = vector.broadcast %shift_left3A_1073 : i32 to vector<16xi32>
    %shift_left3A_1075 = arith.shli %gather3A_1072, %shift_left3A_1074 : vector<16xi32>
    %add3A_1076 = arith.addi %shift_left3A_1075, %get3A_1068 : vector<16xi32>
    %swap3A_1077 = arith.constant 496 : index
    %swap3A_1078 = tpu.vector_load %arg15[%swap3A_1077] {strides = array<i32>} : memref<656xi32, #tpu.memory_space<vmem>>, vector<16xi32>,
    tpu.vector_store %arg15[%swap3A_1077], %add3A_1076 {strides = array<i32>} : memref<656xi32, #tpu.memory_space<vmem>>, vector<16xi32>,
    %get3A_1079 = arith.constant 512 : index
    %get3A_1080 = tpu.vector_load %arg13[%get3A_1079] {strides = array<i32>} : memref<656xi32, #tpu.memory_space<vmem>>, vector<16xi32>,
    %get3A_1081 = arith.constant 512 : index
    %get3A_1082 = tpu.vector_load %arg14[%get3A_1081] {strides = array<i32>} : memref<656xi32, #tpu.memory_space<vmem>>, vector<16xi32>,
    %add3A_1083 = arith.constant 0 : i32
    %add3A_1084 = vector.broadcast %add3A_1083 : i32 to vector<16xi32>
    %add3A_1085 = arith.addi %add3A_1084, %get3A_1080 : vector<16xi32>
    %gather3A_1086 = tpu.vector_load_idx %arg11[%add3A_1085] : memref<3328xi32, #tpu.memory_space<vmem>>[vector<16xi32>], vector<16xi32>,
    %shift_left3A_1087 = arith.constant 3 : i32
    %shift_left3A_1088 = vector.broadcast %shift_left3A_1087 : i32 to vector<16xi32>
    %shift_left3A_1089 = arith.shli %gather3A_1086, %shift_left3A_1088 : vector<16xi32>
    %add3A_1090 = arith.addi %shift_left3A_1089, %get3A_1082 : vector<16xi32>
    %swap3A_1091 = arith.constant 512 : index
    %swap3A_1092 = tpu.vector_load %arg15[%swap3A_1091] {strides = array<i32>} : memref<656xi32, #tpu.memory_space<vmem>>, vector<16xi32>,
    tpu.vector_store %arg15[%swap3A_1091], %add3A_1090 {strides = array<i32>} : memref<656xi32, #tpu.memory_space<vmem>>, vector<16xi32>,
    %get3A_1093 = arith.constant 528 : index
    %get3A_1094 = tpu.vector_load %arg13[%get3A_1093] {strides = array<i32>} : memref<656xi32, #tpu.memory_space<vmem>>, vector<16xi32>,
    %get3A_1095 = arith.constant 528 : index
    %get3A_1096 = tpu.vector_load %arg14[%get3A_1095] {strides = array<i32>} : memref<656xi32, #tpu.memory_space<vmem>>, vector<16xi32>,
    %add3A_1097 = arith.constant 0 : i32
    %add3A_1098 = vector.broadcast %add3A_1097 : i32 to vector<16xi32>
    %add3A_1099 = arith.addi %add3A_1098, %get3A_1094 : vector<16xi32>
    %gather3A_1100 = tpu.vector_load_idx %arg11[%add3A_1099] : memref<3328xi32, #tpu.memory_space<vmem>>[vector<16xi32>], vector<16xi32>,
    %shift_left3A_1101 = arith.constant 3 : i32
    %shift_left3A_1102 = vector.broadcast %shift_left3A_1101 : i32 to vector<16xi32>
    %shift_left3A_1103 = arith.shli %gather3A_1100, %shift_left3A_1102 : vector<16xi32>
    %add3A_1104 = arith.addi %shift_left3A_1103, %get3A_1096 : vector<16xi32>
    %swap3A_1105 = arith.constant 528 : index
    %swap3A_1106 = tpu.vector_load %arg15[%swap3A_1105] {strides = array<i32>} : memref<656xi32, #tpu.memory_space<vmem>>, vector<16xi32>,
    tpu.vector_store %arg15[%swap3A_1105], %add3A_1104 {strides = array<i32>} : memref<656xi32, #tpu.memory_space<vmem>>, vector<16xi32>,
    %get3A_1107 = arith.constant 544 : index
    %get3A_1108 = tpu.vector_load %arg13[%get3A_1107] {strides = array<i32>} : memref<656xi32, #tpu.memory_space<vmem>>, vector<16xi32>,
    %get3A_1109 = arith.constant 544 : index
    %get3A_1110 = tpu.vector_load %arg14[%get3A_1109] {strides = array<i32>} : memref<656xi32, #tpu.memory_space<vmem>>, vector<16xi32>,
    %add3A_1111 = arith.constant 0 : i32
    %add3A_1112 = vector.broadcast %add3A_1111 : i32 to vector<16xi32>
    %add3A_1113 = arith.addi %add3A_1112, %get3A_1108 : vector<16xi32>
    %gather3A_1114 = tpu.vector_load_idx %arg11[%add3A_1113] : memref<3328xi32, #tpu.memory_space<vmem>>[vector<16xi32>], vector<16xi32>,
    %shift_left3A_1115 = arith.constant 3 : i32
    %shift_left3A_1116 = vector.broadcast %shift_left3A_1115 : i32 to vector<16xi32>
    %shift_left3A_1117 = arith.shli %gather3A_1114, %shift_left3A_1116 : vector<16xi32>
    %add3A_1118 = arith.addi %shift_left3A_1117, %get3A_1110 : vector<16xi32>
    %swap3A_1119 = arith.constant 544 : index
    %swap3A_1120 = tpu.vector_load %arg15[%swap3A_1119] {strides = array<i32>} : memref<656xi32, #tpu.memory_space<vmem>>, vector<16xi32>,
    tpu.vector_store %arg15[%swap3A_1119], %add3A_1118 {strides = array<i32>} : memref<656xi32, #tpu.memory_space<vmem>>, vector<16xi32>,
    %get3A_1121 = arith.constant 560 : index
    %get3A_1122 = tpu.vector_load %arg13[%get3A_1121] {strides = array<i32>} : memref<656xi32, #tpu.memory_space<vmem>>, vector<16xi32>,
    %get3A_1123 = arith.constant 560 : index
    %get3A_1124 = tpu.vector_load %arg14[%get3A_1123] {strides = array<i32>} : memref<656xi32, #tpu.memory_space<vmem>>, vector<16xi32>,
    %add3A_1125 = arith.constant 0 : i32
    %add3A_1126 = vector.broadcast %add3A_1125 : i32 to vector<16xi32>
    %add3A_1127 = arith.addi %add3A_1126, %get3A_1122 : vector<16xi32>
    %gather3A_1128 = tpu.vector_load_idx %arg11[%add3A_1127] : memref<3328xi32, #tpu.memory_space<vmem>>[vector<16xi32>], vector<16xi32>,
    %shift_left3A_1129 = arith.constant 3 : i32
    %shift_left3A_1130 = vector.broadcast %shift_left3A_1129 : i32 to vector<16xi32>
    %shift_left3A_1131 = arith.shli %gather3A_1128, %shift_left3A_1130 : vector<16xi32>
    %add3A_1132 = arith.addi %shift_left3A_1131, %get3A_1124 : vector<16xi32>
    %swap3A_1133 = arith.constant 560 : index
    %swap3A_1134 = tpu.vector_load %arg15[%swap3A_1133] {strides = array<i32>} : memref<656xi32, #tpu.memory_space<vmem>>, vector<16xi32>,
    tpu.vector_store %arg15[%swap3A_1133], %add3A_1132 {strides = array<i32>} : memref<656xi32, #tpu.memory_space<vmem>>, vector<16xi32>,
    %get3A_1135 = arith.constant 576 : index
    %get3A_1136 = tpu.vector_load %arg13[%get3A_1135] {strides = array<i32>} : memref<656xi32, #tpu.memory_space<vmem>>, vector<16xi32>,
    %get3A_1137 = arith.constant 576 : index
    %get3A_1138 = tpu.vector_load %arg14[%get3A_1137] {strides = array<i32>} : memref<656xi32, #tpu.memory_space<vmem>>, vector<16xi32>,
    %add3A_1139 = arith.constant 0 : i32
    %add3A_1140 = vector.broadcast %add3A_1139 : i32 to vector<16xi32>
    %add3A_1141 = arith.addi %add3A_1140, %get3A_1136 : vector<16xi32>
    %gather3A_1142 = tpu.vector_load_idx %arg11[%add3A_1141] : memref<3328xi32, #tpu.memory_space<vmem>>[vector<16xi32>], vector<16xi32>,
    %shift_left3A_1143 = arith.constant 3 : i32
    %shift_left3A_1144 = vector.broadcast %shift_left3A_1143 : i32 to vector<16xi32>
    %shift_left3A_1145 = arith.shli %gather3A_1142, %shift_left3A_1144 : vector<16xi32>
    %add3A_1146 = arith.addi %shift_left3A_1145, %get3A_1138 : vector<16xi32>
    %swap3A_1147 = arith.constant 576 : index
    %swap3A_1148 = tpu.vector_load %arg15[%swap3A_1147] {strides = array<i32>} : memref<656xi32, #tpu.memory_space<vmem>>, vector<16xi32>,
    tpu.vector_store %arg15[%swap3A_1147], %add3A_1146 {strides = array<i32>} : memref<656xi32, #tpu.memory_space<vmem>>, vector<16xi32>,
    %get3A_1149 = arith.constant 592 : index
    %get3A_1150 = tpu.vector_load %arg13[%get3A_1149] {strides = array<i32>} : memref<656xi32, #tpu.memory_space<vmem>>, vector<16xi32>,
    %get3A_1151 = arith.constant 592 : index
    %get3A_1152 = tpu.vector_load %arg14[%get3A_1151] {strides = array<i32>} : memref<656xi32, #tpu.memory_space<vmem>>, vector<16xi32>,
    %add3A_1153 = arith.constant 0 : i32
    %add3A_1154 = vector.broadcast %add3A_1153 : i32 to vector<16xi32>
    %add3A_1155 = arith.addi %add3A_1154, %get3A_1150 : vector<16xi32>
    %gather3A_1156 = tpu.vector_load_idx %arg11[%add3A_1155] : memref<3328xi32, #tpu.memory_space<vmem>>[vector<16xi32>], vector<16xi32>,
    %shift_left3A_1157 = arith.constant 3 : i32
    %shift_left3A_1158 = vector.broadcast %shift_left3A_1157 : i32 to vector<16xi32>
    %shift_left3A_1159 = arith.shli %gather3A_1156, %shift_left3A_1158 : vector<16xi32>
    %add3A_1160 = arith.addi %shift_left3A_1159, %get3A_1152 : vector<16xi32>
    %swap3A_1161 = arith.constant 592 : index
    %swap3A_1162 = tpu.vector_load %arg15[%swap3A_1161] {strides = array<i32>} : memref<656xi32, #tpu.memory_space<vmem>>, vector<16xi32>,
    tpu.vector_store %arg15[%swap3A_1161], %add3A_1160 {strides = array<i32>} : memref<656xi32, #tpu.memory_space<vmem>>, vector<16xi32>,
    %get3A_1163 = arith.constant 608 : index
    %get3A_1164 = tpu.vector_load %arg13[%get3A_1163] {strides = array<i32>} : memref<656xi32, #tpu.memory_space<vmem>>, vector<16xi32>,
    %get3A_1165 = arith.constant 608 : index
    %get3A_1166 = tpu.vector_load %arg14[%get3A_1165] {strides = array<i32>} : memref<656xi32, #tpu.memory_space<vmem>>, vector<16xi32>,
    %add3A_1167 = arith.constant 0 : i32
    %add3A_1168 = vector.broadcast %add3A_1167 : i32 to vector<16xi32>
    %add3A_1169 = arith.addi %add3A_1168, %get3A_1164 : vector<16xi32>
    %gather3A_1170 = tpu.vector_load_idx %arg11[%add3A_1169] : memref<3328xi32, #tpu.memory_space<vmem>>[vector<16xi32>], vector<16xi32>,
    %shift_left3A_1171 = arith.constant 3 : i32
    %shift_left3A_1172 = vector.broadcast %shift_left3A_1171 : i32 to vector<16xi32>
    %shift_left3A_1173 = arith.shli %gather3A_1170, %shift_left3A_1172 : vector<16xi32>
    %add3A_1174 = arith.addi %shift_left3A_1173, %get3A_1166 : vector<16xi32>
    %swap3A_1175 = arith.constant 608 : index
    %swap3A_1176 = tpu.vector_load %arg15[%swap3A_1175] {strides = array<i32>} : memref<656xi32, #tpu.memory_space<vmem>>, vector<16xi32>,
    tpu.vector_store %arg15[%swap3A_1175], %add3A_1174 {strides = array<i32>} : memref<656xi32, #tpu.memory_space<vmem>>, vector<16xi32>,
    %get3A_1177 = arith.constant 624 : index
    %get3A_1178 = tpu.vector_load %arg13[%get3A_1177] {strides = array<i32>} : memref<656xi32, #tpu.memory_space<vmem>>, vector<16xi32>,
    %get3A_1179 = arith.constant 624 : index
    %get3A_1180 = tpu.vector_load %arg14[%get3A_1179] {strides = array<i32>} : memref<656xi32, #tpu.memory_space<vmem>>, vector<16xi32>,
    %add3A_1181 = arith.constant 0 : i32
    %add3A_1182 = vector.broadcast %add3A_1181 : i32 to vector<16xi32>
    %add3A_1183 = arith.addi %add3A_1182, %get3A_1178 : vector<16xi32>
    %gather3A_1184 = tpu.vector_load_idx %arg11[%add3A_1183] : memref<3328xi32, #tpu.memory_space<vmem>>[vector<16xi32>], vector<16xi32>,
    %shift_left3A_1185 = arith.constant 3 : i32
    %shift_left3A_1186 = vector.broadcast %shift_left3A_1185 : i32 to vector<16xi32>
    %shift_left3A_1187 = arith.shli %gather3A_1184, %shift_left3A_1186 : vector<16xi32>
    %add3A_1188 = arith.addi %shift_left3A_1187, %get3A_1180 : vector<16xi32>
    %swap3A_1189 = arith.constant 624 : index
    %swap3A_1190 = tpu.vector_load %arg15[%swap3A_1189] {strides = array<i32>} : memref<656xi32, #tpu.memory_space<vmem>>, vector<16xi32>,
    tpu.vector_store %arg15[%swap3A_1189], %add3A_1188 {strides = array<i32>} : memref<656xi32, #tpu.memory_space<vmem>>, vector<16xi32>,
    %get3A_1191 = arith.constant 640 : index
    %get3A_1192 = tpu.vector_load %arg13[%get3A_1191] {strides = array<i32>} : memref<656xi32, #tpu.memory_space<vmem>>, vector<16xi32>,
    %get3A_1193 = arith.constant 640 : index
    %get3A_1194 = tpu.vector_load %arg14[%get3A_1193] {strides = array<i32>} : memref<656xi32, #tpu.memory_space<vmem>>, vector<16xi32>,
    %add3A_1195 = arith.constant 0 : i32
    %add3A_1196 = vector.broadcast %add3A_1195 : i32 to vector<16xi32>
    %add3A_1197 = arith.addi %add3A_1196, %get3A_1192 : vector<16xi32>
    %gather3A_1198 = tpu.vector_load_idx %arg11[%add3A_1197] : memref<3328xi32, #tpu.memory_space<vmem>>[vector<16xi32>], vector<16xi32>,
    %shift_left3A_1199 = arith.constant 3 : i32
    %shift_left3A_1200 = vector.broadcast %shift_left3A_1199 : i32 to vector<16xi32>
    %shift_left3A_1201 = arith.shli %gather3A_1198, %shift_left3A_1200 : vector<16xi32>
    %add3A_1202 = arith.addi %shift_left3A_1201, %get3A_1194 : vector<16xi32>
    %swap3A_1203 = arith.constant 640 : index
    %swap3A_1204 = tpu.vector_load %arg15[%swap3A_1203] {strides = array<i32>} : memref<656xi32, #tpu.memory_space<vmem>>, vector<16xi32>,
    tpu.vector_store %arg15[%swap3A_1203], %add3A_1202 {strides = array<i32>} : memref<656xi32, #tpu.memory_space<vmem>>, vector<16xi32>,
    %dma_start3A_1205 = arith.constant 0 : i32
    %dma_start3A_1206 = arith.constant 0 : i32
    %dma_start3A_1207 = tpu.memref_slice %arg16[%dma_start3A_1205, %dma_start3A_1206] : memref<656x16xf32, #tpu.memory_space<vmem>> -> memref<656x16xf32, #tpu.memory_space<vmem>>
    %dma_start3A_1208 = arith.constant 0 : i32
    %dma_start3A_1209 = tpu.memref_slice %arg15[%dma_start3A_1208] : memref<656xi32, #tpu.memory_space<vmem>> -> memref<656xi32, #tpu.memory_space<vmem>>
    %dma_start3A_1210 = arith.constant 0 : i32
    %dma_start3A_1211 = arith.constant 0 : i32
    %dma_start3A_1212 = tpu.memref_slice %arg4[%dma_start3A_1210, %dma_start3A_1211] : memref<3276800x16xf32, #tpu.memory_space<hbm>> -> memref<3276800x16xf32, #tpu.memory_space<hbm>>
    tpu.enqueue_indirect_dma source(%dma_start3A_1212 : memref<3276800x16xf32, #tpu.memory_space<hbm>>) target(%dma_start3A_1207 : memref<656x16xf32, #tpu.memory_space<vmem>>) offsets(%dma_start3A_1209 : memref<656xi32, #tpu.memory_space<vmem>>) semaphore(%arg22 : memref<!tpu.dma_semaphore, #tpu.memory_space<semaphore_mem>>)
    %broadcast_in_dim3A = arith.constant 0.000000e+00 : f32
    %broadcast_in_dim3A_1213 = vector.broadcast %broadcast_in_dim3A : f32 to vector<16xf32>
    %scan3A = arith.constant 0 : i32
    %scan3A_1214 = arith.constant 64 : i32
    %scan3A_1215 = arith.addi %scan3A, %scan3A_1214 : i32
    %scan3A_1216 = arith.constant 1 : i32
    %scan3A_1217 = scf.for %scan3A_1549 = %scan3A to %scan3A_1215 step %scan3A_1216 iter_args(%scan3A_1550 = %broadcast_in_dim3A_1213) -> (vector<16xf32>)  : i32 {
      %mul3A_1551 = arith.constant 2 : i32
      %mul3A_1552 = arith.muli %mul3A_1551, %scan3A_1549 : i32
      %add3A_1553 = arith.constant 1 : i32
      %add3A_1554 = arith.addi %mul3A_1552, %add3A_1553 : i32
      %get3A_1555 = arith.constant 0 : index
      %get3A_1556 = tpu.vector_load %arg13[%get3A_1555] {strides = array<i32>} : memref<656xi32, #tpu.memory_space<vmem>>, vector<16xi32>,
      %get3A_1557 = arith.constant 0 : index
      %get3A_1558 = tpu.vector_load %arg14[%get3A_1557] {strides = array<i32>} : memref<656xi32, #tpu.memory_space<vmem>>, vector<16xi32>,
      %mul3A_1559 = arith.constant 26 : i32
      %mul3A_1560 = arith.muli %add3A_1554, %mul3A_1559 : i32
      %add3A_1561 = vector.broadcast %mul3A_1560 : i32 to vector<16xi32>
      %add3A_1562 = arith.addi %add3A_1561, %get3A_1556 : vector<16xi32>
      %gather3A_1563 = tpu.vector_load_idx %arg11[%add3A_1562] : memref<3328xi32, #tpu.memory_space<vmem>>[vector<16xi32>], vector<16xi32>,
      %shift_left3A_1564 = arith.constant 3 : i32
      %shift_left3A_1565 = vector.broadcast %shift_left3A_1564 : i32 to vector<16xi32>
      %shift_left3A_1566 = arith.shli %gather3A_1563, %shift_left3A_1565 : vector<16xi32>
      %add3A_1567 = arith.addi %shift_left3A_1566, %get3A_1558 : vector<16xi32>
      %swap3A_1568 = arith.constant 0 : index
      %swap3A_1569 = tpu.vector_load %arg17[%swap3A_1568] {strides = array<i32>} : memref<656xi32, #tpu.memory_space<vmem>>, vector<16xi32>,
      tpu.vector_store %arg17[%swap3A_1568], %add3A_1567 {strides = array<i32>} : memref<656xi32, #tpu.memory_space<vmem>>, vector<16xi32>,
      %get3A_1570 = arith.constant 16 : index
      %get3A_1571 = tpu.vector_load %arg13[%get3A_1570] {strides = array<i32>} : memref<656xi32, #tpu.memory_space<vmem>>, vector<16xi32>,
      %get3A_1572 = arith.constant 16 : index
      %get3A_1573 = tpu.vector_load %arg14[%get3A_1572] {strides = array<i32>} : memref<656xi32, #tpu.memory_space<vmem>>, vector<16xi32>,
      %mul3A_1574 = arith.constant 26 : i32
      %mul3A_1575 = arith.muli %add3A_1554, %mul3A_1574 : i32
      %add3A_1576 = vector.broadcast %mul3A_1575 : i32 to vector<16xi32>
      %add3A_1577 = arith.addi %add3A_1576, %get3A_1571 : vector<16xi32>
      %gather3A_1578 = tpu.vector_load_idx %arg11[%add3A_1577] : memref<3328xi32, #tpu.memory_space<vmem>>[vector<16xi32>], vector<16xi32>,
      %shift_left3A_1579 = arith.constant 3 : i32
      %shift_left3A_1580 = vector.broadcast %shift_left3A_1579 : i32 to vector<16xi32>
      %shift_left3A_1581 = arith.shli %gather3A_1578, %shift_left3A_1580 : vector<16xi32>
      %add3A_1582 = arith.addi %shift_left3A_1581, %get3A_1573 : vector<16xi32>
      %swap3A_1583 = arith.constant 16 : index
      %swap3A_1584 = tpu.vector_load %arg17[%swap3A_1583] {strides = array<i32>} : memref<656xi32, #tpu.memory_space<vmem>>, vector<16xi32>,
      tpu.vector_store %arg17[%swap3A_1583], %add3A_1582 {strides = array<i32>} : memref<656xi32, #tpu.memory_space<vmem>>, vector<16xi32>,
      %get3A_1585 = arith.constant 32 : index
      %get3A_1586 = tpu.vector_load %arg13[%get3A_1585] {strides = array<i32>} : memref<656xi32, #tpu.memory_space<vmem>>, vector<16xi32>,
      %get3A_1587 = arith.constant 32 : index
      %get3A_1588 = tpu.vector_load %arg14[%get3A_1587] {strides = array<i32>} : memref<656xi32, #tpu.memory_space<vmem>>, vector<16xi32>,
      %mul3A_1589 = arith.constant 26 : i32
      %mul3A_1590 = arith.muli %add3A_1554, %mul3A_1589 : i32
      %add3A_1591 = vector.broadcast %mul3A_1590 : i32 to vector<16xi32>
      %add3A_1592 = arith.addi %add3A_1591, %get3A_1586 : vector<16xi32>
      %gather3A_1593 = tpu.vector_load_idx %arg11[%add3A_1592] : memref<3328xi32, #tpu.memory_space<vmem>>[vector<16xi32>], vector<16xi32>,
      %shift_left3A_1594 = arith.constant 3 : i32
      %shift_left3A_1595 = vector.broadcast %shift_left3A_1594 : i32 to vector<16xi32>
      %shift_left3A_1596 = arith.shli %gather3A_1593, %shift_left3A_1595 : vector<16xi32>
      %add3A_1597 = arith.addi %shift_left3A_1596, %get3A_1588 : vector<16xi32>
      %swap3A_1598 = arith.constant 32 : index
      %swap3A_1599 = tpu.vector_load %arg17[%swap3A_1598] {strides = array<i32>} : memref<656xi32, #tpu.memory_space<vmem>>, vector<16xi32>,
      tpu.vector_store %arg17[%swap3A_1598], %add3A_1597 {strides = array<i32>} : memref<656xi32, #tpu.memory_space<vmem>>, vector<16xi32>,
      %get3A_1600 = arith.constant 48 : index
      %get3A_1601 = tpu.vector_load %arg13[%get3A_1600] {strides = array<i32>} : memref<656xi32, #tpu.memory_space<vmem>>, vector<16xi32>,
      %get3A_1602 = arith.constant 48 : index
      %get3A_1603 = tpu.vector_load %arg14[%get3A_1602] {strides = array<i32>} : memref<656xi32, #tpu.memory_space<vmem>>, vector<16xi32>,
      %mul3A_1604 = arith.constant 26 : i32
      %mul3A_1605 = arith.muli %add3A_1554, %mul3A_1604 : i32
      %add3A_1606 = vector.broadcast %mul3A_1605 : i32 to vector<16xi32>
      %add3A_1607 = arith.addi %add3A_1606, %get3A_1601 : vector<16xi32>
      %gather3A_1608 = tpu.vector_load_idx %arg11[%add3A_1607] : memref<3328xi32, #tpu.memory_space<vmem>>[vector<16xi32>], vector<16xi32>,
      %shift_left3A_1609 = arith.constant 3 : i32
      %shift_left3A_1610 = vector.broadcast %shift_left3A_1609 : i32 to vector<16xi32>
      %shift_left3A_1611 = arith.shli %gather3A_1608, %shift_left3A_1610 : vector<16xi32>
      %add3A_1612 = arith.addi %shift_left3A_1611, %get3A_1603 : vector<16xi32>
      %swap3A_1613 = arith.constant 48 : index
      %swap3A_1614 = tpu.vector_load %arg17[%swap3A_1613] {strides = array<i32>} : memref<656xi32, #tpu.memory_space<vmem>>, vector<16xi32>,
      tpu.vector_store %arg17[%swap3A_1613], %add3A_1612 {strides = array<i32>} : memref<656xi32, #tpu.memory_space<vmem>>, vector<16xi32>,
      %get3A_1615 = arith.constant 64 : index
      %get3A_1616 = tpu.vector_load %arg13[%get3A_1615] {strides = array<i32>} : memref<656xi32, #tpu.memory_space<vmem>>, vector<16xi32>,
      %get3A_1617 = arith.constant 64 : index
      %get3A_1618 = tpu.vector_load %arg14[%get3A_1617] {strides = array<i32>} : memref<656xi32, #tpu.memory_space<vmem>>, vector<16xi32>,
      %mul3A_1619 = arith.constant 26 : i32
      %mul3A_1620 = arith.muli %add3A_1554, %mul3A_1619 : i32
      %add3A_1621 = vector.broadcast %mul3A_1620 : i32 to vector<16xi32>
      %add3A_1622 = arith.addi %add3A_1621, %get3A_1616 : vector<16xi32>
      %gather3A_1623 = tpu.vector_load_idx %arg11[%add3A_1622] : memref<3328xi32, #tpu.memory_space<vmem>>[vector<16xi32>], vector<16xi32>,
      %shift_left3A_1624 = arith.constant 3 : i32
      %shift_left3A_1625 = vector.broadcast %shift_left3A_1624 : i32 to vector<16xi32>
      %shift_left3A_1626 = arith.shli %gather3A_1623, %shift_left3A_1625 : vector<16xi32>
      %add3A_1627 = arith.addi %shift_left3A_1626, %get3A_1618 : vector<16xi32>
      %swap3A_1628 = arith.constant 64 : index
      %swap3A_1629 = tpu.vector_load %arg17[%swap3A_1628] {strides = array<i32>} : memref<656xi32, #tpu.memory_space<vmem>>, vector<16xi32>,
      tpu.vector_store %arg17[%swap3A_1628], %add3A_1627 {strides = array<i32>} : memref<656xi32, #tpu.memory_space<vmem>>, vector<16xi32>,
      %get3A_1630 = arith.constant 80 : index
      %get3A_1631 = tpu.vector_load %arg13[%get3A_1630] {strides = array<i32>} : memref<656xi32, #tpu.memory_space<vmem>>, vector<16xi32>,
      %get3A_1632 = arith.constant 80 : index
      %get3A_1633 = tpu.vector_load %arg14[%get3A_1632] {strides = array<i32>} : memref<656xi32, #tpu.memory_space<vmem>>, vector<16xi32>,
      %mul3A_1634 = arith.constant 26 : i32
      %mul3A_1635 = arith.muli %add3A_1554, %mul3A_1634 : i32
      %add3A_1636 = vector.broadcast %mul3A_1635 : i32 to vector<16xi32>
      %add3A_1637 = arith.addi %add3A_1636, %get3A_1631 : vector<16xi32>
      %gather3A_1638 = tpu.vector_load_idx %arg11[%add3A_1637] : memref<3328xi32, #tpu.memory_space<vmem>>[vector<16xi32>], vector<16xi32>,
      %shift_left3A_1639 = arith.constant 3 : i32
      %shift_left3A_1640 = vector.broadcast %shift_left3A_1639 : i32 to vector<16xi32>
      %shift_left3A_1641 = arith.shli %gather3A_1638, %shift_left3A_1640 : vector<16xi32>
      %add3A_1642 = arith.addi %shift_left3A_1641, %get3A_1633 : vector<16xi32>
      %swap3A_1643 = arith.constant 80 : index
      %swap3A_1644 = tpu.vector_load %arg17[%swap3A_1643] {strides = array<i32>} : memref<656xi32, #tpu.memory_space<vmem>>, vector<16xi32>,
      tpu.vector_store %arg17[%swap3A_1643], %add3A_1642 {strides = array<i32>} : memref<656xi32, #tpu.memory_space<vmem>>, vector<16xi32>,
      %get3A_1645 = arith.constant 96 : index
      %get3A_1646 = tpu.vector_load %arg13[%get3A_1645] {strides = array<i32>} : memref<656xi32, #tpu.memory_space<vmem>>, vector<16xi32>,
      %get3A_1647 = arith.constant 96 : index
      %get3A_1648 = tpu.vector_load %arg14[%get3A_1647] {strides = array<i32>} : memref<656xi32, #tpu.memory_space<vmem>>, vector<16xi32>,
      %mul3A_1649 = arith.constant 26 : i32
      %mul3A_1650 = arith.muli %add3A_1554, %mul3A_1649 : i32
      %add3A_1651 = vector.broadcast %mul3A_1650 : i32 to vector<16xi32>
      %add3A_1652 = arith.addi %add3A_1651, %get3A_1646 : vector<16xi32>
      %gather3A_1653 = tpu.vector_load_idx %arg11[%add3A_1652] : memref<3328xi32, #tpu.memory_space<vmem>>[vector<16xi32>], vector<16xi32>,
      %shift_left3A_1654 = arith.constant 3 : i32
      %shift_left3A_1655 = vector.broadcast %shift_left3A_1654 : i32 to vector<16xi32>
      %shift_left3A_1656 = arith.shli %gather3A_1653, %shift_left3A_1655 : vector<16xi32>
      %add3A_1657 = arith.addi %shift_left3A_1656, %get3A_1648 : vector<16xi32>
      %swap3A_1658 = arith.constant 96 : index
      %swap3A_1659 = tpu.vector_load %arg17[%swap3A_1658] {strides = array<i32>} : memref<656xi32, #tpu.memory_space<vmem>>, vector<16xi32>,
      tpu.vector_store %arg17[%swap3A_1658], %add3A_1657 {strides = array<i32>} : memref<656xi32, #tpu.memory_space<vmem>>, vector<16xi32>,
      %get3A_1660 = arith.constant 112 : index
      %get3A_1661 = tpu.vector_load %arg13[%get3A_1660] {strides = array<i32>} : memref<656xi32, #tpu.memory_space<vmem>>, vector<16xi32>,
      %get3A_1662 = arith.constant 112 : index
      %get3A_1663 = tpu.vector_load %arg14[%get3A_1662] {strides = array<i32>} : memref<656xi32, #tpu.memory_space<vmem>>, vector<16xi32>,
      %mul3A_1664 = arith.constant 26 : i32
      %mul3A_1665 = arith.muli %add3A_1554, %mul3A_1664 : i32
      %add3A_1666 = vector.broadcast %mul3A_1665 : i32 to vector<16xi32>
      %add3A_1667 = arith.addi %add3A_1666, %get3A_1661 : vector<16xi32>
      %gather3A_1668 = tpu.vector_load_idx %arg11[%add3A_1667] : memref<3328xi32, #tpu.memory_space<vmem>>[vector<16xi32>], vector<16xi32>,
      %shift_left3A_1669 = arith.constant 3 : i32
      %shift_left3A_1670 = vector.broadcast %shift_left3A_1669 : i32 to vector<16xi32>
      %shift_left3A_1671 = arith.shli %gather3A_1668, %shift_left3A_1670 : vector<16xi32>
      %add3A_1672 = arith.addi %shift_left3A_1671, %get3A_1663 : vector<16xi32>
      %swap3A_1673 = arith.constant 112 : index
      %swap3A_1674 = tpu.vector_load %arg17[%swap3A_1673] {strides = array<i32>} : memref<656xi32, #tpu.memory_space<vmem>>, vector<16xi32>,
      tpu.vector_store %arg17[%swap3A_1673], %add3A_1672 {strides = array<i32>} : memref<656xi32, #tpu.memory_space<vmem>>, vector<16xi32>,
      %get3A_1675 = arith.constant 128 : index
      %get3A_1676 = tpu.vector_load %arg13[%get3A_1675] {strides = array<i32>} : memref<656xi32, #tpu.memory_space<vmem>>, vector<16xi32>,
      %get3A_1677 = arith.constant 128 : index
      %get3A_1678 = tpu.vector_load %arg14[%get3A_1677] {strides = array<i32>} : memref<656xi32, #tpu.memory_space<vmem>>, vector<16xi32>,
      %mul3A_1679 = arith.constant 26 : i32
      %mul3A_1680 = arith.muli %add3A_1554, %mul3A_1679 : i32
      %add3A_1681 = vector.broadcast %mul3A_1680 : i32 to vector<16xi32>
      %add3A_1682 = arith.addi %add3A_1681, %get3A_1676 : vector<16xi32>
      %gather3A_1683 = tpu.vector_load_idx %arg11[%add3A_1682] : memref<3328xi32, #tpu.memory_space<vmem>>[vector<16xi32>], vector<16xi32>,
      %shift_left3A_1684 = arith.constant 3 : i32
      %shift_left3A_1685 = vector.broadcast %shift_left3A_1684 : i32 to vector<16xi32>
      %shift_left3A_1686 = arith.shli %gather3A_1683, %shift_left3A_1685 : vector<16xi32>
      %add3A_1687 = arith.addi %shift_left3A_1686, %get3A_1678 : vector<16xi32>
      %swap3A_1688 = arith.constant 128 : index
      %swap3A_1689 = tpu.vector_load %arg17[%swap3A_1688] {strides = array<i32>} : memref<656xi32, #tpu.memory_space<vmem>>, vector<16xi32>,
      tpu.vector_store %arg17[%swap3A_1688], %add3A_1687 {strides = array<i32>} : memref<656xi32, #tpu.memory_space<vmem>>, vector<16xi32>,
      %get3A_1690 = arith.constant 144 : index
      %get3A_1691 = tpu.vector_load %arg13[%get3A_1690] {strides = array<i32>} : memref<656xi32, #tpu.memory_space<vmem>>, vector<16xi32>,
      %get3A_1692 = arith.constant 144 : index
      %get3A_1693 = tpu.vector_load %arg14[%get3A_1692] {strides = array<i32>} : memref<656xi32, #tpu.memory_space<vmem>>, vector<16xi32>,
      %mul3A_1694 = arith.constant 26 : i32
      %mul3A_1695 = arith.muli %add3A_1554, %mul3A_1694 : i32
      %add3A_1696 = vector.broadcast %mul3A_1695 : i32 to vector<16xi32>
      %add3A_1697 = arith.addi %add3A_1696, %get3A_1691 : vector<16xi32>
      %gather3A_1698 = tpu.vector_load_idx %arg11[%add3A_1697] : memref<3328xi32, #tpu.memory_space<vmem>>[vector<16xi32>], vector<16xi32>,
      %shift_left3A_1699 = arith.constant 3 : i32
      %shift_left3A_1700 = vector.broadcast %shift_left3A_1699 : i32 to vector<16xi32>
      %shift_left3A_1701 = arith.shli %gather3A_1698, %shift_left3A_1700 : vector<16xi32>
      %add3A_1702 = arith.addi %shift_left3A_1701, %get3A_1693 : vector<16xi32>
      %swap3A_1703 = arith.constant 144 : index
      %swap3A_1704 = tpu.vector_load %arg17[%swap3A_1703] {strides = array<i32>} : memref<656xi32, #tpu.memory_space<vmem>>, vector<16xi32>,
      tpu.vector_store %arg17[%swap3A_1703], %add3A_1702 {strides = array<i32>} : memref<656xi32, #tpu.memory_space<vmem>>, vector<16xi32>,
      %get3A_1705 = arith.constant 160 : index
      %get3A_1706 = tpu.vector_load %arg13[%get3A_1705] {strides = array<i32>} : memref<656xi32, #tpu.memory_space<vmem>>, vector<16xi32>,
      %get3A_1707 = arith.constant 160 : index
      %get3A_1708 = tpu.vector_load %arg14[%get3A_1707] {strides = array<i32>} : memref<656xi32, #tpu.memory_space<vmem>>, vector<16xi32>,
      %mul3A_1709 = arith.constant 26 : i32
      %mul3A_1710 = arith.muli %add3A_1554, %mul3A_1709 : i32
      %add3A_1711 = vector.broadcast %mul3A_1710 : i32 to vector<16xi32>
      %add3A_1712 = arith.addi %add3A_1711, %get3A_1706 : vector<16xi32>
      %gather3A_1713 = tpu.vector_load_idx %arg11[%add3A_1712] : memref<3328xi32, #tpu.memory_space<vmem>>[vector<16xi32>], vector<16xi32>,
      %shift_left3A_1714 = arith.constant 3 : i32
      %shift_left3A_1715 = vector.broadcast %shift_left3A_1714 : i32 to vector<16xi32>
      %shift_left3A_1716 = arith.shli %gather3A_1713, %shift_left3A_1715 : vector<16xi32>
      %add3A_1717 = arith.addi %shift_left3A_1716, %get3A_1708 : vector<16xi32>
      %swap3A_1718 = arith.constant 160 : index
      %swap3A_1719 = tpu.vector_load %arg17[%swap3A_1718] {strides = array<i32>} : memref<656xi32, #tpu.memory_space<vmem>>, vector<16xi32>,
      tpu.vector_store %arg17[%swap3A_1718], %add3A_1717 {strides = array<i32>} : memref<656xi32, #tpu.memory_space<vmem>>, vector<16xi32>,
      %get3A_1720 = arith.constant 176 : index
      %get3A_1721 = tpu.vector_load %arg13[%get3A_1720] {strides = array<i32>} : memref<656xi32, #tpu.memory_space<vmem>>, vector<16xi32>,
      %get3A_1722 = arith.constant 176 : index
      %get3A_1723 = tpu.vector_load %arg14[%get3A_1722] {strides = array<i32>} : memref<656xi32, #tpu.memory_space<vmem>>, vector<16xi32>,
      %mul3A_1724 = arith.constant 26 : i32
      %mul3A_1725 = arith.muli %add3A_1554, %mul3A_1724 : i32
      %add3A_1726 = vector.broadcast %mul3A_1725 : i32 to vector<16xi32>
      %add3A_1727 = arith.addi %add3A_1726, %get3A_1721 : vector<16xi32>
      %gather3A_1728 = tpu.vector_load_idx %arg11[%add3A_1727] : memref<3328xi32, #tpu.memory_space<vmem>>[vector<16xi32>], vector<16xi32>,
      %shift_left3A_1729 = arith.constant 3 : i32
      %shift_left3A_1730 = vector.broadcast %shift_left3A_1729 : i32 to vector<16xi32>
      %shift_left3A_1731 = arith.shli %gather3A_1728, %shift_left3A_1730 : vector<16xi32>
      %add3A_1732 = arith.addi %shift_left3A_1731, %get3A_1723 : vector<16xi32>
      %swap3A_1733 = arith.constant 176 : index
      %swap3A_1734 = tpu.vector_load %arg17[%swap3A_1733] {strides = array<i32>} : memref<656xi32, #tpu.memory_space<vmem>>, vector<16xi32>,
      tpu.vector_store %arg17[%swap3A_1733], %add3A_1732 {strides = array<i32>} : memref<656xi32, #tpu.memory_space<vmem>>, vector<16xi32>,
      %get3A_1735 = arith.constant 192 : index
      %get3A_1736 = tpu.vector_load %arg13[%get3A_1735] {strides = array<i32>} : memref<656xi32, #tpu.memory_space<vmem>>, vector<16xi32>,
      %get3A_1737 = arith.constant 192 : index
      %get3A_1738 = tpu.vector_load %arg14[%get3A_1737] {strides = array<i32>} : memref<656xi32, #tpu.memory_space<vmem>>, vector<16xi32>,
      %mul3A_1739 = arith.constant 26 : i32
      %mul3A_1740 = arith.muli %add3A_1554, %mul3A_1739 : i32
      %add3A_1741 = vector.broadcast %mul3A_1740 : i32 to vector<16xi32>
      %add3A_1742 = arith.addi %add3A_1741, %get3A_1736 : vector<16xi32>
      %gather3A_1743 = tpu.vector_load_idx %arg11[%add3A_1742] : memref<3328xi32, #tpu.memory_space<vmem>>[vector<16xi32>], vector<16xi32>,
      %shift_left3A_1744 = arith.constant 3 : i32
      %shift_left3A_1745 = vector.broadcast %shift_left3A_1744 : i32 to vector<16xi32>
      %shift_left3A_1746 = arith.shli %gather3A_1743, %shift_left3A_1745 : vector<16xi32>
      %add3A_1747 = arith.addi %shift_left3A_1746, %get3A_1738 : vector<16xi32>
      %swap3A_1748 = arith.constant 192 : index
      %swap3A_1749 = tpu.vector_load %arg17[%swap3A_1748] {strides = array<i32>} : memref<656xi32, #tpu.memory_space<vmem>>, vector<16xi32>,
      tpu.vector_store %arg17[%swap3A_1748], %add3A_1747 {strides = array<i32>} : memref<656xi32, #tpu.memory_space<vmem>>, vector<16xi32>,
      %get3A_1750 = arith.constant 208 : index
      %get3A_1751 = tpu.vector_load %arg13[%get3A_1750] {strides = array<i32>} : memref<656xi32, #tpu.memory_space<vmem>>, vector<16xi32>,
      %get3A_1752 = arith.constant 208 : index
      %get3A_1753 = tpu.vector_load %arg14[%get3A_1752] {strides = array<i32>} : memref<656xi32, #tpu.memory_space<vmem>>, vector<16xi32>,
      %mul3A_1754 = arith.constant 26 : i32
      %mul3A_1755 = arith.muli %add3A_1554, %mul3A_1754 : i32
      %add3A_1756 = vector.broadcast %mul3A_1755 : i32 to vector<16xi32>
      %add3A_1757 = arith.addi %add3A_1756, %get3A_1751 : vector<16xi32>
      %gather3A_1758 = tpu.vector_load_idx %arg11[%add3A_1757] : memref<3328xi32, #tpu.memory_space<vmem>>[vector<16xi32>], vector<16xi32>,
      %shift_left3A_1759 = arith.constant 3 : i32
      %shift_left3A_1760 = vector.broadcast %shift_left3A_1759 : i32 to vector<16xi32>
      %shift_left3A_1761 = arith.shli %gather3A_1758, %shift_left3A_1760 : vector<16xi32>
      %add3A_1762 = arith.addi %shift_left3A_1761, %get3A_1753 : vector<16xi32>
      %swap3A_1763 = arith.constant 208 : index
      %swap3A_1764 = tpu.vector_load %arg17[%swap3A_1763] {strides = array<i32>} : memref<656xi32, #tpu.memory_space<vmem>>, vector<16xi32>,
      tpu.vector_store %arg17[%swap3A_1763], %add3A_1762 {strides = array<i32>} : memref<656xi32, #tpu.memory_space<vmem>>, vector<16xi32>,
      %get3A_1765 = arith.constant 224 : index
      %get3A_1766 = tpu.vector_load %arg13[%get3A_1765] {strides = array<i32>} : memref<656xi32, #tpu.memory_space<vmem>>, vector<16xi32>,
      %get3A_1767 = arith.constant 224 : index
      %get3A_1768 = tpu.vector_load %arg14[%get3A_1767] {strides = array<i32>} : memref<656xi32, #tpu.memory_space<vmem>>, vector<16xi32>,
      %mul3A_1769 = arith.constant 26 : i32
      %mul3A_1770 = arith.muli %add3A_1554, %mul3A_1769 : i32
      %add3A_1771 = vector.broadcast %mul3A_1770 : i32 to vector<16xi32>
      %add3A_1772 = arith.addi %add3A_1771, %get3A_1766 : vector<16xi32>
      %gather3A_1773 = tpu.vector_load_idx %arg11[%add3A_1772] : memref<3328xi32, #tpu.memory_space<vmem>>[vector<16xi32>], vector<16xi32>,
      %shift_left3A_1774 = arith.constant 3 : i32
      %shift_left3A_1775 = vector.broadcast %shift_left3A_1774 : i32 to vector<16xi32>
      %shift_left3A_1776 = arith.shli %gather3A_1773, %shift_left3A_1775 : vector<16xi32>
      %add3A_1777 = arith.addi %shift_left3A_1776, %get3A_1768 : vector<16xi32>
      %swap3A_1778 = arith.constant 224 : index
      %swap3A_1779 = tpu.vector_load %arg17[%swap3A_1778] {strides = array<i32>} : memref<656xi32, #tpu.memory_space<vmem>>, vector<16xi32>,
      tpu.vector_store %arg17[%swap3A_1778], %add3A_1777 {strides = array<i32>} : memref<656xi32, #tpu.memory_space<vmem>>, vector<16xi32>,
      %get3A_1780 = arith.constant 240 : index
      %get3A_1781 = tpu.vector_load %arg13[%get3A_1780] {strides = array<i32>} : memref<656xi32, #tpu.memory_space<vmem>>, vector<16xi32>,
      %get3A_1782 = arith.constant 240 : index
      %get3A_1783 = tpu.vector_load %arg14[%get3A_1782] {strides = array<i32>} : memref<656xi32, #tpu.memory_space<vmem>>, vector<16xi32>,
      %mul3A_1784 = arith.constant 26 : i32
      %mul3A_1785 = arith.muli %add3A_1554, %mul3A_1784 : i32
      %add3A_1786 = vector.broadcast %mul3A_1785 : i32 to vector<16xi32>
      %add3A_1787 = arith.addi %add3A_1786, %get3A_1781 : vector<16xi32>
      %gather3A_1788 = tpu.vector_load_idx %arg11[%add3A_1787] : memref<3328xi32, #tpu.memory_space<vmem>>[vector<16xi32>], vector<16xi32>,
      %shift_left3A_1789 = arith.constant 3 : i32
      %shift_left3A_1790 = vector.broadcast %shift_left3A_1789 : i32 to vector<16xi32>
      %shift_left3A_1791 = arith.shli %gather3A_1788, %shift_left3A_1790 : vector<16xi32>
      %add3A_1792 = arith.addi %shift_left3A_1791, %get3A_1783 : vector<16xi32>
      %swap3A_1793 = arith.constant 240 : index
      %swap3A_1794 = tpu.vector_load %arg17[%swap3A_1793] {strides = array<i32>} : memref<656xi32, #tpu.memory_space<vmem>>, vector<16xi32>,
      tpu.vector_store %arg17[%swap3A_1793], %add3A_1792 {strides = array<i32>} : memref<656xi32, #tpu.memory_space<vmem>>, vector<16xi32>,
      %get3A_1795 = arith.constant 256 : index
      %get3A_1796 = tpu.vector_load %arg13[%get3A_1795] {strides = array<i32>} : memref<656xi32, #tpu.memory_space<vmem>>, vector<16xi32>,
      %get3A_1797 = arith.constant 256 : index
      %get3A_1798 = tpu.vector_load %arg14[%get3A_1797] {strides = array<i32>} : memref<656xi32, #tpu.memory_space<vmem>>, vector<16xi32>,
      %mul3A_1799 = arith.constant 26 : i32
      %mul3A_1800 = arith.muli %add3A_1554, %mul3A_1799 : i32
      %add3A_1801 = vector.broadcast %mul3A_1800 : i32 to vector<16xi32>
      %add3A_1802 = arith.addi %add3A_1801, %get3A_1796 : vector<16xi32>
      %gather3A_1803 = tpu.vector_load_idx %arg11[%add3A_1802] : memref<3328xi32, #tpu.memory_space<vmem>>[vector<16xi32>], vector<16xi32>,
      %shift_left3A_1804 = arith.constant 3 : i32
      %shift_left3A_1805 = vector.broadcast %shift_left3A_1804 : i32 to vector<16xi32>
      %shift_left3A_1806 = arith.shli %gather3A_1803, %shift_left3A_1805 : vector<16xi32>
      %add3A_1807 = arith.addi %shift_left3A_1806, %get3A_1798 : vector<16xi32>
      %swap3A_1808 = arith.constant 256 : index
      %swap3A_1809 = tpu.vector_load %arg17[%swap3A_1808] {strides = array<i32>} : memref<656xi32, #tpu.memory_space<vmem>>, vector<16xi32>,
      tpu.vector_store %arg17[%swap3A_1808], %add3A_1807 {strides = array<i32>} : memref<656xi32, #tpu.memory_space<vmem>>, vector<16xi32>,
      %get3A_1810 = arith.constant 272 : index
      %get3A_1811 = tpu.vector_load %arg13[%get3A_1810] {strides = array<i32>} : memref<656xi32, #tpu.memory_space<vmem>>, vector<16xi32>,
      %get3A_1812 = arith.constant 272 : index
      %get3A_1813 = tpu.vector_load %arg14[%get3A_1812] {strides = array<i32>} : memref<656xi32, #tpu.memory_space<vmem>>, vector<16xi32>,
      %mul3A_1814 = arith.constant 26 : i32
      %mul3A_1815 = arith.muli %add3A_1554, %mul3A_1814 : i32
      %add3A_1816 = vector.broadcast %mul3A_1815 : i32 to vector<16xi32>
      %add3A_1817 = arith.addi %add3A_1816, %get3A_1811 : vector<16xi32>
      %gather3A_1818 = tpu.vector_load_idx %arg11[%add3A_1817] : memref<3328xi32, #tpu.memory_space<vmem>>[vector<16xi32>], vector<16xi32>,
      %shift_left3A_1819 = arith.constant 3 : i32
      %shift_left3A_1820 = vector.broadcast %shift_left3A_1819 : i32 to vector<16xi32>
      %shift_left3A_1821 = arith.shli %gather3A_1818, %shift_left3A_1820 : vector<16xi32>
      %add3A_1822 = arith.addi %shift_left3A_1821, %get3A_1813 : vector<16xi32>
      %swap3A_1823 = arith.constant 272 : index
      %swap3A_1824 = tpu.vector_load %arg17[%swap3A_1823] {strides = array<i32>} : memref<656xi32, #tpu.memory_space<vmem>>, vector<16xi32>,
      tpu.vector_store %arg17[%swap3A_1823], %add3A_1822 {strides = array<i32>} : memref<656xi32, #tpu.memory_space<vmem>>, vector<16xi32>,
      %get3A_1825 = arith.constant 288 : index
      %get3A_1826 = tpu.vector_load %arg13[%get3A_1825] {strides = array<i32>} : memref<656xi32, #tpu.memory_space<vmem>>, vector<16xi32>,
      %get3A_1827 = arith.constant 288 : index
      %get3A_1828 = tpu.vector_load %arg14[%get3A_1827] {strides = array<i32>} : memref<656xi32, #tpu.memory_space<vmem>>, vector<16xi32>,
      %mul3A_1829 = arith.constant 26 : i32
      %mul3A_1830 = arith.muli %add3A_1554, %mul3A_1829 : i32
      %add3A_1831 = vector.broadcast %mul3A_1830 : i32 to vector<16xi32>
      %add3A_1832 = arith.addi %add3A_1831, %get3A_1826 : vector<16xi32>
      %gather3A_1833 = tpu.vector_load_idx %arg11[%add3A_1832] : memref<3328xi32, #tpu.memory_space<vmem>>[vector<16xi32>], vector<16xi32>,
      %shift_left3A_1834 = arith.constant 3 : i32
      %shift_left3A_1835 = vector.broadcast %shift_left3A_1834 : i32 to vector<16xi32>
      %shift_left3A_1836 = arith.shli %gather3A_1833, %shift_left3A_1835 : vector<16xi32>
      %add3A_1837 = arith.addi %shift_left3A_1836, %get3A_1828 : vector<16xi32>
      %swap3A_1838 = arith.constant 288 : index
      %swap3A_1839 = tpu.vector_load %arg17[%swap3A_1838] {strides = array<i32>} : memref<656xi32, #tpu.memory_space<vmem>>, vector<16xi32>,
      tpu.vector_store %arg17[%swap3A_1838], %add3A_1837 {strides = array<i32>} : memref<656xi32, #tpu.memory_space<vmem>>, vector<16xi32>,
      %get3A_1840 = arith.constant 304 : index
      %get3A_1841 = tpu.vector_load %arg13[%get3A_1840] {strides = array<i32>} : memref<656xi32, #tpu.memory_space<vmem>>, vector<16xi32>,
      %get3A_1842 = arith.constant 304 : index
      %get3A_1843 = tpu.vector_load %arg14[%get3A_1842] {strides = array<i32>} : memref<656xi32, #tpu.memory_space<vmem>>, vector<16xi32>,
      %mul3A_1844 = arith.constant 26 : i32
      %mul3A_1845 = arith.muli %add3A_1554, %mul3A_1844 : i32
      %add3A_1846 = vector.broadcast %mul3A_1845 : i32 to vector<16xi32>
      %add3A_1847 = arith.addi %add3A_1846, %get3A_1841 : vector<16xi32>
      %gather3A_1848 = tpu.vector_load_idx %arg11[%add3A_1847] : memref<3328xi32, #tpu.memory_space<vmem>>[vector<16xi32>], vector<16xi32>,
      %shift_left3A_1849 = arith.constant 3 : i32
      %shift_left3A_1850 = vector.broadcast %shift_left3A_1849 : i32 to vector<16xi32>
      %shift_left3A_1851 = arith.shli %gather3A_1848, %shift_left3A_1850 : vector<16xi32>
      %add3A_1852 = arith.addi %shift_left3A_1851, %get3A_1843 : vector<16xi32>
      %swap3A_1853 = arith.constant 304 : index
      %swap3A_1854 = tpu.vector_load %arg17[%swap3A_1853] {strides = array<i32>} : memref<656xi32, #tpu.memory_space<vmem>>, vector<16xi32>,
      tpu.vector_store %arg17[%swap3A_1853], %add3A_1852 {strides = array<i32>} : memref<656xi32, #tpu.memory_space<vmem>>, vector<16xi32>,
      %get3A_1855 = arith.constant 320 : index
      %get3A_1856 = tpu.vector_load %arg13[%get3A_1855] {strides = array<i32>} : memref<656xi32, #tpu.memory_space<vmem>>, vector<16xi32>,
      %get3A_1857 = arith.constant 320 : index
      %get3A_1858 = tpu.vector_load %arg14[%get3A_1857] {strides = array<i32>} : memref<656xi32, #tpu.memory_space<vmem>>, vector<16xi32>,
      %mul3A_1859 = arith.constant 26 : i32
      %mul3A_1860 = arith.muli %add3A_1554, %mul3A_1859 : i32
      %add3A_1861 = vector.broadcast %mul3A_1860 : i32 to vector<16xi32>
      %add3A_1862 = arith.addi %add3A_1861, %get3A_1856 : vector<16xi32>
      %gather3A_1863 = tpu.vector_load_idx %arg11[%add3A_1862] : memref<3328xi32, #tpu.memory_space<vmem>>[vector<16xi32>], vector<16xi32>,
      %shift_left3A_1864 = arith.constant 3 : i32
      %shift_left3A_1865 = vector.broadcast %shift_left3A_1864 : i32 to vector<16xi32>
      %shift_left3A_1866 = arith.shli %gather3A_1863, %shift_left3A_1865 : vector<16xi32>
      %add3A_1867 = arith.addi %shift_left3A_1866, %get3A_1858 : vector<16xi32>
      %swap3A_1868 = arith.constant 320 : index
      %swap3A_1869 = tpu.vector_load %arg17[%swap3A_1868] {strides = array<i32>} : memref<656xi32, #tpu.memory_space<vmem>>, vector<16xi32>,
      tpu.vector_store %arg17[%swap3A_1868], %add3A_1867 {strides = array<i32>} : memref<656xi32, #tpu.memory_space<vmem>>, vector<16xi32>,
      %get3A_1870 = arith.constant 336 : index
      %get3A_1871 = tpu.vector_load %arg13[%get3A_1870] {strides = array<i32>} : memref<656xi32, #tpu.memory_space<vmem>>, vector<16xi32>,
      %get3A_1872 = arith.constant 336 : index
      %get3A_1873 = tpu.vector_load %arg14[%get3A_1872] {strides = array<i32>} : memref<656xi32, #tpu.memory_space<vmem>>, vector<16xi32>,
      %mul3A_1874 = arith.constant 26 : i32
      %mul3A_1875 = arith.muli %add3A_1554, %mul3A_1874 : i32
      %add3A_1876 = vector.broadcast %mul3A_1875 : i32 to vector<16xi32>
      %add3A_1877 = arith.addi %add3A_1876, %get3A_1871 : vector<16xi32>
      %gather3A_1878 = tpu.vector_load_idx %arg11[%add3A_1877] : memref<3328xi32, #tpu.memory_space<vmem>>[vector<16xi32>], vector<16xi32>,
      %shift_left3A_1879 = arith.constant 3 : i32
      %shift_left3A_1880 = vector.broadcast %shift_left3A_1879 : i32 to vector<16xi32>
      %shift_left3A_1881 = arith.shli %gather3A_1878, %shift_left3A_1880 : vector<16xi32>
      %add3A_1882 = arith.addi %shift_left3A_1881, %get3A_1873 : vector<16xi32>
      %swap3A_1883 = arith.constant 336 : index
      %swap3A_1884 = tpu.vector_load %arg17[%swap3A_1883] {strides = array<i32>} : memref<656xi32, #tpu.memory_space<vmem>>, vector<16xi32>,
      tpu.vector_store %arg17[%swap3A_1883], %add3A_1882 {strides = array<i32>} : memref<656xi32, #tpu.memory_space<vmem>>, vector<16xi32>,
      %get3A_1885 = arith.constant 352 : index
      %get3A_1886 = tpu.vector_load %arg13[%get3A_1885] {strides = array<i32>} : memref<656xi32, #tpu.memory_space<vmem>>, vector<16xi32>,
      %get3A_1887 = arith.constant 352 : index
      %get3A_1888 = tpu.vector_load %arg14[%get3A_1887] {strides = array<i32>} : memref<656xi32, #tpu.memory_space<vmem>>, vector<16xi32>,
      %mul3A_1889 = arith.constant 26 : i32
      %mul3A_1890 = arith.muli %add3A_1554, %mul3A_1889 : i32
      %add3A_1891 = vector.broadcast %mul3A_1890 : i32 to vector<16xi32>
      %add3A_1892 = arith.addi %add3A_1891, %get3A_1886 : vector<16xi32>
      %gather3A_1893 = tpu.vector_load_idx %arg11[%add3A_1892] : memref<3328xi32, #tpu.memory_space<vmem>>[vector<16xi32>], vector<16xi32>,
      %shift_left3A_1894 = arith.constant 3 : i32
      %shift_left3A_1895 = vector.broadcast %shift_left3A_1894 : i32 to vector<16xi32>
      %shift_left3A_1896 = arith.shli %gather3A_1893, %shift_left3A_1895 : vector<16xi32>
      %add3A_1897 = arith.addi %shift_left3A_1896, %get3A_1888 : vector<16xi32>
      %swap3A_1898 = arith.constant 352 : index
      %swap3A_1899 = tpu.vector_load %arg17[%swap3A_1898] {strides = array<i32>} : memref<656xi32, #tpu.memory_space<vmem>>, vector<16xi32>,
      tpu.vector_store %arg17[%swap3A_1898], %add3A_1897 {strides = array<i32>} : memref<656xi32, #tpu.memory_space<vmem>>, vector<16xi32>,
      %get3A_1900 = arith.constant 368 : index
      %get3A_1901 = tpu.vector_load %arg13[%get3A_1900] {strides = array<i32>} : memref<656xi32, #tpu.memory_space<vmem>>, vector<16xi32>,
      %get3A_1902 = arith.constant 368 : index
      %get3A_1903 = tpu.vector_load %arg14[%get3A_1902] {strides = array<i32>} : memref<656xi32, #tpu.memory_space<vmem>>, vector<16xi32>,
      %mul3A_1904 = arith.constant 26 : i32
      %mul3A_1905 = arith.muli %add3A_1554, %mul3A_1904 : i32
      %add3A_1906 = vector.broadcast %mul3A_1905 : i32 to vector<16xi32>
      %add3A_1907 = arith.addi %add3A_1906, %get3A_1901 : vector<16xi32>
      %gather3A_1908 = tpu.vector_load_idx %arg11[%add3A_1907] : memref<3328xi32, #tpu.memory_space<vmem>>[vector<16xi32>], vector<16xi32>,
      %shift_left3A_1909 = arith.constant 3 : i32
      %shift_left3A_1910 = vector.broadcast %shift_left3A_1909 : i32 to vector<16xi32>
      %shift_left3A_1911 = arith.shli %gather3A_1908, %shift_left3A_1910 : vector<16xi32>
      %add3A_1912 = arith.addi %shift_left3A_1911, %get3A_1903 : vector<16xi32>
      %swap3A_1913 = arith.constant 368 : index
      %swap3A_1914 = tpu.vector_load %arg17[%swap3A_1913] {strides = array<i32>} : memref<656xi32, #tpu.memory_space<vmem>>, vector<16xi32>,
      tpu.vector_store %arg17[%swap3A_1913], %add3A_1912 {strides = array<i32>} : memref<656xi32, #tpu.memory_space<vmem>>, vector<16xi32>,
      %get3A_1915 = arith.constant 384 : index
      %get3A_1916 = tpu.vector_load %arg13[%get3A_1915] {strides = array<i32>} : memref<656xi32, #tpu.memory_space<vmem>>, vector<16xi32>,
      %get3A_1917 = arith.constant 384 : index
      %get3A_1918 = tpu.vector_load %arg14[%get3A_1917] {strides = array<i32>} : memref<656xi32, #tpu.memory_space<vmem>>, vector<16xi32>,
      %mul3A_1919 = arith.constant 26 : i32
      %mul3A_1920 = arith.muli %add3A_1554, %mul3A_1919 : i32
      %add3A_1921 = vector.broadcast %mul3A_1920 : i32 to vector<16xi32>
      %add3A_1922 = arith.addi %add3A_1921, %get3A_1916 : vector<16xi32>
      %gather3A_1923 = tpu.vector_load_idx %arg11[%add3A_1922] : memref<3328xi32, #tpu.memory_space<vmem>>[vector<16xi32>], vector<16xi32>,
      %shift_left3A_1924 = arith.constant 3 : i32
      %shift_left3A_1925 = vector.broadcast %shift_left3A_1924 : i32 to vector<16xi32>
      %shift_left3A_1926 = arith.shli %gather3A_1923, %shift_left3A_1925 : vector<16xi32>
      %add3A_1927 = arith.addi %shift_left3A_1926, %get3A_1918 : vector<16xi32>
      %swap3A_1928 = arith.constant 384 : index
      %swap3A_1929 = tpu.vector_load %arg17[%swap3A_1928] {strides = array<i32>} : memref<656xi32, #tpu.memory_space<vmem>>, vector<16xi32>,
      tpu.vector_store %arg17[%swap3A_1928], %add3A_1927 {strides = array<i32>} : memref<656xi32, #tpu.memory_space<vmem>>, vector<16xi32>,
      %get3A_1930 = arith.constant 400 : index
      %get3A_1931 = tpu.vector_load %arg13[%get3A_1930] {strides = array<i32>} : memref<656xi32, #tpu.memory_space<vmem>>, vector<16xi32>,
      %get3A_1932 = arith.constant 400 : index
      %get3A_1933 = tpu.vector_load %arg14[%get3A_1932] {strides = array<i32>} : memref<656xi32, #tpu.memory_space<vmem>>, vector<16xi32>,
      %mul3A_1934 = arith.constant 26 : i32
      %mul3A_1935 = arith.muli %add3A_1554, %mul3A_1934 : i32
      %add3A_1936 = vector.broadcast %mul3A_1935 : i32 to vector<16xi32>
      %add3A_1937 = arith.addi %add3A_1936, %get3A_1931 : vector<16xi32>
      %gather3A_1938 = tpu.vector_load_idx %arg11[%add3A_1937] : memref<3328xi32, #tpu.memory_space<vmem>>[vector<16xi32>], vector<16xi32>,
      %shift_left3A_1939 = arith.constant 3 : i32
      %shift_left3A_1940 = vector.broadcast %shift_left3A_1939 : i32 to vector<16xi32>
      %shift_left3A_1941 = arith.shli %gather3A_1938, %shift_left3A_1940 : vector<16xi32>
      %add3A_1942 = arith.addi %shift_left3A_1941, %get3A_1933 : vector<16xi32>
      %swap3A_1943 = arith.constant 400 : index
      %swap3A_1944 = tpu.vector_load %arg17[%swap3A_1943] {strides = array<i32>} : memref<656xi32, #tpu.memory_space<vmem>>, vector<16xi32>,
      tpu.vector_store %arg17[%swap3A_1943], %add3A_1942 {strides = array<i32>} : memref<656xi32, #tpu.memory_space<vmem>>, vector<16xi32>,
      %get3A_1945 = arith.constant 416 : index
      %get3A_1946 = tpu.vector_load %arg13[%get3A_1945] {strides = array<i32>} : memref<656xi32, #tpu.memory_space<vmem>>, vector<16xi32>,
      %get3A_1947 = arith.constant 416 : index
      %get3A_1948 = tpu.vector_load %arg14[%get3A_1947] {strides = array<i32>} : memref<656xi32, #tpu.memory_space<vmem>>, vector<16xi32>,
      %mul3A_1949 = arith.constant 26 : i32
      %mul3A_1950 = arith.muli %add3A_1554, %mul3A_1949 : i32
      %add3A_1951 = vector.broadcast %mul3A_1950 : i32 to vector<16xi32>
      %add3A_1952 = arith.addi %add3A_1951, %get3A_1946 : vector<16xi32>
      %gather3A_1953 = tpu.vector_load_idx %arg11[%add3A_1952] : memref<3328xi32, #tpu.memory_space<vmem>>[vector<16xi32>], vector<16xi32>,
      %shift_left3A_1954 = arith.constant 3 : i32
      %shift_left3A_1955 = vector.broadcast %shift_left3A_1954 : i32 to vector<16xi32>
      %shift_left3A_1956 = arith.shli %gather3A_1953, %shift_left3A_1955 : vector<16xi32>
      %add3A_1957 = arith.addi %shift_left3A_1956, %get3A_1948 : vector<16xi32>
      %swap3A_1958 = arith.constant 416 : index
      %swap3A_1959 = tpu.vector_load %arg17[%swap3A_1958] {strides = array<i32>} : memref<656xi32, #tpu.memory_space<vmem>>, vector<16xi32>,
      tpu.vector_store %arg17[%swap3A_1958], %add3A_1957 {strides = array<i32>} : memref<656xi32, #tpu.memory_space<vmem>>, vector<16xi32>,
      %get3A_1960 = arith.constant 432 : index
      %get3A_1961 = tpu.vector_load %arg13[%get3A_1960] {strides = array<i32>} : memref<656xi32, #tpu.memory_space<vmem>>, vector<16xi32>,
      %get3A_1962 = arith.constant 432 : index
      %get3A_1963 = tpu.vector_load %arg14[%get3A_1962] {strides = array<i32>} : memref<656xi32, #tpu.memory_space<vmem>>, vector<16xi32>,
      %mul3A_1964 = arith.constant 26 : i32
      %mul3A_1965 = arith.muli %add3A_1554, %mul3A_1964 : i32
      %add3A_1966 = vector.broadcast %mul3A_1965 : i32 to vector<16xi32>
      %add3A_1967 = arith.addi %add3A_1966, %get3A_1961 : vector<16xi32>
      %gather3A_1968 = tpu.vector_load_idx %arg11[%add3A_1967] : memref<3328xi32, #tpu.memory_space<vmem>>[vector<16xi32>], vector<16xi32>,
      %shift_left3A_1969 = arith.constant 3 : i32
      %shift_left3A_1970 = vector.broadcast %shift_left3A_1969 : i32 to vector<16xi32>
      %shift_left3A_1971 = arith.shli %gather3A_1968, %shift_left3A_1970 : vector<16xi32>
      %add3A_1972 = arith.addi %shift_left3A_1971, %get3A_1963 : vector<16xi32>
      %swap3A_1973 = arith.constant 432 : index
      %swap3A_1974 = tpu.vector_load %arg17[%swap3A_1973] {strides = array<i32>} : memref<656xi32, #tpu.memory_space<vmem>>, vector<16xi32>,
      tpu.vector_store %arg17[%swap3A_1973], %add3A_1972 {strides = array<i32>} : memref<656xi32, #tpu.memory_space<vmem>>, vector<16xi32>,
      %get3A_1975 = arith.constant 448 : index
      %get3A_1976 = tpu.vector_load %arg13[%get3A_1975] {strides = array<i32>} : memref<656xi32, #tpu.memory_space<vmem>>, vector<16xi32>,
      %get3A_1977 = arith.constant 448 : index
      %get3A_1978 = tpu.vector_load %arg14[%get3A_1977] {strides = array<i32>} : memref<656xi32, #tpu.memory_space<vmem>>, vector<16xi32>,
      %mul3A_1979 = arith.constant 26 : i32
      %mul3A_1980 = arith.muli %add3A_1554, %mul3A_1979 : i32
      %add3A_1981 = vector.broadcast %mul3A_1980 : i32 to vector<16xi32>
      %add3A_1982 = arith.addi %add3A_1981, %get3A_1976 : vector<16xi32>
      %gather3A_1983 = tpu.vector_load_idx %arg11[%add3A_1982] : memref<3328xi32, #tpu.memory_space<vmem>>[vector<16xi32>], vector<16xi32>,
      %shift_left3A_1984 = arith.constant 3 : i32
      %shift_left3A_1985 = vector.broadcast %shift_left3A_1984 : i32 to vector<16xi32>
      %shift_left3A_1986 = arith.shli %gather3A_1983, %shift_left3A_1985 : vector<16xi32>
      %add3A_1987 = arith.addi %shift_left3A_1986, %get3A_1978 : vector<16xi32>
      %swap3A_1988 = arith.constant 448 : index
      %swap3A_1989 = tpu.vector_load %arg17[%swap3A_1988] {strides = array<i32>} : memref<656xi32, #tpu.memory_space<vmem>>, vector<16xi32>,
      tpu.vector_store %arg17[%swap3A_1988], %add3A_1987 {strides = array<i32>} : memref<656xi32, #tpu.memory_space<vmem>>, vector<16xi32>,
      %get3A_1990 = arith.constant 464 : index
      %get3A_1991 = tpu.vector_load %arg13[%get3A_1990] {strides = array<i32>} : memref<656xi32, #tpu.memory_space<vmem>>, vector<16xi32>,
      %get3A_1992 = arith.constant 464 : index
      %get3A_1993 = tpu.vector_load %arg14[%get3A_1992] {strides = array<i32>} : memref<656xi32, #tpu.memory_space<vmem>>, vector<16xi32>,
      %mul3A_1994 = arith.constant 26 : i32
      %mul3A_1995 = arith.muli %add3A_1554, %mul3A_1994 : i32
      %add3A_1996 = vector.broadcast %mul3A_1995 : i32 to vector<16xi32>
      %add3A_1997 = arith.addi %add3A_1996, %get3A_1991 : vector<16xi32>
      %gather3A_1998 = tpu.vector_load_idx %arg11[%add3A_1997] : memref<3328xi32, #tpu.memory_space<vmem>>[vector<16xi32>], vector<16xi32>,
      %shift_left3A_1999 = arith.constant 3 : i32
      %shift_left3A_2000 = vector.broadcast %shift_left3A_1999 : i32 to vector<16xi32>
      %shift_left3A_2001 = arith.shli %gather3A_1998, %shift_left3A_2000 : vector<16xi32>
      %add3A_2002 = arith.addi %shift_left3A_2001, %get3A_1993 : vector<16xi32>
      %swap3A_2003 = arith.constant 464 : index
      %swap3A_2004 = tpu.vector_load %arg17[%swap3A_2003] {strides = array<i32>} : memref<656xi32, #tpu.memory_space<vmem>>, vector<16xi32>,
      tpu.vector_store %arg17[%swap3A_2003], %add3A_2002 {strides = array<i32>} : memref<656xi32, #tpu.memory_space<vmem>>, vector<16xi32>,
      %get3A_2005 = arith.constant 480 : index
      %get3A_2006 = tpu.vector_load %arg13[%get3A_2005] {strides = array<i32>} : memref<656xi32, #tpu.memory_space<vmem>>, vector<16xi32>,
      %get3A_2007 = arith.constant 480 : index
      %get3A_2008 = tpu.vector_load %arg14[%get3A_2007] {strides = array<i32>} : memref<656xi32, #tpu.memory_space<vmem>>, vector<16xi32>,
      %mul3A_2009 = arith.constant 26 : i32
      %mul3A_2010 = arith.muli %add3A_1554, %mul3A_2009 : i32
      %add3A_2011 = vector.broadcast %mul3A_2010 : i32 to vector<16xi32>
      %add3A_2012 = arith.addi %add3A_2011, %get3A_2006 : vector<16xi32>
      %gather3A_2013 = tpu.vector_load_idx %arg11[%add3A_2012] : memref<3328xi32, #tpu.memory_space<vmem>>[vector<16xi32>], vector<16xi32>,
      %shift_left3A_2014 = arith.constant 3 : i32
      %shift_left3A_2015 = vector.broadcast %shift_left3A_2014 : i32 to vector<16xi32>
      %shift_left3A_2016 = arith.shli %gather3A_2013, %shift_left3A_2015 : vector<16xi32>
      %add3A_2017 = arith.addi %shift_left3A_2016, %get3A_2008 : vector<16xi32>
      %swap3A_2018 = arith.constant 480 : index
      %swap3A_2019 = tpu.vector_load %arg17[%swap3A_2018] {strides = array<i32>} : memref<656xi32, #tpu.memory_space<vmem>>, vector<16xi32>,
      tpu.vector_store %arg17[%swap3A_2018], %add3A_2017 {strides = array<i32>} : memref<656xi32, #tpu.memory_space<vmem>>, vector<16xi32>,
      %get3A_2020 = arith.constant 496 : index
      %get3A_2021 = tpu.vector_load %arg13[%get3A_2020] {strides = array<i32>} : memref<656xi32, #tpu.memory_space<vmem>>, vector<16xi32>,
      %get3A_2022 = arith.constant 496 : index
      %get3A_2023 = tpu.vector_load %arg14[%get3A_2022] {strides = array<i32>} : memref<656xi32, #tpu.memory_space<vmem>>, vector<16xi32>,
      %mul3A_2024 = arith.constant 26 : i32
      %mul3A_2025 = arith.muli %add3A_1554, %mul3A_2024 : i32
      %add3A_2026 = vector.broadcast %mul3A_2025 : i32 to vector<16xi32>
      %add3A_2027 = arith.addi %add3A_2026, %get3A_2021 : vector<16xi32>
      %gather3A_2028 = tpu.vector_load_idx %arg11[%add3A_2027] : memref<3328xi32, #tpu.memory_space<vmem>>[vector<16xi32>], vector<16xi32>,
      %shift_left3A_2029 = arith.constant 3 : i32
      %shift_left3A_2030 = vector.broadcast %shift_left3A_2029 : i32 to vector<16xi32>
      %shift_left3A_2031 = arith.shli %gather3A_2028, %shift_left3A_2030 : vector<16xi32>
      %add3A_2032 = arith.addi %shift_left3A_2031, %get3A_2023 : vector<16xi32>
      %swap3A_2033 = arith.constant 496 : index
      %swap3A_2034 = tpu.vector_load %arg17[%swap3A_2033] {strides = array<i32>} : memref<656xi32, #tpu.memory_space<vmem>>, vector<16xi32>,
      tpu.vector_store %arg17[%swap3A_2033], %add3A_2032 {strides = array<i32>} : memref<656xi32, #tpu.memory_space<vmem>>, vector<16xi32>,
      %get3A_2035 = arith.constant 512 : index
      %get3A_2036 = tpu.vector_load %arg13[%get3A_2035] {strides = array<i32>} : memref<656xi32, #tpu.memory_space<vmem>>, vector<16xi32>,
      %get3A_2037 = arith.constant 512 : index
      %get3A_2038 = tpu.vector_load %arg14[%get3A_2037] {strides = array<i32>} : memref<656xi32, #tpu.memory_space<vmem>>, vector<16xi32>,
      %mul3A_2039 = arith.constant 26 : i32
      %mul3A_2040 = arith.muli %add3A_1554, %mul3A_2039 : i32
      %add3A_2041 = vector.broadcast %mul3A_2040 : i32 to vector<16xi32>
      %add3A_2042 = arith.addi %add3A_2041, %get3A_2036 : vector<16xi32>
      %gather3A_2043 = tpu.vector_load_idx %arg11[%add3A_2042] : memref<3328xi32, #tpu.memory_space<vmem>>[vector<16xi32>], vector<16xi32>,
      %shift_left3A_2044 = arith.constant 3 : i32
      %shift_left3A_2045 = vector.broadcast %shift_left3A_2044 : i32 to vector<16xi32>
      %shift_left3A_2046 = arith.shli %gather3A_2043, %shift_left3A_2045 : vector<16xi32>
      %add3A_2047 = arith.addi %shift_left3A_2046, %get3A_2038 : vector<16xi32>
      %swap3A_2048 = arith.constant 512 : index
      %swap3A_2049 = tpu.vector_load %arg17[%swap3A_2048] {strides = array<i32>} : memref<656xi32, #tpu.memory_space<vmem>>, vector<16xi32>,
      tpu.vector_store %arg17[%swap3A_2048], %add3A_2047 {strides = array<i32>} : memref<656xi32, #tpu.memory_space<vmem>>, vector<16xi32>,
      %get3A_2050 = arith.constant 528 : index
      %get3A_2051 = tpu.vector_load %arg13[%get3A_2050] {strides = array<i32>} : memref<656xi32, #tpu.memory_space<vmem>>, vector<16xi32>,
      %get3A_2052 = arith.constant 528 : index
      %get3A_2053 = tpu.vector_load %arg14[%get3A_2052] {strides = array<i32>} : memref<656xi32, #tpu.memory_space<vmem>>, vector<16xi32>,
      %mul3A_2054 = arith.constant 26 : i32
      %mul3A_2055 = arith.muli %add3A_1554, %mul3A_2054 : i32
      %add3A_2056 = vector.broadcast %mul3A_2055 : i32 to vector<16xi32>
      %add3A_2057 = arith.addi %add3A_2056, %get3A_2051 : vector<16xi32>
      %gather3A_2058 = tpu.vector_load_idx %arg11[%add3A_2057] : memref<3328xi32, #tpu.memory_space<vmem>>[vector<16xi32>], vector<16xi32>,
      %shift_left3A_2059 = arith.constant 3 : i32
      %shift_left3A_2060 = vector.broadcast %shift_left3A_2059 : i32 to vector<16xi32>
      %shift_left3A_2061 = arith.shli %gather3A_2058, %shift_left3A_2060 : vector<16xi32>
      %add3A_2062 = arith.addi %shift_left3A_2061, %get3A_2053 : vector<16xi32>
      %swap3A_2063 = arith.constant 528 : index
      %swap3A_2064 = tpu.vector_load %arg17[%swap3A_2063] {strides = array<i32>} : memref<656xi32, #tpu.memory_space<vmem>>, vector<16xi32>,
      tpu.vector_store %arg17[%swap3A_2063], %add3A_2062 {strides = array<i32>} : memref<656xi32, #tpu.memory_space<vmem>>, vector<16xi32>,
      %get3A_2065 = arith.constant 544 : index
      %get3A_2066 = tpu.vector_load %arg13[%get3A_2065] {strides = array<i32>} : memref<656xi32, #tpu.memory_space<vmem>>, vector<16xi32>,
      %get3A_2067 = arith.constant 544 : index
      %get3A_2068 = tpu.vector_load %arg14[%get3A_2067] {strides = array<i32>} : memref<656xi32, #tpu.memory_space<vmem>>, vector<16xi32>,
      %mul3A_2069 = arith.constant 26 : i32
      %mul3A_2070 = arith.muli %add3A_1554, %mul3A_2069 : i32
      %add3A_2071 = vector.broadcast %mul3A_2070 : i32 to vector<16xi32>
      %add3A_2072 = arith.addi %add3A_2071, %get3A_2066 : vector<16xi32>
      %gather3A_2073 = tpu.vector_load_idx %arg11[%add3A_2072] : memref<3328xi32, #tpu.memory_space<vmem>>[vector<16xi32>], vector<16xi32>,
      %shift_left3A_2074 = arith.constant 3 : i32
      %shift_left3A_2075 = vector.broadcast %shift_left3A_2074 : i32 to vector<16xi32>
      %shift_left3A_2076 = arith.shli %gather3A_2073, %shift_left3A_2075 : vector<16xi32>
      %add3A_2077 = arith.addi %shift_left3A_2076, %get3A_2068 : vector<16xi32>
      %swap3A_2078 = arith.constant 544 : index
      %swap3A_2079 = tpu.vector_load %arg17[%swap3A_2078] {strides = array<i32>} : memref<656xi32, #tpu.memory_space<vmem>>, vector<16xi32>,
      tpu.vector_store %arg17[%swap3A_2078], %add3A_2077 {strides = array<i32>} : memref<656xi32, #tpu.memory_space<vmem>>, vector<16xi32>,
      %get3A_2080 = arith.constant 560 : index
      %get3A_2081 = tpu.vector_load %arg13[%get3A_2080] {strides = array<i32>} : memref<656xi32, #tpu.memory_space<vmem>>, vector<16xi32>,
      %get3A_2082 = arith.constant 560 : index
      %get3A_2083 = tpu.vector_load %arg14[%get3A_2082] {strides = array<i32>} : memref<656xi32, #tpu.memory_space<vmem>>, vector<16xi32>,
      %mul3A_2084 = arith.constant 26 : i32
      %mul3A_2085 = arith.muli %add3A_1554, %mul3A_2084 : i32
      %add3A_2086 = vector.broadcast %mul3A_2085 : i32 to vector<16xi32>
      %add3A_2087 = arith.addi %add3A_2086, %get3A_2081 : vector<16xi32>
      %gather3A_2088 = tpu.vector_load_idx %arg11[%add3A_2087] : memref<3328xi32, #tpu.memory_space<vmem>>[vector<16xi32>], vector<16xi32>,
      %shift_left3A_2089 = arith.constant 3 : i32
      %shift_left3A_2090 = vector.broadcast %shift_left3A_2089 : i32 to vector<16xi32>
      %shift_left3A_2091 = arith.shli %gather3A_2088, %shift_left3A_2090 : vector<16xi32>
      %add3A_2092 = arith.addi %shift_left3A_2091, %get3A_2083 : vector<16xi32>
      %swap3A_2093 = arith.constant 560 : index
      %swap3A_2094 = tpu.vector_load %arg17[%swap3A_2093] {strides = array<i32>} : memref<656xi32, #tpu.memory_space<vmem>>, vector<16xi32>,
      tpu.vector_store %arg17[%swap3A_2093], %add3A_2092 {strides = array<i32>} : memref<656xi32, #tpu.memory_space<vmem>>, vector<16xi32>,
      %get3A_2095 = arith.constant 576 : index
      %get3A_2096 = tpu.vector_load %arg13[%get3A_2095] {strides = array<i32>} : memref<656xi32, #tpu.memory_space<vmem>>, vector<16xi32>,
      %get3A_2097 = arith.constant 576 : index
      %get3A_2098 = tpu.vector_load %arg14[%get3A_2097] {strides = array<i32>} : memref<656xi32, #tpu.memory_space<vmem>>, vector<16xi32>,
      %mul3A_2099 = arith.constant 26 : i32
      %mul3A_2100 = arith.muli %add3A_1554, %mul3A_2099 : i32
      %add3A_2101 = vector.broadcast %mul3A_2100 : i32 to vector<16xi32>
      %add3A_2102 = arith.addi %add3A_2101, %get3A_2096 : vector<16xi32>
      %gather3A_2103 = tpu.vector_load_idx %arg11[%add3A_2102] : memref<3328xi32, #tpu.memory_space<vmem>>[vector<16xi32>], vector<16xi32>,
      %shift_left3A_2104 = arith.constant 3 : i32
      %shift_left3A_2105 = vector.broadcast %shift_left3A_2104 : i32 to vector<16xi32>
      %shift_left3A_2106 = arith.shli %gather3A_2103, %shift_left3A_2105 : vector<16xi32>
      %add3A_2107 = arith.addi %shift_left3A_2106, %get3A_2098 : vector<16xi32>
      %swap3A_2108 = arith.constant 576 : index
      %swap3A_2109 = tpu.vector_load %arg17[%swap3A_2108] {strides = array<i32>} : memref<656xi32, #tpu.memory_space<vmem>>, vector<16xi32>,
      tpu.vector_store %arg17[%swap3A_2108], %add3A_2107 {strides = array<i32>} : memref<656xi32, #tpu.memory_space<vmem>>, vector<16xi32>,
      %get3A_2110 = arith.constant 592 : index
      %get3A_2111 = tpu.vector_load %arg13[%get3A_2110] {strides = array<i32>} : memref<656xi32, #tpu.memory_space<vmem>>, vector<16xi32>,
      %get3A_2112 = arith.constant 592 : index
      %get3A_2113 = tpu.vector_load %arg14[%get3A_2112] {strides = array<i32>} : memref<656xi32, #tpu.memory_space<vmem>>, vector<16xi32>,
      %mul3A_2114 = arith.constant 26 : i32
      %mul3A_2115 = arith.muli %add3A_1554, %mul3A_2114 : i32
      %add3A_2116 = vector.broadcast %mul3A_2115 : i32 to vector<16xi32>
      %add3A_2117 = arith.addi %add3A_2116, %get3A_2111 : vector<16xi32>
      %gather3A_2118 = tpu.vector_load_idx %arg11[%add3A_2117] : memref<3328xi32, #tpu.memory_space<vmem>>[vector<16xi32>], vector<16xi32>,
      %shift_left3A_2119 = arith.constant 3 : i32
      %shift_left3A_2120 = vector.broadcast %shift_left3A_2119 : i32 to vector<16xi32>
      %shift_left3A_2121 = arith.shli %gather3A_2118, %shift_left3A_2120 : vector<16xi32>
      %add3A_2122 = arith.addi %shift_left3A_2121, %get3A_2113 : vector<16xi32>
      %swap3A_2123 = arith.constant 592 : index
      %swap3A_2124 = tpu.vector_load %arg17[%swap3A_2123] {strides = array<i32>} : memref<656xi32, #tpu.memory_space<vmem>>, vector<16xi32>,
      tpu.vector_store %arg17[%swap3A_2123], %add3A_2122 {strides = array<i32>} : memref<656xi32, #tpu.memory_space<vmem>>, vector<16xi32>,
      %get3A_2125 = arith.constant 608 : index
      %get3A_2126 = tpu.vector_load %arg13[%get3A_2125] {strides = array<i32>} : memref<656xi32, #tpu.memory_space<vmem>>, vector<16xi32>,
      %get3A_2127 = arith.constant 608 : index
      %get3A_2128 = tpu.vector_load %arg14[%get3A_2127] {strides = array<i32>} : memref<656xi32, #tpu.memory_space<vmem>>, vector<16xi32>,
      %mul3A_2129 = arith.constant 26 : i32
      %mul3A_2130 = arith.muli %add3A_1554, %mul3A_2129 : i32
      %add3A_2131 = vector.broadcast %mul3A_2130 : i32 to vector<16xi32>
      %add3A_2132 = arith.addi %add3A_2131, %get3A_2126 : vector<16xi32>
      %gather3A_2133 = tpu.vector_load_idx %arg11[%add3A_2132] : memref<3328xi32, #tpu.memory_space<vmem>>[vector<16xi32>], vector<16xi32>,
      %shift_left3A_2134 = arith.constant 3 : i32
      %shift_left3A_2135 = vector.broadcast %shift_left3A_2134 : i32 to vector<16xi32>
      %shift_left3A_2136 = arith.shli %gather3A_2133, %shift_left3A_2135 : vector<16xi32>
      %add3A_2137 = arith.addi %shift_left3A_2136, %get3A_2128 : vector<16xi32>
      %swap3A_2138 = arith.constant 608 : index
      %swap3A_2139 = tpu.vector_load %arg17[%swap3A_2138] {strides = array<i32>} : memref<656xi32, #tpu.memory_space<vmem>>, vector<16xi32>,
      tpu.vector_store %arg17[%swap3A_2138], %add3A_2137 {strides = array<i32>} : memref<656xi32, #tpu.memory_space<vmem>>, vector<16xi32>,
      %get3A_2140 = arith.constant 624 : index
      %get3A_2141 = tpu.vector_load %arg13[%get3A_2140] {strides = array<i32>} : memref<656xi32, #tpu.memory_space<vmem>>, vector<16xi32>,
      %get3A_2142 = arith.constant 624 : index
      %get3A_2143 = tpu.vector_load %arg14[%get3A_2142] {strides = array<i32>} : memref<656xi32, #tpu.memory_space<vmem>>, vector<16xi32>,
      %mul3A_2144 = arith.constant 26 : i32
      %mul3A_2145 = arith.muli %add3A_1554, %mul3A_2144 : i32
      %add3A_2146 = vector.broadcast %mul3A_2145 : i32 to vector<16xi32>
      %add3A_2147 = arith.addi %add3A_2146, %get3A_2141 : vector<16xi32>
      %gather3A_2148 = tpu.vector_load_idx %arg11[%add3A_2147] : memref<3328xi32, #tpu.memory_space<vmem>>[vector<16xi32>], vector<16xi32>,
      %shift_left3A_2149 = arith.constant 3 : i32
      %shift_left3A_2150 = vector.broadcast %shift_left3A_2149 : i32 to vector<16xi32>
      %shift_left3A_2151 = arith.shli %gather3A_2148, %shift_left3A_2150 : vector<16xi32>
      %add3A_2152 = arith.addi %shift_left3A_2151, %get3A_2143 : vector<16xi32>
      %swap3A_2153 = arith.constant 624 : index
      %swap3A_2154 = tpu.vector_load %arg17[%swap3A_2153] {strides = array<i32>} : memref<656xi32, #tpu.memory_space<vmem>>, vector<16xi32>,
      tpu.vector_store %arg17[%swap3A_2153], %add3A_2152 {strides = array<i32>} : memref<656xi32, #tpu.memory_space<vmem>>, vector<16xi32>,
      %get3A_2155 = arith.constant 640 : index
      %get3A_2156 = tpu.vector_load %arg13[%get3A_2155] {strides = array<i32>} : memref<656xi32, #tpu.memory_space<vmem>>, vector<16xi32>,
      %get3A_2157 = arith.constant 640 : index
      %get3A_2158 = tpu.vector_load %arg14[%get3A_2157] {strides = array<i32>} : memref<656xi32, #tpu.memory_space<vmem>>, vector<16xi32>,
      %mul3A_2159 = arith.constant 26 : i32
      %mul3A_2160 = arith.muli %add3A_1554, %mul3A_2159 : i32
      %add3A_2161 = vector.broadcast %mul3A_2160 : i32 to vector<16xi32>
      %add3A_2162 = arith.addi %add3A_2161, %get3A_2156 : vector<16xi32>
      %gather3A_2163 = tpu.vector_load_idx %arg11[%add3A_2162] : memref<3328xi32, #tpu.memory_space<vmem>>[vector<16xi32>], vector<16xi32>,
      %shift_left3A_2164 = arith.constant 3 : i32
      %shift_left3A_2165 = vector.broadcast %shift_left3A_2164 : i32 to vector<16xi32>
      %shift_left3A_2166 = arith.shli %gather3A_2163, %shift_left3A_2165 : vector<16xi32>
      %add3A_2167 = arith.addi %shift_left3A_2166, %get3A_2158 : vector<16xi32>
      %swap3A_2168 = arith.constant 640 : index
      %swap3A_2169 = tpu.vector_load %arg17[%swap3A_2168] {strides = array<i32>} : memref<656xi32, #tpu.memory_space<vmem>>, vector<16xi32>,
      tpu.vector_store %arg17[%swap3A_2168], %add3A_2167 {strides = array<i32>} : memref<656xi32, #tpu.memory_space<vmem>>, vector<16xi32>,
      %dma_start3A_2170 = arith.constant 0 : i32
      %dma_start3A_2171 = arith.constant 0 : i32
      %dma_start3A_2172 = tpu.memref_slice %arg18[%dma_start3A_2170, %dma_start3A_2171] : memref<656x16xf32, #tpu.memory_space<vmem>> -> memref<656x16xf32, #tpu.memory_space<vmem>>
      %dma_start3A_2173 = arith.constant 0 : i32
      %dma_start3A_2174 = tpu.memref_slice %arg17[%dma_start3A_2173] : memref<656xi32, #tpu.memory_space<vmem>> -> memref<656xi32, #tpu.memory_space<vmem>>
      %dma_start3A_2175 = arith.constant 0 : i32
      %dma_start3A_2176 = arith.constant 0 : i32
      %dma_start3A_2177 = tpu.memref_slice %arg4[%dma_start3A_2175, %dma_start3A_2176] : memref<3276800x16xf32, #tpu.memory_space<hbm>> -> memref<3276800x16xf32, #tpu.memory_space<hbm>>
      tpu.enqueue_indirect_dma source(%dma_start3A_2177 : memref<3276800x16xf32, #tpu.memory_space<hbm>>) target(%dma_start3A_2172 : memref<656x16xf32, #tpu.memory_space<vmem>>) offsets(%dma_start3A_2174 : memref<656xi32, #tpu.memory_space<vmem>>) semaphore(%arg23 : memref<!tpu.dma_semaphore, #tpu.memory_space<semaphore_mem>>)
      %dma_wait3A_2178 = arith.constant 0 : i32
      %dma_wait3A_2179 = arith.constant 0 : i32
      %dma_wait3A_2180 = tpu.memref_slice %arg16[%dma_wait3A_2178, %dma_wait3A_2179] : memref<656x16xf32, #tpu.memory_space<vmem>> -> memref<656x16xf32, #tpu.memory_space<vmem>>
      %dma_wait3A_2181 = arith.constant 0 : i32
      %dma_wait3A_2182 = tpu.memref_slice %arg15[%dma_wait3A_2181] : memref<656xi32, #tpu.memory_space<vmem>> -> memref<656xi32, #tpu.memory_space<vmem>>
      %dma_wait3A_2183 = arith.constant 0 : i32
      %dma_wait3A_2184 = arith.constant 0 : i32
      %dma_wait3A_2185 = tpu.memref_slice %arg4[%dma_wait3A_2183, %dma_wait3A_2184] : memref<3276800x16xf32, #tpu.memory_space<hbm>> -> memref<3276800x16xf32, #tpu.memory_space<hbm>>
      tpu.wait_indirect_dma semaphore(%arg22 : memref<!tpu.dma_semaphore, #tpu.memory_space<semaphore_mem>>) src(%dma_wait3A_2185 : memref<3276800x16xf32, #tpu.memory_space<hbm>>) dst(%dma_wait3A_2180 : memref<656x16xf32, #tpu.memory_space<vmem>>)
      %broadcast_in_dim3A_2186 = arith.constant 0.000000e+00 : f32
      %broadcast_in_dim3A_2187 = vector.broadcast %broadcast_in_dim3A_2186 : f32 to vector<16xf32>
      %scan3A_2188 = arith.constant 0 : i32
      %scan3A_2189 = arith.constant 13 : i32
      %scan3A_2190 = arith.addi %scan3A_2188, %scan3A_2189 : i32
      %scan3A_2191 = arith.constant 1 : i32
      %scan3A_2192:5 = scf.for %scan3A_2929 = %scan3A_2188 to %scan3A_2190 step %scan3A_2191 iter_args(%scan3A_2930 = %broadcast_in_dim3A_2187, %scan3A_2931 = %broadcast_in_dim3A_2187, %scan3A_2932 = %broadcast_in_dim3A_2187, %scan3A_2933 = %broadcast_in_dim3A_2187, %scan3A_2934 = %broadcast_in_dim3A_2187) -> (vector<16xf32>, vector<16xf32>, vector<16xf32>, vector<16xf32>, vector<16xf32>)  : i32 {
        %mul3A_2935 = arith.constant 2 : i32
        %mul3A_2936 = arith.muli %mul3A_2935, %scan3A_2929 : i32
        %mul3A_2937 = arith.constant 25 : i32
        %mul3A_2938 = arith.muli %mul3A_2936, %mul3A_2937 : i32
        %add3A_2939 = arith.constant 0 : i32
        %add3A_2940 = arith.addi %mul3A_2938, %add3A_2939 : i32
        %get3A_2941 = arith.index_cast %add3A_2940 : i32 to index
        %get3A_2942 = arith.constant 0 : index
        %get3A_2943 = tpu.vector_load %arg16[%get3A_2941, %get3A_2942] {strides = array<i32>} : memref<656x16xf32, #tpu.memory_space<vmem>>, vector<16xf32>,
        %add3A_2944 = arith.constant 0 : i32
        %add3A_2945 = arith.addi %mul3A_2938, %add3A_2944 : i32
        %add3A_2946 = arith.constant 1 : i32
        %add3A_2947 = arith.addi %add3A_2945, %add3A_2946 : i32
        %get3A_2948 = arith.index_cast %add3A_2947 : i32 to index
        %get3A_2949 = arith.constant 0 : index
        %get3A_2950 = tpu.vector_load %arg16[%get3A_2948, %get3A_2949] {strides = array<i32>} : memref<656x16xf32, #tpu.memory_space<vmem>>, vector<16xf32>,
        %mul3A_2951 = arith.mulf %get3A_2943, %get3A_2950 : vector<16xf32>
        %add3A_2952 = arith.addf %scan3A_2930, %mul3A_2951 : vector<16xf32>
        %add3A_2953 = arith.constant 2 : i32
        %add3A_2954 = arith.addi %mul3A_2938, %add3A_2953 : i32
        %get3A_2955 = arith.index_cast %add3A_2954 : i32 to index
        %get3A_2956 = arith.constant 0 : index
        %get3A_2957 = tpu.vector_load %arg16[%get3A_2955, %get3A_2956] {strides = array<i32>} : memref<656x16xf32, #tpu.memory_space<vmem>>, vector<16xf32>,
        %add3A_2958 = arith.constant 2 : i32
        %add3A_2959 = arith.addi %mul3A_2938, %add3A_2958 : i32
        %add3A_2960 = arith.constant 1 : i32
        %add3A_2961 = arith.addi %add3A_2959, %add3A_2960 : i32
        %get3A_2962 = arith.index_cast %add3A_2961 : i32 to index
        %get3A_2963 = arith.constant 0 : index
        %get3A_2964 = tpu.vector_load %arg16[%get3A_2962, %get3A_2963] {strides = array<i32>} : memref<656x16xf32, #tpu.memory_space<vmem>>, vector<16xf32>,
        %mul3A_2965 = arith.mulf %get3A_2957, %get3A_2964 : vector<16xf32>
        %add3A_2966 = arith.addf %scan3A_2931, %mul3A_2965 : vector<16xf32>
        %add3A_2967 = arith.constant 4 : i32
        %add3A_2968 = arith.addi %mul3A_2938, %add3A_2967 : i32
        %get3A_2969 = arith.index_cast %add3A_2968 : i32 to index
        %get3A_2970 = arith.constant 0 : index
        %get3A_2971 = tpu.vector_load %arg16[%get3A_2969, %get3A_2970] {strides = array<i32>} : memref<656x16xf32, #tpu.memory_space<vmem>>, vector<16xf32>,
        %add3A_2972 = arith.constant 4 : i32
        %add3A_2973 = arith.addi %mul3A_2938, %add3A_2972 : i32
        %add3A_2974 = arith.constant 1 : i32
        %add3A_2975 = arith.addi %add3A_2973, %add3A_2974 : i32
        %get3A_2976 = arith.index_cast %add3A_2975 : i32 to index
        %get3A_2977 = arith.constant 0 : index
        %get3A_2978 = tpu.vector_load %arg16[%get3A_2976, %get3A_2977] {strides = array<i32>} : memref<656x16xf32, #tpu.memory_space<vmem>>, vector<16xf32>,
        %mul3A_2979 = arith.mulf %get3A_2971, %get3A_2978 : vector<16xf32>
        %add3A_2980 = arith.addf %scan3A_2932, %mul3A_2979 : vector<16xf32>
        %add3A_2981 = arith.constant 6 : i32
        %add3A_2982 = arith.addi %mul3A_2938, %add3A_2981 : i32
        %get3A_2983 = arith.index_cast %add3A_2982 : i32 to index
        %get3A_2984 = arith.constant 0 : index
        %get3A_2985 = tpu.vector_load %arg16[%get3A_2983, %get3A_2984] {strides = array<i32>} : memref<656x16xf32, #tpu.memory_space<vmem>>, vector<16xf32>,
        %add3A_2986 = arith.constant 6 : i32
        %add3A_2987 = arith.addi %mul3A_2938, %add3A_2986 : i32
        %add3A_2988 = arith.constant 1 : i32
        %add3A_2989 = arith.addi %add3A_2987, %add3A_2988 : i32
        %get3A_2990 = arith.index_cast %add3A_2989 : i32 to index
        %get3A_2991 = arith.constant 0 : index
        %get3A_2992 = tpu.vector_load %arg16[%get3A_2990, %get3A_2991] {strides = array<i32>} : memref<656x16xf32, #tpu.memory_space<vmem>>, vector<16xf32>,
        %mul3A_2993 = arith.mulf %get3A_2985, %get3A_2992 : vector<16xf32>
        %add3A_2994 = arith.addf %scan3A_2933, %mul3A_2993 : vector<16xf32>
        %add3A_2995 = arith.constant 8 : i32
        %add3A_2996 = arith.addi %mul3A_2938, %add3A_2995 : i32
        %get3A_2997 = arith.index_cast %add3A_2996 : i32 to index
        %get3A_2998 = arith.constant 0 : index
        %get3A_2999 = tpu.vector_load %arg16[%get3A_2997, %get3A_2998] {strides = array<i32>} : memref<656x16xf32, #tpu.memory_space<vmem>>, vector<16xf32>,
        %add3A_3000 = arith.constant 8 : i32
        %add3A_3001 = arith.addi %mul3A_2938, %add3A_3000 : i32
        %add3A_3002 = arith.constant 1 : i32
        %add3A_3003 = arith.addi %add3A_3001, %add3A_3002 : i32
        %get3A_3004 = arith.index_cast %add3A_3003 : i32 to index
        %get3A_3005 = arith.constant 0 : index
        %get3A_3006 = tpu.vector_load %arg16[%get3A_3004, %get3A_3005] {strides = array<i32>} : memref<656x16xf32, #tpu.memory_space<vmem>>, vector<16xf32>,
        %mul3A_3007 = arith.mulf %get3A_2999, %get3A_3006 : vector<16xf32>
        %add3A_3008 = arith.addf %scan3A_2934, %mul3A_3007 : vector<16xf32>
        %add3A_3009 = arith.constant 10 : i32
        %add3A_3010 = arith.addi %mul3A_2938, %add3A_3009 : i32
        %get3A_3011 = arith.index_cast %add3A_3010 : i32 to index
        %get3A_3012 = arith.constant 0 : index
        %get3A_3013 = tpu.vector_load %arg16[%get3A_3011, %get3A_3012] {strides = array<i32>} : memref<656x16xf32, #tpu.memory_space<vmem>>, vector<16xf32>,
        %add3A_3014 = arith.constant 10 : i32
        %add3A_3015 = arith.addi %mul3A_2938, %add3A_3014 : i32
        %add3A_3016 = arith.constant 1 : i32
        %add3A_3017 = arith.addi %add3A_3015, %add3A_3016 : i32
        %get3A_3018 = arith.index_cast %add3A_3017 : i32 to index
        %get3A_3019 = arith.constant 0 : index
        %get3A_3020 = tpu.vector_load %arg16[%get3A_3018, %get3A_3019] {strides = array<i32>} : memref<656x16xf32, #tpu.memory_space<vmem>>, vector<16xf32>,
        %mul3A_3021 = arith.mulf %get3A_3013, %get3A_3020 : vector<16xf32>
        %add3A_3022 = arith.addf %add3A_2952, %mul3A_3021 : vector<16xf32>
        %add3A_3023 = arith.constant 12 : i32
        %add3A_3024 = arith.addi %mul3A_2938, %add3A_3023 : i32
        %get3A_3025 = arith.index_cast %add3A_3024 : i32 to index
        %get3A_3026 = arith.constant 0 : index
        %get3A_3027 = tpu.vector_load %arg16[%get3A_3025, %get3A_3026] {strides = array<i32>} : memref<656x16xf32, #tpu.memory_space<vmem>>, vector<16xf32>,
        %add3A_3028 = arith.constant 12 : i32
        %add3A_3029 = arith.addi %mul3A_2938, %add3A_3028 : i32
        %add3A_3030 = arith.constant 1 : i32
        %add3A_3031 = arith.addi %add3A_3029, %add3A_3030 : i32
        %get3A_3032 = arith.index_cast %add3A_3031 : i32 to index
        %get3A_3033 = arith.constant 0 : index
        %get3A_3034 = tpu.vector_load %arg16[%get3A_3032, %get3A_3033] {strides = array<i32>} : memref<656x16xf32, #tpu.memory_space<vmem>>, vector<16xf32>,
        %mul3A_3035 = arith.mulf %get3A_3027, %get3A_3034 : vector<16xf32>
        %add3A_3036 = arith.addf %add3A_2966, %mul3A_3035 : vector<16xf32>
        %add3A_3037 = arith.constant 14 : i32
        %add3A_3038 = arith.addi %mul3A_2938, %add3A_3037 : i32
        %get3A_3039 = arith.index_cast %add3A_3038 : i32 to index
        %get3A_3040 = arith.constant 0 : index
        %get3A_3041 = tpu.vector_load %arg16[%get3A_3039, %get3A_3040] {strides = array<i32>} : memref<656x16xf32, #tpu.memory_space<vmem>>, vector<16xf32>,
        %add3A_3042 = arith.constant 14 : i32
        %add3A_3043 = arith.addi %mul3A_2938, %add3A_3042 : i32
        %add3A_3044 = arith.constant 1 : i32
        %add3A_3045 = arith.addi %add3A_3043, %add3A_3044 : i32
        %get3A_3046 = arith.index_cast %add3A_3045 : i32 to index
        %get3A_3047 = arith.constant 0 : index
        %get3A_3048 = tpu.vector_load %arg16[%get3A_3046, %get3A_3047] {strides = array<i32>} : memref<656x16xf32, #tpu.memory_space<vmem>>, vector<16xf32>,
        %mul3A_3049 = arith.mulf %get3A_3041, %get3A_3048 : vector<16xf32>
        %add3A_3050 = arith.addf %add3A_2980, %mul3A_3049 : vector<16xf32>
        %add3A_3051 = arith.constant 16 : i32
        %add3A_3052 = arith.addi %mul3A_2938, %add3A_3051 : i32
        %get3A_3053 = arith.index_cast %add3A_3052 : i32 to index
        %get3A_3054 = arith.constant 0 : index
        %get3A_3055 = tpu.vector_load %arg16[%get3A_3053, %get3A_3054] {strides = array<i32>} : memref<656x16xf32, #tpu.memory_space<vmem>>, vector<16xf32>,
        %add3A_3056 = arith.constant 16 : i32
        %add3A_3057 = arith.addi %mul3A_2938, %add3A_3056 : i32
        %add3A_3058 = arith.constant 1 : i32
        %add3A_3059 = arith.addi %add3A_3057, %add3A_3058 : i32
        %get3A_3060 = arith.index_cast %add3A_3059 : i32 to index
        %get3A_3061 = arith.constant 0 : index
        %get3A_3062 = tpu.vector_load %arg16[%get3A_3060, %get3A_3061] {strides = array<i32>} : memref<656x16xf32, #tpu.memory_space<vmem>>, vector<16xf32>,
        %mul3A_3063 = arith.mulf %get3A_3055, %get3A_3062 : vector<16xf32>
        %add3A_3064 = arith.addf %add3A_2994, %mul3A_3063 : vector<16xf32>
        %add3A_3065 = arith.constant 18 : i32
        %add3A_3066 = arith.addi %mul3A_2938, %add3A_3065 : i32
        %get3A_3067 = arith.index_cast %add3A_3066 : i32 to index
        %get3A_3068 = arith.constant 0 : index
        %get3A_3069 = tpu.vector_load %arg16[%get3A_3067, %get3A_3068] {strides = array<i32>} : memref<656x16xf32, #tpu.memory_space<vmem>>, vector<16xf32>,
        %add3A_3070 = arith.constant 18 : i32
        %add3A_3071 = arith.addi %mul3A_2938, %add3A_3070 : i32
        %add3A_3072 = arith.constant 1 : i32
        %add3A_3073 = arith.addi %add3A_3071, %add3A_3072 : i32
        %get3A_3074 = arith.index_cast %add3A_3073 : i32 to index
        %get3A_3075 = arith.constant 0 : index
        %get3A_3076 = tpu.vector_load %arg16[%get3A_3074, %get3A_3075] {strides = array<i32>} : memref<656x16xf32, #tpu.memory_space<vmem>>, vector<16xf32>,
        %mul3A_3077 = arith.mulf %get3A_3069, %get3A_3076 : vector<16xf32>
        %add3A_3078 = arith.addf %add3A_3008, %mul3A_3077 : vector<16xf32>
        %add3A_3079 = arith.constant 20 : i32
        %add3A_3080 = arith.addi %mul3A_2938, %add3A_3079 : i32
        %get3A_3081 = arith.index_cast %add3A_3080 : i32 to index
        %get3A_3082 = arith.constant 0 : index
        %get3A_3083 = tpu.vector_load %arg16[%get3A_3081, %get3A_3082] {strides = array<i32>} : memref<656x16xf32, #tpu.memory_space<vmem>>, vector<16xf32>,
        %add3A_3084 = arith.constant 20 : i32
        %add3A_3085 = arith.addi %mul3A_2938, %add3A_3084 : i32
        %add3A_3086 = arith.constant 1 : i32
        %add3A_3087 = arith.addi %add3A_3085, %add3A_3086 : i32
        %get3A_3088 = arith.index_cast %add3A_3087 : i32 to index
        %get3A_3089 = arith.constant 0 : index
        %get3A_3090 = tpu.vector_load %arg16[%get3A_3088, %get3A_3089] {strides = array<i32>} : memref<656x16xf32, #tpu.memory_space<vmem>>, vector<16xf32>,
        %mul3A_3091 = arith.mulf %get3A_3083, %get3A_3090 : vector<16xf32>
        %add3A_3092 = arith.addf %add3A_3022, %mul3A_3091 : vector<16xf32>
        %add3A_3093 = arith.constant 22 : i32
        %add3A_3094 = arith.addi %mul3A_2938, %add3A_3093 : i32
        %get3A_3095 = arith.index_cast %add3A_3094 : i32 to index
        %get3A_3096 = arith.constant 0 : index
        %get3A_3097 = tpu.vector_load %arg16[%get3A_3095, %get3A_3096] {strides = array<i32>} : memref<656x16xf32, #tpu.memory_space<vmem>>, vector<16xf32>,
        %add3A_3098 = arith.constant 22 : i32
        %add3A_3099 = arith.addi %mul3A_2938, %add3A_3098 : i32
        %add3A_3100 = arith.constant 1 : i32
        %add3A_3101 = arith.addi %add3A_3099, %add3A_3100 : i32
        %get3A_3102 = arith.index_cast %add3A_3101 : i32 to index
        %get3A_3103 = arith.constant 0 : index
        %get3A_3104 = tpu.vector_load %arg16[%get3A_3102, %get3A_3103] {strides = array<i32>} : memref<656x16xf32, #tpu.memory_space<vmem>>, vector<16xf32>,
        %mul3A_3105 = arith.mulf %get3A_3097, %get3A_3104 : vector<16xf32>
        %add3A_3106 = arith.addf %add3A_3036, %mul3A_3105 : vector<16xf32>
        %add3A_3107 = arith.constant 24 : i32
        %add3A_3108 = arith.addi %mul3A_2938, %add3A_3107 : i32
        %get3A_3109 = arith.index_cast %add3A_3108 : i32 to index
        %get3A_3110 = arith.constant 0 : index
        %get3A_3111 = tpu.vector_load %arg16[%get3A_3109, %get3A_3110] {strides = array<i32>} : memref<656x16xf32, #tpu.memory_space<vmem>>, vector<16xf32>,
        %add3A_3112 = arith.constant 24 : i32
        %add3A_3113 = arith.addi %mul3A_2938, %add3A_3112 : i32
        %add3A_3114 = arith.constant 1 : i32
        %add3A_3115 = arith.addi %add3A_3113, %add3A_3114 : i32
        %get3A_3116 = arith.index_cast %add3A_3115 : i32 to index
        %get3A_3117 = arith.constant 0 : index
        %get3A_3118 = tpu.vector_load %arg16[%get3A_3116, %get3A_3117] {strides = array<i32>} : memref<656x16xf32, #tpu.memory_space<vmem>>, vector<16xf32>,
        %mul3A_3119 = arith.mulf %get3A_3111, %get3A_3118 : vector<16xf32>
        %add3A_3120 = arith.addf %add3A_3050, %mul3A_3119 : vector<16xf32>
        %add3A_3121 = arith.constant 26 : i32
        %add3A_3122 = arith.addi %mul3A_2938, %add3A_3121 : i32
        %get3A_3123 = arith.index_cast %add3A_3122 : i32 to index
        %get3A_3124 = arith.constant 0 : index
        %get3A_3125 = tpu.vector_load %arg16[%get3A_3123, %get3A_3124] {strides = array<i32>} : memref<656x16xf32, #tpu.memory_space<vmem>>, vector<16xf32>,
        %add3A_3126 = arith.constant 26 : i32
        %add3A_3127 = arith.addi %mul3A_2938, %add3A_3126 : i32
        %add3A_3128 = arith.constant 1 : i32
        %add3A_3129 = arith.addi %add3A_3127, %add3A_3128 : i32
        %get3A_3130 = arith.index_cast %add3A_3129 : i32 to index
        %get3A_3131 = arith.constant 0 : index
        %get3A_3132 = tpu.vector_load %arg16[%get3A_3130, %get3A_3131] {strides = array<i32>} : memref<656x16xf32, #tpu.memory_space<vmem>>, vector<16xf32>,
        %mul3A_3133 = arith.mulf %get3A_3125, %get3A_3132 : vector<16xf32>
        %add3A_3134 = arith.addf %add3A_3064, %mul3A_3133 : vector<16xf32>
        %add3A_3135 = arith.constant 28 : i32
        %add3A_3136 = arith.addi %mul3A_2938, %add3A_3135 : i32
        %get3A_3137 = arith.index_cast %add3A_3136 : i32 to index
        %get3A_3138 = arith.constant 0 : index
        %get3A_3139 = tpu.vector_load %arg16[%get3A_3137, %get3A_3138] {strides = array<i32>} : memref<656x16xf32, #tpu.memory_space<vmem>>, vector<16xf32>,
        %add3A_3140 = arith.constant 28 : i32
        %add3A_3141 = arith.addi %mul3A_2938, %add3A_3140 : i32
        %add3A_3142 = arith.constant 1 : i32
        %add3A_3143 = arith.addi %add3A_3141, %add3A_3142 : i32
        %get3A_3144 = arith.index_cast %add3A_3143 : i32 to index
        %get3A_3145 = arith.constant 0 : index
        %get3A_3146 = tpu.vector_load %arg16[%get3A_3144, %get3A_3145] {strides = array<i32>} : memref<656x16xf32, #tpu.memory_space<vmem>>, vector<16xf32>,
        %mul3A_3147 = arith.mulf %get3A_3139, %get3A_3146 : vector<16xf32>
        %add3A_3148 = arith.addf %add3A_3078, %mul3A_3147 : vector<16xf32>
        %add3A_3149 = arith.constant 30 : i32
        %add3A_3150 = arith.addi %mul3A_2938, %add3A_3149 : i32
        %get3A_3151 = arith.index_cast %add3A_3150 : i32 to index
        %get3A_3152 = arith.constant 0 : index
        %get3A_3153 = tpu.vector_load %arg16[%get3A_3151, %get3A_3152] {strides = array<i32>} : memref<656x16xf32, #tpu.memory_space<vmem>>, vector<16xf32>,
        %add3A_3154 = arith.constant 30 : i32
        %add3A_3155 = arith.addi %mul3A_2938, %add3A_3154 : i32
        %add3A_3156 = arith.constant 1 : i32
        %add3A_3157 = arith.addi %add3A_3155, %add3A_3156 : i32
        %get3A_3158 = arith.index_cast %add3A_3157 : i32 to index
        %get3A_3159 = arith.constant 0 : index
        %get3A_3160 = tpu.vector_load %arg16[%get3A_3158, %get3A_3159] {strides = array<i32>} : memref<656x16xf32, #tpu.memory_space<vmem>>, vector<16xf32>,
        %mul3A_3161 = arith.mulf %get3A_3153, %get3A_3160 : vector<16xf32>
        %add3A_3162 = arith.addf %add3A_3092, %mul3A_3161 : vector<16xf32>
        %add3A_3163 = arith.constant 32 : i32
        %add3A_3164 = arith.addi %mul3A_2938, %add3A_3163 : i32
        %get3A_3165 = arith.index_cast %add3A_3164 : i32 to index
        %get3A_3166 = arith.constant 0 : index
        %get3A_3167 = tpu.vector_load %arg16[%get3A_3165, %get3A_3166] {strides = array<i32>} : memref<656x16xf32, #tpu.memory_space<vmem>>, vector<16xf32>,
        %add3A_3168 = arith.constant 32 : i32
        %add3A_3169 = arith.addi %mul3A_2938, %add3A_3168 : i32
        %add3A_3170 = arith.constant 1 : i32
        %add3A_3171 = arith.addi %add3A_3169, %add3A_3170 : i32
        %get3A_3172 = arith.index_cast %add3A_3171 : i32 to index
        %get3A_3173 = arith.constant 0 : index
        %get3A_3174 = tpu.vector_load %arg16[%get3A_3172, %get3A_3173] {strides = array<i32>} : memref<656x16xf32, #tpu.memory_space<vmem>>, vector<16xf32>,
        %mul3A_3175 = arith.mulf %get3A_3167, %get3A_3174 : vector<16xf32>
        %add3A_3176 = arith.addf %add3A_3106, %mul3A_3175 : vector<16xf32>
        %add3A_3177 = arith.constant 34 : i32
        %add3A_3178 = arith.addi %mul3A_2938, %add3A_3177 : i32
        %get3A_3179 = arith.index_cast %add3A_3178 : i32 to index
        %get3A_3180 = arith.constant 0 : index
        %get3A_3181 = tpu.vector_load %arg16[%get3A_3179, %get3A_3180] {strides = array<i32>} : memref<656x16xf32, #tpu.memory_space<vmem>>, vector<16xf32>,
        %add3A_3182 = arith.constant 34 : i32
        %add3A_3183 = arith.addi %mul3A_2938, %add3A_3182 : i32
        %add3A_3184 = arith.constant 1 : i32
        %add3A_3185 = arith.addi %add3A_3183, %add3A_3184 : i32
        %get3A_3186 = arith.index_cast %add3A_3185 : i32 to index
        %get3A_3187 = arith.constant 0 : index
        %get3A_3188 = tpu.vector_load %arg16[%get3A_3186, %get3A_3187] {strides = array<i32>} : memref<656x16xf32, #tpu.memory_space<vmem>>, vector<16xf32>,
        %mul3A_3189 = arith.mulf %get3A_3181, %get3A_3188 : vector<16xf32>
        %add3A_3190 = arith.addf %add3A_3120, %mul3A_3189 : vector<16xf32>
        %add3A_3191 = arith.constant 36 : i32
        %add3A_3192 = arith.addi %mul3A_2938, %add3A_3191 : i32
        %get3A_3193 = arith.index_cast %add3A_3192 : i32 to index
        %get3A_3194 = arith.constant 0 : index
        %get3A_3195 = tpu.vector_load %arg16[%get3A_3193, %get3A_3194] {strides = array<i32>} : memref<656x16xf32, #tpu.memory_space<vmem>>, vector<16xf32>,
        %add3A_3196 = arith.constant 36 : i32
        %add3A_3197 = arith.addi %mul3A_2938, %add3A_3196 : i32
        %add3A_3198 = arith.constant 1 : i32
        %add3A_3199 = arith.addi %add3A_3197, %add3A_3198 : i32
        %get3A_3200 = arith.index_cast %add3A_3199 : i32 to index
        %get3A_3201 = arith.constant 0 : index
        %get3A_3202 = tpu.vector_load %arg16[%get3A_3200, %get3A_3201] {strides = array<i32>} : memref<656x16xf32, #tpu.memory_space<vmem>>, vector<16xf32>,
        %mul3A_3203 = arith.mulf %get3A_3195, %get3A_3202 : vector<16xf32>
        %add3A_3204 = arith.addf %add3A_3134, %mul3A_3203 : vector<16xf32>
        %add3A_3205 = arith.constant 38 : i32
        %add3A_3206 = arith.addi %mul3A_2938, %add3A_3205 : i32
        %get3A_3207 = arith.index_cast %add3A_3206 : i32 to index
        %get3A_3208 = arith.constant 0 : index
        %get3A_3209 = tpu.vector_load %arg16[%get3A_3207, %get3A_3208] {strides = array<i32>} : memref<656x16xf32, #tpu.memory_space<vmem>>, vector<16xf32>,
        %add3A_3210 = arith.constant 38 : i32
        %add3A_3211 = arith.addi %mul3A_2938, %add3A_3210 : i32
        %add3A_3212 = arith.constant 1 : i32
        %add3A_3213 = arith.addi %add3A_3211, %add3A_3212 : i32
        %get3A_3214 = arith.index_cast %add3A_3213 : i32 to index
        %get3A_3215 = arith.constant 0 : index
        %get3A_3216 = tpu.vector_load %arg16[%get3A_3214, %get3A_3215] {strides = array<i32>} : memref<656x16xf32, #tpu.memory_space<vmem>>, vector<16xf32>,
        %mul3A_3217 = arith.mulf %get3A_3209, %get3A_3216 : vector<16xf32>
        %add3A_3218 = arith.addf %add3A_3148, %mul3A_3217 : vector<16xf32>
        %add3A_3219 = arith.constant 40 : i32
        %add3A_3220 = arith.addi %mul3A_2938, %add3A_3219 : i32
        %get3A_3221 = arith.index_cast %add3A_3220 : i32 to index
        %get3A_3222 = arith.constant 0 : index
        %get3A_3223 = tpu.vector_load %arg16[%get3A_3221, %get3A_3222] {strides = array<i32>} : memref<656x16xf32, #tpu.memory_space<vmem>>, vector<16xf32>,
        %add3A_3224 = arith.constant 40 : i32
        %add3A_3225 = arith.addi %mul3A_2938, %add3A_3224 : i32
        %add3A_3226 = arith.constant 1 : i32
        %add3A_3227 = arith.addi %add3A_3225, %add3A_3226 : i32
        %get3A_3228 = arith.index_cast %add3A_3227 : i32 to index
        %get3A_3229 = arith.constant 0 : index
        %get3A_3230 = tpu.vector_load %arg16[%get3A_3228, %get3A_3229] {strides = array<i32>} : memref<656x16xf32, #tpu.memory_space<vmem>>, vector<16xf32>,
        %mul3A_3231 = arith.mulf %get3A_3223, %get3A_3230 : vector<16xf32>
        %add3A_3232 = arith.addf %add3A_3162, %mul3A_3231 : vector<16xf32>
        %add3A_3233 = arith.constant 42 : i32
        %add3A_3234 = arith.addi %mul3A_2938, %add3A_3233 : i32
        %get3A_3235 = arith.index_cast %add3A_3234 : i32 to index
        %get3A_3236 = arith.constant 0 : index
        %get3A_3237 = tpu.vector_load %arg16[%get3A_3235, %get3A_3236] {strides = array<i32>} : memref<656x16xf32, #tpu.memory_space<vmem>>, vector<16xf32>,
        %add3A_3238 = arith.constant 42 : i32
        %add3A_3239 = arith.addi %mul3A_2938, %add3A_3238 : i32
        %add3A_3240 = arith.constant 1 : i32
        %add3A_3241 = arith.addi %add3A_3239, %add3A_3240 : i32
        %get3A_3242 = arith.index_cast %add3A_3241 : i32 to index
        %get3A_3243 = arith.constant 0 : index
        %get3A_3244 = tpu.vector_load %arg16[%get3A_3242, %get3A_3243] {strides = array<i32>} : memref<656x16xf32, #tpu.memory_space<vmem>>, vector<16xf32>,
        %mul3A_3245 = arith.mulf %get3A_3237, %get3A_3244 : vector<16xf32>
        %add3A_3246 = arith.addf %add3A_3176, %mul3A_3245 : vector<16xf32>
        %add3A_3247 = arith.constant 44 : i32
        %add3A_3248 = arith.addi %mul3A_2938, %add3A_3247 : i32
        %get3A_3249 = arith.index_cast %add3A_3248 : i32 to index
        %get3A_3250 = arith.constant 0 : index
        %get3A_3251 = tpu.vector_load %arg16[%get3A_3249, %get3A_3250] {strides = array<i32>} : memref<656x16xf32, #tpu.memory_space<vmem>>, vector<16xf32>,
        %add3A_3252 = arith.constant 44 : i32
        %add3A_3253 = arith.addi %mul3A_2938, %add3A_3252 : i32
        %add3A_3254 = arith.constant 1 : i32
        %add3A_3255 = arith.addi %add3A_3253, %add3A_3254 : i32
        %get3A_3256 = arith.index_cast %add3A_3255 : i32 to index
        %get3A_3257 = arith.constant 0 : index
        %get3A_3258 = tpu.vector_load %arg16[%get3A_3256, %get3A_3257] {strides = array<i32>} : memref<656x16xf32, #tpu.memory_space<vmem>>, vector<16xf32>,
        %mul3A_3259 = arith.mulf %get3A_3251, %get3A_3258 : vector<16xf32>
        %add3A_3260 = arith.addf %add3A_3190, %mul3A_3259 : vector<16xf32>
        %add3A_3261 = arith.constant 46 : i32
        %add3A_3262 = arith.addi %mul3A_2938, %add3A_3261 : i32
        %get3A_3263 = arith.index_cast %add3A_3262 : i32 to index
        %get3A_3264 = arith.constant 0 : index
        %get3A_3265 = tpu.vector_load %arg16[%get3A_3263, %get3A_3264] {strides = array<i32>} : memref<656x16xf32, #tpu.memory_space<vmem>>, vector<16xf32>,
        %add3A_3266 = arith.constant 46 : i32
        %add3A_3267 = arith.addi %mul3A_2938, %add3A_3266 : i32
        %add3A_3268 = arith.constant 1 : i32
        %add3A_3269 = arith.addi %add3A_3267, %add3A_3268 : i32
        %get3A_3270 = arith.index_cast %add3A_3269 : i32 to index
        %get3A_3271 = arith.constant 0 : index
        %get3A_3272 = tpu.vector_load %arg16[%get3A_3270, %get3A_3271] {strides = array<i32>} : memref<656x16xf32, #tpu.memory_space<vmem>>, vector<16xf32>,
        %mul3A_3273 = arith.mulf %get3A_3265, %get3A_3272 : vector<16xf32>
        %add3A_3274 = arith.addf %add3A_3204, %mul3A_3273 : vector<16xf32>
        %add3A_3275 = arith.constant 48 : i32
        %add3A_3276 = arith.addi %mul3A_2938, %add3A_3275 : i32
        %get3A_3277 = arith.index_cast %add3A_3276 : i32 to index
        %get3A_3278 = arith.constant 0 : index
        %get3A_3279 = tpu.vector_load %arg16[%get3A_3277, %get3A_3278] {strides = array<i32>} : memref<656x16xf32, #tpu.memory_space<vmem>>, vector<16xf32>,
        %add3A_3280 = arith.constant 48 : i32
        %add3A_3281 = arith.addi %mul3A_2938, %add3A_3280 : i32
        %add3A_3282 = arith.constant 1 : i32
        %add3A_3283 = arith.addi %add3A_3281, %add3A_3282 : i32
        %get3A_3284 = arith.index_cast %add3A_3283 : i32 to index
        %get3A_3285 = arith.constant 0 : index
        %get3A_3286 = tpu.vector_load %arg16[%get3A_3284, %get3A_3285] {strides = array<i32>} : memref<656x16xf32, #tpu.memory_space<vmem>>, vector<16xf32>,
        %mul3A_3287 = arith.mulf %get3A_3279, %get3A_3286 : vector<16xf32>
        %add3A_3288 = arith.addf %add3A_3218, %mul3A_3287 : vector<16xf32>
        scf.yield %add3A_3232, %add3A_3246, %add3A_3260, %add3A_3274, %add3A_3288 : vector<16xf32>, vector<16xf32>, vector<16xf32>, vector<16xf32>, vector<16xf32>
      }
      %scan3A_2193 = arith.constant 13 : i32
      %add3A_2194 = arith.addf %scan3A_2192#0, %scan3A_2192#1 : vector<16xf32>
      %add3A_2195 = arith.addf %scan3A_2192#2, %scan3A_2192#3 : vector<16xf32>
      %add3A_2196 = arith.addf %add3A_2194, %add3A_2195 : vector<16xf32>
      %add3A_2197 = arith.addf %add3A_2196, %scan3A_2192#4 : vector<16xf32>
      %reduce_sum3A = arith.constant true
      %reduce_sum3A_2198 = vector.broadcast %reduce_sum3A : i1 to vector<16xi1>
      %reduce_sum3A_2199 = tpu.scan <sum>, %add3A_2197 masked %reduce_sum3A_2198 : vector<16xf32>, vector<16xi1> -> vector<16xf32>
      %reduce_sum3A_2200 = vector.extract %reduce_sum3A_2199[15] : f32 from vector<16xf32>
      %mul3A_2201 = arith.constant 26 : i32
      %mul3A_2202 = arith.muli %mul3A_1552, %mul3A_2201 : i32
      %add3A_2203 = vector.broadcast %mul3A_2202 : i32 to vector<16xi32>
      %add3A_2204 = arith.addi %add3A_2203, %iota3A : vector<16xi32>
      %gather3A_2205 = tpu.vector_load_idx %arg20[%add3A_2204] : memref<3328xf32, #tpu.memory_space<vmem>>[vector<16xi32>], vector<16xf32>,
      %lt3A = arith.constant 10 : i32
      %lt3A_2206 = vector.broadcast %lt3A : i32 to vector<16xi32>
      %lt3A_2207 = arith.cmpi slt, %iota3A, %lt3A_2206 : vector<16xi32>
      %mul3A_2208 = arith.constant 26 : i32
      %mul3A_2209 = arith.muli %mul3A_1552, %mul3A_2208 : i32
      %add3A_2210 = arith.constant 16 : i32
      %add3A_2211 = arith.addi %mul3A_2209, %add3A_2210 : i32
      %add3A_2212 = vector.broadcast %add3A_2211 : i32 to vector<16xi32>
      %add3A_2213 = arith.addi %add3A_2212, %iota3A : vector<16xi32>
      %jit3A = arith.constant 0 : i32
      %broadcast_in_dim3A_2214 = vector.broadcast %jit3A : i32 to vector<16xi32>
      %select_n3A = arith.select %lt3A_2207, %add3A_2213, %broadcast_in_dim3A_2214 : vector<16xi1>, vector<16xi32>
      %lt3A_2215 = arith.constant 10 : i32
      %lt3A_2216 = vector.broadcast %lt3A_2215 : i32 to vector<16xi32>
      %lt3A_2217 = arith.cmpi slt, %iota3A, %lt3A_2216 : vector<16xi32>
      %gather3A_2218 = tpu.vector_load_idx %arg20[%select_n3A] : memref<3328xf32, #tpu.memory_space<vmem>>[vector<16xi32>], vector<16xf32>,
      %broadcast_in_dim3A_2219 = arith.constant 0.000000e+00 : f32
      %broadcast_in_dim3A_2220 = vector.broadcast %broadcast_in_dim3A_2219 : f32 to vector<16xf32>
      %select_n3A_2221 = arith.select %lt3A_2217, %gather3A_2218, %broadcast_in_dim3A_2220 : vector<16xi1>, vector<16xf32>
      %add3A_2222 = arith.addf %gather3A_2205, %select_n3A_2221 : vector<16xf32>
      %reduce_sum3A_2223 = arith.constant true
      %reduce_sum3A_2224 = vector.broadcast %reduce_sum3A_2223 : i1 to vector<16xi1>
      %reduce_sum3A_2225 = tpu.scan <sum>, %add3A_2222 masked %reduce_sum3A_2224 : vector<16xf32>, vector<16xi1> -> vector<16xf32>
      %reduce_sum3A_2226 = vector.extract %reduce_sum3A_2225[15] : f32 from vector<16xf32>
      %add3A_2227 = arith.addf %reduce_sum3A_2200, %reduce_sum3A_2226 : f32
      %rem3A = arith.constant 16 : i32
      %rem3A_2228 = arith.remsi %mul3A_1552, %rem3A : i32
      %eq3A = vector.broadcast %rem3A_2228 : i32 to vector<16xi32>
      %eq3A_2229 = arith.cmpi eq, %iota3A, %eq3A : vector<16xi32>
      %broadcast_in_dim3A_2230 = vector.broadcast %add3A_2227 : f32 to vector<16xf32>
      %select_n3A_2231 = arith.select %eq3A_2229, %broadcast_in_dim3A_2230, %scan3A_1550 : vector<16xi1>, vector<16xf32>
      %eq3A_2232 = arith.constant 15 : i32
      %eq3A_2233 = arith.cmpi eq, %rem3A_2228, %eq3A_2232 : i32
      %convert_element_type3A = arith.extui %eq3A_2233 : i1 to i32
      %cond3A = arith.constant 0 : i32
      %cond3A_2234 = arith.cmpi ne, %convert_element_type3A, %cond3A : i32
      scf.if %cond3A_2234 {
        %sub3A = arith.constant 15 : i32
        %sub3A_2929 = arith.subi %mul3A_1552, %sub3A : i32
        %add3A_2930 = vector.broadcast %sub3A_2929 : i32 to vector<16xi32>
        %add3A_2931 = arith.addi %add3A_2930, %iota3A : vector<16xi32>
        tpu.vector_store_idx %arg21[%add3A_2931], %select_n3A_2231 : memref<128xf32, #tpu.memory_space<vmem>>[vector<16xi32>], vector<16xf32>,
      } else {
      }
      %add3A_2235 = arith.constant 2 : i32
      %add3A_2236 = arith.addi %mul3A_1552, %add3A_2235 : i32
      %rem3A_2237 = arith.constant 128 : i32
      %rem3A_2238 = arith.remsi %add3A_2236, %rem3A_2237 : i32
      %get3A_2239 = arith.constant 0 : index
      %get3A_2240 = tpu.vector_load %arg13[%get3A_2239] {strides = array<i32>} : memref<656xi32, #tpu.memory_space<vmem>>, vector<16xi32>,
      %get3A_2241 = arith.constant 0 : index
      %get3A_2242 = tpu.vector_load %arg14[%get3A_2241] {strides = array<i32>} : memref<656xi32, #tpu.memory_space<vmem>>, vector<16xi32>,
      %mul3A_2243 = arith.constant 26 : i32
      %mul3A_2244 = arith.muli %rem3A_2238, %mul3A_2243 : i32
      %add3A_2245 = vector.broadcast %mul3A_2244 : i32 to vector<16xi32>
      %add3A_2246 = arith.addi %add3A_2245, %get3A_2240 : vector<16xi32>
      %gather3A_2247 = tpu.vector_load_idx %arg11[%add3A_2246] : memref<3328xi32, #tpu.memory_space<vmem>>[vector<16xi32>], vector<16xi32>,
      %shift_left3A_2248 = arith.constant 3 : i32
      %shift_left3A_2249 = vector.broadcast %shift_left3A_2248 : i32 to vector<16xi32>
      %shift_left3A_2250 = arith.shli %gather3A_2247, %shift_left3A_2249 : vector<16xi32>
      %add3A_2251 = arith.addi %shift_left3A_2250, %get3A_2242 : vector<16xi32>
      %swap3A_2252 = arith.constant 0 : index
      %swap3A_2253 = tpu.vector_load %arg15[%swap3A_2252] {strides = array<i32>} : memref<656xi32, #tpu.memory_space<vmem>>, vector<16xi32>,
      tpu.vector_store %arg15[%swap3A_2252], %add3A_2251 {strides = array<i32>} : memref<656xi32, #tpu.memory_space<vmem>>, vector<16xi32>,
      %get3A_2254 = arith.constant 16 : index
      %get3A_2255 = tpu.vector_load %arg13[%get3A_2254] {strides = array<i32>} : memref<656xi32, #tpu.memory_space<vmem>>, vector<16xi32>,
      %get3A_2256 = arith.constant 16 : index
      %get3A_2257 = tpu.vector_load %arg14[%get3A_2256] {strides = array<i32>} : memref<656xi32, #tpu.memory_space<vmem>>, vector<16xi32>,
      %mul3A_2258 = arith.constant 26 : i32
      %mul3A_2259 = arith.muli %rem3A_2238, %mul3A_2258 : i32
      %add3A_2260 = vector.broadcast %mul3A_2259 : i32 to vector<16xi32>
      %add3A_2261 = arith.addi %add3A_2260, %get3A_2255 : vector<16xi32>
      %gather3A_2262 = tpu.vector_load_idx %arg11[%add3A_2261] : memref<3328xi32, #tpu.memory_space<vmem>>[vector<16xi32>], vector<16xi32>,
      %shift_left3A_2263 = arith.constant 3 : i32
      %shift_left3A_2264 = vector.broadcast %shift_left3A_2263 : i32 to vector<16xi32>
      %shift_left3A_2265 = arith.shli %gather3A_2262, %shift_left3A_2264 : vector<16xi32>
      %add3A_2266 = arith.addi %shift_left3A_2265, %get3A_2257 : vector<16xi32>
      %swap3A_2267 = arith.constant 16 : index
      %swap3A_2268 = tpu.vector_load %arg15[%swap3A_2267] {strides = array<i32>} : memref<656xi32, #tpu.memory_space<vmem>>, vector<16xi32>,
      tpu.vector_store %arg15[%swap3A_2267], %add3A_2266 {strides = array<i32>} : memref<656xi32, #tpu.memory_space<vmem>>, vector<16xi32>,
      %get3A_2269 = arith.constant 32 : index
      %get3A_2270 = tpu.vector_load %arg13[%get3A_2269] {strides = array<i32>} : memref<656xi32, #tpu.memory_space<vmem>>, vector<16xi32>,
      %get3A_2271 = arith.constant 32 : index
      %get3A_2272 = tpu.vector_load %arg14[%get3A_2271] {strides = array<i32>} : memref<656xi32, #tpu.memory_space<vmem>>, vector<16xi32>,
      %mul3A_2273 = arith.constant 26 : i32
      %mul3A_2274 = arith.muli %rem3A_2238, %mul3A_2273 : i32
      %add3A_2275 = vector.broadcast %mul3A_2274 : i32 to vector<16xi32>
      %add3A_2276 = arith.addi %add3A_2275, %get3A_2270 : vector<16xi32>
      %gather3A_2277 = tpu.vector_load_idx %arg11[%add3A_2276] : memref<3328xi32, #tpu.memory_space<vmem>>[vector<16xi32>], vector<16xi32>,
      %shift_left3A_2278 = arith.constant 3 : i32
      %shift_left3A_2279 = vector.broadcast %shift_left3A_2278 : i32 to vector<16xi32>
      %shift_left3A_2280 = arith.shli %gather3A_2277, %shift_left3A_2279 : vector<16xi32>
      %add3A_2281 = arith.addi %shift_left3A_2280, %get3A_2272 : vector<16xi32>
      %swap3A_2282 = arith.constant 32 : index
      %swap3A_2283 = tpu.vector_load %arg15[%swap3A_2282] {strides = array<i32>} : memref<656xi32, #tpu.memory_space<vmem>>, vector<16xi32>,
      tpu.vector_store %arg15[%swap3A_2282], %add3A_2281 {strides = array<i32>} : memref<656xi32, #tpu.memory_space<vmem>>, vector<16xi32>,
      %get3A_2284 = arith.constant 48 : index
      %get3A_2285 = tpu.vector_load %arg13[%get3A_2284] {strides = array<i32>} : memref<656xi32, #tpu.memory_space<vmem>>, vector<16xi32>,
      %get3A_2286 = arith.constant 48 : index
      %get3A_2287 = tpu.vector_load %arg14[%get3A_2286] {strides = array<i32>} : memref<656xi32, #tpu.memory_space<vmem>>, vector<16xi32>,
      %mul3A_2288 = arith.constant 26 : i32
      %mul3A_2289 = arith.muli %rem3A_2238, %mul3A_2288 : i32
      %add3A_2290 = vector.broadcast %mul3A_2289 : i32 to vector<16xi32>
      %add3A_2291 = arith.addi %add3A_2290, %get3A_2285 : vector<16xi32>
      %gather3A_2292 = tpu.vector_load_idx %arg11[%add3A_2291] : memref<3328xi32, #tpu.memory_space<vmem>>[vector<16xi32>], vector<16xi32>,
      %shift_left3A_2293 = arith.constant 3 : i32
      %shift_left3A_2294 = vector.broadcast %shift_left3A_2293 : i32 to vector<16xi32>
      %shift_left3A_2295 = arith.shli %gather3A_2292, %shift_left3A_2294 : vector<16xi32>
      %add3A_2296 = arith.addi %shift_left3A_2295, %get3A_2287 : vector<16xi32>
      %swap3A_2297 = arith.constant 48 : index
      %swap3A_2298 = tpu.vector_load %arg15[%swap3A_2297] {strides = array<i32>} : memref<656xi32, #tpu.memory_space<vmem>>, vector<16xi32>,
      tpu.vector_store %arg15[%swap3A_2297], %add3A_2296 {strides = array<i32>} : memref<656xi32, #tpu.memory_space<vmem>>, vector<16xi32>,
      %get3A_2299 = arith.constant 64 : index
      %get3A_2300 = tpu.vector_load %arg13[%get3A_2299] {strides = array<i32>} : memref<656xi32, #tpu.memory_space<vmem>>, vector<16xi32>,
      %get3A_2301 = arith.constant 64 : index
      %get3A_2302 = tpu.vector_load %arg14[%get3A_2301] {strides = array<i32>} : memref<656xi32, #tpu.memory_space<vmem>>, vector<16xi32>,
      %mul3A_2303 = arith.constant 26 : i32
      %mul3A_2304 = arith.muli %rem3A_2238, %mul3A_2303 : i32
      %add3A_2305 = vector.broadcast %mul3A_2304 : i32 to vector<16xi32>
      %add3A_2306 = arith.addi %add3A_2305, %get3A_2300 : vector<16xi32>
      %gather3A_2307 = tpu.vector_load_idx %arg11[%add3A_2306] : memref<3328xi32, #tpu.memory_space<vmem>>[vector<16xi32>], vector<16xi32>,
      %shift_left3A_2308 = arith.constant 3 : i32
      %shift_left3A_2309 = vector.broadcast %shift_left3A_2308 : i32 to vector<16xi32>
      %shift_left3A_2310 = arith.shli %gather3A_2307, %shift_left3A_2309 : vector<16xi32>
      %add3A_2311 = arith.addi %shift_left3A_2310, %get3A_2302 : vector<16xi32>
      %swap3A_2312 = arith.constant 64 : index
      %swap3A_2313 = tpu.vector_load %arg15[%swap3A_2312] {strides = array<i32>} : memref<656xi32, #tpu.memory_space<vmem>>, vector<16xi32>,
      tpu.vector_store %arg15[%swap3A_2312], %add3A_2311 {strides = array<i32>} : memref<656xi32, #tpu.memory_space<vmem>>, vector<16xi32>,
      %get3A_2314 = arith.constant 80 : index
      %get3A_2315 = tpu.vector_load %arg13[%get3A_2314] {strides = array<i32>} : memref<656xi32, #tpu.memory_space<vmem>>, vector<16xi32>,
      %get3A_2316 = arith.constant 80 : index
      %get3A_2317 = tpu.vector_load %arg14[%get3A_2316] {strides = array<i32>} : memref<656xi32, #tpu.memory_space<vmem>>, vector<16xi32>,
      %mul3A_2318 = arith.constant 26 : i32
      %mul3A_2319 = arith.muli %rem3A_2238, %mul3A_2318 : i32
      %add3A_2320 = vector.broadcast %mul3A_2319 : i32 to vector<16xi32>
      %add3A_2321 = arith.addi %add3A_2320, %get3A_2315 : vector<16xi32>
      %gather3A_2322 = tpu.vector_load_idx %arg11[%add3A_2321] : memref<3328xi32, #tpu.memory_space<vmem>>[vector<16xi32>], vector<16xi32>,
      %shift_left3A_2323 = arith.constant 3 : i32
      %shift_left3A_2324 = vector.broadcast %shift_left3A_2323 : i32 to vector<16xi32>
      %shift_left3A_2325 = arith.shli %gather3A_2322, %shift_left3A_2324 : vector<16xi32>
      %add3A_2326 = arith.addi %shift_left3A_2325, %get3A_2317 : vector<16xi32>
      %swap3A_2327 = arith.constant 80 : index
      %swap3A_2328 = tpu.vector_load %arg15[%swap3A_2327] {strides = array<i32>} : memref<656xi32, #tpu.memory_space<vmem>>, vector<16xi32>,
      tpu.vector_store %arg15[%swap3A_2327], %add3A_2326 {strides = array<i32>} : memref<656xi32, #tpu.memory_space<vmem>>, vector<16xi32>,
      %get3A_2329 = arith.constant 96 : index
      %get3A_2330 = tpu.vector_load %arg13[%get3A_2329] {strides = array<i32>} : memref<656xi32, #tpu.memory_space<vmem>>, vector<16xi32>,
      %get3A_2331 = arith.constant 96 : index
      %get3A_2332 = tpu.vector_load %arg14[%get3A_2331] {strides = array<i32>} : memref<656xi32, #tpu.memory_space<vmem>>, vector<16xi32>,
      %mul3A_2333 = arith.constant 26 : i32
      %mul3A_2334 = arith.muli %rem3A_2238, %mul3A_2333 : i32
      %add3A_2335 = vector.broadcast %mul3A_2334 : i32 to vector<16xi32>
      %add3A_2336 = arith.addi %add3A_2335, %get3A_2330 : vector<16xi32>
      %gather3A_2337 = tpu.vector_load_idx %arg11[%add3A_2336] : memref<3328xi32, #tpu.memory_space<vmem>>[vector<16xi32>], vector<16xi32>,
      %shift_left3A_2338 = arith.constant 3 : i32
      %shift_left3A_2339 = vector.broadcast %shift_left3A_2338 : i32 to vector<16xi32>
      %shift_left3A_2340 = arith.shli %gather3A_2337, %shift_left3A_2339 : vector<16xi32>
      %add3A_2341 = arith.addi %shift_left3A_2340, %get3A_2332 : vector<16xi32>
      %swap3A_2342 = arith.constant 96 : index
      %swap3A_2343 = tpu.vector_load %arg15[%swap3A_2342] {strides = array<i32>} : memref<656xi32, #tpu.memory_space<vmem>>, vector<16xi32>,
      tpu.vector_store %arg15[%swap3A_2342], %add3A_2341 {strides = array<i32>} : memref<656xi32, #tpu.memory_space<vmem>>, vector<16xi32>,
      %get3A_2344 = arith.constant 112 : index
      %get3A_2345 = tpu.vector_load %arg13[%get3A_2344] {strides = array<i32>} : memref<656xi32, #tpu.memory_space<vmem>>, vector<16xi32>,
      %get3A_2346 = arith.constant 112 : index
      %get3A_2347 = tpu.vector_load %arg14[%get3A_2346] {strides = array<i32>} : memref<656xi32, #tpu.memory_space<vmem>>, vector<16xi32>,
      %mul3A_2348 = arith.constant 26 : i32
      %mul3A_2349 = arith.muli %rem3A_2238, %mul3A_2348 : i32
      %add3A_2350 = vector.broadcast %mul3A_2349 : i32 to vector<16xi32>
      %add3A_2351 = arith.addi %add3A_2350, %get3A_2345 : vector<16xi32>
      %gather3A_2352 = tpu.vector_load_idx %arg11[%add3A_2351] : memref<3328xi32, #tpu.memory_space<vmem>>[vector<16xi32>], vector<16xi32>,
      %shift_left3A_2353 = arith.constant 3 : i32
      %shift_left3A_2354 = vector.broadcast %shift_left3A_2353 : i32 to vector<16xi32>
      %shift_left3A_2355 = arith.shli %gather3A_2352, %shift_left3A_2354 : vector<16xi32>
      %add3A_2356 = arith.addi %shift_left3A_2355, %get3A_2347 : vector<16xi32>
      %swap3A_2357 = arith.constant 112 : index
      %swap3A_2358 = tpu.vector_load %arg15[%swap3A_2357] {strides = array<i32>} : memref<656xi32, #tpu.memory_space<vmem>>, vector<16xi32>,
      tpu.vector_store %arg15[%swap3A_2357], %add3A_2356 {strides = array<i32>} : memref<656xi32, #tpu.memory_space<vmem>>, vector<16xi32>,
      %get3A_2359 = arith.constant 128 : index
      %get3A_2360 = tpu.vector_load %arg13[%get3A_2359] {strides = array<i32>} : memref<656xi32, #tpu.memory_space<vmem>>, vector<16xi32>,
      %get3A_2361 = arith.constant 128 : index
      %get3A_2362 = tpu.vector_load %arg14[%get3A_2361] {strides = array<i32>} : memref<656xi32, #tpu.memory_space<vmem>>, vector<16xi32>,
      %mul3A_2363 = arith.constant 26 : i32
      %mul3A_2364 = arith.muli %rem3A_2238, %mul3A_2363 : i32
      %add3A_2365 = vector.broadcast %mul3A_2364 : i32 to vector<16xi32>
      %add3A_2366 = arith.addi %add3A_2365, %get3A_2360 : vector<16xi32>
      %gather3A_2367 = tpu.vector_load_idx %arg11[%add3A_2366] : memref<3328xi32, #tpu.memory_space<vmem>>[vector<16xi32>], vector<16xi32>,
      %shift_left3A_2368 = arith.constant 3 : i32
      %shift_left3A_2369 = vector.broadcast %shift_left3A_2368 : i32 to vector<16xi32>
      %shift_left3A_2370 = arith.shli %gather3A_2367, %shift_left3A_2369 : vector<16xi32>
      %add3A_2371 = arith.addi %shift_left3A_2370, %get3A_2362 : vector<16xi32>
      %swap3A_2372 = arith.constant 128 : index
      %swap3A_2373 = tpu.vector_load %arg15[%swap3A_2372] {strides = array<i32>} : memref<656xi32, #tpu.memory_space<vmem>>, vector<16xi32>,
      tpu.vector_store %arg15[%swap3A_2372], %add3A_2371 {strides = array<i32>} : memref<656xi32, #tpu.memory_space<vmem>>, vector<16xi32>,
      %get3A_2374 = arith.constant 144 : index
      %get3A_2375 = tpu.vector_load %arg13[%get3A_2374] {strides = array<i32>} : memref<656xi32, #tpu.memory_space<vmem>>, vector<16xi32>,
      %get3A_2376 = arith.constant 144 : index
      %get3A_2377 = tpu.vector_load %arg14[%get3A_2376] {strides = array<i32>} : memref<656xi32, #tpu.memory_space<vmem>>, vector<16xi32>,
      %mul3A_2378 = arith.constant 26 : i32
      %mul3A_2379 = arith.muli %rem3A_2238, %mul3A_2378 : i32
      %add3A_2380 = vector.broadcast %mul3A_2379 : i32 to vector<16xi32>
      %add3A_2381 = arith.addi %add3A_2380, %get3A_2375 : vector<16xi32>
      %gather3A_2382 = tpu.vector_load_idx %arg11[%add3A_2381] : memref<3328xi32, #tpu.memory_space<vmem>>[vector<16xi32>], vector<16xi32>,
      %shift_left3A_2383 = arith.constant 3 : i32
      %shift_left3A_2384 = vector.broadcast %shift_left3A_2383 : i32 to vector<16xi32>
      %shift_left3A_2385 = arith.shli %gather3A_2382, %shift_left3A_2384 : vector<16xi32>
      %add3A_2386 = arith.addi %shift_left3A_2385, %get3A_2377 : vector<16xi32>
      %swap3A_2387 = arith.constant 144 : index
      %swap3A_2388 = tpu.vector_load %arg15[%swap3A_2387] {strides = array<i32>} : memref<656xi32, #tpu.memory_space<vmem>>, vector<16xi32>,
      tpu.vector_store %arg15[%swap3A_2387], %add3A_2386 {strides = array<i32>} : memref<656xi32, #tpu.memory_space<vmem>>, vector<16xi32>,
      %get3A_2389 = arith.constant 160 : index
      %get3A_2390 = tpu.vector_load %arg13[%get3A_2389] {strides = array<i32>} : memref<656xi32, #tpu.memory_space<vmem>>, vector<16xi32>,
      %get3A_2391 = arith.constant 160 : index
      %get3A_2392 = tpu.vector_load %arg14[%get3A_2391] {strides = array<i32>} : memref<656xi32, #tpu.memory_space<vmem>>, vector<16xi32>,
      %mul3A_2393 = arith.constant 26 : i32
      %mul3A_2394 = arith.muli %rem3A_2238, %mul3A_2393 : i32
      %add3A_2395 = vector.broadcast %mul3A_2394 : i32 to vector<16xi32>
      %add3A_2396 = arith.addi %add3A_2395, %get3A_2390 : vector<16xi32>
      %gather3A_2397 = tpu.vector_load_idx %arg11[%add3A_2396] : memref<3328xi32, #tpu.memory_space<vmem>>[vector<16xi32>], vector<16xi32>,
      %shift_left3A_2398 = arith.constant 3 : i32
      %shift_left3A_2399 = vector.broadcast %shift_left3A_2398 : i32 to vector<16xi32>
      %shift_left3A_2400 = arith.shli %gather3A_2397, %shift_left3A_2399 : vector<16xi32>
      %add3A_2401 = arith.addi %shift_left3A_2400, %get3A_2392 : vector<16xi32>
      %swap3A_2402 = arith.constant 160 : index
      %swap3A_2403 = tpu.vector_load %arg15[%swap3A_2402] {strides = array<i32>} : memref<656xi32, #tpu.memory_space<vmem>>, vector<16xi32>,
      tpu.vector_store %arg15[%swap3A_2402], %add3A_2401 {strides = array<i32>} : memref<656xi32, #tpu.memory_space<vmem>>, vector<16xi32>,
      %get3A_2404 = arith.constant 176 : index
      %get3A_2405 = tpu.vector_load %arg13[%get3A_2404] {strides = array<i32>} : memref<656xi32, #tpu.memory_space<vmem>>, vector<16xi32>,
      %get3A_2406 = arith.constant 176 : index
      %get3A_2407 = tpu.vector_load %arg14[%get3A_2406] {strides = array<i32>} : memref<656xi32, #tpu.memory_space<vmem>>, vector<16xi32>,
      %mul3A_2408 = arith.constant 26 : i32
      %mul3A_2409 = arith.muli %rem3A_2238, %mul3A_2408 : i32
      %add3A_2410 = vector.broadcast %mul3A_2409 : i32 to vector<16xi32>
      %add3A_2411 = arith.addi %add3A_2410, %get3A_2405 : vector<16xi32>
      %gather3A_2412 = tpu.vector_load_idx %arg11[%add3A_2411] : memref<3328xi32, #tpu.memory_space<vmem>>[vector<16xi32>], vector<16xi32>,
      %shift_left3A_2413 = arith.constant 3 : i32
      %shift_left3A_2414 = vector.broadcast %shift_left3A_2413 : i32 to vector<16xi32>
      %shift_left3A_2415 = arith.shli %gather3A_2412, %shift_left3A_2414 : vector<16xi32>
      %add3A_2416 = arith.addi %shift_left3A_2415, %get3A_2407 : vector<16xi32>
      %swap3A_2417 = arith.constant 176 : index
      %swap3A_2418 = tpu.vector_load %arg15[%swap3A_2417] {strides = array<i32>} : memref<656xi32, #tpu.memory_space<vmem>>, vector<16xi32>,
      tpu.vector_store %arg15[%swap3A_2417], %add3A_2416 {strides = array<i32>} : memref<656xi32, #tpu.memory_space<vmem>>, vector<16xi32>,
      %get3A_2419 = arith.constant 192 : index
      %get3A_2420 = tpu.vector_load %arg13[%get3A_2419] {strides = array<i32>} : memref<656xi32, #tpu.memory_space<vmem>>, vector<16xi32>,
      %get3A_2421 = arith.constant 192 : index
      %get3A_2422 = tpu.vector_load %arg14[%get3A_2421] {strides = array<i32>} : memref<656xi32, #tpu.memory_space<vmem>>, vector<16xi32>,
      %mul3A_2423 = arith.constant 26 : i32
      %mul3A_2424 = arith.muli %rem3A_2238, %mul3A_2423 : i32
      %add3A_2425 = vector.broadcast %mul3A_2424 : i32 to vector<16xi32>
      %add3A_2426 = arith.addi %add3A_2425, %get3A_2420 : vector<16xi32>
      %gather3A_2427 = tpu.vector_load_idx %arg11[%add3A_2426] : memref<3328xi32, #tpu.memory_space<vmem>>[vector<16xi32>], vector<16xi32>,
      %shift_left3A_2428 = arith.constant 3 : i32
      %shift_left3A_2429 = vector.broadcast %shift_left3A_2428 : i32 to vector<16xi32>
      %shift_left3A_2430 = arith.shli %gather3A_2427, %shift_left3A_2429 : vector<16xi32>
      %add3A_2431 = arith.addi %shift_left3A_2430, %get3A_2422 : vector<16xi32>
      %swap3A_2432 = arith.constant 192 : index
      %swap3A_2433 = tpu.vector_load %arg15[%swap3A_2432] {strides = array<i32>} : memref<656xi32, #tpu.memory_space<vmem>>, vector<16xi32>,
      tpu.vector_store %arg15[%swap3A_2432], %add3A_2431 {strides = array<i32>} : memref<656xi32, #tpu.memory_space<vmem>>, vector<16xi32>,
      %get3A_2434 = arith.constant 208 : index
      %get3A_2435 = tpu.vector_load %arg13[%get3A_2434] {strides = array<i32>} : memref<656xi32, #tpu.memory_space<vmem>>, vector<16xi32>,
      %get3A_2436 = arith.constant 208 : index
      %get3A_2437 = tpu.vector_load %arg14[%get3A_2436] {strides = array<i32>} : memref<656xi32, #tpu.memory_space<vmem>>, vector<16xi32>,
      %mul3A_2438 = arith.constant 26 : i32
      %mul3A_2439 = arith.muli %rem3A_2238, %mul3A_2438 : i32
      %add3A_2440 = vector.broadcast %mul3A_2439 : i32 to vector<16xi32>
      %add3A_2441 = arith.addi %add3A_2440, %get3A_2435 : vector<16xi32>
      %gather3A_2442 = tpu.vector_load_idx %arg11[%add3A_2441] : memref<3328xi32, #tpu.memory_space<vmem>>[vector<16xi32>], vector<16xi32>,
      %shift_left3A_2443 = arith.constant 3 : i32
      %shift_left3A_2444 = vector.broadcast %shift_left3A_2443 : i32 to vector<16xi32>
      %shift_left3A_2445 = arith.shli %gather3A_2442, %shift_left3A_2444 : vector<16xi32>
      %add3A_2446 = arith.addi %shift_left3A_2445, %get3A_2437 : vector<16xi32>
      %swap3A_2447 = arith.constant 208 : index
      %swap3A_2448 = tpu.vector_load %arg15[%swap3A_2447] {strides = array<i32>} : memref<656xi32, #tpu.memory_space<vmem>>, vector<16xi32>,
      tpu.vector_store %arg15[%swap3A_2447], %add3A_2446 {strides = array<i32>} : memref<656xi32, #tpu.memory_space<vmem>>, vector<16xi32>,
      %get3A_2449 = arith.constant 224 : index
      %get3A_2450 = tpu.vector_load %arg13[%get3A_2449] {strides = array<i32>} : memref<656xi32, #tpu.memory_space<vmem>>, vector<16xi32>,
      %get3A_2451 = arith.constant 224 : index
      %get3A_2452 = tpu.vector_load %arg14[%get3A_2451] {strides = array<i32>} : memref<656xi32, #tpu.memory_space<vmem>>, vector<16xi32>,
      %mul3A_2453 = arith.constant 26 : i32
      %mul3A_2454 = arith.muli %rem3A_2238, %mul3A_2453 : i32
      %add3A_2455 = vector.broadcast %mul3A_2454 : i32 to vector<16xi32>
      %add3A_2456 = arith.addi %add3A_2455, %get3A_2450 : vector<16xi32>
      %gather3A_2457 = tpu.vector_load_idx %arg11[%add3A_2456] : memref<3328xi32, #tpu.memory_space<vmem>>[vector<16xi32>], vector<16xi32>,
      %shift_left3A_2458 = arith.constant 3 : i32
      %shift_left3A_2459 = vector.broadcast %shift_left3A_2458 : i32 to vector<16xi32>
      %shift_left3A_2460 = arith.shli %gather3A_2457, %shift_left3A_2459 : vector<16xi32>
      %add3A_2461 = arith.addi %shift_left3A_2460, %get3A_2452 : vector<16xi32>
      %swap3A_2462 = arith.constant 224 : index
      %swap3A_2463 = tpu.vector_load %arg15[%swap3A_2462] {strides = array<i32>} : memref<656xi32, #tpu.memory_space<vmem>>, vector<16xi32>,
      tpu.vector_store %arg15[%swap3A_2462], %add3A_2461 {strides = array<i32>} : memref<656xi32, #tpu.memory_space<vmem>>, vector<16xi32>,
      %get3A_2464 = arith.constant 240 : index
      %get3A_2465 = tpu.vector_load %arg13[%get3A_2464] {strides = array<i32>} : memref<656xi32, #tpu.memory_space<vmem>>, vector<16xi32>,
      %get3A_2466 = arith.constant 240 : index
      %get3A_2467 = tpu.vector_load %arg14[%get3A_2466] {strides = array<i32>} : memref<656xi32, #tpu.memory_space<vmem>>, vector<16xi32>,
      %mul3A_2468 = arith.constant 26 : i32
      %mul3A_2469 = arith.muli %rem3A_2238, %mul3A_2468 : i32
      %add3A_2470 = vector.broadcast %mul3A_2469 : i32 to vector<16xi32>
      %add3A_2471 = arith.addi %add3A_2470, %get3A_2465 : vector<16xi32>
      %gather3A_2472 = tpu.vector_load_idx %arg11[%add3A_2471] : memref<3328xi32, #tpu.memory_space<vmem>>[vector<16xi32>], vector<16xi32>,
      %shift_left3A_2473 = arith.constant 3 : i32
      %shift_left3A_2474 = vector.broadcast %shift_left3A_2473 : i32 to vector<16xi32>
      %shift_left3A_2475 = arith.shli %gather3A_2472, %shift_left3A_2474 : vector<16xi32>
      %add3A_2476 = arith.addi %shift_left3A_2475, %get3A_2467 : vector<16xi32>
      %swap3A_2477 = arith.constant 240 : index
      %swap3A_2478 = tpu.vector_load %arg15[%swap3A_2477] {strides = array<i32>} : memref<656xi32, #tpu.memory_space<vmem>>, vector<16xi32>,
      tpu.vector_store %arg15[%swap3A_2477], %add3A_2476 {strides = array<i32>} : memref<656xi32, #tpu.memory_space<vmem>>, vector<16xi32>,
      %get3A_2479 = arith.constant 256 : index
      %get3A_2480 = tpu.vector_load %arg13[%get3A_2479] {strides = array<i32>} : memref<656xi32, #tpu.memory_space<vmem>>, vector<16xi32>,
      %get3A_2481 = arith.constant 256 : index
      %get3A_2482 = tpu.vector_load %arg14[%get3A_2481] {strides = array<i32>} : memref<656xi32, #tpu.memory_space<vmem>>, vector<16xi32>,
      %mul3A_2483 = arith.constant 26 : i32
      %mul3A_2484 = arith.muli %rem3A_2238, %mul3A_2483 : i32
      %add3A_2485 = vector.broadcast %mul3A_2484 : i32 to vector<16xi32>
      %add3A_2486 = arith.addi %add3A_2485, %get3A_2480 : vector<16xi32>
      %gather3A_2487 = tpu.vector_load_idx %arg11[%add3A_2486] : memref<3328xi32, #tpu.memory_space<vmem>>[vector<16xi32>], vector<16xi32>,
      %shift_left3A_2488 = arith.constant 3 : i32
      %shift_left3A_2489 = vector.broadcast %shift_left3A_2488 : i32 to vector<16xi32>
      %shift_left3A_2490 = arith.shli %gather3A_2487, %shift_left3A_2489 : vector<16xi32>
      %add3A_2491 = arith.addi %shift_left3A_2490, %get3A_2482 : vector<16xi32>
      %swap3A_2492 = arith.constant 256 : index
      %swap3A_2493 = tpu.vector_load %arg15[%swap3A_2492] {strides = array<i32>} : memref<656xi32, #tpu.memory_space<vmem>>, vector<16xi32>,
      tpu.vector_store %arg15[%swap3A_2492], %add3A_2491 {strides = array<i32>} : memref<656xi32, #tpu.memory_space<vmem>>, vector<16xi32>,
      %get3A_2494 = arith.constant 272 : index
      %get3A_2495 = tpu.vector_load %arg13[%get3A_2494] {strides = array<i32>} : memref<656xi32, #tpu.memory_space<vmem>>, vector<16xi32>,
      %get3A_2496 = arith.constant 272 : index
      %get3A_2497 = tpu.vector_load %arg14[%get3A_2496] {strides = array<i32>} : memref<656xi32, #tpu.memory_space<vmem>>, vector<16xi32>,
      %mul3A_2498 = arith.constant 26 : i32
      %mul3A_2499 = arith.muli %rem3A_2238, %mul3A_2498 : i32
      %add3A_2500 = vector.broadcast %mul3A_2499 : i32 to vector<16xi32>
      %add3A_2501 = arith.addi %add3A_2500, %get3A_2495 : vector<16xi32>
      %gather3A_2502 = tpu.vector_load_idx %arg11[%add3A_2501] : memref<3328xi32, #tpu.memory_space<vmem>>[vector<16xi32>], vector<16xi32>,
      %shift_left3A_2503 = arith.constant 3 : i32
      %shift_left3A_2504 = vector.broadcast %shift_left3A_2503 : i32 to vector<16xi32>
      %shift_left3A_2505 = arith.shli %gather3A_2502, %shift_left3A_2504 : vector<16xi32>
      %add3A_2506 = arith.addi %shift_left3A_2505, %get3A_2497 : vector<16xi32>
      %swap3A_2507 = arith.constant 272 : index
      %swap3A_2508 = tpu.vector_load %arg15[%swap3A_2507] {strides = array<i32>} : memref<656xi32, #tpu.memory_space<vmem>>, vector<16xi32>,
      tpu.vector_store %arg15[%swap3A_2507], %add3A_2506 {strides = array<i32>} : memref<656xi32, #tpu.memory_space<vmem>>, vector<16xi32>,
      %get3A_2509 = arith.constant 288 : index
      %get3A_2510 = tpu.vector_load %arg13[%get3A_2509] {strides = array<i32>} : memref<656xi32, #tpu.memory_space<vmem>>, vector<16xi32>,
      %get3A_2511 = arith.constant 288 : index
      %get3A_2512 = tpu.vector_load %arg14[%get3A_2511] {strides = array<i32>} : memref<656xi32, #tpu.memory_space<vmem>>, vector<16xi32>,
      %mul3A_2513 = arith.constant 26 : i32
      %mul3A_2514 = arith.muli %rem3A_2238, %mul3A_2513 : i32
      %add3A_2515 = vector.broadcast %mul3A_2514 : i32 to vector<16xi32>
      %add3A_2516 = arith.addi %add3A_2515, %get3A_2510 : vector<16xi32>
      %gather3A_2517 = tpu.vector_load_idx %arg11[%add3A_2516] : memref<3328xi32, #tpu.memory_space<vmem>>[vector<16xi32>], vector<16xi32>,
      %shift_left3A_2518 = arith.constant 3 : i32
      %shift_left3A_2519 = vector.broadcast %shift_left3A_2518 : i32 to vector<16xi32>
      %shift_left3A_2520 = arith.shli %gather3A_2517, %shift_left3A_2519 : vector<16xi32>
      %add3A_2521 = arith.addi %shift_left3A_2520, %get3A_2512 : vector<16xi32>
      %swap3A_2522 = arith.constant 288 : index
      %swap3A_2523 = tpu.vector_load %arg15[%swap3A_2522] {strides = array<i32>} : memref<656xi32, #tpu.memory_space<vmem>>, vector<16xi32>,
      tpu.vector_store %arg15[%swap3A_2522], %add3A_2521 {strides = array<i32>} : memref<656xi32, #tpu.memory_space<vmem>>, vector<16xi32>,
      %get3A_2524 = arith.constant 304 : index
      %get3A_2525 = tpu.vector_load %arg13[%get3A_2524] {strides = array<i32>} : memref<656xi32, #tpu.memory_space<vmem>>, vector<16xi32>,
      %get3A_2526 = arith.constant 304 : index
      %get3A_2527 = tpu.vector_load %arg14[%get3A_2526] {strides = array<i32>} : memref<656xi32, #tpu.memory_space<vmem>>, vector<16xi32>,
      %mul3A_2528 = arith.constant 26 : i32
      %mul3A_2529 = arith.muli %rem3A_2238, %mul3A_2528 : i32
      %add3A_2530 = vector.broadcast %mul3A_2529 : i32 to vector<16xi32>
      %add3A_2531 = arith.addi %add3A_2530, %get3A_2525 : vector<16xi32>
      %gather3A_2532 = tpu.vector_load_idx %arg11[%add3A_2531] : memref<3328xi32, #tpu.memory_space<vmem>>[vector<16xi32>], vector<16xi32>,
      %shift_left3A_2533 = arith.constant 3 : i32
      %shift_left3A_2534 = vector.broadcast %shift_left3A_2533 : i32 to vector<16xi32>
      %shift_left3A_2535 = arith.shli %gather3A_2532, %shift_left3A_2534 : vector<16xi32>
      %add3A_2536 = arith.addi %shift_left3A_2535, %get3A_2527 : vector<16xi32>
      %swap3A_2537 = arith.constant 304 : index
      %swap3A_2538 = tpu.vector_load %arg15[%swap3A_2537] {strides = array<i32>} : memref<656xi32, #tpu.memory_space<vmem>>, vector<16xi32>,
      tpu.vector_store %arg15[%swap3A_2537], %add3A_2536 {strides = array<i32>} : memref<656xi32, #tpu.memory_space<vmem>>, vector<16xi32>,
      %get3A_2539 = arith.constant 320 : index
      %get3A_2540 = tpu.vector_load %arg13[%get3A_2539] {strides = array<i32>} : memref<656xi32, #tpu.memory_space<vmem>>, vector<16xi32>,
      %get3A_2541 = arith.constant 320 : index
      %get3A_2542 = tpu.vector_load %arg14[%get3A_2541] {strides = array<i32>} : memref<656xi32, #tpu.memory_space<vmem>>, vector<16xi32>,
      %mul3A_2543 = arith.constant 26 : i32
      %mul3A_2544 = arith.muli %rem3A_2238, %mul3A_2543 : i32
      %add3A_2545 = vector.broadcast %mul3A_2544 : i32 to vector<16xi32>
      %add3A_2546 = arith.addi %add3A_2545, %get3A_2540 : vector<16xi32>
      %gather3A_2547 = tpu.vector_load_idx %arg11[%add3A_2546] : memref<3328xi32, #tpu.memory_space<vmem>>[vector<16xi32>], vector<16xi32>,
      %shift_left3A_2548 = arith.constant 3 : i32
      %shift_left3A_2549 = vector.broadcast %shift_left3A_2548 : i32 to vector<16xi32>
      %shift_left3A_2550 = arith.shli %gather3A_2547, %shift_left3A_2549 : vector<16xi32>
      %add3A_2551 = arith.addi %shift_left3A_2550, %get3A_2542 : vector<16xi32>
      %swap3A_2552 = arith.constant 320 : index
      %swap3A_2553 = tpu.vector_load %arg15[%swap3A_2552] {strides = array<i32>} : memref<656xi32, #tpu.memory_space<vmem>>, vector<16xi32>,
      tpu.vector_store %arg15[%swap3A_2552], %add3A_2551 {strides = array<i32>} : memref<656xi32, #tpu.memory_space<vmem>>, vector<16xi32>,
      %get3A_2554 = arith.constant 336 : index
      %get3A_2555 = tpu.vector_load %arg13[%get3A_2554] {strides = array<i32>} : memref<656xi32, #tpu.memory_space<vmem>>, vector<16xi32>,
      %get3A_2556 = arith.constant 336 : index
      %get3A_2557 = tpu.vector_load %arg14[%get3A_2556] {strides = array<i32>} : memref<656xi32, #tpu.memory_space<vmem>>, vector<16xi32>,
      %mul3A_2558 = arith.constant 26 : i32
      %mul3A_2559 = arith.muli %rem3A_2238, %mul3A_2558 : i32
      %add3A_2560 = vector.broadcast %mul3A_2559 : i32 to vector<16xi32>
      %add3A_2561 = arith.addi %add3A_2560, %get3A_2555 : vector<16xi32>
      %gather3A_2562 = tpu.vector_load_idx %arg11[%add3A_2561] : memref<3328xi32, #tpu.memory_space<vmem>>[vector<16xi32>], vector<16xi32>,
      %shift_left3A_2563 = arith.constant 3 : i32
      %shift_left3A_2564 = vector.broadcast %shift_left3A_2563 : i32 to vector<16xi32>
      %shift_left3A_2565 = arith.shli %gather3A_2562, %shift_left3A_2564 : vector<16xi32>
      %add3A_2566 = arith.addi %shift_left3A_2565, %get3A_2557 : vector<16xi32>
      %swap3A_2567 = arith.constant 336 : index
      %swap3A_2568 = tpu.vector_load %arg15[%swap3A_2567] {strides = array<i32>} : memref<656xi32, #tpu.memory_space<vmem>>, vector<16xi32>,
      tpu.vector_store %arg15[%swap3A_2567], %add3A_2566 {strides = array<i32>} : memref<656xi32, #tpu.memory_space<vmem>>, vector<16xi32>,
      %get3A_2569 = arith.constant 352 : index
      %get3A_2570 = tpu.vector_load %arg13[%get3A_2569] {strides = array<i32>} : memref<656xi32, #tpu.memory_space<vmem>>, vector<16xi32>,
      %get3A_2571 = arith.constant 352 : index
      %get3A_2572 = tpu.vector_load %arg14[%get3A_2571] {strides = array<i32>} : memref<656xi32, #tpu.memory_space<vmem>>, vector<16xi32>,
      %mul3A_2573 = arith.constant 26 : i32
      %mul3A_2574 = arith.muli %rem3A_2238, %mul3A_2573 : i32
      %add3A_2575 = vector.broadcast %mul3A_2574 : i32 to vector<16xi32>
      %add3A_2576 = arith.addi %add3A_2575, %get3A_2570 : vector<16xi32>
      %gather3A_2577 = tpu.vector_load_idx %arg11[%add3A_2576] : memref<3328xi32, #tpu.memory_space<vmem>>[vector<16xi32>], vector<16xi32>,
      %shift_left3A_2578 = arith.constant 3 : i32
      %shift_left3A_2579 = vector.broadcast %shift_left3A_2578 : i32 to vector<16xi32>
      %shift_left3A_2580 = arith.shli %gather3A_2577, %shift_left3A_2579 : vector<16xi32>
      %add3A_2581 = arith.addi %shift_left3A_2580, %get3A_2572 : vector<16xi32>
      %swap3A_2582 = arith.constant 352 : index
      %swap3A_2583 = tpu.vector_load %arg15[%swap3A_2582] {strides = array<i32>} : memref<656xi32, #tpu.memory_space<vmem>>, vector<16xi32>,
      tpu.vector_store %arg15[%swap3A_2582], %add3A_2581 {strides = array<i32>} : memref<656xi32, #tpu.memory_space<vmem>>, vector<16xi32>,
      %get3A_2584 = arith.constant 368 : index
      %get3A_2585 = tpu.vector_load %arg13[%get3A_2584] {strides = array<i32>} : memref<656xi32, #tpu.memory_space<vmem>>, vector<16xi32>,
      %get3A_2586 = arith.constant 368 : index
      %get3A_2587 = tpu.vector_load %arg14[%get3A_2586] {strides = array<i32>} : memref<656xi32, #tpu.memory_space<vmem>>, vector<16xi32>,
      %mul3A_2588 = arith.constant 26 : i32
      %mul3A_2589 = arith.muli %rem3A_2238, %mul3A_2588 : i32
      %add3A_2590 = vector.broadcast %mul3A_2589 : i32 to vector<16xi32>
      %add3A_2591 = arith.addi %add3A_2590, %get3A_2585 : vector<16xi32>
      %gather3A_2592 = tpu.vector_load_idx %arg11[%add3A_2591] : memref<3328xi32, #tpu.memory_space<vmem>>[vector<16xi32>], vector<16xi32>,
      %shift_left3A_2593 = arith.constant 3 : i32
      %shift_left3A_2594 = vector.broadcast %shift_left3A_2593 : i32 to vector<16xi32>
      %shift_left3A_2595 = arith.shli %gather3A_2592, %shift_left3A_2594 : vector<16xi32>
      %add3A_2596 = arith.addi %shift_left3A_2595, %get3A_2587 : vector<16xi32>
      %swap3A_2597 = arith.constant 368 : index
      %swap3A_2598 = tpu.vector_load %arg15[%swap3A_2597] {strides = array<i32>} : memref<656xi32, #tpu.memory_space<vmem>>, vector<16xi32>,
      tpu.vector_store %arg15[%swap3A_2597], %add3A_2596 {strides = array<i32>} : memref<656xi32, #tpu.memory_space<vmem>>, vector<16xi32>,
      %get3A_2599 = arith.constant 384 : index
      %get3A_2600 = tpu.vector_load %arg13[%get3A_2599] {strides = array<i32>} : memref<656xi32, #tpu.memory_space<vmem>>, vector<16xi32>,
      %get3A_2601 = arith.constant 384 : index
      %get3A_2602 = tpu.vector_load %arg14[%get3A_2601] {strides = array<i32>} : memref<656xi32, #tpu.memory_space<vmem>>, vector<16xi32>,
      %mul3A_2603 = arith.constant 26 : i32
      %mul3A_2604 = arith.muli %rem3A_2238, %mul3A_2603 : i32
      %add3A_2605 = vector.broadcast %mul3A_2604 : i32 to vector<16xi32>
      %add3A_2606 = arith.addi %add3A_2605, %get3A_2600 : vector<16xi32>
      %gather3A_2607 = tpu.vector_load_idx %arg11[%add3A_2606] : memref<3328xi32, #tpu.memory_space<vmem>>[vector<16xi32>], vector<16xi32>,
      %shift_left3A_2608 = arith.constant 3 : i32
      %shift_left3A_2609 = vector.broadcast %shift_left3A_2608 : i32 to vector<16xi32>
      %shift_left3A_2610 = arith.shli %gather3A_2607, %shift_left3A_2609 : vector<16xi32>
      %add3A_2611 = arith.addi %shift_left3A_2610, %get3A_2602 : vector<16xi32>
      %swap3A_2612 = arith.constant 384 : index
      %swap3A_2613 = tpu.vector_load %arg15[%swap3A_2612] {strides = array<i32>} : memref<656xi32, #tpu.memory_space<vmem>>, vector<16xi32>,
      tpu.vector_store %arg15[%swap3A_2612], %add3A_2611 {strides = array<i32>} : memref<656xi32, #tpu.memory_space<vmem>>, vector<16xi32>,
      %get3A_2614 = arith.constant 400 : index
      %get3A_2615 = tpu.vector_load %arg13[%get3A_2614] {strides = array<i32>} : memref<656xi32, #tpu.memory_space<vmem>>, vector<16xi32>,
      %get3A_2616 = arith.constant 400 : index
      %get3A_2617 = tpu.vector_load %arg14[%get3A_2616] {strides = array<i32>} : memref<656xi32, #tpu.memory_space<vmem>>, vector<16xi32>,
      %mul3A_2618 = arith.constant 26 : i32
      %mul3A_2619 = arith.muli %rem3A_2238, %mul3A_2618 : i32
      %add3A_2620 = vector.broadcast %mul3A_2619 : i32 to vector<16xi32>
      %add3A_2621 = arith.addi %add3A_2620, %get3A_2615 : vector<16xi32>
      %gather3A_2622 = tpu.vector_load_idx %arg11[%add3A_2621] : memref<3328xi32, #tpu.memory_space<vmem>>[vector<16xi32>], vector<16xi32>,
      %shift_left3A_2623 = arith.constant 3 : i32
      %shift_left3A_2624 = vector.broadcast %shift_left3A_2623 : i32 to vector<16xi32>
      %shift_left3A_2625 = arith.shli %gather3A_2622, %shift_left3A_2624 : vector<16xi32>
      %add3A_2626 = arith.addi %shift_left3A_2625, %get3A_2617 : vector<16xi32>
      %swap3A_2627 = arith.constant 400 : index
      %swap3A_2628 = tpu.vector_load %arg15[%swap3A_2627] {strides = array<i32>} : memref<656xi32, #tpu.memory_space<vmem>>, vector<16xi32>,
      tpu.vector_store %arg15[%swap3A_2627], %add3A_2626 {strides = array<i32>} : memref<656xi32, #tpu.memory_space<vmem>>, vector<16xi32>,
      %get3A_2629 = arith.constant 416 : index
      %get3A_2630 = tpu.vector_load %arg13[%get3A_2629] {strides = array<i32>} : memref<656xi32, #tpu.memory_space<vmem>>, vector<16xi32>,
      %get3A_2631 = arith.constant 416 : index
      %get3A_2632 = tpu.vector_load %arg14[%get3A_2631] {strides = array<i32>} : memref<656xi32, #tpu.memory_space<vmem>>, vector<16xi32>,
      %mul3A_2633 = arith.constant 26 : i32
      %mul3A_2634 = arith.muli %rem3A_2238, %mul3A_2633 : i32
      %add3A_2635 = vector.broadcast %mul3A_2634 : i32 to vector<16xi32>
      %add3A_2636 = arith.addi %add3A_2635, %get3A_2630 : vector<16xi32>
      %gather3A_2637 = tpu.vector_load_idx %arg11[%add3A_2636] : memref<3328xi32, #tpu.memory_space<vmem>>[vector<16xi32>], vector<16xi32>,
      %shift_left3A_2638 = arith.constant 3 : i32
      %shift_left3A_2639 = vector.broadcast %shift_left3A_2638 : i32 to vector<16xi32>
      %shift_left3A_2640 = arith.shli %gather3A_2637, %shift_left3A_2639 : vector<16xi32>
      %add3A_2641 = arith.addi %shift_left3A_2640, %get3A_2632 : vector<16xi32>
      %swap3A_2642 = arith.constant 416 : index
      %swap3A_2643 = tpu.vector_load %arg15[%swap3A_2642] {strides = array<i32>} : memref<656xi32, #tpu.memory_space<vmem>>, vector<16xi32>,
      tpu.vector_store %arg15[%swap3A_2642], %add3A_2641 {strides = array<i32>} : memref<656xi32, #tpu.memory_space<vmem>>, vector<16xi32>,
      %get3A_2644 = arith.constant 432 : index
      %get3A_2645 = tpu.vector_load %arg13[%get3A_2644] {strides = array<i32>} : memref<656xi32, #tpu.memory_space<vmem>>, vector<16xi32>,
      %get3A_2646 = arith.constant 432 : index
      %get3A_2647 = tpu.vector_load %arg14[%get3A_2646] {strides = array<i32>} : memref<656xi32, #tpu.memory_space<vmem>>, vector<16xi32>,
      %mul3A_2648 = arith.constant 26 : i32
      %mul3A_2649 = arith.muli %rem3A_2238, %mul3A_2648 : i32
      %add3A_2650 = vector.broadcast %mul3A_2649 : i32 to vector<16xi32>
      %add3A_2651 = arith.addi %add3A_2650, %get3A_2645 : vector<16xi32>
      %gather3A_2652 = tpu.vector_load_idx %arg11[%add3A_2651] : memref<3328xi32, #tpu.memory_space<vmem>>[vector<16xi32>], vector<16xi32>,
      %shift_left3A_2653 = arith.constant 3 : i32
      %shift_left3A_2654 = vector.broadcast %shift_left3A_2653 : i32 to vector<16xi32>
      %shift_left3A_2655 = arith.shli %gather3A_2652, %shift_left3A_2654 : vector<16xi32>
      %add3A_2656 = arith.addi %shift_left3A_2655, %get3A_2647 : vector<16xi32>
      %swap3A_2657 = arith.constant 432 : index
      %swap3A_2658 = tpu.vector_load %arg15[%swap3A_2657] {strides = array<i32>} : memref<656xi32, #tpu.memory_space<vmem>>, vector<16xi32>,
      tpu.vector_store %arg15[%swap3A_2657], %add3A_2656 {strides = array<i32>} : memref<656xi32, #tpu.memory_space<vmem>>, vector<16xi32>,
      %get3A_2659 = arith.constant 448 : index
      %get3A_2660 = tpu.vector_load %arg13[%get3A_2659] {strides = array<i32>} : memref<656xi32, #tpu.memory_space<vmem>>, vector<16xi32>,
      %get3A_2661 = arith.constant 448 : index
      %get3A_2662 = tpu.vector_load %arg14[%get3A_2661] {strides = array<i32>} : memref<656xi32, #tpu.memory_space<vmem>>, vector<16xi32>,
      %mul3A_2663 = arith.constant 26 : i32
      %mul3A_2664 = arith.muli %rem3A_2238, %mul3A_2663 : i32
      %add3A_2665 = vector.broadcast %mul3A_2664 : i32 to vector<16xi32>
      %add3A_2666 = arith.addi %add3A_2665, %get3A_2660 : vector<16xi32>
      %gather3A_2667 = tpu.vector_load_idx %arg11[%add3A_2666] : memref<3328xi32, #tpu.memory_space<vmem>>[vector<16xi32>], vector<16xi32>,
      %shift_left3A_2668 = arith.constant 3 : i32
      %shift_left3A_2669 = vector.broadcast %shift_left3A_2668 : i32 to vector<16xi32>
      %shift_left3A_2670 = arith.shli %gather3A_2667, %shift_left3A_2669 : vector<16xi32>
      %add3A_2671 = arith.addi %shift_left3A_2670, %get3A_2662 : vector<16xi32>
      %swap3A_2672 = arith.constant 448 : index
      %swap3A_2673 = tpu.vector_load %arg15[%swap3A_2672] {strides = array<i32>} : memref<656xi32, #tpu.memory_space<vmem>>, vector<16xi32>,
      tpu.vector_store %arg15[%swap3A_2672], %add3A_2671 {strides = array<i32>} : memref<656xi32, #tpu.memory_space<vmem>>, vector<16xi32>,
      %get3A_2674 = arith.constant 464 : index
      %get3A_2675 = tpu.vector_load %arg13[%get3A_2674] {strides = array<i32>} : memref<656xi32, #tpu.memory_space<vmem>>, vector<16xi32>,
      %get3A_2676 = arith.constant 464 : index
      %get3A_2677 = tpu.vector_load %arg14[%get3A_2676] {strides = array<i32>} : memref<656xi32, #tpu.memory_space<vmem>>, vector<16xi32>,
      %mul3A_2678 = arith.constant 26 : i32
      %mul3A_2679 = arith.muli %rem3A_2238, %mul3A_2678 : i32
      %add3A_2680 = vector.broadcast %mul3A_2679 : i32 to vector<16xi32>
      %add3A_2681 = arith.addi %add3A_2680, %get3A_2675 : vector<16xi32>
      %gather3A_2682 = tpu.vector_load_idx %arg11[%add3A_2681] : memref<3328xi32, #tpu.memory_space<vmem>>[vector<16xi32>], vector<16xi32>,
      %shift_left3A_2683 = arith.constant 3 : i32
      %shift_left3A_2684 = vector.broadcast %shift_left3A_2683 : i32 to vector<16xi32>
      %shift_left3A_2685 = arith.shli %gather3A_2682, %shift_left3A_2684 : vector<16xi32>
      %add3A_2686 = arith.addi %shift_left3A_2685, %get3A_2677 : vector<16xi32>
      %swap3A_2687 = arith.constant 464 : index
      %swap3A_2688 = tpu.vector_load %arg15[%swap3A_2687] {strides = array<i32>} : memref<656xi32, #tpu.memory_space<vmem>>, vector<16xi32>,
      tpu.vector_store %arg15[%swap3A_2687], %add3A_2686 {strides = array<i32>} : memref<656xi32, #tpu.memory_space<vmem>>, vector<16xi32>,
      %get3A_2689 = arith.constant 480 : index
      %get3A_2690 = tpu.vector_load %arg13[%get3A_2689] {strides = array<i32>} : memref<656xi32, #tpu.memory_space<vmem>>, vector<16xi32>,
      %get3A_2691 = arith.constant 480 : index
      %get3A_2692 = tpu.vector_load %arg14[%get3A_2691] {strides = array<i32>} : memref<656xi32, #tpu.memory_space<vmem>>, vector<16xi32>,
      %mul3A_2693 = arith.constant 26 : i32
      %mul3A_2694 = arith.muli %rem3A_2238, %mul3A_2693 : i32
      %add3A_2695 = vector.broadcast %mul3A_2694 : i32 to vector<16xi32>
      %add3A_2696 = arith.addi %add3A_2695, %get3A_2690 : vector<16xi32>
      %gather3A_2697 = tpu.vector_load_idx %arg11[%add3A_2696] : memref<3328xi32, #tpu.memory_space<vmem>>[vector<16xi32>], vector<16xi32>,
      %shift_left3A_2698 = arith.constant 3 : i32
      %shift_left3A_2699 = vector.broadcast %shift_left3A_2698 : i32 to vector<16xi32>
      %shift_left3A_2700 = arith.shli %gather3A_2697, %shift_left3A_2699 : vector<16xi32>
      %add3A_2701 = arith.addi %shift_left3A_2700, %get3A_2692 : vector<16xi32>
      %swap3A_2702 = arith.constant 480 : index
      %swap3A_2703 = tpu.vector_load %arg15[%swap3A_2702] {strides = array<i32>} : memref<656xi32, #tpu.memory_space<vmem>>, vector<16xi32>,
      tpu.vector_store %arg15[%swap3A_2702], %add3A_2701 {strides = array<i32>} : memref<656xi32, #tpu.memory_space<vmem>>, vector<16xi32>,
      %get3A_2704 = arith.constant 496 : index
      %get3A_2705 = tpu.vector_load %arg13[%get3A_2704] {strides = array<i32>} : memref<656xi32, #tpu.memory_space<vmem>>, vector<16xi32>,
      %get3A_2706 = arith.constant 496 : index
      %get3A_2707 = tpu.vector_load %arg14[%get3A_2706] {strides = array<i32>} : memref<656xi32, #tpu.memory_space<vmem>>, vector<16xi32>,
      %mul3A_2708 = arith.constant 26 : i32
      %mul3A_2709 = arith.muli %rem3A_2238, %mul3A_2708 : i32
      %add3A_2710 = vector.broadcast %mul3A_2709 : i32 to vector<16xi32>
      %add3A_2711 = arith.addi %add3A_2710, %get3A_2705 : vector<16xi32>
      %gather3A_2712 = tpu.vector_load_idx %arg11[%add3A_2711] : memref<3328xi32, #tpu.memory_space<vmem>>[vector<16xi32>], vector<16xi32>,
      %shift_left3A_2713 = arith.constant 3 : i32
      %shift_left3A_2714 = vector.broadcast %shift_left3A_2713 : i32 to vector<16xi32>
      %shift_left3A_2715 = arith.shli %gather3A_2712, %shift_left3A_2714 : vector<16xi32>
      %add3A_2716 = arith.addi %shift_left3A_2715, %get3A_2707 : vector<16xi32>
      %swap3A_2717 = arith.constant 496 : index
      %swap3A_2718 = tpu.vector_load %arg15[%swap3A_2717] {strides = array<i32>} : memref<656xi32, #tpu.memory_space<vmem>>, vector<16xi32>,
      tpu.vector_store %arg15[%swap3A_2717], %add3A_2716 {strides = array<i32>} : memref<656xi32, #tpu.memory_space<vmem>>, vector<16xi32>,
      %get3A_2719 = arith.constant 512 : index
      %get3A_2720 = tpu.vector_load %arg13[%get3A_2719] {strides = array<i32>} : memref<656xi32, #tpu.memory_space<vmem>>, vector<16xi32>,
      %get3A_2721 = arith.constant 512 : index
      %get3A_2722 = tpu.vector_load %arg14[%get3A_2721] {strides = array<i32>} : memref<656xi32, #tpu.memory_space<vmem>>, vector<16xi32>,
      %mul3A_2723 = arith.constant 26 : i32
      %mul3A_2724 = arith.muli %rem3A_2238, %mul3A_2723 : i32
      %add3A_2725 = vector.broadcast %mul3A_2724 : i32 to vector<16xi32>
      %add3A_2726 = arith.addi %add3A_2725, %get3A_2720 : vector<16xi32>
      %gather3A_2727 = tpu.vector_load_idx %arg11[%add3A_2726] : memref<3328xi32, #tpu.memory_space<vmem>>[vector<16xi32>], vector<16xi32>,
      %shift_left3A_2728 = arith.constant 3 : i32
      %shift_left3A_2729 = vector.broadcast %shift_left3A_2728 : i32 to vector<16xi32>
      %shift_left3A_2730 = arith.shli %gather3A_2727, %shift_left3A_2729 : vector<16xi32>
      %add3A_2731 = arith.addi %shift_left3A_2730, %get3A_2722 : vector<16xi32>
      %swap3A_2732 = arith.constant 512 : index
      %swap3A_2733 = tpu.vector_load %arg15[%swap3A_2732] {strides = array<i32>} : memref<656xi32, #tpu.memory_space<vmem>>, vector<16xi32>,
      tpu.vector_store %arg15[%swap3A_2732], %add3A_2731 {strides = array<i32>} : memref<656xi32, #tpu.memory_space<vmem>>, vector<16xi32>,
      %get3A_2734 = arith.constant 528 : index
      %get3A_2735 = tpu.vector_load %arg13[%get3A_2734] {strides = array<i32>} : memref<656xi32, #tpu.memory_space<vmem>>, vector<16xi32>,
      %get3A_2736 = arith.constant 528 : index
      %get3A_2737 = tpu.vector_load %arg14[%get3A_2736] {strides = array<i32>} : memref<656xi32, #tpu.memory_space<vmem>>, vector<16xi32>,
      %mul3A_2738 = arith.constant 26 : i32
      %mul3A_2739 = arith.muli %rem3A_2238, %mul3A_2738 : i32
      %add3A_2740 = vector.broadcast %mul3A_2739 : i32 to vector<16xi32>
      %add3A_2741 = arith.addi %add3A_2740, %get3A_2735 : vector<16xi32>
      %gather3A_2742 = tpu.vector_load_idx %arg11[%add3A_2741] : memref<3328xi32, #tpu.memory_space<vmem>>[vector<16xi32>], vector<16xi32>,
      %shift_left3A_2743 = arith.constant 3 : i32
      %shift_left3A_2744 = vector.broadcast %shift_left3A_2743 : i32 to vector<16xi32>
      %shift_left3A_2745 = arith.shli %gather3A_2742, %shift_left3A_2744 : vector<16xi32>
      %add3A_2746 = arith.addi %shift_left3A_2745, %get3A_2737 : vector<16xi32>
      %swap3A_2747 = arith.constant 528 : index
      %swap3A_2748 = tpu.vector_load %arg15[%swap3A_2747] {strides = array<i32>} : memref<656xi32, #tpu.memory_space<vmem>>, vector<16xi32>,
      tpu.vector_store %arg15[%swap3A_2747], %add3A_2746 {strides = array<i32>} : memref<656xi32, #tpu.memory_space<vmem>>, vector<16xi32>,
      %get3A_2749 = arith.constant 544 : index
      %get3A_2750 = tpu.vector_load %arg13[%get3A_2749] {strides = array<i32>} : memref<656xi32, #tpu.memory_space<vmem>>, vector<16xi32>,
      %get3A_2751 = arith.constant 544 : index
      %get3A_2752 = tpu.vector_load %arg14[%get3A_2751] {strides = array<i32>} : memref<656xi32, #tpu.memory_space<vmem>>, vector<16xi32>,
      %mul3A_2753 = arith.constant 26 : i32
      %mul3A_2754 = arith.muli %rem3A_2238, %mul3A_2753 : i32
      %add3A_2755 = vector.broadcast %mul3A_2754 : i32 to vector<16xi32>
      %add3A_2756 = arith.addi %add3A_2755, %get3A_2750 : vector<16xi32>
      %gather3A_2757 = tpu.vector_load_idx %arg11[%add3A_2756] : memref<3328xi32, #tpu.memory_space<vmem>>[vector<16xi32>], vector<16xi32>,
      %shift_left3A_2758 = arith.constant 3 : i32
      %shift_left3A_2759 = vector.broadcast %shift_left3A_2758 : i32 to vector<16xi32>
      %shift_left3A_2760 = arith.shli %gather3A_2757, %shift_left3A_2759 : vector<16xi32>
      %add3A_2761 = arith.addi %shift_left3A_2760, %get3A_2752 : vector<16xi32>
      %swap3A_2762 = arith.constant 544 : index
      %swap3A_2763 = tpu.vector_load %arg15[%swap3A_2762] {strides = array<i32>} : memref<656xi32, #tpu.memory_space<vmem>>, vector<16xi32>,
      tpu.vector_store %arg15[%swap3A_2762], %add3A_2761 {strides = array<i32>} : memref<656xi32, #tpu.memory_space<vmem>>, vector<16xi32>,
      %get3A_2764 = arith.constant 560 : index
      %get3A_2765 = tpu.vector_load %arg13[%get3A_2764] {strides = array<i32>} : memref<656xi32, #tpu.memory_space<vmem>>, vector<16xi32>,
      %get3A_2766 = arith.constant 560 : index
      %get3A_2767 = tpu.vector_load %arg14[%get3A_2766] {strides = array<i32>} : memref<656xi32, #tpu.memory_space<vmem>>, vector<16xi32>,
      %mul3A_2768 = arith.constant 26 : i32
      %mul3A_2769 = arith.muli %rem3A_2238, %mul3A_2768 : i32
      %add3A_2770 = vector.broadcast %mul3A_2769 : i32 to vector<16xi32>
      %add3A_2771 = arith.addi %add3A_2770, %get3A_2765 : vector<16xi32>
      %gather3A_2772 = tpu.vector_load_idx %arg11[%add3A_2771] : memref<3328xi32, #tpu.memory_space<vmem>>[vector<16xi32>], vector<16xi32>,
      %shift_left3A_2773 = arith.constant 3 : i32
      %shift_left3A_2774 = vector.broadcast %shift_left3A_2773 : i32 to vector<16xi32>
      %shift_left3A_2775 = arith.shli %gather3A_2772, %shift_left3A_2774 : vector<16xi32>
      %add3A_2776 = arith.addi %shift_left3A_2775, %get3A_2767 : vector<16xi32>
      %swap3A_2777 = arith.constant 560 : index
      %swap3A_2778 = tpu.vector_load %arg15[%swap3A_2777] {strides = array<i32>} : memref<656xi32, #tpu.memory_space<vmem>>, vector<16xi32>,
      tpu.vector_store %arg15[%swap3A_2777], %add3A_2776 {strides = array<i32>} : memref<656xi32, #tpu.memory_space<vmem>>, vector<16xi32>,
      %get3A_2779 = arith.constant 576 : index
      %get3A_2780 = tpu.vector_load %arg13[%get3A_2779] {strides = array<i32>} : memref<656xi32, #tpu.memory_space<vmem>>, vector<16xi32>,
      %get3A_2781 = arith.constant 576 : index
      %get3A_2782 = tpu.vector_load %arg14[%get3A_2781] {strides = array<i32>} : memref<656xi32, #tpu.memory_space<vmem>>, vector<16xi32>,
      %mul3A_2783 = arith.constant 26 : i32
      %mul3A_2784 = arith.muli %rem3A_2238, %mul3A_2783 : i32
      %add3A_2785 = vector.broadcast %mul3A_2784 : i32 to vector<16xi32>
      %add3A_2786 = arith.addi %add3A_2785, %get3A_2780 : vector<16xi32>
      %gather3A_2787 = tpu.vector_load_idx %arg11[%add3A_2786] : memref<3328xi32, #tpu.memory_space<vmem>>[vector<16xi32>], vector<16xi32>,
      %shift_left3A_2788 = arith.constant 3 : i32
      %shift_left3A_2789 = vector.broadcast %shift_left3A_2788 : i32 to vector<16xi32>
      %shift_left3A_2790 = arith.shli %gather3A_2787, %shift_left3A_2789 : vector<16xi32>
      %add3A_2791 = arith.addi %shift_left3A_2790, %get3A_2782 : vector<16xi32>
      %swap3A_2792 = arith.constant 576 : index
      %swap3A_2793 = tpu.vector_load %arg15[%swap3A_2792] {strides = array<i32>} : memref<656xi32, #tpu.memory_space<vmem>>, vector<16xi32>,
      tpu.vector_store %arg15[%swap3A_2792], %add3A_2791 {strides = array<i32>} : memref<656xi32, #tpu.memory_space<vmem>>, vector<16xi32>,
      %get3A_2794 = arith.constant 592 : index
      %get3A_2795 = tpu.vector_load %arg13[%get3A_2794] {strides = array<i32>} : memref<656xi32, #tpu.memory_space<vmem>>, vector<16xi32>,
      %get3A_2796 = arith.constant 592 : index
      %get3A_2797 = tpu.vector_load %arg14[%get3A_2796] {strides = array<i32>} : memref<656xi32, #tpu.memory_space<vmem>>, vector<16xi32>,
      %mul3A_2798 = arith.constant 26 : i32
      %mul3A_2799 = arith.muli %rem3A_2238, %mul3A_2798 : i32
      %add3A_2800 = vector.broadcast %mul3A_2799 : i32 to vector<16xi32>
      %add3A_2801 = arith.addi %add3A_2800, %get3A_2795 : vector<16xi32>
      %gather3A_2802 = tpu.vector_load_idx %arg11[%add3A_2801] : memref<3328xi32, #tpu.memory_space<vmem>>[vector<16xi32>], vector<16xi32>,
      %shift_left3A_2803 = arith.constant 3 : i32
      %shift_left3A_2804 = vector.broadcast %shift_left3A_2803 : i32 to vector<16xi32>
      %shift_left3A_2805 = arith.shli %gather3A_2802, %shift_left3A_2804 : vector<16xi32>
      %add3A_2806 = arith.addi %shift_left3A_2805, %get3A_2797 : vector<16xi32>
      %swap3A_2807 = arith.constant 592 : index
      %swap3A_2808 = tpu.vector_load %arg15[%swap3A_2807] {strides = array<i32>} : memref<656xi32, #tpu.memory_space<vmem>>, vector<16xi32>,
      tpu.vector_store %arg15[%swap3A_2807], %add3A_2806 {strides = array<i32>} : memref<656xi32, #tpu.memory_space<vmem>>, vector<16xi32>,
      %get3A_2809 = arith.constant 608 : index
      %get3A_2810 = tpu.vector_load %arg13[%get3A_2809] {strides = array<i32>} : memref<656xi32, #tpu.memory_space<vmem>>, vector<16xi32>,
      %get3A_2811 = arith.constant 608 : index
      %get3A_2812 = tpu.vector_load %arg14[%get3A_2811] {strides = array<i32>} : memref<656xi32, #tpu.memory_space<vmem>>, vector<16xi32>,
      %mul3A_2813 = arith.constant 26 : i32
      %mul3A_2814 = arith.muli %rem3A_2238, %mul3A_2813 : i32
      %add3A_2815 = vector.broadcast %mul3A_2814 : i32 to vector<16xi32>
      %add3A_2816 = arith.addi %add3A_2815, %get3A_2810 : vector<16xi32>
      %gather3A_2817 = tpu.vector_load_idx %arg11[%add3A_2816] : memref<3328xi32, #tpu.memory_space<vmem>>[vector<16xi32>], vector<16xi32>,
      %shift_left3A_2818 = arith.constant 3 : i32
      %shift_left3A_2819 = vector.broadcast %shift_left3A_2818 : i32 to vector<16xi32>
      %shift_left3A_2820 = arith.shli %gather3A_2817, %shift_left3A_2819 : vector<16xi32>
      %add3A_2821 = arith.addi %shift_left3A_2820, %get3A_2812 : vector<16xi32>
      %swap3A_2822 = arith.constant 608 : index
      %swap3A_2823 = tpu.vector_load %arg15[%swap3A_2822] {strides = array<i32>} : memref<656xi32, #tpu.memory_space<vmem>>, vector<16xi32>,
      tpu.vector_store %arg15[%swap3A_2822], %add3A_2821 {strides = array<i32>} : memref<656xi32, #tpu.memory_space<vmem>>, vector<16xi32>,
      %get3A_2824 = arith.constant 624 : index
      %get3A_2825 = tpu.vector_load %arg13[%get3A_2824] {strides = array<i32>} : memref<656xi32, #tpu.memory_space<vmem>>, vector<16xi32>,
      %get3A_2826 = arith.constant 624 : index
      %get3A_2827 = tpu.vector_load %arg14[%get3A_2826] {strides = array<i32>} : memref<656xi32, #tpu.memory_space<vmem>>, vector<16xi32>,
      %mul3A_2828 = arith.constant 26 : i32
      %mul3A_2829 = arith.muli %rem3A_2238, %mul3A_2828 : i32
      %add3A_2830 = vector.broadcast %mul3A_2829 : i32 to vector<16xi32>
      %add3A_2831 = arith.addi %add3A_2830, %get3A_2825 : vector<16xi32>
      %gather3A_2832 = tpu.vector_load_idx %arg11[%add3A_2831] : memref<3328xi32, #tpu.memory_space<vmem>>[vector<16xi32>], vector<16xi32>,
      %shift_left3A_2833 = arith.constant 3 : i32
      %shift_left3A_2834 = vector.broadcast %shift_left3A_2833 : i32 to vector<16xi32>
      %shift_left3A_2835 = arith.shli %gather3A_2832, %shift_left3A_2834 : vector<16xi32>
      %add3A_2836 = arith.addi %shift_left3A_2835, %get3A_2827 : vector<16xi32>
      %swap3A_2837 = arith.constant 624 : index
      %swap3A_2838 = tpu.vector_load %arg15[%swap3A_2837] {strides = array<i32>} : memref<656xi32, #tpu.memory_space<vmem>>, vector<16xi32>,
      tpu.vector_store %arg15[%swap3A_2837], %add3A_2836 {strides = array<i32>} : memref<656xi32, #tpu.memory_space<vmem>>, vector<16xi32>,
      %get3A_2839 = arith.constant 640 : index
      %get3A_2840 = tpu.vector_load %arg13[%get3A_2839] {strides = array<i32>} : memref<656xi32, #tpu.memory_space<vmem>>, vector<16xi32>,
      %get3A_2841 = arith.constant 640 : index
      %get3A_2842 = tpu.vector_load %arg14[%get3A_2841] {strides = array<i32>} : memref<656xi32, #tpu.memory_space<vmem>>, vector<16xi32>,
      %mul3A_2843 = arith.constant 26 : i32
      %mul3A_2844 = arith.muli %rem3A_2238, %mul3A_2843 : i32
      %add3A_2845 = vector.broadcast %mul3A_2844 : i32 to vector<16xi32>
      %add3A_2846 = arith.addi %add3A_2845, %get3A_2840 : vector<16xi32>
      %gather3A_2847 = tpu.vector_load_idx %arg11[%add3A_2846] : memref<3328xi32, #tpu.memory_space<vmem>>[vector<16xi32>], vector<16xi32>,
      %shift_left3A_2848 = arith.constant 3 : i32
      %shift_left3A_2849 = vector.broadcast %shift_left3A_2848 : i32 to vector<16xi32>
      %shift_left3A_2850 = arith.shli %gather3A_2847, %shift_left3A_2849 : vector<16xi32>
      %add3A_2851 = arith.addi %shift_left3A_2850, %get3A_2842 : vector<16xi32>
      %swap3A_2852 = arith.constant 640 : index
      %swap3A_2853 = tpu.vector_load %arg15[%swap3A_2852] {strides = array<i32>} : memref<656xi32, #tpu.memory_space<vmem>>, vector<16xi32>,
      tpu.vector_store %arg15[%swap3A_2852], %add3A_2851 {strides = array<i32>} : memref<656xi32, #tpu.memory_space<vmem>>, vector<16xi32>,
      %dma_start3A_2854 = arith.constant 0 : i32
      %dma_start3A_2855 = arith.constant 0 : i32
      %dma_start3A_2856 = tpu.memref_slice %arg16[%dma_start3A_2854, %dma_start3A_2855] : memref<656x16xf32, #tpu.memory_space<vmem>> -> memref<656x16xf32, #tpu.memory_space<vmem>>
      %dma_start3A_2857 = arith.constant 0 : i32
      %dma_start3A_2858 = tpu.memref_slice %arg15[%dma_start3A_2857] : memref<656xi32, #tpu.memory_space<vmem>> -> memref<656xi32, #tpu.memory_space<vmem>>
      %dma_start3A_2859 = arith.constant 0 : i32
      %dma_start3A_2860 = arith.constant 0 : i32
      %dma_start3A_2861 = tpu.memref_slice %arg4[%dma_start3A_2859, %dma_start3A_2860] : memref<3276800x16xf32, #tpu.memory_space<hbm>> -> memref<3276800x16xf32, #tpu.memory_space<hbm>>
      tpu.enqueue_indirect_dma source(%dma_start3A_2861 : memref<3276800x16xf32, #tpu.memory_space<hbm>>) target(%dma_start3A_2856 : memref<656x16xf32, #tpu.memory_space<vmem>>) offsets(%dma_start3A_2858 : memref<656xi32, #tpu.memory_space<vmem>>) semaphore(%arg22 : memref<!tpu.dma_semaphore, #tpu.memory_space<semaphore_mem>>)
      %dma_wait3A_2862 = arith.constant 0 : i32
      %dma_wait3A_2863 = arith.constant 0 : i32
      %dma_wait3A_2864 = tpu.memref_slice %arg18[%dma_wait3A_2862, %dma_wait3A_2863] : memref<656x16xf32, #tpu.memory_space<vmem>> -> memref<656x16xf32, #tpu.memory_space<vmem>>
      %dma_wait3A_2865 = arith.constant 0 : i32
      %dma_wait3A_2866 = tpu.memref_slice %arg17[%dma_wait3A_2865] : memref<656xi32, #tpu.memory_space<vmem>> -> memref<656xi32, #tpu.memory_space<vmem>>
      %dma_wait3A_2867 = arith.constant 0 : i32
      %dma_wait3A_2868 = arith.constant 0 : i32
      %dma_wait3A_2869 = tpu.memref_slice %arg4[%dma_wait3A_2867, %dma_wait3A_2868] : memref<3276800x16xf32, #tpu.memory_space<hbm>> -> memref<3276800x16xf32, #tpu.memory_space<hbm>>
      tpu.wait_indirect_dma semaphore(%arg23 : memref<!tpu.dma_semaphore, #tpu.memory_space<semaphore_mem>>) src(%dma_wait3A_2869 : memref<3276800x16xf32, #tpu.memory_space<hbm>>) dst(%dma_wait3A_2864 : memref<656x16xf32, #tpu.memory_space<vmem>>)
      %add3A_2870 = arith.constant 1 : i32
      %add3A_2871 = arith.addi %mul3A_1552, %add3A_2870 : i32
      %broadcast_in_dim3A_2872 = arith.constant 0.000000e+00 : f32
      %broadcast_in_dim3A_2873 = vector.broadcast %broadcast_in_dim3A_2872 : f32 to vector<16xf32>
      %scan3A_2874 = arith.constant 0 : i32
      %scan3A_2875 = arith.constant 13 : i32
      %scan3A_2876 = arith.addi %scan3A_2874, %scan3A_2875 : i32
      %scan3A_2877 = arith.constant 1 : i32
      %scan3A_2878:5 = scf.for %scan3A_2929 = %scan3A_2874 to %scan3A_2876 step %scan3A_2877 iter_args(%scan3A_2930 = %broadcast_in_dim3A_2873, %scan3A_2931 = %broadcast_in_dim3A_2873, %scan3A_2932 = %broadcast_in_dim3A_2873, %scan3A_2933 = %broadcast_in_dim3A_2873, %scan3A_2934 = %broadcast_in_dim3A_2873) -> (vector<16xf32>, vector<16xf32>, vector<16xf32>, vector<16xf32>, vector<16xf32>)  : i32 {
        %mul3A_2935 = arith.constant 2 : i32
        %mul3A_2936 = arith.muli %mul3A_2935, %scan3A_2929 : i32
        %mul3A_2937 = arith.constant 25 : i32
        %mul3A_2938 = arith.muli %mul3A_2936, %mul3A_2937 : i32
        %add3A_2939 = arith.constant 0 : i32
        %add3A_2940 = arith.addi %mul3A_2938, %add3A_2939 : i32
        %get3A_2941 = arith.index_cast %add3A_2940 : i32 to index
        %get3A_2942 = arith.constant 0 : index
        %get3A_2943 = tpu.vector_load %arg18[%get3A_2941, %get3A_2942] {strides = array<i32>} : memref<656x16xf32, #tpu.memory_space<vmem>>, vector<16xf32>,
        %add3A_2944 = arith.constant 0 : i32
        %add3A_2945 = arith.addi %mul3A_2938, %add3A_2944 : i32
        %add3A_2946 = arith.constant 1 : i32
        %add3A_2947 = arith.addi %add3A_2945, %add3A_2946 : i32
        %get3A_2948 = arith.index_cast %add3A_2947 : i32 to index
        %get3A_2949 = arith.constant 0 : index
        %get3A_2950 = tpu.vector_load %arg18[%get3A_2948, %get3A_2949] {strides = array<i32>} : memref<656x16xf32, #tpu.memory_space<vmem>>, vector<16xf32>,
        %mul3A_2951 = arith.mulf %get3A_2943, %get3A_2950 : vector<16xf32>
        %add3A_2952 = arith.addf %scan3A_2930, %mul3A_2951 : vector<16xf32>
        %add3A_2953 = arith.constant 2 : i32
        %add3A_2954 = arith.addi %mul3A_2938, %add3A_2953 : i32
        %get3A_2955 = arith.index_cast %add3A_2954 : i32 to index
        %get3A_2956 = arith.constant 0 : index
        %get3A_2957 = tpu.vector_load %arg18[%get3A_2955, %get3A_2956] {strides = array<i32>} : memref<656x16xf32, #tpu.memory_space<vmem>>, vector<16xf32>,
        %add3A_2958 = arith.constant 2 : i32
        %add3A_2959 = arith.addi %mul3A_2938, %add3A_2958 : i32
        %add3A_2960 = arith.constant 1 : i32
        %add3A_2961 = arith.addi %add3A_2959, %add3A_2960 : i32
        %get3A_2962 = arith.index_cast %add3A_2961 : i32 to index
        %get3A_2963 = arith.constant 0 : index
        %get3A_2964 = tpu.vector_load %arg18[%get3A_2962, %get3A_2963] {strides = array<i32>} : memref<656x16xf32, #tpu.memory_space<vmem>>, vector<16xf32>,
        %mul3A_2965 = arith.mulf %get3A_2957, %get3A_2964 : vector<16xf32>
        %add3A_2966 = arith.addf %scan3A_2931, %mul3A_2965 : vector<16xf32>
        %add3A_2967 = arith.constant 4 : i32
        %add3A_2968 = arith.addi %mul3A_2938, %add3A_2967 : i32
        %get3A_2969 = arith.index_cast %add3A_2968 : i32 to index
        %get3A_2970 = arith.constant 0 : index
        %get3A_2971 = tpu.vector_load %arg18[%get3A_2969, %get3A_2970] {strides = array<i32>} : memref<656x16xf32, #tpu.memory_space<vmem>>, vector<16xf32>,
        %add3A_2972 = arith.constant 4 : i32
        %add3A_2973 = arith.addi %mul3A_2938, %add3A_2972 : i32
        %add3A_2974 = arith.constant 1 : i32
        %add3A_2975 = arith.addi %add3A_2973, %add3A_2974 : i32
        %get3A_2976 = arith.index_cast %add3A_2975 : i32 to index
        %get3A_2977 = arith.constant 0 : index
        %get3A_2978 = tpu.vector_load %arg18[%get3A_2976, %get3A_2977] {strides = array<i32>} : memref<656x16xf32, #tpu.memory_space<vmem>>, vector<16xf32>,
        %mul3A_2979 = arith.mulf %get3A_2971, %get3A_2978 : vector<16xf32>
        %add3A_2980 = arith.addf %scan3A_2932, %mul3A_2979 : vector<16xf32>
        %add3A_2981 = arith.constant 6 : i32
        %add3A_2982 = arith.addi %mul3A_2938, %add3A_2981 : i32
        %get3A_2983 = arith.index_cast %add3A_2982 : i32 to index
        %get3A_2984 = arith.constant 0 : index
        %get3A_2985 = tpu.vector_load %arg18[%get3A_2983, %get3A_2984] {strides = array<i32>} : memref<656x16xf32, #tpu.memory_space<vmem>>, vector<16xf32>,
        %add3A_2986 = arith.constant 6 : i32
        %add3A_2987 = arith.addi %mul3A_2938, %add3A_2986 : i32
        %add3A_2988 = arith.constant 1 : i32
        %add3A_2989 = arith.addi %add3A_2987, %add3A_2988 : i32
        %get3A_2990 = arith.index_cast %add3A_2989 : i32 to index
        %get3A_2991 = arith.constant 0 : index
        %get3A_2992 = tpu.vector_load %arg18[%get3A_2990, %get3A_2991] {strides = array<i32>} : memref<656x16xf32, #tpu.memory_space<vmem>>, vector<16xf32>,
        %mul3A_2993 = arith.mulf %get3A_2985, %get3A_2992 : vector<16xf32>
        %add3A_2994 = arith.addf %scan3A_2933, %mul3A_2993 : vector<16xf32>
        %add3A_2995 = arith.constant 8 : i32
        %add3A_2996 = arith.addi %mul3A_2938, %add3A_2995 : i32
        %get3A_2997 = arith.index_cast %add3A_2996 : i32 to index
        %get3A_2998 = arith.constant 0 : index
        %get3A_2999 = tpu.vector_load %arg18[%get3A_2997, %get3A_2998] {strides = array<i32>} : memref<656x16xf32, #tpu.memory_space<vmem>>, vector<16xf32>,
        %add3A_3000 = arith.constant 8 : i32
        %add3A_3001 = arith.addi %mul3A_2938, %add3A_3000 : i32
        %add3A_3002 = arith.constant 1 : i32
        %add3A_3003 = arith.addi %add3A_3001, %add3A_3002 : i32
        %get3A_3004 = arith.index_cast %add3A_3003 : i32 to index
        %get3A_3005 = arith.constant 0 : index
        %get3A_3006 = tpu.vector_load %arg18[%get3A_3004, %get3A_3005] {strides = array<i32>} : memref<656x16xf32, #tpu.memory_space<vmem>>, vector<16xf32>,
        %mul3A_3007 = arith.mulf %get3A_2999, %get3A_3006 : vector<16xf32>
        %add3A_3008 = arith.addf %scan3A_2934, %mul3A_3007 : vector<16xf32>
        %add3A_3009 = arith.constant 10 : i32
        %add3A_3010 = arith.addi %mul3A_2938, %add3A_3009 : i32
        %get3A_3011 = arith.index_cast %add3A_3010 : i32 to index
        %get3A_3012 = arith.constant 0 : index
        %get3A_3013 = tpu.vector_load %arg18[%get3A_3011, %get3A_3012] {strides = array<i32>} : memref<656x16xf32, #tpu.memory_space<vmem>>, vector<16xf32>,
        %add3A_3014 = arith.constant 10 : i32
        %add3A_3015 = arith.addi %mul3A_2938, %add3A_3014 : i32
        %add3A_3016 = arith.constant 1 : i32
        %add3A_3017 = arith.addi %add3A_3015, %add3A_3016 : i32
        %get3A_3018 = arith.index_cast %add3A_3017 : i32 to index
        %get3A_3019 = arith.constant 0 : index
        %get3A_3020 = tpu.vector_load %arg18[%get3A_3018, %get3A_3019] {strides = array<i32>} : memref<656x16xf32, #tpu.memory_space<vmem>>, vector<16xf32>,
        %mul3A_3021 = arith.mulf %get3A_3013, %get3A_3020 : vector<16xf32>
        %add3A_3022 = arith.addf %add3A_2952, %mul3A_3021 : vector<16xf32>
        %add3A_3023 = arith.constant 12 : i32
        %add3A_3024 = arith.addi %mul3A_2938, %add3A_3023 : i32
        %get3A_3025 = arith.index_cast %add3A_3024 : i32 to index
        %get3A_3026 = arith.constant 0 : index
        %get3A_3027 = tpu.vector_load %arg18[%get3A_3025, %get3A_3026] {strides = array<i32>} : memref<656x16xf32, #tpu.memory_space<vmem>>, vector<16xf32>,
        %add3A_3028 = arith.constant 12 : i32
        %add3A_3029 = arith.addi %mul3A_2938, %add3A_3028 : i32
        %add3A_3030 = arith.constant 1 : i32
        %add3A_3031 = arith.addi %add3A_3029, %add3A_3030 : i32
        %get3A_3032 = arith.index_cast %add3A_3031 : i32 to index
        %get3A_3033 = arith.constant 0 : index
        %get3A_3034 = tpu.vector_load %arg18[%get3A_3032, %get3A_3033] {strides = array<i32>} : memref<656x16xf32, #tpu.memory_space<vmem>>, vector<16xf32>,
        %mul3A_3035 = arith.mulf %get3A_3027, %get3A_3034 : vector<16xf32>
        %add3A_3036 = arith.addf %add3A_2966, %mul3A_3035 : vector<16xf32>
        %add3A_3037 = arith.constant 14 : i32
        %add3A_3038 = arith.addi %mul3A_2938, %add3A_3037 : i32
        %get3A_3039 = arith.index_cast %add3A_3038 : i32 to index
        %get3A_3040 = arith.constant 0 : index
        %get3A_3041 = tpu.vector_load %arg18[%get3A_3039, %get3A_3040] {strides = array<i32>} : memref<656x16xf32, #tpu.memory_space<vmem>>, vector<16xf32>,
        %add3A_3042 = arith.constant 14 : i32
        %add3A_3043 = arith.addi %mul3A_2938, %add3A_3042 : i32
        %add3A_3044 = arith.constant 1 : i32
        %add3A_3045 = arith.addi %add3A_3043, %add3A_3044 : i32
        %get3A_3046 = arith.index_cast %add3A_3045 : i32 to index
        %get3A_3047 = arith.constant 0 : index
        %get3A_3048 = tpu.vector_load %arg18[%get3A_3046, %get3A_3047] {strides = array<i32>} : memref<656x16xf32, #tpu.memory_space<vmem>>, vector<16xf32>,
        %mul3A_3049 = arith.mulf %get3A_3041, %get3A_3048 : vector<16xf32>
        %add3A_3050 = arith.addf %add3A_2980, %mul3A_3049 : vector<16xf32>
        %add3A_3051 = arith.constant 16 : i32
        %add3A_3052 = arith.addi %mul3A_2938, %add3A_3051 : i32
        %get3A_3053 = arith.index_cast %add3A_3052 : i32 to index
        %get3A_3054 = arith.constant 0 : index
        %get3A_3055 = tpu.vector_load %arg18[%get3A_3053, %get3A_3054] {strides = array<i32>} : memref<656x16xf32, #tpu.memory_space<vmem>>, vector<16xf32>,
        %add3A_3056 = arith.constant 16 : i32
        %add3A_3057 = arith.addi %mul3A_2938, %add3A_3056 : i32
        %add3A_3058 = arith.constant 1 : i32
        %add3A_3059 = arith.addi %add3A_3057, %add3A_3058 : i32
        %get3A_3060 = arith.index_cast %add3A_3059 : i32 to index
        %get3A_3061 = arith.constant 0 : index
        %get3A_3062 = tpu.vector_load %arg18[%get3A_3060, %get3A_3061] {strides = array<i32>} : memref<656x16xf32, #tpu.memory_space<vmem>>, vector<16xf32>,
        %mul3A_3063 = arith.mulf %get3A_3055, %get3A_3062 : vector<16xf32>
        %add3A_3064 = arith.addf %add3A_2994, %mul3A_3063 : vector<16xf32>
        %add3A_3065 = arith.constant 18 : i32
        %add3A_3066 = arith.addi %mul3A_2938, %add3A_3065 : i32
        %get3A_3067 = arith.index_cast %add3A_3066 : i32 to index
        %get3A_3068 = arith.constant 0 : index
        %get3A_3069 = tpu.vector_load %arg18[%get3A_3067, %get3A_3068] {strides = array<i32>} : memref<656x16xf32, #tpu.memory_space<vmem>>, vector<16xf32>,
        %add3A_3070 = arith.constant 18 : i32
        %add3A_3071 = arith.addi %mul3A_2938, %add3A_3070 : i32
        %add3A_3072 = arith.constant 1 : i32
        %add3A_3073 = arith.addi %add3A_3071, %add3A_3072 : i32
        %get3A_3074 = arith.index_cast %add3A_3073 : i32 to index
        %get3A_3075 = arith.constant 0 : index
        %get3A_3076 = tpu.vector_load %arg18[%get3A_3074, %get3A_3075] {strides = array<i32>} : memref<656x16xf32, #tpu.memory_space<vmem>>, vector<16xf32>,
        %mul3A_3077 = arith.mulf %get3A_3069, %get3A_3076 : vector<16xf32>
        %add3A_3078 = arith.addf %add3A_3008, %mul3A_3077 : vector<16xf32>
        %add3A_3079 = arith.constant 20 : i32
        %add3A_3080 = arith.addi %mul3A_2938, %add3A_3079 : i32
        %get3A_3081 = arith.index_cast %add3A_3080 : i32 to index
        %get3A_3082 = arith.constant 0 : index
        %get3A_3083 = tpu.vector_load %arg18[%get3A_3081, %get3A_3082] {strides = array<i32>} : memref<656x16xf32, #tpu.memory_space<vmem>>, vector<16xf32>,
        %add3A_3084 = arith.constant 20 : i32
        %add3A_3085 = arith.addi %mul3A_2938, %add3A_3084 : i32
        %add3A_3086 = arith.constant 1 : i32
        %add3A_3087 = arith.addi %add3A_3085, %add3A_3086 : i32
        %get3A_3088 = arith.index_cast %add3A_3087 : i32 to index
        %get3A_3089 = arith.constant 0 : index
        %get3A_3090 = tpu.vector_load %arg18[%get3A_3088, %get3A_3089] {strides = array<i32>} : memref<656x16xf32, #tpu.memory_space<vmem>>, vector<16xf32>,
        %mul3A_3091 = arith.mulf %get3A_3083, %get3A_3090 : vector<16xf32>
        %add3A_3092 = arith.addf %add3A_3022, %mul3A_3091 : vector<16xf32>
        %add3A_3093 = arith.constant 22 : i32
        %add3A_3094 = arith.addi %mul3A_2938, %add3A_3093 : i32
        %get3A_3095 = arith.index_cast %add3A_3094 : i32 to index
        %get3A_3096 = arith.constant 0 : index
        %get3A_3097 = tpu.vector_load %arg18[%get3A_3095, %get3A_3096] {strides = array<i32>} : memref<656x16xf32, #tpu.memory_space<vmem>>, vector<16xf32>,
        %add3A_3098 = arith.constant 22 : i32
        %add3A_3099 = arith.addi %mul3A_2938, %add3A_3098 : i32
        %add3A_3100 = arith.constant 1 : i32
        %add3A_3101 = arith.addi %add3A_3099, %add3A_3100 : i32
        %get3A_3102 = arith.index_cast %add3A_3101 : i32 to index
        %get3A_3103 = arith.constant 0 : index
        %get3A_3104 = tpu.vector_load %arg18[%get3A_3102, %get3A_3103] {strides = array<i32>} : memref<656x16xf32, #tpu.memory_space<vmem>>, vector<16xf32>,
        %mul3A_3105 = arith.mulf %get3A_3097, %get3A_3104 : vector<16xf32>
        %add3A_3106 = arith.addf %add3A_3036, %mul3A_3105 : vector<16xf32>
        %add3A_3107 = arith.constant 24 : i32
        %add3A_3108 = arith.addi %mul3A_2938, %add3A_3107 : i32
        %get3A_3109 = arith.index_cast %add3A_3108 : i32 to index
        %get3A_3110 = arith.constant 0 : index
        %get3A_3111 = tpu.vector_load %arg18[%get3A_3109, %get3A_3110] {strides = array<i32>} : memref<656x16xf32, #tpu.memory_space<vmem>>, vector<16xf32>,
        %add3A_3112 = arith.constant 24 : i32
        %add3A_3113 = arith.addi %mul3A_2938, %add3A_3112 : i32
        %add3A_3114 = arith.constant 1 : i32
        %add3A_3115 = arith.addi %add3A_3113, %add3A_3114 : i32
        %get3A_3116 = arith.index_cast %add3A_3115 : i32 to index
        %get3A_3117 = arith.constant 0 : index
        %get3A_3118 = tpu.vector_load %arg18[%get3A_3116, %get3A_3117] {strides = array<i32>} : memref<656x16xf32, #tpu.memory_space<vmem>>, vector<16xf32>,
        %mul3A_3119 = arith.mulf %get3A_3111, %get3A_3118 : vector<16xf32>
        %add3A_3120 = arith.addf %add3A_3050, %mul3A_3119 : vector<16xf32>
        %add3A_3121 = arith.constant 26 : i32
        %add3A_3122 = arith.addi %mul3A_2938, %add3A_3121 : i32
        %get3A_3123 = arith.index_cast %add3A_3122 : i32 to index
        %get3A_3124 = arith.constant 0 : index
        %get3A_3125 = tpu.vector_load %arg18[%get3A_3123, %get3A_3124] {strides = array<i32>} : memref<656x16xf32, #tpu.memory_space<vmem>>, vector<16xf32>,
        %add3A_3126 = arith.constant 26 : i32
        %add3A_3127 = arith.addi %mul3A_2938, %add3A_3126 : i32
        %add3A_3128 = arith.constant 1 : i32
        %add3A_3129 = arith.addi %add3A_3127, %add3A_3128 : i32
        %get3A_3130 = arith.index_cast %add3A_3129 : i32 to index
        %get3A_3131 = arith.constant 0 : index
        %get3A_3132 = tpu.vector_load %arg18[%get3A_3130, %get3A_3131] {strides = array<i32>} : memref<656x16xf32, #tpu.memory_space<vmem>>, vector<16xf32>,
        %mul3A_3133 = arith.mulf %get3A_3125, %get3A_3132 : vector<16xf32>
        %add3A_3134 = arith.addf %add3A_3064, %mul3A_3133 : vector<16xf32>
        %add3A_3135 = arith.constant 28 : i32
        %add3A_3136 = arith.addi %mul3A_2938, %add3A_3135 : i32
        %get3A_3137 = arith.index_cast %add3A_3136 : i32 to index
        %get3A_3138 = arith.constant 0 : index
        %get3A_3139 = tpu.vector_load %arg18[%get3A_3137, %get3A_3138] {strides = array<i32>} : memref<656x16xf32, #tpu.memory_space<vmem>>, vector<16xf32>,
        %add3A_3140 = arith.constant 28 : i32
        %add3A_3141 = arith.addi %mul3A_2938, %add3A_3140 : i32
        %add3A_3142 = arith.constant 1 : i32
        %add3A_3143 = arith.addi %add3A_3141, %add3A_3142 : i32
        %get3A_3144 = arith.index_cast %add3A_3143 : i32 to index
        %get3A_3145 = arith.constant 0 : index
        %get3A_3146 = tpu.vector_load %arg18[%get3A_3144, %get3A_3145] {strides = array<i32>} : memref<656x16xf32, #tpu.memory_space<vmem>>, vector<16xf32>,
        %mul3A_3147 = arith.mulf %get3A_3139, %get3A_3146 : vector<16xf32>
        %add3A_3148 = arith.addf %add3A_3078, %mul3A_3147 : vector<16xf32>
        %add3A_3149 = arith.constant 30 : i32
        %add3A_3150 = arith.addi %mul3A_2938, %add3A_3149 : i32
        %get3A_3151 = arith.index_cast %add3A_3150 : i32 to index
        %get3A_3152 = arith.constant 0 : index
        %get3A_3153 = tpu.vector_load %arg18[%get3A_3151, %get3A_3152] {strides = array<i32>} : memref<656x16xf32, #tpu.memory_space<vmem>>, vector<16xf32>,
        %add3A_3154 = arith.constant 30 : i32
        %add3A_3155 = arith.addi %mul3A_2938, %add3A_3154 : i32
        %add3A_3156 = arith.constant 1 : i32
        %add3A_3157 = arith.addi %add3A_3155, %add3A_3156 : i32
        %get3A_3158 = arith.index_cast %add3A_3157 : i32 to index
        %get3A_3159 = arith.constant 0 : index
        %get3A_3160 = tpu.vector_load %arg18[%get3A_3158, %get3A_3159] {strides = array<i32>} : memref<656x16xf32, #tpu.memory_space<vmem>>, vector<16xf32>,
        %mul3A_3161 = arith.mulf %get3A_3153, %get3A_3160 : vector<16xf32>
        %add3A_3162 = arith.addf %add3A_3092, %mul3A_3161 : vector<16xf32>
        %add3A_3163 = arith.constant 32 : i32
        %add3A_3164 = arith.addi %mul3A_2938, %add3A_3163 : i32
        %get3A_3165 = arith.index_cast %add3A_3164 : i32 to index
        %get3A_3166 = arith.constant 0 : index
        %get3A_3167 = tpu.vector_load %arg18[%get3A_3165, %get3A_3166] {strides = array<i32>} : memref<656x16xf32, #tpu.memory_space<vmem>>, vector<16xf32>,
        %add3A_3168 = arith.constant 32 : i32
        %add3A_3169 = arith.addi %mul3A_2938, %add3A_3168 : i32
        %add3A_3170 = arith.constant 1 : i32
        %add3A_3171 = arith.addi %add3A_3169, %add3A_3170 : i32
        %get3A_3172 = arith.index_cast %add3A_3171 : i32 to index
        %get3A_3173 = arith.constant 0 : index
        %get3A_3174 = tpu.vector_load %arg18[%get3A_3172, %get3A_3173] {strides = array<i32>} : memref<656x16xf32, #tpu.memory_space<vmem>>, vector<16xf32>,
        %mul3A_3175 = arith.mulf %get3A_3167, %get3A_3174 : vector<16xf32>
        %add3A_3176 = arith.addf %add3A_3106, %mul3A_3175 : vector<16xf32>
        %add3A_3177 = arith.constant 34 : i32
        %add3A_3178 = arith.addi %mul3A_2938, %add3A_3177 : i32
        %get3A_3179 = arith.index_cast %add3A_3178 : i32 to index
        %get3A_3180 = arith.constant 0 : index
        %get3A_3181 = tpu.vector_load %arg18[%get3A_3179, %get3A_3180] {strides = array<i32>} : memref<656x16xf32, #tpu.memory_space<vmem>>, vector<16xf32>,
        %add3A_3182 = arith.constant 34 : i32
        %add3A_3183 = arith.addi %mul3A_2938, %add3A_3182 : i32
        %add3A_3184 = arith.constant 1 : i32
        %add3A_3185 = arith.addi %add3A_3183, %add3A_3184 : i32
        %get3A_3186 = arith.index_cast %add3A_3185 : i32 to index
        %get3A_3187 = arith.constant 0 : index
        %get3A_3188 = tpu.vector_load %arg18[%get3A_3186, %get3A_3187] {strides = array<i32>} : memref<656x16xf32, #tpu.memory_space<vmem>>, vector<16xf32>,
        %mul3A_3189 = arith.mulf %get3A_3181, %get3A_3188 : vector<16xf32>
        %add3A_3190 = arith.addf %add3A_3120, %mul3A_3189 : vector<16xf32>
        %add3A_3191 = arith.constant 36 : i32
        %add3A_3192 = arith.addi %mul3A_2938, %add3A_3191 : i32
        %get3A_3193 = arith.index_cast %add3A_3192 : i32 to index
        %get3A_3194 = arith.constant 0 : index
        %get3A_3195 = tpu.vector_load %arg18[%get3A_3193, %get3A_3194] {strides = array<i32>} : memref<656x16xf32, #tpu.memory_space<vmem>>, vector<16xf32>,
        %add3A_3196 = arith.constant 36 : i32
        %add3A_3197 = arith.addi %mul3A_2938, %add3A_3196 : i32
        %add3A_3198 = arith.constant 1 : i32
        %add3A_3199 = arith.addi %add3A_3197, %add3A_3198 : i32
        %get3A_3200 = arith.index_cast %add3A_3199 : i32 to index
        %get3A_3201 = arith.constant 0 : index
        %get3A_3202 = tpu.vector_load %arg18[%get3A_3200, %get3A_3201] {strides = array<i32>} : memref<656x16xf32, #tpu.memory_space<vmem>>, vector<16xf32>,
        %mul3A_3203 = arith.mulf %get3A_3195, %get3A_3202 : vector<16xf32>
        %add3A_3204 = arith.addf %add3A_3134, %mul3A_3203 : vector<16xf32>
        %add3A_3205 = arith.constant 38 : i32
        %add3A_3206 = arith.addi %mul3A_2938, %add3A_3205 : i32
        %get3A_3207 = arith.index_cast %add3A_3206 : i32 to index
        %get3A_3208 = arith.constant 0 : index
        %get3A_3209 = tpu.vector_load %arg18[%get3A_3207, %get3A_3208] {strides = array<i32>} : memref<656x16xf32, #tpu.memory_space<vmem>>, vector<16xf32>,
        %add3A_3210 = arith.constant 38 : i32
        %add3A_3211 = arith.addi %mul3A_2938, %add3A_3210 : i32
        %add3A_3212 = arith.constant 1 : i32
        %add3A_3213 = arith.addi %add3A_3211, %add3A_3212 : i32
        %get3A_3214 = arith.index_cast %add3A_3213 : i32 to index
        %get3A_3215 = arith.constant 0 : index
        %get3A_3216 = tpu.vector_load %arg18[%get3A_3214, %get3A_3215] {strides = array<i32>} : memref<656x16xf32, #tpu.memory_space<vmem>>, vector<16xf32>,
        %mul3A_3217 = arith.mulf %get3A_3209, %get3A_3216 : vector<16xf32>
        %add3A_3218 = arith.addf %add3A_3148, %mul3A_3217 : vector<16xf32>
        %add3A_3219 = arith.constant 40 : i32
        %add3A_3220 = arith.addi %mul3A_2938, %add3A_3219 : i32
        %get3A_3221 = arith.index_cast %add3A_3220 : i32 to index
        %get3A_3222 = arith.constant 0 : index
        %get3A_3223 = tpu.vector_load %arg18[%get3A_3221, %get3A_3222] {strides = array<i32>} : memref<656x16xf32, #tpu.memory_space<vmem>>, vector<16xf32>,
        %add3A_3224 = arith.constant 40 : i32
        %add3A_3225 = arith.addi %mul3A_2938, %add3A_3224 : i32
        %add3A_3226 = arith.constant 1 : i32
        %add3A_3227 = arith.addi %add3A_3225, %add3A_3226 : i32
        %get3A_3228 = arith.index_cast %add3A_3227 : i32 to index
        %get3A_3229 = arith.constant 0 : index
        %get3A_3230 = tpu.vector_load %arg18[%get3A_3228, %get3A_3229] {strides = array<i32>} : memref<656x16xf32, #tpu.memory_space<vmem>>, vector<16xf32>,
        %mul3A_3231 = arith.mulf %get3A_3223, %get3A_3230 : vector<16xf32>
        %add3A_3232 = arith.addf %add3A_3162, %mul3A_3231 : vector<16xf32>
        %add3A_3233 = arith.constant 42 : i32
        %add3A_3234 = arith.addi %mul3A_2938, %add3A_3233 : i32
        %get3A_3235 = arith.index_cast %add3A_3234 : i32 to index
        %get3A_3236 = arith.constant 0 : index
        %get3A_3237 = tpu.vector_load %arg18[%get3A_3235, %get3A_3236] {strides = array<i32>} : memref<656x16xf32, #tpu.memory_space<vmem>>, vector<16xf32>,
        %add3A_3238 = arith.constant 42 : i32
        %add3A_3239 = arith.addi %mul3A_2938, %add3A_3238 : i32
        %add3A_3240 = arith.constant 1 : i32
        %add3A_3241 = arith.addi %add3A_3239, %add3A_3240 : i32
        %get3A_3242 = arith.index_cast %add3A_3241 : i32 to index
        %get3A_3243 = arith.constant 0 : index
        %get3A_3244 = tpu.vector_load %arg18[%get3A_3242, %get3A_3243] {strides = array<i32>} : memref<656x16xf32, #tpu.memory_space<vmem>>, vector<16xf32>,
        %mul3A_3245 = arith.mulf %get3A_3237, %get3A_3244 : vector<16xf32>
        %add3A_3246 = arith.addf %add3A_3176, %mul3A_3245 : vector<16xf32>
        %add3A_3247 = arith.constant 44 : i32
        %add3A_3248 = arith.addi %mul3A_2938, %add3A_3247 : i32
        %get3A_3249 = arith.index_cast %add3A_3248 : i32 to index
        %get3A_3250 = arith.constant 0 : index
        %get3A_3251 = tpu.vector_load %arg18[%get3A_3249, %get3A_3250] {strides = array<i32>} : memref<656x16xf32, #tpu.memory_space<vmem>>, vector<16xf32>,
        %add3A_3252 = arith.constant 44 : i32
        %add3A_3253 = arith.addi %mul3A_2938, %add3A_3252 : i32
        %add3A_3254 = arith.constant 1 : i32
        %add3A_3255 = arith.addi %add3A_3253, %add3A_3254 : i32
        %get3A_3256 = arith.index_cast %add3A_3255 : i32 to index
        %get3A_3257 = arith.constant 0 : index
        %get3A_3258 = tpu.vector_load %arg18[%get3A_3256, %get3A_3257] {strides = array<i32>} : memref<656x16xf32, #tpu.memory_space<vmem>>, vector<16xf32>,
        %mul3A_3259 = arith.mulf %get3A_3251, %get3A_3258 : vector<16xf32>
        %add3A_3260 = arith.addf %add3A_3190, %mul3A_3259 : vector<16xf32>
        %add3A_3261 = arith.constant 46 : i32
        %add3A_3262 = arith.addi %mul3A_2938, %add3A_3261 : i32
        %get3A_3263 = arith.index_cast %add3A_3262 : i32 to index
        %get3A_3264 = arith.constant 0 : index
        %get3A_3265 = tpu.vector_load %arg18[%get3A_3263, %get3A_3264] {strides = array<i32>} : memref<656x16xf32, #tpu.memory_space<vmem>>, vector<16xf32>,
        %add3A_3266 = arith.constant 46 : i32
        %add3A_3267 = arith.addi %mul3A_2938, %add3A_3266 : i32
        %add3A_3268 = arith.constant 1 : i32
        %add3A_3269 = arith.addi %add3A_3267, %add3A_3268 : i32
        %get3A_3270 = arith.index_cast %add3A_3269 : i32 to index
        %get3A_3271 = arith.constant 0 : index
        %get3A_3272 = tpu.vector_load %arg18[%get3A_3270, %get3A_3271] {strides = array<i32>} : memref<656x16xf32, #tpu.memory_space<vmem>>, vector<16xf32>,
        %mul3A_3273 = arith.mulf %get3A_3265, %get3A_3272 : vector<16xf32>
        %add3A_3274 = arith.addf %add3A_3204, %mul3A_3273 : vector<16xf32>
        %add3A_3275 = arith.constant 48 : i32
        %add3A_3276 = arith.addi %mul3A_2938, %add3A_3275 : i32
        %get3A_3277 = arith.index_cast %add3A_3276 : i32 to index
        %get3A_3278 = arith.constant 0 : index
        %get3A_3279 = tpu.vector_load %arg18[%get3A_3277, %get3A_3278] {strides = array<i32>} : memref<656x16xf32, #tpu.memory_space<vmem>>, vector<16xf32>,
        %add3A_3280 = arith.constant 48 : i32
        %add3A_3281 = arith.addi %mul3A_2938, %add3A_3280 : i32
        %add3A_3282 = arith.constant 1 : i32
        %add3A_3283 = arith.addi %add3A_3281, %add3A_3282 : i32
        %get3A_3284 = arith.index_cast %add3A_3283 : i32 to index
        %get3A_3285 = arith.constant 0 : index
        %get3A_3286 = tpu.vector_load %arg18[%get3A_3284, %get3A_3285] {strides = array<i32>} : memref<656x16xf32, #tpu.memory_space<vmem>>, vector<16xf32>,
        %mul3A_3287 = arith.mulf %get3A_3279, %get3A_3286 : vector<16xf32>
        %add3A_3288 = arith.addf %add3A_3218, %mul3A_3287 : vector<16xf32>
        scf.yield %add3A_3232, %add3A_3246, %add3A_3260, %add3A_3274, %add3A_3288 : vector<16xf32>, vector<16xf32>, vector<16xf32>, vector<16xf32>, vector<16xf32>
      }
      %scan3A_2879 = arith.constant 13 : i32
      %add3A_2880 = arith.addf %scan3A_2878#0, %scan3A_2878#1 : vector<16xf32>
      %add3A_2881 = arith.addf %scan3A_2878#2, %scan3A_2878#3 : vector<16xf32>
      %add3A_2882 = arith.addf %add3A_2880, %add3A_2881 : vector<16xf32>
      %add3A_2883 = arith.addf %add3A_2882, %scan3A_2878#4 : vector<16xf32>
      %reduce_sum3A_2884 = arith.constant true
      %reduce_sum3A_2885 = vector.broadcast %reduce_sum3A_2884 : i1 to vector<16xi1>
      %reduce_sum3A_2886 = tpu.scan <sum>, %add3A_2883 masked %reduce_sum3A_2885 : vector<16xf32>, vector<16xi1> -> vector<16xf32>
      %reduce_sum3A_2887 = vector.extract %reduce_sum3A_2886[15] : f32 from vector<16xf32>
      %mul3A_2888 = arith.constant 26 : i32
      %mul3A_2889 = arith.muli %add3A_2871, %mul3A_2888 : i32
      %add3A_2890 = vector.broadcast %mul3A_2889 : i32 to vector<16xi32>
      %add3A_2891 = arith.addi %add3A_2890, %iota3A : vector<16xi32>
      %gather3A_2892 = tpu.vector_load_idx %arg20[%add3A_2891] : memref<3328xf32, #tpu.memory_space<vmem>>[vector<16xi32>], vector<16xf32>,
      %lt3A_2893 = arith.constant 10 : i32
      %lt3A_2894 = vector.broadcast %lt3A_2893 : i32 to vector<16xi32>
      %lt3A_2895 = arith.cmpi slt, %iota3A, %lt3A_2894 : vector<16xi32>
      %mul3A_2896 = arith.constant 26 : i32
      %mul3A_2897 = arith.muli %add3A_2871, %mul3A_2896 : i32
      %add3A_2898 = arith.constant 16 : i32
      %add3A_2899 = arith.addi %mul3A_2897, %add3A_2898 : i32
      %add3A_2900 = vector.broadcast %add3A_2899 : i32 to vector<16xi32>
      %add3A_2901 = arith.addi %add3A_2900, %iota3A : vector<16xi32>
      %jit3A_2902 = arith.constant 0 : i32
      %broadcast_in_dim3A_2903 = vector.broadcast %jit3A_2902 : i32 to vector<16xi32>
      %select_n3A_2904 = arith.select %lt3A_2895, %add3A_2901, %broadcast_in_dim3A_2903 : vector<16xi1>, vector<16xi32>
      %lt3A_2905 = arith.constant 10 : i32
      %lt3A_2906 = vector.broadcast %lt3A_2905 : i32 to vector<16xi32>
      %lt3A_2907 = arith.cmpi slt, %iota3A, %lt3A_2906 : vector<16xi32>
      %gather3A_2908 = tpu.vector_load_idx %arg20[%select_n3A_2904] : memref<3328xf32, #tpu.memory_space<vmem>>[vector<16xi32>], vector<16xf32>,
      %broadcast_in_dim3A_2909 = arith.constant 0.000000e+00 : f32
      %broadcast_in_dim3A_2910 = vector.broadcast %broadcast_in_dim3A_2909 : f32 to vector<16xf32>
      %select_n3A_2911 = arith.select %lt3A_2907, %gather3A_2908, %broadcast_in_dim3A_2910 : vector<16xi1>, vector<16xf32>
      %add3A_2912 = arith.addf %gather3A_2892, %select_n3A_2911 : vector<16xf32>
      %reduce_sum3A_2913 = arith.constant true
      %reduce_sum3A_2914 = vector.broadcast %reduce_sum3A_2913 : i1 to vector<16xi1>
      %reduce_sum3A_2915 = tpu.scan <sum>, %add3A_2912 masked %reduce_sum3A_2914 : vector<16xf32>, vector<16xi1> -> vector<16xf32>
      %reduce_sum3A_2916 = vector.extract %reduce_sum3A_2915[15] : f32 from vector<16xf32>
      %add3A_2917 = arith.addf %reduce_sum3A_2887, %reduce_sum3A_2916 : f32
      %rem3A_2918 = arith.constant 16 : i32
      %rem3A_2919 = arith.remsi %add3A_2871, %rem3A_2918 : i32
      %eq3A_2920 = vector.broadcast %rem3A_2919 : i32 to vector<16xi32>
      %eq3A_2921 = arith.cmpi eq, %iota3A, %eq3A_2920 : vector<16xi32>
      %broadcast_in_dim3A_2922 = vector.broadcast %add3A_2917 : f32 to vector<16xf32>
      %select_n3A_2923 = arith.select %eq3A_2921, %broadcast_in_dim3A_2922, %select_n3A_2231 : vector<16xi1>, vector<16xf32>
      %eq3A_2924 = arith.constant 15 : i32
      %eq3A_2925 = arith.cmpi eq, %rem3A_2919, %eq3A_2924 : i32
      %convert_element_type3A_2926 = arith.extui %eq3A_2925 : i1 to i32
      %cond3A_2927 = arith.constant 0 : i32
      %cond3A_2928 = arith.cmpi ne, %convert_element_type3A_2926, %cond3A_2927 : i32
      scf.if %cond3A_2928 {
        %sub3A = arith.constant 15 : i32
        %sub3A_2929 = arith.subi %add3A_2871, %sub3A : i32
        %add3A_2930 = vector.broadcast %sub3A_2929 : i32 to vector<16xi32>
        %add3A_2931 = arith.addi %add3A_2930, %iota3A : vector<16xi32>
        tpu.vector_store_idx %arg21[%add3A_2931], %select_n3A_2923 : memref<128xf32, #tpu.memory_space<vmem>>[vector<16xi32>], vector<16xf32>,
      } else {
      }
      scf.yield %select_n3A_2923 : vector<16xf32>
    }
    %scan3A_1218 = arith.constant 64 : i32
    %dma_wait3A_1219 = arith.constant 0 : i32
    %dma_wait3A_1220 = arith.constant 0 : i32
    %dma_wait3A_1221 = tpu.memref_slice %arg16[%dma_wait3A_1219, %dma_wait3A_1220] : memref<656x16xf32, #tpu.memory_space<vmem>> -> memref<656x16xf32, #tpu.memory_space<vmem>>
    %dma_wait3A_1222 = arith.constant 0 : i32
    %dma_wait3A_1223 = tpu.memref_slice %arg15[%dma_wait3A_1222] : memref<656xi32, #tpu.memory_space<vmem>> -> memref<656xi32, #tpu.memory_space<vmem>>
    %dma_wait3A_1224 = arith.constant 0 : i32
    %dma_wait3A_1225 = arith.constant 0 : i32
    %dma_wait3A_1226 = tpu.memref_slice %arg4[%dma_wait3A_1224, %dma_wait3A_1225] : memref<3276800x16xf32, #tpu.memory_space<hbm>> -> memref<3276800x16xf32, #tpu.memory_space<hbm>>
    tpu.wait_indirect_dma semaphore(%arg22 : memref<!tpu.dma_semaphore, #tpu.memory_space<semaphore_mem>>) src(%dma_wait3A_1226 : memref<3276800x16xf32, #tpu.memory_space<hbm>>) dst(%dma_wait3A_1221 : memref<656x16xf32, #tpu.memory_space<vmem>>)
    "tpu.region"() ({
      %run_scoped3A = tpu.sem_alloc : memref<!tpu.dma_semaphore, #tpu.memory_space<semaphore_mem>>
      %dma_start3A_1549 = tpu.memref_slice %arg9[%mul3A_2] : memref<4096xf32, #tpu.memory_space<hbm>> -> memref<128xf32, #tpu.memory_space<hbm>>
      %dma_start3A_1550 = tpu.memref_slice %arg9[%mul3A_2] : memref<4096xf32, #tpu.memory_space<hbm>> -> memref<128xf32, #tpu.memory_space<hbm>>
      tpu.enqueue_dma source(%arg21 : memref<128xf32, #tpu.memory_space<vmem>>) target(%dma_start3A_1550 : memref<128xf32, #tpu.memory_space<hbm>>) target_semaphore(%run_scoped3A : memref<!tpu.dma_semaphore, #tpu.memory_space<semaphore_mem>>)
      %dma_wait3A_1551 = tpu.memref_slice %arg9[%mul3A_2] : memref<4096xf32, #tpu.memory_space<hbm>> -> memref<128xf32, #tpu.memory_space<hbm>>
      %dma_wait3A_1552 = tpu.memref_slice %arg9[%mul3A_2] : memref<4096xf32, #tpu.memory_space<hbm>> -> memref<128xf32, #tpu.memory_space<hbm>>
      tpu.wait_dma2 semaphore(%run_scoped3A : memref<!tpu.dma_semaphore, #tpu.memory_space<semaphore_mem>>) src(%arg21 : memref<128xf32, #tpu.memory_space<vmem>>) dst(%dma_wait3A_1552 : memref<128xf32, #tpu.memory_space<hbm>>)
      tpu.yield
    }) : () -> ()
    %dma_wait3A_1227 = arith.constant 0 : i32
    %dma_wait3A_1228 = arith.constant 0 : i32
    %dma_wait3A_1229 = arith.constant 0 : i32
    %dma_wait3A_1230 = tpu.memref_slice %arg19[%dma_wait3A_1227, %dma_wait3A_1228, %dma_wait3A_1229] : memref<32x104x16xf32, #tpu.memory_space<vmem>> -> memref<1x104x16xf32, #tpu.memory_space<vmem>>
    %dma_wait3A_1231 = tpu.memref_squeeze %dma_wait3A_1230 : memref<1x104x16xf32, #tpu.memory_space<vmem>> -> memref<104x16xf32, #tpu.memory_space<vmem>>
    %dma_wait3A_1232 = arith.constant 0 : i32
    %dma_wait3A_1233 = tpu.memref_slice %arg12[%dma_wait3A_1232] : memref<3328xi32, #tpu.memory_space<vmem>> -> memref<104xi32, #tpu.memory_space<vmem>>
    %dma_wait3A_1234 = arith.constant 0 : i32
    %dma_wait3A_1235 = arith.constant 0 : i32
    %dma_wait3A_1236 = tpu.memref_slice %arg5[%dma_wait3A_1234, %dma_wait3A_1235] : memref<102400x16xf32, #tpu.memory_space<hbm>> -> memref<102400x16xf32, #tpu.memory_space<hbm>>
    tpu.wait_indirect_dma semaphore(%arg24 : memref<!tpu.dma_semaphore, #tpu.memory_space<semaphore_mem>>) src(%dma_wait3A_1236 : memref<102400x16xf32, #tpu.memory_space<hbm>>) dst(%dma_wait3A_1231 : memref<104x16xf32, #tpu.memory_space<vmem>>)
    %dma_wait3A_1237 = arith.constant 1 : i32
    %dma_wait3A_1238 = arith.constant 0 : i32
    %dma_wait3A_1239 = arith.constant 0 : i32
    %dma_wait3A_1240 = tpu.memref_slice %arg19[%dma_wait3A_1237, %dma_wait3A_1238, %dma_wait3A_1239] : memref<32x104x16xf32, #tpu.memory_space<vmem>> -> memref<1x104x16xf32, #tpu.memory_space<vmem>>
    %dma_wait3A_1241 = tpu.memref_squeeze %dma_wait3A_1240 : memref<1x104x16xf32, #tpu.memory_space<vmem>> -> memref<104x16xf32, #tpu.memory_space<vmem>>
    %dma_wait3A_1242 = arith.constant 104 : i32
    %dma_wait3A_1243 = tpu.memref_slice %arg12[%dma_wait3A_1242] : memref<3328xi32, #tpu.memory_space<vmem>> -> memref<104xi32, #tpu.memory_space<vmem>>
    %dma_wait3A_1244 = arith.constant 0 : i32
    %dma_wait3A_1245 = arith.constant 0 : i32
    %dma_wait3A_1246 = tpu.memref_slice %arg5[%dma_wait3A_1244, %dma_wait3A_1245] : memref<102400x16xf32, #tpu.memory_space<hbm>> -> memref<102400x16xf32, #tpu.memory_space<hbm>>
    tpu.wait_indirect_dma semaphore(%arg24 : memref<!tpu.dma_semaphore, #tpu.memory_space<semaphore_mem>>) src(%dma_wait3A_1246 : memref<102400x16xf32, #tpu.memory_space<hbm>>) dst(%dma_wait3A_1241 : memref<104x16xf32, #tpu.memory_space<vmem>>)
    %dma_wait3A_1247 = arith.constant 2 : i32
    %dma_wait3A_1248 = arith.constant 0 : i32
    %dma_wait3A_1249 = arith.constant 0 : i32
    %dma_wait3A_1250 = tpu.memref_slice %arg19[%dma_wait3A_1247, %dma_wait3A_1248, %dma_wait3A_1249] : memref<32x104x16xf32, #tpu.memory_space<vmem>> -> memref<1x104x16xf32, #tpu.memory_space<vmem>>
    %dma_wait3A_1251 = tpu.memref_squeeze %dma_wait3A_1250 : memref<1x104x16xf32, #tpu.memory_space<vmem>> -> memref<104x16xf32, #tpu.memory_space<vmem>>
    %dma_wait3A_1252 = arith.constant 208 : i32
    %dma_wait3A_1253 = tpu.memref_slice %arg12[%dma_wait3A_1252] : memref<3328xi32, #tpu.memory_space<vmem>> -> memref<104xi32, #tpu.memory_space<vmem>>
    %dma_wait3A_1254 = arith.constant 0 : i32
    %dma_wait3A_1255 = arith.constant 0 : i32
    %dma_wait3A_1256 = tpu.memref_slice %arg5[%dma_wait3A_1254, %dma_wait3A_1255] : memref<102400x16xf32, #tpu.memory_space<hbm>> -> memref<102400x16xf32, #tpu.memory_space<hbm>>
    tpu.wait_indirect_dma semaphore(%arg24 : memref<!tpu.dma_semaphore, #tpu.memory_space<semaphore_mem>>) src(%dma_wait3A_1256 : memref<102400x16xf32, #tpu.memory_space<hbm>>) dst(%dma_wait3A_1251 : memref<104x16xf32, #tpu.memory_space<vmem>>)
    %dma_wait3A_1257 = arith.constant 3 : i32
    %dma_wait3A_1258 = arith.constant 0 : i32
    %dma_wait3A_1259 = arith.constant 0 : i32
    %dma_wait3A_1260 = tpu.memref_slice %arg19[%dma_wait3A_1257, %dma_wait3A_1258, %dma_wait3A_1259] : memref<32x104x16xf32, #tpu.memory_space<vmem>> -> memref<1x104x16xf32, #tpu.memory_space<vmem>>
    %dma_wait3A_1261 = tpu.memref_squeeze %dma_wait3A_1260 : memref<1x104x16xf32, #tpu.memory_space<vmem>> -> memref<104x16xf32, #tpu.memory_space<vmem>>
    %dma_wait3A_1262 = arith.constant 312 : i32
    %dma_wait3A_1263 = tpu.memref_slice %arg12[%dma_wait3A_1262] : memref<3328xi32, #tpu.memory_space<vmem>> -> memref<104xi32, #tpu.memory_space<vmem>>
    %dma_wait3A_1264 = arith.constant 0 : i32
    %dma_wait3A_1265 = arith.constant 0 : i32
    %dma_wait3A_1266 = tpu.memref_slice %arg5[%dma_wait3A_1264, %dma_wait3A_1265] : memref<102400x16xf32, #tpu.memory_space<hbm>> -> memref<102400x16xf32, #tpu.memory_space<hbm>>
    tpu.wait_indirect_dma semaphore(%arg24 : memref<!tpu.dma_semaphore, #tpu.memory_space<semaphore_mem>>) src(%dma_wait3A_1266 : memref<102400x16xf32, #tpu.memory_space<hbm>>) dst(%dma_wait3A_1261 : memref<104x16xf32, #tpu.memory_space<vmem>>)
    %dma_wait3A_1267 = arith.constant 4 : i32
    %dma_wait3A_1268 = arith.constant 0 : i32
    %dma_wait3A_1269 = arith.constant 0 : i32
    %dma_wait3A_1270 = tpu.memref_slice %arg19[%dma_wait3A_1267, %dma_wait3A_1268, %dma_wait3A_1269] : memref<32x104x16xf32, #tpu.memory_space<vmem>> -> memref<1x104x16xf32, #tpu.memory_space<vmem>>
    %dma_wait3A_1271 = tpu.memref_squeeze %dma_wait3A_1270 : memref<1x104x16xf32, #tpu.memory_space<vmem>> -> memref<104x16xf32, #tpu.memory_space<vmem>>
    %dma_wait3A_1272 = arith.constant 416 : i32
    %dma_wait3A_1273 = tpu.memref_slice %arg12[%dma_wait3A_1272] : memref<3328xi32, #tpu.memory_space<vmem>> -> memref<104xi32, #tpu.memory_space<vmem>>
    %dma_wait3A_1274 = arith.constant 0 : i32
    %dma_wait3A_1275 = arith.constant 0 : i32
    %dma_wait3A_1276 = tpu.memref_slice %arg5[%dma_wait3A_1274, %dma_wait3A_1275] : memref<102400x16xf32, #tpu.memory_space<hbm>> -> memref<102400x16xf32, #tpu.memory_space<hbm>>
    tpu.wait_indirect_dma semaphore(%arg24 : memref<!tpu.dma_semaphore, #tpu.memory_space<semaphore_mem>>) src(%dma_wait3A_1276 : memref<102400x16xf32, #tpu.memory_space<hbm>>) dst(%dma_wait3A_1271 : memref<104x16xf32, #tpu.memory_space<vmem>>)
    %dma_wait3A_1277 = arith.constant 5 : i32
    %dma_wait3A_1278 = arith.constant 0 : i32
    %dma_wait3A_1279 = arith.constant 0 : i32
    %dma_wait3A_1280 = tpu.memref_slice %arg19[%dma_wait3A_1277, %dma_wait3A_1278, %dma_wait3A_1279] : memref<32x104x16xf32, #tpu.memory_space<vmem>> -> memref<1x104x16xf32, #tpu.memory_space<vmem>>
    %dma_wait3A_1281 = tpu.memref_squeeze %dma_wait3A_1280 : memref<1x104x16xf32, #tpu.memory_space<vmem>> -> memref<104x16xf32, #tpu.memory_space<vmem>>
    %dma_wait3A_1282 = arith.constant 520 : i32
    %dma_wait3A_1283 = tpu.memref_slice %arg12[%dma_wait3A_1282] : memref<3328xi32, #tpu.memory_space<vmem>> -> memref<104xi32, #tpu.memory_space<vmem>>
    %dma_wait3A_1284 = arith.constant 0 : i32
    %dma_wait3A_1285 = arith.constant 0 : i32
    %dma_wait3A_1286 = tpu.memref_slice %arg5[%dma_wait3A_1284, %dma_wait3A_1285] : memref<102400x16xf32, #tpu.memory_space<hbm>> -> memref<102400x16xf32, #tpu.memory_space<hbm>>
    tpu.wait_indirect_dma semaphore(%arg24 : memref<!tpu.dma_semaphore, #tpu.memory_space<semaphore_mem>>) src(%dma_wait3A_1286 : memref<102400x16xf32, #tpu.memory_space<hbm>>) dst(%dma_wait3A_1281 : memref<104x16xf32, #tpu.memory_space<vmem>>)
    %dma_wait3A_1287 = arith.constant 6 : i32
    %dma_wait3A_1288 = arith.constant 0 : i32
    %dma_wait3A_1289 = arith.constant 0 : i32
    %dma_wait3A_1290 = tpu.memref_slice %arg19[%dma_wait3A_1287, %dma_wait3A_1288, %dma_wait3A_1289] : memref<32x104x16xf32, #tpu.memory_space<vmem>> -> memref<1x104x16xf32, #tpu.memory_space<vmem>>
    %dma_wait3A_1291 = tpu.memref_squeeze %dma_wait3A_1290 : memref<1x104x16xf32, #tpu.memory_space<vmem>> -> memref<104x16xf32, #tpu.memory_space<vmem>>
    %dma_wait3A_1292 = arith.constant 624 : i32
    %dma_wait3A_1293 = tpu.memref_slice %arg12[%dma_wait3A_1292] : memref<3328xi32, #tpu.memory_space<vmem>> -> memref<104xi32, #tpu.memory_space<vmem>>
    %dma_wait3A_1294 = arith.constant 0 : i32
    %dma_wait3A_1295 = arith.constant 0 : i32
    %dma_wait3A_1296 = tpu.memref_slice %arg5[%dma_wait3A_1294, %dma_wait3A_1295] : memref<102400x16xf32, #tpu.memory_space<hbm>> -> memref<102400x16xf32, #tpu.memory_space<hbm>>
    tpu.wait_indirect_dma semaphore(%arg24 : memref<!tpu.dma_semaphore, #tpu.memory_space<semaphore_mem>>) src(%dma_wait3A_1296 : memref<102400x16xf32, #tpu.memory_space<hbm>>) dst(%dma_wait3A_1291 : memref<104x16xf32, #tpu.memory_space<vmem>>)
    %dma_wait3A_1297 = arith.constant 7 : i32
    %dma_wait3A_1298 = arith.constant 0 : i32
    %dma_wait3A_1299 = arith.constant 0 : i32
    %dma_wait3A_1300 = tpu.memref_slice %arg19[%dma_wait3A_1297, %dma_wait3A_1298, %dma_wait3A_1299] : memref<32x104x16xf32, #tpu.memory_space<vmem>> -> memref<1x104x16xf32, #tpu.memory_space<vmem>>
    %dma_wait3A_1301 = tpu.memref_squeeze %dma_wait3A_1300 : memref<1x104x16xf32, #tpu.memory_space<vmem>> -> memref<104x16xf32, #tpu.memory_space<vmem>>
    %dma_wait3A_1302 = arith.constant 728 : i32
    %dma_wait3A_1303 = tpu.memref_slice %arg12[%dma_wait3A_1302] : memref<3328xi32, #tpu.memory_space<vmem>> -> memref<104xi32, #tpu.memory_space<vmem>>
    %dma_wait3A_1304 = arith.constant 0 : i32
    %dma_wait3A_1305 = arith.constant 0 : i32
    %dma_wait3A_1306 = tpu.memref_slice %arg5[%dma_wait3A_1304, %dma_wait3A_1305] : memref<102400x16xf32, #tpu.memory_space<hbm>> -> memref<102400x16xf32, #tpu.memory_space<hbm>>
    tpu.wait_indirect_dma semaphore(%arg24 : memref<!tpu.dma_semaphore, #tpu.memory_space<semaphore_mem>>) src(%dma_wait3A_1306 : memref<102400x16xf32, #tpu.memory_space<hbm>>) dst(%dma_wait3A_1301 : memref<104x16xf32, #tpu.memory_space<vmem>>)
    %dma_wait3A_1307 = arith.constant 8 : i32
    %dma_wait3A_1308 = arith.constant 0 : i32
    %dma_wait3A_1309 = arith.constant 0 : i32
    %dma_wait3A_1310 = tpu.memref_slice %arg19[%dma_wait3A_1307, %dma_wait3A_1308, %dma_wait3A_1309] : memref<32x104x16xf32, #tpu.memory_space<vmem>> -> memref<1x104x16xf32, #tpu.memory_space<vmem>>
    %dma_wait3A_1311 = tpu.memref_squeeze %dma_wait3A_1310 : memref<1x104x16xf32, #tpu.memory_space<vmem>> -> memref<104x16xf32, #tpu.memory_space<vmem>>
    %dma_wait3A_1312 = arith.constant 832 : i32
    %dma_wait3A_1313 = tpu.memref_slice %arg12[%dma_wait3A_1312] : memref<3328xi32, #tpu.memory_space<vmem>> -> memref<104xi32, #tpu.memory_space<vmem>>
    %dma_wait3A_1314 = arith.constant 0 : i32
    %dma_wait3A_1315 = arith.constant 0 : i32
    %dma_wait3A_1316 = tpu.memref_slice %arg5[%dma_wait3A_1314, %dma_wait3A_1315] : memref<102400x16xf32, #tpu.memory_space<hbm>> -> memref<102400x16xf32, #tpu.memory_space<hbm>>
    tpu.wait_indirect_dma semaphore(%arg24 : memref<!tpu.dma_semaphore, #tpu.memory_space<semaphore_mem>>) src(%dma_wait3A_1316 : memref<102400x16xf32, #tpu.memory_space<hbm>>) dst(%dma_wait3A_1311 : memref<104x16xf32, #tpu.memory_space<vmem>>)
    %dma_wait3A_1317 = arith.constant 9 : i32
    %dma_wait3A_1318 = arith.constant 0 : i32
    %dma_wait3A_1319 = arith.constant 0 : i32
    %dma_wait3A_1320 = tpu.memref_slice %arg19[%dma_wait3A_1317, %dma_wait3A_1318, %dma_wait3A_1319] : memref<32x104x16xf32, #tpu.memory_space<vmem>> -> memref<1x104x16xf32, #tpu.memory_space<vmem>>
    %dma_wait3A_1321 = tpu.memref_squeeze %dma_wait3A_1320 : memref<1x104x16xf32, #tpu.memory_space<vmem>> -> memref<104x16xf32, #tpu.memory_space<vmem>>
    %dma_wait3A_1322 = arith.constant 936 : i32
    %dma_wait3A_1323 = tpu.memref_slice %arg12[%dma_wait3A_1322] : memref<3328xi32, #tpu.memory_space<vmem>> -> memref<104xi32, #tpu.memory_space<vmem>>
    %dma_wait3A_1324 = arith.constant 0 : i32
    %dma_wait3A_1325 = arith.constant 0 : i32
    %dma_wait3A_1326 = tpu.memref_slice %arg5[%dma_wait3A_1324, %dma_wait3A_1325] : memref<102400x16xf32, #tpu.memory_space<hbm>> -> memref<102400x16xf32, #tpu.memory_space<hbm>>
    tpu.wait_indirect_dma semaphore(%arg24 : memref<!tpu.dma_semaphore, #tpu.memory_space<semaphore_mem>>) src(%dma_wait3A_1326 : memref<102400x16xf32, #tpu.memory_space<hbm>>) dst(%dma_wait3A_1321 : memref<104x16xf32, #tpu.memory_space<vmem>>)
    %dma_wait3A_1327 = arith.constant 10 : i32
    %dma_wait3A_1328 = arith.constant 0 : i32
    %dma_wait3A_1329 = arith.constant 0 : i32
    %dma_wait3A_1330 = tpu.memref_slice %arg19[%dma_wait3A_1327, %dma_wait3A_1328, %dma_wait3A_1329] : memref<32x104x16xf32, #tpu.memory_space<vmem>> -> memref<1x104x16xf32, #tpu.memory_space<vmem>>
    %dma_wait3A_1331 = tpu.memref_squeeze %dma_wait3A_1330 : memref<1x104x16xf32, #tpu.memory_space<vmem>> -> memref<104x16xf32, #tpu.memory_space<vmem>>
    %dma_wait3A_1332 = arith.constant 1040 : i32
    %dma_wait3A_1333 = tpu.memref_slice %arg12[%dma_wait3A_1332] : memref<3328xi32, #tpu.memory_space<vmem>> -> memref<104xi32, #tpu.memory_space<vmem>>
    %dma_wait3A_1334 = arith.constant 0 : i32
    %dma_wait3A_1335 = arith.constant 0 : i32
    %dma_wait3A_1336 = tpu.memref_slice %arg5[%dma_wait3A_1334, %dma_wait3A_1335] : memref<102400x16xf32, #tpu.memory_space<hbm>> -> memref<102400x16xf32, #tpu.memory_space<hbm>>
    tpu.wait_indirect_dma semaphore(%arg24 : memref<!tpu.dma_semaphore, #tpu.memory_space<semaphore_mem>>) src(%dma_wait3A_1336 : memref<102400x16xf32, #tpu.memory_space<hbm>>) dst(%dma_wait3A_1331 : memref<104x16xf32, #tpu.memory_space<vmem>>)
    %dma_wait3A_1337 = arith.constant 11 : i32
    %dma_wait3A_1338 = arith.constant 0 : i32
    %dma_wait3A_1339 = arith.constant 0 : i32
    %dma_wait3A_1340 = tpu.memref_slice %arg19[%dma_wait3A_1337, %dma_wait3A_1338, %dma_wait3A_1339] : memref<32x104x16xf32, #tpu.memory_space<vmem>> -> memref<1x104x16xf32, #tpu.memory_space<vmem>>
    %dma_wait3A_1341 = tpu.memref_squeeze %dma_wait3A_1340 : memref<1x104x16xf32, #tpu.memory_space<vmem>> -> memref<104x16xf32, #tpu.memory_space<vmem>>
    %dma_wait3A_1342 = arith.constant 1144 : i32
    %dma_wait3A_1343 = tpu.memref_slice %arg12[%dma_wait3A_1342] : memref<3328xi32, #tpu.memory_space<vmem>> -> memref<104xi32, #tpu.memory_space<vmem>>
    %dma_wait3A_1344 = arith.constant 0 : i32
    %dma_wait3A_1345 = arith.constant 0 : i32
    %dma_wait3A_1346 = tpu.memref_slice %arg5[%dma_wait3A_1344, %dma_wait3A_1345] : memref<102400x16xf32, #tpu.memory_space<hbm>> -> memref<102400x16xf32, #tpu.memory_space<hbm>>
    tpu.wait_indirect_dma semaphore(%arg24 : memref<!tpu.dma_semaphore, #tpu.memory_space<semaphore_mem>>) src(%dma_wait3A_1346 : memref<102400x16xf32, #tpu.memory_space<hbm>>) dst(%dma_wait3A_1341 : memref<104x16xf32, #tpu.memory_space<vmem>>)
    %dma_wait3A_1347 = arith.constant 12 : i32
    %dma_wait3A_1348 = arith.constant 0 : i32
    %dma_wait3A_1349 = arith.constant 0 : i32
    %dma_wait3A_1350 = tpu.memref_slice %arg19[%dma_wait3A_1347, %dma_wait3A_1348, %dma_wait3A_1349] : memref<32x104x16xf32, #tpu.memory_space<vmem>> -> memref<1x104x16xf32, #tpu.memory_space<vmem>>
    %dma_wait3A_1351 = tpu.memref_squeeze %dma_wait3A_1350 : memref<1x104x16xf32, #tpu.memory_space<vmem>> -> memref<104x16xf32, #tpu.memory_space<vmem>>
    %dma_wait3A_1352 = arith.constant 1248 : i32
    %dma_wait3A_1353 = tpu.memref_slice %arg12[%dma_wait3A_1352] : memref<3328xi32, #tpu.memory_space<vmem>> -> memref<104xi32, #tpu.memory_space<vmem>>
    %dma_wait3A_1354 = arith.constant 0 : i32
    %dma_wait3A_1355 = arith.constant 0 : i32
    %dma_wait3A_1356 = tpu.memref_slice %arg5[%dma_wait3A_1354, %dma_wait3A_1355] : memref<102400x16xf32, #tpu.memory_space<hbm>> -> memref<102400x16xf32, #tpu.memory_space<hbm>>
    tpu.wait_indirect_dma semaphore(%arg24 : memref<!tpu.dma_semaphore, #tpu.memory_space<semaphore_mem>>) src(%dma_wait3A_1356 : memref<102400x16xf32, #tpu.memory_space<hbm>>) dst(%dma_wait3A_1351 : memref<104x16xf32, #tpu.memory_space<vmem>>)
    %dma_wait3A_1357 = arith.constant 13 : i32
    %dma_wait3A_1358 = arith.constant 0 : i32
    %dma_wait3A_1359 = arith.constant 0 : i32
    %dma_wait3A_1360 = tpu.memref_slice %arg19[%dma_wait3A_1357, %dma_wait3A_1358, %dma_wait3A_1359] : memref<32x104x16xf32, #tpu.memory_space<vmem>> -> memref<1x104x16xf32, #tpu.memory_space<vmem>>
    %dma_wait3A_1361 = tpu.memref_squeeze %dma_wait3A_1360 : memref<1x104x16xf32, #tpu.memory_space<vmem>> -> memref<104x16xf32, #tpu.memory_space<vmem>>
    %dma_wait3A_1362 = arith.constant 1352 : i32
    %dma_wait3A_1363 = tpu.memref_slice %arg12[%dma_wait3A_1362] : memref<3328xi32, #tpu.memory_space<vmem>> -> memref<104xi32, #tpu.memory_space<vmem>>
    %dma_wait3A_1364 = arith.constant 0 : i32
    %dma_wait3A_1365 = arith.constant 0 : i32
    %dma_wait3A_1366 = tpu.memref_slice %arg5[%dma_wait3A_1364, %dma_wait3A_1365] : memref<102400x16xf32, #tpu.memory_space<hbm>> -> memref<102400x16xf32, #tpu.memory_space<hbm>>
    tpu.wait_indirect_dma semaphore(%arg24 : memref<!tpu.dma_semaphore, #tpu.memory_space<semaphore_mem>>) src(%dma_wait3A_1366 : memref<102400x16xf32, #tpu.memory_space<hbm>>) dst(%dma_wait3A_1361 : memref<104x16xf32, #tpu.memory_space<vmem>>)
    %dma_wait3A_1367 = arith.constant 14 : i32
    %dma_wait3A_1368 = arith.constant 0 : i32
    %dma_wait3A_1369 = arith.constant 0 : i32
    %dma_wait3A_1370 = tpu.memref_slice %arg19[%dma_wait3A_1367, %dma_wait3A_1368, %dma_wait3A_1369] : memref<32x104x16xf32, #tpu.memory_space<vmem>> -> memref<1x104x16xf32, #tpu.memory_space<vmem>>
    %dma_wait3A_1371 = tpu.memref_squeeze %dma_wait3A_1370 : memref<1x104x16xf32, #tpu.memory_space<vmem>> -> memref<104x16xf32, #tpu.memory_space<vmem>>
    %dma_wait3A_1372 = arith.constant 1456 : i32
    %dma_wait3A_1373 = tpu.memref_slice %arg12[%dma_wait3A_1372] : memref<3328xi32, #tpu.memory_space<vmem>> -> memref<104xi32, #tpu.memory_space<vmem>>
    %dma_wait3A_1374 = arith.constant 0 : i32
    %dma_wait3A_1375 = arith.constant 0 : i32
    %dma_wait3A_1376 = tpu.memref_slice %arg5[%dma_wait3A_1374, %dma_wait3A_1375] : memref<102400x16xf32, #tpu.memory_space<hbm>> -> memref<102400x16xf32, #tpu.memory_space<hbm>>
    tpu.wait_indirect_dma semaphore(%arg24 : memref<!tpu.dma_semaphore, #tpu.memory_space<semaphore_mem>>) src(%dma_wait3A_1376 : memref<102400x16xf32, #tpu.memory_space<hbm>>) dst(%dma_wait3A_1371 : memref<104x16xf32, #tpu.memory_space<vmem>>)
    %dma_wait3A_1377 = arith.constant 15 : i32
    %dma_wait3A_1378 = arith.constant 0 : i32
    %dma_wait3A_1379 = arith.constant 0 : i32
    %dma_wait3A_1380 = tpu.memref_slice %arg19[%dma_wait3A_1377, %dma_wait3A_1378, %dma_wait3A_1379] : memref<32x104x16xf32, #tpu.memory_space<vmem>> -> memref<1x104x16xf32, #tpu.memory_space<vmem>>
    %dma_wait3A_1381 = tpu.memref_squeeze %dma_wait3A_1380 : memref<1x104x16xf32, #tpu.memory_space<vmem>> -> memref<104x16xf32, #tpu.memory_space<vmem>>
    %dma_wait3A_1382 = arith.constant 1560 : i32
    %dma_wait3A_1383 = tpu.memref_slice %arg12[%dma_wait3A_1382] : memref<3328xi32, #tpu.memory_space<vmem>> -> memref<104xi32, #tpu.memory_space<vmem>>
    %dma_wait3A_1384 = arith.constant 0 : i32
    %dma_wait3A_1385 = arith.constant 0 : i32
    %dma_wait3A_1386 = tpu.memref_slice %arg5[%dma_wait3A_1384, %dma_wait3A_1385] : memref<102400x16xf32, #tpu.memory_space<hbm>> -> memref<102400x16xf32, #tpu.memory_space<hbm>>
    tpu.wait_indirect_dma semaphore(%arg24 : memref<!tpu.dma_semaphore, #tpu.memory_space<semaphore_mem>>) src(%dma_wait3A_1386 : memref<102400x16xf32, #tpu.memory_space<hbm>>) dst(%dma_wait3A_1381 : memref<104x16xf32, #tpu.memory_space<vmem>>)
    %dma_wait3A_1387 = arith.constant 16 : i32
    %dma_wait3A_1388 = arith.constant 0 : i32
    %dma_wait3A_1389 = arith.constant 0 : i32
    %dma_wait3A_1390 = tpu.memref_slice %arg19[%dma_wait3A_1387, %dma_wait3A_1388, %dma_wait3A_1389] : memref<32x104x16xf32, #tpu.memory_space<vmem>> -> memref<1x104x16xf32, #tpu.memory_space<vmem>>
    %dma_wait3A_1391 = tpu.memref_squeeze %dma_wait3A_1390 : memref<1x104x16xf32, #tpu.memory_space<vmem>> -> memref<104x16xf32, #tpu.memory_space<vmem>>
    %dma_wait3A_1392 = arith.constant 1664 : i32
    %dma_wait3A_1393 = tpu.memref_slice %arg12[%dma_wait3A_1392] : memref<3328xi32, #tpu.memory_space<vmem>> -> memref<104xi32, #tpu.memory_space<vmem>>
    %dma_wait3A_1394 = arith.constant 0 : i32
    %dma_wait3A_1395 = arith.constant 0 : i32
    %dma_wait3A_1396 = tpu.memref_slice %arg5[%dma_wait3A_1394, %dma_wait3A_1395] : memref<102400x16xf32, #tpu.memory_space<hbm>> -> memref<102400x16xf32, #tpu.memory_space<hbm>>
    tpu.wait_indirect_dma semaphore(%arg24 : memref<!tpu.dma_semaphore, #tpu.memory_space<semaphore_mem>>) src(%dma_wait3A_1396 : memref<102400x16xf32, #tpu.memory_space<hbm>>) dst(%dma_wait3A_1391 : memref<104x16xf32, #tpu.memory_space<vmem>>)
    %dma_wait3A_1397 = arith.constant 17 : i32
    %dma_wait3A_1398 = arith.constant 0 : i32
    %dma_wait3A_1399 = arith.constant 0 : i32
    %dma_wait3A_1400 = tpu.memref_slice %arg19[%dma_wait3A_1397, %dma_wait3A_1398, %dma_wait3A_1399] : memref<32x104x16xf32, #tpu.memory_space<vmem>> -> memref<1x104x16xf32, #tpu.memory_space<vmem>>
    %dma_wait3A_1401 = tpu.memref_squeeze %dma_wait3A_1400 : memref<1x104x16xf32, #tpu.memory_space<vmem>> -> memref<104x16xf32, #tpu.memory_space<vmem>>
    %dma_wait3A_1402 = arith.constant 1768 : i32
    %dma_wait3A_1403 = tpu.memref_slice %arg12[%dma_wait3A_1402] : memref<3328xi32, #tpu.memory_space<vmem>> -> memref<104xi32, #tpu.memory_space<vmem>>
    %dma_wait3A_1404 = arith.constant 0 : i32
    %dma_wait3A_1405 = arith.constant 0 : i32
    %dma_wait3A_1406 = tpu.memref_slice %arg5[%dma_wait3A_1404, %dma_wait3A_1405] : memref<102400x16xf32, #tpu.memory_space<hbm>> -> memref<102400x16xf32, #tpu.memory_space<hbm>>
    tpu.wait_indirect_dma semaphore(%arg24 : memref<!tpu.dma_semaphore, #tpu.memory_space<semaphore_mem>>) src(%dma_wait3A_1406 : memref<102400x16xf32, #tpu.memory_space<hbm>>) dst(%dma_wait3A_1401 : memref<104x16xf32, #tpu.memory_space<vmem>>)
    %dma_wait3A_1407 = arith.constant 18 : i32
    %dma_wait3A_1408 = arith.constant 0 : i32
    %dma_wait3A_1409 = arith.constant 0 : i32
    %dma_wait3A_1410 = tpu.memref_slice %arg19[%dma_wait3A_1407, %dma_wait3A_1408, %dma_wait3A_1409] : memref<32x104x16xf32, #tpu.memory_space<vmem>> -> memref<1x104x16xf32, #tpu.memory_space<vmem>>
    %dma_wait3A_1411 = tpu.memref_squeeze %dma_wait3A_1410 : memref<1x104x16xf32, #tpu.memory_space<vmem>> -> memref<104x16xf32, #tpu.memory_space<vmem>>
    %dma_wait3A_1412 = arith.constant 1872 : i32
    %dma_wait3A_1413 = tpu.memref_slice %arg12[%dma_wait3A_1412] : memref<3328xi32, #tpu.memory_space<vmem>> -> memref<104xi32, #tpu.memory_space<vmem>>
    %dma_wait3A_1414 = arith.constant 0 : i32
    %dma_wait3A_1415 = arith.constant 0 : i32
    %dma_wait3A_1416 = tpu.memref_slice %arg5[%dma_wait3A_1414, %dma_wait3A_1415] : memref<102400x16xf32, #tpu.memory_space<hbm>> -> memref<102400x16xf32, #tpu.memory_space<hbm>>
    tpu.wait_indirect_dma semaphore(%arg24 : memref<!tpu.dma_semaphore, #tpu.memory_space<semaphore_mem>>) src(%dma_wait3A_1416 : memref<102400x16xf32, #tpu.memory_space<hbm>>) dst(%dma_wait3A_1411 : memref<104x16xf32, #tpu.memory_space<vmem>>)
    %dma_wait3A_1417 = arith.constant 19 : i32
    %dma_wait3A_1418 = arith.constant 0 : i32
    %dma_wait3A_1419 = arith.constant 0 : i32
    %dma_wait3A_1420 = tpu.memref_slice %arg19[%dma_wait3A_1417, %dma_wait3A_1418, %dma_wait3A_1419] : memref<32x104x16xf32, #tpu.memory_space<vmem>> -> memref<1x104x16xf32, #tpu.memory_space<vmem>>
    %dma_wait3A_1421 = tpu.memref_squeeze %dma_wait3A_1420 : memref<1x104x16xf32, #tpu.memory_space<vmem>> -> memref<104x16xf32, #tpu.memory_space<vmem>>
    %dma_wait3A_1422 = arith.constant 1976 : i32
    %dma_wait3A_1423 = tpu.memref_slice %arg12[%dma_wait3A_1422] : memref<3328xi32, #tpu.memory_space<vmem>> -> memref<104xi32, #tpu.memory_space<vmem>>
    %dma_wait3A_1424 = arith.constant 0 : i32
    %dma_wait3A_1425 = arith.constant 0 : i32
    %dma_wait3A_1426 = tpu.memref_slice %arg5[%dma_wait3A_1424, %dma_wait3A_1425] : memref<102400x16xf32, #tpu.memory_space<hbm>> -> memref<102400x16xf32, #tpu.memory_space<hbm>>
    tpu.wait_indirect_dma semaphore(%arg24 : memref<!tpu.dma_semaphore, #tpu.memory_space<semaphore_mem>>) src(%dma_wait3A_1426 : memref<102400x16xf32, #tpu.memory_space<hbm>>) dst(%dma_wait3A_1421 : memref<104x16xf32, #tpu.memory_space<vmem>>)
    %dma_wait3A_1427 = arith.constant 20 : i32
    %dma_wait3A_1428 = arith.constant 0 : i32
    %dma_wait3A_1429 = arith.constant 0 : i32
    %dma_wait3A_1430 = tpu.memref_slice %arg19[%dma_wait3A_1427, %dma_wait3A_1428, %dma_wait3A_1429] : memref<32x104x16xf32, #tpu.memory_space<vmem>> -> memref<1x104x16xf32, #tpu.memory_space<vmem>>
    %dma_wait3A_1431 = tpu.memref_squeeze %dma_wait3A_1430 : memref<1x104x16xf32, #tpu.memory_space<vmem>> -> memref<104x16xf32, #tpu.memory_space<vmem>>
    %dma_wait3A_1432 = arith.constant 2080 : i32
    %dma_wait3A_1433 = tpu.memref_slice %arg12[%dma_wait3A_1432] : memref<3328xi32, #tpu.memory_space<vmem>> -> memref<104xi32, #tpu.memory_space<vmem>>
    %dma_wait3A_1434 = arith.constant 0 : i32
    %dma_wait3A_1435 = arith.constant 0 : i32
    %dma_wait3A_1436 = tpu.memref_slice %arg5[%dma_wait3A_1434, %dma_wait3A_1435] : memref<102400x16xf32, #tpu.memory_space<hbm>> -> memref<102400x16xf32, #tpu.memory_space<hbm>>
    tpu.wait_indirect_dma semaphore(%arg24 : memref<!tpu.dma_semaphore, #tpu.memory_space<semaphore_mem>>) src(%dma_wait3A_1436 : memref<102400x16xf32, #tpu.memory_space<hbm>>) dst(%dma_wait3A_1431 : memref<104x16xf32, #tpu.memory_space<vmem>>)
    %dma_wait3A_1437 = arith.constant 21 : i32
    %dma_wait3A_1438 = arith.constant 0 : i32
    %dma_wait3A_1439 = arith.constant 0 : i32
    %dma_wait3A_1440 = tpu.memref_slice %arg19[%dma_wait3A_1437, %dma_wait3A_1438, %dma_wait3A_1439] : memref<32x104x16xf32, #tpu.memory_space<vmem>> -> memref<1x104x16xf32, #tpu.memory_space<vmem>>
    %dma_wait3A_1441 = tpu.memref_squeeze %dma_wait3A_1440 : memref<1x104x16xf32, #tpu.memory_space<vmem>> -> memref<104x16xf32, #tpu.memory_space<vmem>>
    %dma_wait3A_1442 = arith.constant 2184 : i32
    %dma_wait3A_1443 = tpu.memref_slice %arg12[%dma_wait3A_1442] : memref<3328xi32, #tpu.memory_space<vmem>> -> memref<104xi32, #tpu.memory_space<vmem>>
    %dma_wait3A_1444 = arith.constant 0 : i32
    %dma_wait3A_1445 = arith.constant 0 : i32
    %dma_wait3A_1446 = tpu.memref_slice %arg5[%dma_wait3A_1444, %dma_wait3A_1445] : memref<102400x16xf32, #tpu.memory_space<hbm>> -> memref<102400x16xf32, #tpu.memory_space<hbm>>
    tpu.wait_indirect_dma semaphore(%arg24 : memref<!tpu.dma_semaphore, #tpu.memory_space<semaphore_mem>>) src(%dma_wait3A_1446 : memref<102400x16xf32, #tpu.memory_space<hbm>>) dst(%dma_wait3A_1441 : memref<104x16xf32, #tpu.memory_space<vmem>>)
    %dma_wait3A_1447 = arith.constant 22 : i32
    %dma_wait3A_1448 = arith.constant 0 : i32
    %dma_wait3A_1449 = arith.constant 0 : i32
    %dma_wait3A_1450 = tpu.memref_slice %arg19[%dma_wait3A_1447, %dma_wait3A_1448, %dma_wait3A_1449] : memref<32x104x16xf32, #tpu.memory_space<vmem>> -> memref<1x104x16xf32, #tpu.memory_space<vmem>>
    %dma_wait3A_1451 = tpu.memref_squeeze %dma_wait3A_1450 : memref<1x104x16xf32, #tpu.memory_space<vmem>> -> memref<104x16xf32, #tpu.memory_space<vmem>>
    %dma_wait3A_1452 = arith.constant 2288 : i32
    %dma_wait3A_1453 = tpu.memref_slice %arg12[%dma_wait3A_1452] : memref<3328xi32, #tpu.memory_space<vmem>> -> memref<104xi32, #tpu.memory_space<vmem>>
    %dma_wait3A_1454 = arith.constant 0 : i32
    %dma_wait3A_1455 = arith.constant 0 : i32
    %dma_wait3A_1456 = tpu.memref_slice %arg5[%dma_wait3A_1454, %dma_wait3A_1455] : memref<102400x16xf32, #tpu.memory_space<hbm>> -> memref<102400x16xf32, #tpu.memory_space<hbm>>
    tpu.wait_indirect_dma semaphore(%arg24 : memref<!tpu.dma_semaphore, #tpu.memory_space<semaphore_mem>>) src(%dma_wait3A_1456 : memref<102400x16xf32, #tpu.memory_space<hbm>>) dst(%dma_wait3A_1451 : memref<104x16xf32, #tpu.memory_space<vmem>>)
    %dma_wait3A_1457 = arith.constant 23 : i32
    %dma_wait3A_1458 = arith.constant 0 : i32
    %dma_wait3A_1459 = arith.constant 0 : i32
    %dma_wait3A_1460 = tpu.memref_slice %arg19[%dma_wait3A_1457, %dma_wait3A_1458, %dma_wait3A_1459] : memref<32x104x16xf32, #tpu.memory_space<vmem>> -> memref<1x104x16xf32, #tpu.memory_space<vmem>>
    %dma_wait3A_1461 = tpu.memref_squeeze %dma_wait3A_1460 : memref<1x104x16xf32, #tpu.memory_space<vmem>> -> memref<104x16xf32, #tpu.memory_space<vmem>>
    %dma_wait3A_1462 = arith.constant 2392 : i32
    %dma_wait3A_1463 = tpu.memref_slice %arg12[%dma_wait3A_1462] : memref<3328xi32, #tpu.memory_space<vmem>> -> memref<104xi32, #tpu.memory_space<vmem>>
    %dma_wait3A_1464 = arith.constant 0 : i32
    %dma_wait3A_1465 = arith.constant 0 : i32
    %dma_wait3A_1466 = tpu.memref_slice %arg5[%dma_wait3A_1464, %dma_wait3A_1465] : memref<102400x16xf32, #tpu.memory_space<hbm>> -> memref<102400x16xf32, #tpu.memory_space<hbm>>
    tpu.wait_indirect_dma semaphore(%arg24 : memref<!tpu.dma_semaphore, #tpu.memory_space<semaphore_mem>>) src(%dma_wait3A_1466 : memref<102400x16xf32, #tpu.memory_space<hbm>>) dst(%dma_wait3A_1461 : memref<104x16xf32, #tpu.memory_space<vmem>>)
    %dma_wait3A_1467 = arith.constant 24 : i32
    %dma_wait3A_1468 = arith.constant 0 : i32
    %dma_wait3A_1469 = arith.constant 0 : i32
    %dma_wait3A_1470 = tpu.memref_slice %arg19[%dma_wait3A_1467, %dma_wait3A_1468, %dma_wait3A_1469] : memref<32x104x16xf32, #tpu.memory_space<vmem>> -> memref<1x104x16xf32, #tpu.memory_space<vmem>>
    %dma_wait3A_1471 = tpu.memref_squeeze %dma_wait3A_1470 : memref<1x104x16xf32, #tpu.memory_space<vmem>> -> memref<104x16xf32, #tpu.memory_space<vmem>>
    %dma_wait3A_1472 = arith.constant 2496 : i32
    %dma_wait3A_1473 = tpu.memref_slice %arg12[%dma_wait3A_1472] : memref<3328xi32, #tpu.memory_space<vmem>> -> memref<104xi32, #tpu.memory_space<vmem>>
    %dma_wait3A_1474 = arith.constant 0 : i32
    %dma_wait3A_1475 = arith.constant 0 : i32
    %dma_wait3A_1476 = tpu.memref_slice %arg5[%dma_wait3A_1474, %dma_wait3A_1475] : memref<102400x16xf32, #tpu.memory_space<hbm>> -> memref<102400x16xf32, #tpu.memory_space<hbm>>
    tpu.wait_indirect_dma semaphore(%arg24 : memref<!tpu.dma_semaphore, #tpu.memory_space<semaphore_mem>>) src(%dma_wait3A_1476 : memref<102400x16xf32, #tpu.memory_space<hbm>>) dst(%dma_wait3A_1471 : memref<104x16xf32, #tpu.memory_space<vmem>>)
    %dma_wait3A_1477 = arith.constant 25 : i32
    %dma_wait3A_1478 = arith.constant 0 : i32
    %dma_wait3A_1479 = arith.constant 0 : i32
    %dma_wait3A_1480 = tpu.memref_slice %arg19[%dma_wait3A_1477, %dma_wait3A_1478, %dma_wait3A_1479] : memref<32x104x16xf32, #tpu.memory_space<vmem>> -> memref<1x104x16xf32, #tpu.memory_space<vmem>>
    %dma_wait3A_1481 = tpu.memref_squeeze %dma_wait3A_1480 : memref<1x104x16xf32, #tpu.memory_space<vmem>> -> memref<104x16xf32, #tpu.memory_space<vmem>>
    %dma_wait3A_1482 = arith.constant 2600 : i32
    %dma_wait3A_1483 = tpu.memref_slice %arg12[%dma_wait3A_1482] : memref<3328xi32, #tpu.memory_space<vmem>> -> memref<104xi32, #tpu.memory_space<vmem>>
    %dma_wait3A_1484 = arith.constant 0 : i32
    %dma_wait3A_1485 = arith.constant 0 : i32
    %dma_wait3A_1486 = tpu.memref_slice %arg5[%dma_wait3A_1484, %dma_wait3A_1485] : memref<102400x16xf32, #tpu.memory_space<hbm>> -> memref<102400x16xf32, #tpu.memory_space<hbm>>
    tpu.wait_indirect_dma semaphore(%arg24 : memref<!tpu.dma_semaphore, #tpu.memory_space<semaphore_mem>>) src(%dma_wait3A_1486 : memref<102400x16xf32, #tpu.memory_space<hbm>>) dst(%dma_wait3A_1481 : memref<104x16xf32, #tpu.memory_space<vmem>>)
    %dma_wait3A_1487 = arith.constant 26 : i32
    %dma_wait3A_1488 = arith.constant 0 : i32
    %dma_wait3A_1489 = arith.constant 0 : i32
    %dma_wait3A_1490 = tpu.memref_slice %arg19[%dma_wait3A_1487, %dma_wait3A_1488, %dma_wait3A_1489] : memref<32x104x16xf32, #tpu.memory_space<vmem>> -> memref<1x104x16xf32, #tpu.memory_space<vmem>>
    %dma_wait3A_1491 = tpu.memref_squeeze %dma_wait3A_1490 : memref<1x104x16xf32, #tpu.memory_space<vmem>> -> memref<104x16xf32, #tpu.memory_space<vmem>>
    %dma_wait3A_1492 = arith.constant 2704 : i32
    %dma_wait3A_1493 = tpu.memref_slice %arg12[%dma_wait3A_1492] : memref<3328xi32, #tpu.memory_space<vmem>> -> memref<104xi32, #tpu.memory_space<vmem>>
    %dma_wait3A_1494 = arith.constant 0 : i32
    %dma_wait3A_1495 = arith.constant 0 : i32
    %dma_wait3A_1496 = tpu.memref_slice %arg5[%dma_wait3A_1494, %dma_wait3A_1495] : memref<102400x16xf32, #tpu.memory_space<hbm>> -> memref<102400x16xf32, #tpu.memory_space<hbm>>
    tpu.wait_indirect_dma semaphore(%arg24 : memref<!tpu.dma_semaphore, #tpu.memory_space<semaphore_mem>>) src(%dma_wait3A_1496 : memref<102400x16xf32, #tpu.memory_space<hbm>>) dst(%dma_wait3A_1491 : memref<104x16xf32, #tpu.memory_space<vmem>>)
    %dma_wait3A_1497 = arith.constant 27 : i32
    %dma_wait3A_1498 = arith.constant 0 : i32
    %dma_wait3A_1499 = arith.constant 0 : i32
    %dma_wait3A_1500 = tpu.memref_slice %arg19[%dma_wait3A_1497, %dma_wait3A_1498, %dma_wait3A_1499] : memref<32x104x16xf32, #tpu.memory_space<vmem>> -> memref<1x104x16xf32, #tpu.memory_space<vmem>>
    %dma_wait3A_1501 = tpu.memref_squeeze %dma_wait3A_1500 : memref<1x104x16xf32, #tpu.memory_space<vmem>> -> memref<104x16xf32, #tpu.memory_space<vmem>>
    %dma_wait3A_1502 = arith.constant 2808 : i32
    %dma_wait3A_1503 = tpu.memref_slice %arg12[%dma_wait3A_1502] : memref<3328xi32, #tpu.memory_space<vmem>> -> memref<104xi32, #tpu.memory_space<vmem>>
    %dma_wait3A_1504 = arith.constant 0 : i32
    %dma_wait3A_1505 = arith.constant 0 : i32
    %dma_wait3A_1506 = tpu.memref_slice %arg5[%dma_wait3A_1504, %dma_wait3A_1505] : memref<102400x16xf32, #tpu.memory_space<hbm>> -> memref<102400x16xf32, #tpu.memory_space<hbm>>
    tpu.wait_indirect_dma semaphore(%arg24 : memref<!tpu.dma_semaphore, #tpu.memory_space<semaphore_mem>>) src(%dma_wait3A_1506 : memref<102400x16xf32, #tpu.memory_space<hbm>>) dst(%dma_wait3A_1501 : memref<104x16xf32, #tpu.memory_space<vmem>>)
    %dma_wait3A_1507 = arith.constant 28 : i32
    %dma_wait3A_1508 = arith.constant 0 : i32
    %dma_wait3A_1509 = arith.constant 0 : i32
    %dma_wait3A_1510 = tpu.memref_slice %arg19[%dma_wait3A_1507, %dma_wait3A_1508, %dma_wait3A_1509] : memref<32x104x16xf32, #tpu.memory_space<vmem>> -> memref<1x104x16xf32, #tpu.memory_space<vmem>>
    %dma_wait3A_1511 = tpu.memref_squeeze %dma_wait3A_1510 : memref<1x104x16xf32, #tpu.memory_space<vmem>> -> memref<104x16xf32, #tpu.memory_space<vmem>>
    %dma_wait3A_1512 = arith.constant 2912 : i32
    %dma_wait3A_1513 = tpu.memref_slice %arg12[%dma_wait3A_1512] : memref<3328xi32, #tpu.memory_space<vmem>> -> memref<104xi32, #tpu.memory_space<vmem>>
    %dma_wait3A_1514 = arith.constant 0 : i32
    %dma_wait3A_1515 = arith.constant 0 : i32
    %dma_wait3A_1516 = tpu.memref_slice %arg5[%dma_wait3A_1514, %dma_wait3A_1515] : memref<102400x16xf32, #tpu.memory_space<hbm>> -> memref<102400x16xf32, #tpu.memory_space<hbm>>
    tpu.wait_indirect_dma semaphore(%arg24 : memref<!tpu.dma_semaphore, #tpu.memory_space<semaphore_mem>>) src(%dma_wait3A_1516 : memref<102400x16xf32, #tpu.memory_space<hbm>>) dst(%dma_wait3A_1511 : memref<104x16xf32, #tpu.memory_space<vmem>>)
    %dma_wait3A_1517 = arith.constant 29 : i32
    %dma_wait3A_1518 = arith.constant 0 : i32
    %dma_wait3A_1519 = arith.constant 0 : i32
    %dma_wait3A_1520 = tpu.memref_slice %arg19[%dma_wait3A_1517, %dma_wait3A_1518, %dma_wait3A_1519] : memref<32x104x16xf32, #tpu.memory_space<vmem>> -> memref<1x104x16xf32, #tpu.memory_space<vmem>>
    %dma_wait3A_1521 = tpu.memref_squeeze %dma_wait3A_1520 : memref<1x104x16xf32, #tpu.memory_space<vmem>> -> memref<104x16xf32, #tpu.memory_space<vmem>>
    %dma_wait3A_1522 = arith.constant 3016 : i32
    %dma_wait3A_1523 = tpu.memref_slice %arg12[%dma_wait3A_1522] : memref<3328xi32, #tpu.memory_space<vmem>> -> memref<104xi32, #tpu.memory_space<vmem>>
    %dma_wait3A_1524 = arith.constant 0 : i32
    %dma_wait3A_1525 = arith.constant 0 : i32
    %dma_wait3A_1526 = tpu.memref_slice %arg5[%dma_wait3A_1524, %dma_wait3A_1525] : memref<102400x16xf32, #tpu.memory_space<hbm>> -> memref<102400x16xf32, #tpu.memory_space<hbm>>
    tpu.wait_indirect_dma semaphore(%arg24 : memref<!tpu.dma_semaphore, #tpu.memory_space<semaphore_mem>>) src(%dma_wait3A_1526 : memref<102400x16xf32, #tpu.memory_space<hbm>>) dst(%dma_wait3A_1521 : memref<104x16xf32, #tpu.memory_space<vmem>>)
    %dma_wait3A_1527 = arith.constant 30 : i32
    %dma_wait3A_1528 = arith.constant 0 : i32
    %dma_wait3A_1529 = arith.constant 0 : i32
    %dma_wait3A_1530 = tpu.memref_slice %arg19[%dma_wait3A_1527, %dma_wait3A_1528, %dma_wait3A_1529] : memref<32x104x16xf32, #tpu.memory_space<vmem>> -> memref<1x104x16xf32, #tpu.memory_space<vmem>>
    %dma_wait3A_1531 = tpu.memref_squeeze %dma_wait3A_1530 : memref<1x104x16xf32, #tpu.memory_space<vmem>> -> memref<104x16xf32, #tpu.memory_space<vmem>>
    %dma_wait3A_1532 = arith.constant 3120 : i32
    %dma_wait3A_1533 = tpu.memref_slice %arg12[%dma_wait3A_1532] : memref<3328xi32, #tpu.memory_space<vmem>> -> memref<104xi32, #tpu.memory_space<vmem>>
    %dma_wait3A_1534 = arith.constant 0 : i32
    %dma_wait3A_1535 = arith.constant 0 : i32
    %dma_wait3A_1536 = tpu.memref_slice %arg5[%dma_wait3A_1534, %dma_wait3A_1535] : memref<102400x16xf32, #tpu.memory_space<hbm>> -> memref<102400x16xf32, #tpu.memory_space<hbm>>
    tpu.wait_indirect_dma semaphore(%arg24 : memref<!tpu.dma_semaphore, #tpu.memory_space<semaphore_mem>>) src(%dma_wait3A_1536 : memref<102400x16xf32, #tpu.memory_space<hbm>>) dst(%dma_wait3A_1531 : memref<104x16xf32, #tpu.memory_space<vmem>>)
    %dma_wait3A_1537 = arith.constant 31 : i32
    %dma_wait3A_1538 = arith.constant 0 : i32
    %dma_wait3A_1539 = arith.constant 0 : i32
    %dma_wait3A_1540 = tpu.memref_slice %arg19[%dma_wait3A_1537, %dma_wait3A_1538, %dma_wait3A_1539] : memref<32x104x16xf32, #tpu.memory_space<vmem>> -> memref<1x104x16xf32, #tpu.memory_space<vmem>>
    %dma_wait3A_1541 = tpu.memref_squeeze %dma_wait3A_1540 : memref<1x104x16xf32, #tpu.memory_space<vmem>> -> memref<104x16xf32, #tpu.memory_space<vmem>>
    %dma_wait3A_1542 = arith.constant 3224 : i32
    %dma_wait3A_1543 = tpu.memref_slice %arg12[%dma_wait3A_1542] : memref<3328xi32, #tpu.memory_space<vmem>> -> memref<104xi32, #tpu.memory_space<vmem>>
    %dma_wait3A_1544 = arith.constant 0 : i32
    %dma_wait3A_1545 = arith.constant 0 : i32
    %dma_wait3A_1546 = tpu.memref_slice %arg5[%dma_wait3A_1544, %dma_wait3A_1545] : memref<102400x16xf32, #tpu.memory_space<hbm>> -> memref<102400x16xf32, #tpu.memory_space<hbm>>
    tpu.wait_indirect_dma semaphore(%arg24 : memref<!tpu.dma_semaphore, #tpu.memory_space<semaphore_mem>>) src(%dma_wait3A_1546 : memref<102400x16xf32, #tpu.memory_space<hbm>>) dst(%dma_wait3A_1541 : memref<104x16xf32, #tpu.memory_space<vmem>>)
    %mul3A_1547 = arith.constant 32 : i32
    %mul3A_1548 = arith.muli %add3A, %mul3A_1547 : i32
    "tpu.region"() ({
      %run_scoped3A = tpu.sem_alloc : memref<!tpu.dma_semaphore, #tpu.memory_space<semaphore_mem>>
      %dma_start3A_1549 = arith.constant 0 : i32
      %dma_start3A_1550 = arith.constant 0 : i32
      %dma_start3A_1551 = tpu.memref_slice %arg10[%mul3A_1548, %dma_start3A_1549, %dma_start3A_1550] : memref<1024x104x16xf32, #tpu.memory_space<hbm>> -> memref<32x104x16xf32, #tpu.memory_space<hbm>>
      %dma_start3A_1552 = arith.constant 0 : i32
      %dma_start3A_1553 = arith.constant 0 : i32
      %dma_start3A_1554 = tpu.memref_slice %arg10[%mul3A_1548, %dma_start3A_1552, %dma_start3A_1553] : memref<1024x104x16xf32, #tpu.memory_space<hbm>> -> memref<32x104x16xf32, #tpu.memory_space<hbm>>
      tpu.enqueue_dma source(%arg19 : memref<32x104x16xf32, #tpu.memory_space<vmem>>) target(%dma_start3A_1554 : memref<32x104x16xf32, #tpu.memory_space<hbm>>) target_semaphore(%run_scoped3A : memref<!tpu.dma_semaphore, #tpu.memory_space<semaphore_mem>>)
      %dma_wait3A_1555 = arith.constant 0 : i32
      %dma_wait3A_1556 = arith.constant 0 : i32
      %dma_wait3A_1557 = tpu.memref_slice %arg10[%mul3A_1548, %dma_wait3A_1555, %dma_wait3A_1556] : memref<1024x104x16xf32, #tpu.memory_space<hbm>> -> memref<32x104x16xf32, #tpu.memory_space<hbm>>
      %dma_wait3A_1558 = arith.constant 0 : i32
      %dma_wait3A_1559 = arith.constant 0 : i32
      %dma_wait3A_1560 = tpu.memref_slice %arg10[%mul3A_1548, %dma_wait3A_1558, %dma_wait3A_1559] : memref<1024x104x16xf32, #tpu.memory_space<hbm>> -> memref<32x104x16xf32, #tpu.memory_space<hbm>>
      tpu.wait_dma2 semaphore(%run_scoped3A : memref<!tpu.dma_semaphore, #tpu.memory_space<semaphore_mem>>) src(%arg19 : memref<32x104x16xf32, #tpu.memory_space<vmem>>) dst(%dma_wait3A_1560 : memref<32x104x16xf32, #tpu.memory_space<hbm>>)
      tpu.yield
    }) : () -> ()
    return
  }
}

module attributes {stable_mosaic.version = 14 : i64} {
  func.func @_tile_tr_body(%arg0: i32, %arg1: i32, %arg2: memref<128x4096xf32, #tpu.memory_space<vmem>>, %arg3: memref<4096x128xf32, #tpu.memory_space<vmem>>) attributes {dimension_semantics = [#tpu.dimension_semantics<arbitrary>, #tpu.dimension_semantics<arbitrary>], iteration_bounds = array<i64: 4, 25>, scalar_prefetch = 0 : i64, scratch_operands = 0 : i64, tpu.core_type = #tpu.core_type<tc>, window_params = [{transform_indices = @transform_0, window_bounds = array<i64: 128, 4096>}, {transform_indices = @transform_1, window_bounds = array<i64: 4096, 128>}]} {
    %get3A = arith.constant 0 : index
    %get3A_0 = arith.constant 0 : index
    %get3A_1 = vector.load %arg2[%get3A, %get3A_0] : memref<128x4096xf32, #tpu.memory_space<vmem>>, vector<128x4096xf32>
    %transpose3A = tpu.transpose %get3A_1, [1, 0] : vector<128x4096xf32> -> vector<4096x128xf32>
    %swap3A = arith.constant 0 : index
    %swap3A_2 = arith.constant 0 : index
    %swap3A_3 = vector.load %arg3[%swap3A, %swap3A_2] : memref<4096x128xf32, #tpu.memory_space<vmem>>, vector<4096x128xf32>
    tpu.vector_store %arg3[%swap3A, %swap3A_2], %transpose3A {strides = array<i32>} : memref<4096x128xf32, #tpu.memory_space<vmem>>, vector<4096x128xf32>,
    return
  }
  func.func @transform_0(%arg0: i32, %arg1: i32) -> (i32, i32) {
    %c0_i32 = arith.constant 0 : i32
    return %arg0, %arg1 : i32, i32
  }
  func.func @transform_1(%arg0: i32, %arg1: i32) -> (i32, i32) {
    %mul3A = arith.constant 25 : i32
    %mul3A_0 = arith.muli %arg0, %mul3A : i32
    %add3A = arith.addi %mul3A_0, %arg1 : i32
    %c0_i32 = arith.constant 0 : i32
    %c0_i32_1 = arith.constant 0 : i32
    return %add3A, %c0_i32 : i32, i32
  }
}

module attributes {stable_mosaic.version = 14 : i64} {
  func.func @_tr_body(%arg0: i32, %arg1: i32, %arg2: memref<1x16x4096xf32, #tpu.memory_space<vmem>>, %arg3: memref<512x128xf32, #tpu.memory_space<vmem>>) attributes {dimension_semantics = [#tpu.dimension_semantics<arbitrary>, #tpu.dimension_semantics<arbitrary>], iteration_bounds = array<i64: 1, 25>, scalar_prefetch = 0 : i64, scratch_operands = 0 : i64, tpu.core_type = #tpu.core_type<tc>, window_params = [{transform_indices = @transform_0, window_bounds = array<i64: 1, 16, 4096>}, {transform_indices = @transform_1, window_bounds = array<i64: 512, 128>}]} {
    %get3A = arith.constant 0 : index
    %get3A_0 = arith.constant 0 : index
    %get3A_1 = arith.constant 0 : index
    %get3A_2 = vector.load %arg2[%get3A, %get3A_0, %get3A_1] : memref<1x16x4096xf32, #tpu.memory_space<vmem>>, vector<1x16x4096xf32>
    %get3A_3 = vector.shape_cast %get3A_2 : vector<1x16x4096xf32> to vector<16x4096xf32>
    %slice3A = vector.extract_strided_slice %get3A_3 {offsets = [0, 0], sizes = [16, 512], strides = [1, 1]} : vector<16x4096xf32> to vector<16x512xf32>
    %transpose3A = tpu.transpose %slice3A, [1, 0] : vector<16x512xf32> -> vector<512x16xf32>
    %swap3A = arith.constant 0 : index
    %swap3A_4 = arith.constant 0 : index
    %swap3A_5 = vector.load %arg3[%swap3A, %swap3A_4] : memref<512x128xf32, #tpu.memory_space<vmem>>, vector<512x16xf32>
    tpu.vector_store %arg3[%swap3A, %swap3A_4], %transpose3A {strides = array<i32>} : memref<512x128xf32, #tpu.memory_space<vmem>>, vector<512x16xf32>,
    %slice3A_6 = vector.extract_strided_slice %get3A_3 {offsets = [0, 512], sizes = [16, 512], strides = [1, 1]} : vector<16x4096xf32> to vector<16x512xf32>
    %transpose3A_7 = tpu.transpose %slice3A_6, [1, 0] : vector<16x512xf32> -> vector<512x16xf32>
    %swap3A_8 = arith.constant 0 : index
    %swap3A_9 = arith.constant 16 : index
    %swap3A_10 = vector.load %arg3[%swap3A_8, %swap3A_9] : memref<512x128xf32, #tpu.memory_space<vmem>>, vector<512x16xf32>
    tpu.vector_store %arg3[%swap3A_8, %swap3A_9], %transpose3A_7 {strides = array<i32>} : memref<512x128xf32, #tpu.memory_space<vmem>>, vector<512x16xf32>,
    %slice3A_11 = vector.extract_strided_slice %get3A_3 {offsets = [0, 1024], sizes = [16, 512], strides = [1, 1]} : vector<16x4096xf32> to vector<16x512xf32>
    %transpose3A_12 = tpu.transpose %slice3A_11, [1, 0] : vector<16x512xf32> -> vector<512x16xf32>
    %swap3A_13 = arith.constant 0 : index
    %swap3A_14 = arith.constant 32 : index
    %swap3A_15 = vector.load %arg3[%swap3A_13, %swap3A_14] : memref<512x128xf32, #tpu.memory_space<vmem>>, vector<512x16xf32>
    tpu.vector_store %arg3[%swap3A_13, %swap3A_14], %transpose3A_12 {strides = array<i32>} : memref<512x128xf32, #tpu.memory_space<vmem>>, vector<512x16xf32>,
    %slice3A_16 = vector.extract_strided_slice %get3A_3 {offsets = [0, 1536], sizes = [16, 512], strides = [1, 1]} : vector<16x4096xf32> to vector<16x512xf32>
    %transpose3A_17 = tpu.transpose %slice3A_16, [1, 0] : vector<16x512xf32> -> vector<512x16xf32>
    %swap3A_18 = arith.constant 0 : index
    %swap3A_19 = arith.constant 48 : index
    %swap3A_20 = vector.load %arg3[%swap3A_18, %swap3A_19] : memref<512x128xf32, #tpu.memory_space<vmem>>, vector<512x16xf32>
    tpu.vector_store %arg3[%swap3A_18, %swap3A_19], %transpose3A_17 {strides = array<i32>} : memref<512x128xf32, #tpu.memory_space<vmem>>, vector<512x16xf32>,
    %slice3A_21 = vector.extract_strided_slice %get3A_3 {offsets = [0, 2048], sizes = [16, 512], strides = [1, 1]} : vector<16x4096xf32> to vector<16x512xf32>
    %transpose3A_22 = tpu.transpose %slice3A_21, [1, 0] : vector<16x512xf32> -> vector<512x16xf32>
    %swap3A_23 = arith.constant 0 : index
    %swap3A_24 = arith.constant 64 : index
    %swap3A_25 = vector.load %arg3[%swap3A_23, %swap3A_24] : memref<512x128xf32, #tpu.memory_space<vmem>>, vector<512x16xf32>
    tpu.vector_store %arg3[%swap3A_23, %swap3A_24], %transpose3A_22 {strides = array<i32>} : memref<512x128xf32, #tpu.memory_space<vmem>>, vector<512x16xf32>,
    %slice3A_26 = vector.extract_strided_slice %get3A_3 {offsets = [0, 2560], sizes = [16, 512], strides = [1, 1]} : vector<16x4096xf32> to vector<16x512xf32>
    %transpose3A_27 = tpu.transpose %slice3A_26, [1, 0] : vector<16x512xf32> -> vector<512x16xf32>
    %swap3A_28 = arith.constant 0 : index
    %swap3A_29 = arith.constant 80 : index
    %swap3A_30 = vector.load %arg3[%swap3A_28, %swap3A_29] : memref<512x128xf32, #tpu.memory_space<vmem>>, vector<512x16xf32>
    tpu.vector_store %arg3[%swap3A_28, %swap3A_29], %transpose3A_27 {strides = array<i32>} : memref<512x128xf32, #tpu.memory_space<vmem>>, vector<512x16xf32>,
    %slice3A_31 = vector.extract_strided_slice %get3A_3 {offsets = [0, 3072], sizes = [16, 512], strides = [1, 1]} : vector<16x4096xf32> to vector<16x512xf32>
    %transpose3A_32 = tpu.transpose %slice3A_31, [1, 0] : vector<16x512xf32> -> vector<512x16xf32>
    %swap3A_33 = arith.constant 0 : index
    %swap3A_34 = arith.constant 96 : index
    %swap3A_35 = vector.load %arg3[%swap3A_33, %swap3A_34] : memref<512x128xf32, #tpu.memory_space<vmem>>, vector<512x16xf32>
    tpu.vector_store %arg3[%swap3A_33, %swap3A_34], %transpose3A_32 {strides = array<i32>} : memref<512x128xf32, #tpu.memory_space<vmem>>, vector<512x16xf32>,
    %slice3A_36 = vector.extract_strided_slice %get3A_3 {offsets = [0, 3584], sizes = [16, 512], strides = [1, 1]} : vector<16x4096xf32> to vector<16x512xf32>
    %transpose3A_37 = tpu.transpose %slice3A_36, [1, 0] : vector<16x512xf32> -> vector<512x16xf32>
    %swap3A_38 = arith.constant 0 : index
    %swap3A_39 = arith.constant 112 : index
    %swap3A_40 = vector.load %arg3[%swap3A_38, %swap3A_39] : memref<512x128xf32, #tpu.memory_space<vmem>>, vector<512x16xf32>
    tpu.vector_store %arg3[%swap3A_38, %swap3A_39], %transpose3A_37 {strides = array<i32>} : memref<512x128xf32, #tpu.memory_space<vmem>>, vector<512x16xf32>,
    return
  }
  func.func @transform_0(%arg0: i32, %arg1: i32) -> (i32, i32, i32) {
    %c0_i32 = arith.constant 0 : i32
    %c0_i32_0 = arith.constant 0 : i32
    return %arg0, %c0_i32, %arg1 : i32, i32, i32
  }
  func.func @transform_1(%arg0: i32, %arg1: i32) -> (i32, i32) {
    %mul3A = arith.constant 25 : i32
    %mul3A_0 = arith.muli %arg0, %mul3A : i32
    %add3A = arith.addi %mul3A_0, %arg1 : i32
    %c0_i32 = arith.constant 0 : i32
    %c0_i32_1 = arith.constant 0 : i32
    return %add3A, %c0_i32 : i32, i32
  }
}

module attributes {stable_mosaic.version = 14 : i64} {
  func.func @_mlp_body(%arg0: memref<4096x416xf32, #tpu.memory_space<vmem>>, %arg1: memref<416x256xf32, #tpu.memory_space<vmem>>, %arg2: memref<256xf32, #tpu.memory_space<vmem>>, %arg3: memref<256xf32, #tpu.memory_space<vmem>>, %arg4: memref<256xf32, #tpu.memory_space<vmem>>, %arg5: memref<256x128xf32, #tpu.memory_space<vmem>>, %arg6: memref<128xf32, #tpu.memory_space<vmem>>, %arg7: memref<128xf32, #tpu.memory_space<vmem>>, %arg8: memref<128xf32, #tpu.memory_space<vmem>>, %arg9: memref<128x1xf32, #tpu.memory_space<vmem>>, %arg10: memref<1xf32, #tpu.memory_space<vmem>>, %arg11: memref<1xf32, #tpu.memory_space<vmem>>, %arg12: memref<4096xf32, #tpu.memory_space<vmem>>, %arg13: memref<4096xf32, #tpu.memory_space<vmem>>) attributes {dimension_semantics = [], scalar_prefetch = 0 : i64, scratch_operands = 0 : i64, tpu.core_type = #tpu.core_type<tc>} {
    %get3A = arith.constant 0 : index
    %get3A_0 = arith.constant 0 : index
    %get3A_1 = vector.load %arg0[%get3A, %get3A_0] : memref<4096x416xf32, #tpu.memory_space<vmem>>, vector<4096x416xf32>
    %get3A_2 = arith.constant 0 : index
    %get3A_3 = arith.constant 0 : index
    %get3A_4 = vector.load %arg1[%get3A_2, %get3A_3] : memref<416x256xf32, #tpu.memory_space<vmem>>, vector<416x256xf32>
    %dot_general3A = arith.constant dense<0.000000e+00> : vector<4096x256xf32>
    %dot_general3A_5 = tpu.matmul %get3A_1, %get3A_4, %dot_general3A {dimension_numbers = #tpu.dot_dimension_numbers<[1], [0], [0], [1], [0, 0, 1, 1], [], []>, transpose_lhs_hint = false} : vector<4096x416xf32>, vector<416x256xf32>, vector<4096x256xf32> -> vector<4096x256xf32>
    %get3A_6 = arith.constant 0 : index
    %get3A_7 = vector.load %arg2[%get3A_6] : memref<256xf32, #tpu.memory_space<vmem>>, vector<256xf32>
    %broadcast_in_dim3A = vector.shape_cast %get3A_7 : vector<256xf32> to vector<1x256xf32>
    %add3A = vector.broadcast %broadcast_in_dim3A : vector<1x256xf32> to vector<4096x256xf32>
    %add3A_8 = arith.addf %dot_general3A_5, %add3A : vector<4096x256xf32>
    %reduce_sum3A = arith.constant dense<0.000000e+00> : vector<256xf32>
    %reduce_sum3A_9 = vector.multi_reduction <add>, %add3A_8, %reduce_sum3A [0] : vector<4096x256xf32> to vector<256xf32>
    %broadcast_in_dim3A_10 = vector.shape_cast %reduce_sum3A_9 : vector<256xf32> to vector<1x256xf32>
    %div3A = arith.constant 4.096000e+03 : f32
    %div3A_11 = vector.broadcast %div3A : f32 to vector<1x256xf32>
    %div3A_12 = arith.divf %broadcast_in_dim3A_10, %div3A_11 : vector<1x256xf32>
    %sub3A = vector.broadcast %div3A_12 : vector<1x256xf32> to vector<4096x256xf32>
    %sub3A_13 = arith.subf %add3A_8, %sub3A : vector<4096x256xf32>
    %integer_pow3A = arith.mulf %sub3A_13, %sub3A_13 : vector<4096x256xf32>
    %reduce_sum3A_14 = arith.constant dense<0.000000e+00> : vector<256xf32>
    %reduce_sum3A_15 = vector.multi_reduction <add>, %integer_pow3A, %reduce_sum3A_14 [0] : vector<4096x256xf32> to vector<256xf32>
    %broadcast_in_dim3A_16 = vector.shape_cast %reduce_sum3A_15 : vector<256xf32> to vector<1x256xf32>
    %div3A_17 = arith.constant 4.096000e+03 : f32
    %div3A_18 = vector.broadcast %div3A_17 : f32 to vector<1x256xf32>
    %div3A_19 = arith.divf %broadcast_in_dim3A_16, %div3A_18 : vector<1x256xf32>
    %sub3A_20 = vector.broadcast %div3A_12 : vector<1x256xf32> to vector<4096x256xf32>
    %sub3A_21 = arith.subf %add3A_8, %sub3A_20 : vector<4096x256xf32>
    %add3A_22 = arith.constant 9.99999974E-6 : f32
    %add3A_23 = vector.broadcast %add3A_22 : f32 to vector<1x256xf32>
    %add3A_24 = arith.addf %div3A_19, %add3A_23 : vector<1x256xf32>
    %sqrt3A = math.sqrt %add3A_24 : vector<1x256xf32>
    %div3A_25 = vector.broadcast %sqrt3A : vector<1x256xf32> to vector<4096x256xf32>
    %div3A_26 = arith.divf %sub3A_21, %div3A_25 : vector<4096x256xf32>
    %get3A_27 = arith.constant 0 : index
    %get3A_28 = vector.load %arg3[%get3A_27] : memref<256xf32, #tpu.memory_space<vmem>>, vector<256xf32>
    %broadcast_in_dim3A_29 = vector.shape_cast %get3A_28 : vector<256xf32> to vector<1x256xf32>
    %mul3A = vector.broadcast %broadcast_in_dim3A_29 : vector<1x256xf32> to vector<4096x256xf32>
    %mul3A_30 = arith.mulf %div3A_26, %mul3A : vector<4096x256xf32>
    %get3A_31 = arith.constant 0 : index
    %get3A_32 = vector.load %arg4[%get3A_31] : memref<256xf32, #tpu.memory_space<vmem>>, vector<256xf32>
    %broadcast_in_dim3A_33 = vector.shape_cast %get3A_32 : vector<256xf32> to vector<1x256xf32>
    %add3A_34 = vector.broadcast %broadcast_in_dim3A_33 : vector<1x256xf32> to vector<4096x256xf32>
    %add3A_35 = arith.addf %mul3A_30, %add3A_34 : vector<4096x256xf32>
    %max3A = arith.constant 0.000000e+00 : f32
    %max3A_36 = vector.broadcast %max3A : f32 to vector<4096x256xf32>
    %max3A_37 = arith.maximumf %add3A_35, %max3A_36 : vector<4096x256xf32>
    %get3A_38 = arith.constant 0 : index
    %get3A_39 = arith.constant 0 : index
    %get3A_40 = vector.load %arg5[%get3A_38, %get3A_39] : memref<256x128xf32, #tpu.memory_space<vmem>>, vector<256x128xf32>
    %dot_general3A_41 = arith.constant dense<0.000000e+00> : vector<4096x128xf32>
    %dot_general3A_42 = tpu.matmul %max3A_37, %get3A_40, %dot_general3A_41 {dimension_numbers = #tpu.dot_dimension_numbers<[1], [0], [0], [1], [0, 0, 1, 1], [], []>, transpose_lhs_hint = false} : vector<4096x256xf32>, vector<256x128xf32>, vector<4096x128xf32> -> vector<4096x128xf32>
    %get3A_43 = arith.constant 0 : index
    %get3A_44 = vector.load %arg6[%get3A_43] : memref<128xf32, #tpu.memory_space<vmem>>, vector<128xf32>
    %broadcast_in_dim3A_45 = vector.shape_cast %get3A_44 : vector<128xf32> to vector<1x128xf32>
    %add3A_46 = vector.broadcast %broadcast_in_dim3A_45 : vector<1x128xf32> to vector<4096x128xf32>
    %add3A_47 = arith.addf %dot_general3A_42, %add3A_46 : vector<4096x128xf32>
    %reduce_sum3A_48 = arith.constant dense<0.000000e+00> : vector<128xf32>
    %reduce_sum3A_49 = vector.multi_reduction <add>, %add3A_47, %reduce_sum3A_48 [0] : vector<4096x128xf32> to vector<128xf32>
    %broadcast_in_dim3A_50 = vector.shape_cast %reduce_sum3A_49 : vector<128xf32> to vector<1x128xf32>
    %div3A_51 = arith.constant 4.096000e+03 : f32
    %div3A_52 = vector.broadcast %div3A_51 : f32 to vector<1x128xf32>
    %div3A_53 = arith.divf %broadcast_in_dim3A_50, %div3A_52 : vector<1x128xf32>
    %sub3A_54 = vector.broadcast %div3A_53 : vector<1x128xf32> to vector<4096x128xf32>
    %sub3A_55 = arith.subf %add3A_47, %sub3A_54 : vector<4096x128xf32>
    %integer_pow3A_56 = arith.mulf %sub3A_55, %sub3A_55 : vector<4096x128xf32>
    %reduce_sum3A_57 = arith.constant dense<0.000000e+00> : vector<128xf32>
    %reduce_sum3A_58 = vector.multi_reduction <add>, %integer_pow3A_56, %reduce_sum3A_57 [0] : vector<4096x128xf32> to vector<128xf32>
    %broadcast_in_dim3A_59 = vector.shape_cast %reduce_sum3A_58 : vector<128xf32> to vector<1x128xf32>
    %div3A_60 = arith.constant 4.096000e+03 : f32
    %div3A_61 = vector.broadcast %div3A_60 : f32 to vector<1x128xf32>
    %div3A_62 = arith.divf %broadcast_in_dim3A_59, %div3A_61 : vector<1x128xf32>
    %sub3A_63 = vector.broadcast %div3A_53 : vector<1x128xf32> to vector<4096x128xf32>
    %sub3A_64 = arith.subf %add3A_47, %sub3A_63 : vector<4096x128xf32>
    %add3A_65 = arith.constant 9.99999974E-6 : f32
    %add3A_66 = vector.broadcast %add3A_65 : f32 to vector<1x128xf32>
    %add3A_67 = arith.addf %div3A_62, %add3A_66 : vector<1x128xf32>
    %sqrt3A_68 = math.sqrt %add3A_67 : vector<1x128xf32>
    %div3A_69 = vector.broadcast %sqrt3A_68 : vector<1x128xf32> to vector<4096x128xf32>
    %div3A_70 = arith.divf %sub3A_64, %div3A_69 : vector<4096x128xf32>
    %get3A_71 = arith.constant 0 : index
    %get3A_72 = vector.load %arg7[%get3A_71] : memref<128xf32, #tpu.memory_space<vmem>>, vector<128xf32>
    %broadcast_in_dim3A_73 = vector.shape_cast %get3A_72 : vector<128xf32> to vector<1x128xf32>
    %mul3A_74 = vector.broadcast %broadcast_in_dim3A_73 : vector<1x128xf32> to vector<4096x128xf32>
    %mul3A_75 = arith.mulf %div3A_70, %mul3A_74 : vector<4096x128xf32>
    %get3A_76 = arith.constant 0 : index
    %get3A_77 = vector.load %arg8[%get3A_76] : memref<128xf32, #tpu.memory_space<vmem>>, vector<128xf32>
    %broadcast_in_dim3A_78 = vector.shape_cast %get3A_77 : vector<128xf32> to vector<1x128xf32>
    %add3A_79 = vector.broadcast %broadcast_in_dim3A_78 : vector<1x128xf32> to vector<4096x128xf32>
    %add3A_80 = arith.addf %mul3A_75, %add3A_79 : vector<4096x128xf32>
    %max3A_81 = arith.constant 0.000000e+00 : f32
    %max3A_82 = vector.broadcast %max3A_81 : f32 to vector<4096x128xf32>
    %max3A_83 = arith.maximumf %add3A_80, %max3A_82 : vector<4096x128xf32>
    %get3A_84 = arith.constant 0 : index
    %get3A_85 = arith.constant 0 : index
    %get3A_86 = vector.load %arg9[%get3A_84, %get3A_85] : memref<128x1xf32, #tpu.memory_space<vmem>>, vector<128x1xf32>
    %dot_general3A_87 = arith.constant dense<0.000000e+00> : vector<4096x1xf32>
    %dot_general3A_88 = tpu.matmul %max3A_83, %get3A_86, %dot_general3A_87 {dimension_numbers = #tpu.dot_dimension_numbers<[1], [0], [0], [1], [0, 0, 1, 1], [], []>, transpose_lhs_hint = false} : vector<4096x128xf32>, vector<128x1xf32>, vector<4096x1xf32> -> vector<4096x1xf32>
    %squeeze3A = vector.shape_cast %dot_general3A_88 : vector<4096x1xf32> to vector<4096xf32>
    %get3A_89 = arith.constant 0 : index
    %get3A_90 = vector.load %arg12[%get3A_89] : memref<4096xf32, #tpu.memory_space<vmem>>, vector<4096xf32>
    %add3A_91 = arith.addf %get3A_90, %squeeze3A : vector<4096xf32>
    %get3A_92 = arith.constant 0 : index
    %get3A_93 = vector.load %arg10[%get3A_92] : memref<1xf32, #tpu.memory_space<vmem>>, vector<1xf32>
    %get3A_94 = vector.extract %get3A_93[0] : f32 from vector<1xf32>
    %add3A_95 = vector.broadcast %get3A_94 : f32 to vector<4096xf32>
    %add3A_96 = arith.addf %add3A_91, %add3A_95 : vector<4096xf32>
    %get3A_97 = arith.constant 0 : index
    %get3A_98 = vector.load %arg11[%get3A_97] : memref<1xf32, #tpu.memory_space<vmem>>, vector<1xf32>
    %get3A_99 = vector.extract %get3A_98[0] : f32 from vector<1xf32>
    %add3A_100 = vector.broadcast %get3A_99 : f32 to vector<4096xf32>
    %add3A_101 = arith.addf %add3A_96, %add3A_100 : vector<4096xf32>
    %logistic3A = arith.negf %add3A_101 : vector<4096xf32>
    %logistic3A_102 = math.exp %logistic3A : vector<4096xf32>
    %logistic3A_103 = arith.constant 1.000000e+00 : f32
    %logistic3A_104 = vector.broadcast %logistic3A_103 : f32 to vector<4096xf32>
    %logistic3A_105 = arith.addf %logistic3A_104, %logistic3A_102 : vector<4096xf32>
    %logistic3A_106 = arith.divf %logistic3A_104, %logistic3A_105 : vector<4096xf32>
    %swap3A = arith.constant 0 : index
    %swap3A_107 = vector.load %arg13[%swap3A] : memref<4096xf32, #tpu.memory_space<vmem>>, vector<4096xf32>
    tpu.vector_store %arg13[%swap3A], %logistic3A_106 {strides = array<i32>} : memref<4096xf32, #tpu.memory_space<vmem>>, vector<4096xf32>,
    return
  }
}

</mosaic_0001>

<sc_bundles>
// kernel: sc_ffm_gather.3.cloned.1.call-start
scs
__scs_entry_jumppad:
0x0: {  	(pc) =	sbr.rel $0x88, $3  }
0x1: {  	(tag) =	ssettag $0x0;
	lr =	simm.s32 $0x1  }
0x2: {  	[smem:$0x3F91] =	sst lr;
	_ =	strace $0xD0000000  }
0x3: {  	_ = 	snop  }
0x4: {  	_ = 	snop  }
0x5: {  	_ = 	snop  }
0x6: {  	_ = 	snop  }
0x7: {  	_ = 	snop  }
__scs_overlays_trampoline_lowered:
0x8: {  	[smem:$0x3FA0] =	sst s0  }
0x9: {  	[smem:$0x3FA1] =	sst s1  }
0xa: {  	[smem:$0x3FA2] =	sst s2  }
0xb: {  	[smem:$0x3FA3] =	sst s3  }
0xc: {  	[smem:$0x3FA4] =	sst s4  }
0xd: {  	[smem:$0x3FA5] =	sst s5  }
0xe: {  	[smem:$0x3FA6] =	sst s6  }
0xf: {  	[smem:$0x3FA7] =	sst s7  }
0x10: {  	[smem:$0x3FA8] =	sst s8  }
0x11: {  	[smem:$0x3FA9] =	sst s9;
	s0 =	simm.s32 @!p0 $0x0  }
0x12: {  	s1 =	sld [smem:$0x3F8F];
	s0 =	simm.s32 @p0 $0x1  }
0x13: {  	[smem:$0x3FAA] =	sst s0;
	s0 =	simm.s32 @!p1 $0x0  }
0x14: {  	s2 =	sld [smem:$0x3F8E];
	s0 =	simm.s32 @p1 $0x1  }
0x15: {  	[smem:$0x3FAB] =	sst s0;
	s0 =	simm.s32 @!p2 $0x0  }
0x16: {  	s3 =	sld [smem:$0x3FDB];
	s0 =	simm.s32 @p2 $0x1  }
0x17: {  	s4 =	simm.s32 $0x1BF5;
	[smem:$0x3FAD] =	sst s0  }
0x18: {  	s0 =	sld [smem:$0x3F90];
	_ =	swait.ge [sflag:s4], $0x0  }
0x19: {  	s7 =	sld [smem:$0x3F91]  }
0x1a: {  	s8 =	sadd.s32 $0xFFFFE003, lr  }
0x1b: {  	s9 =	sadd.s32 $0xFFFFFEF7, lr;
	s5 =	simm.s32 $0xFFFFFFFF;
	p2 =	slt.u32 s8, $0xFFFFF086  }
0x1c: {  	p1 =	slt.u32 s9, $0xF7A;
	s5 =	simm.s32 @!p2 $0x0  }
0x1d: {  	s5 =	simm.s32 @p1 $0x1;
	p0 =	seq.s32 s7, s2  }
0x1e: {  	s7 =	smul.u32 @!p0 $0xF7A, s2;
	p2 =	seq.s32 @!p0 s5, $0x0  }
0x1f: {  	s9 =	smul.u32 $0xF7A, s1;
	s8 =	simm.s32 @!p0 $0x1BF5;
	p2 =	por !p2, p0  }
0x20: {  	[sflag:s8] =	ssyncset.s32 @!p0 $0xFFFFF086;
	s6 =	sadd.s32 @!p0 s3, s7;
	s7 =	simm.s32 @!p0 $0x108  }
0x21: {  	s3 =	sadd.s32 s3, s9;
	s6 =	sadd.s32 @!p0 $0x88, s6;
	s7 =	simm.s32 @p2 $0x1082  }
0x22: {  	[simem:s7], [sflag:s8] =	dma.local @!p0 [hbm:s6], $0xF7A  }
0x23: {  	s9 =	sor.u32 $0xD0000000, s2;
	s6 =	simm.s32 $0x108;
	_ =	swait.ge @!p0 [sflag:s8], $0x0  }
0x24: {  	s3 =	sadd.s32 $0x88, s3;
	s6 =	simm.s32 @!p1 $0x1082;
	[sflag:s4] =	ssyncset.s32 $0xFFFFF086  }
0x25: {  	[simem:s6], [sflag:s4] =	dma.local [hbm:s3], $0xF7A  }
0x26: {  	[smem:$0x3F91] =	sst s1;
	(tag) =	ssettag s2;
	_ =	strace s9  }
0x27: {  	s1 =	sld [smem:$0x3FA1]  }
0x28: {  	s2 =	sld [smem:$0x3FA2]  }
0x29: {  	s4 =	sld [smem:$0x3FA4]  }
0x2a: {  	p0 =	seq.s32 s5, $0x0;
	s5 =	sld [smem:$0x3FA5]  }
0x2b: {  	s6 =	sld [smem:$0x3FA6]  }
0x2c: {  	s7 =	sld [smem:$0x3FA7]  }
0x2d: {  	s3 =	simm.s32 $0x108;
	s8 =	sld [smem:$0x3FA8]  }
0x2e: {  	s3 =	simm.s32 @!p0 $0x1082;
	s9 =	sld [smem:$0x3FA9]  }
0x2f: {  	lr =	sadd.s32 s0, s3;
	s0 =	sld [smem:$0x3FA0]  }
0x30: {  	s3 =	sld [smem:$0x3FA3]  }
0x31: {  	[smem:$0x3FAC] =	sst s10  }
0x32: {  	s10 =	sld [smem:$0x3FAA];
	_ =	sdelay $0x3  }
0x33: {  	p0 =	seq.s32 s10, $0x1;
	s10 =	sld [smem:$0x3FAC];
	_ =	sdelay $0x3  }
0x34: {  	[smem:$0x3FAC] =	sst s10  }
0x35: {  	s10 =	sld [smem:$0x3FAB];
	_ =	sdelay $0x3  }
0x36: {  	p1 =	seq.s32 s10, $0x1;
	s10 =	sld [smem:$0x3FAC];
	_ =	sdelay $0x3  }
0x37: {  	[smem:$0x3FAC] =	sst s10  }
0x38: {  	s10 =	sld [smem:$0x3FAD]  }
0x39: {  	_ = 	snop;
	(pc) =	sbr.ind lr, $3  }
0x3a: {  	_ = 	snop  }
0x3b: {  	_ = 	snop  }
0x3c: {  	p2 =	seq.s32 s10, $0x1;
	s10 =	sld [smem:$0x3FAC]  }
0x3d: {  	_ =	shalt  }
0x3e: {  	_ =	shalt  }
0x3f: {  	_ =	shalt  }
0x40: {  	_ =	shalt  }
0x41: {  	_ =	shalt  }
0x42: {  	_ =	shalt  }
0x43: {  	_ =	shalt  }
0x44: {  	_ =	shalt  }
0x45: {  	_ =	shalt  }
0x46: {  	_ =	shalt  }
0x47: {  	_ =	shalt  }
0x48: {  	_ =	shalt  }
0x49: {  	_ =	shalt  }
0x4a: {  	_ =	shalt  }
0x4b: {  	_ =	shalt  }
0x4c: {  	_ =	shalt  }
0x4d: {  	_ =	shalt  }
0x4e: {  	_ =	shalt  }
0x4f: {  	_ =	shalt  }
0x50: {  	_ =	shalt  }
0x51: {  	_ =	shalt  }
0x52: {  	_ =	shalt  }
0x53: {  	_ =	shalt  }
0x54: {  	_ =	shalt  }
0x55: {  	_ =	shalt  }
0x56: {  	_ =	shalt  }
0x57: {  	_ =	shalt  }
0x58: {  	_ =	shalt  }
0x59: {  	_ =	shalt  }
0x5a: {  	_ =	shalt  }
0x5b: {  	_ =	shalt  }
0x5c: {  	_ =	shalt  }
0x5d: {  	_ =	shalt  }
0x5e: {  	_ =	shalt  }
0x5f: {  	_ =	shalt  }
0x60: {  	_ =	shalt  }
0x61: {  	_ =	shalt  }
0x62: {  	_ =	shalt  }
0x63: {  	_ =	shalt  }
0x64: {  	_ =	shalt  }
0x65: {  	_ =	shalt  }
0x66: {  	_ =	shalt  }
0x67: {  	_ =	shalt  }
0x68: {  	_ =	shalt  }
0x69: {  	_ =	shalt  }
0x6a: {  	_ =	shalt  }
0x6b: {  	_ =	shalt  }
0x6c: {  	_ =	shalt  }
0x6d: {  	_ =	shalt  }
0x6e: {  	_ =	shalt  }
0x6f: {  	_ =	shalt  }
0x70: {  	_ =	shalt  }
0x71: {  	_ =	shalt  }
0x72: {  	_ =	shalt  }
0x73: {  	_ =	shalt  }
0x74: {  	_ =	shalt  }
0x75: {  	_ =	shalt  }
0x76: {  	_ =	shalt  }
0x77: {  	_ =	shalt  }
0x78: {  	_ =	shalt  }
0x79: {  	_ =	shalt  }
0x7a: {  	_ =	shalt  }
0x7b: {  	_ =	shalt  }
0x7c: {  	_ =	shalt  }
0x7d: {  	_ =	shalt  }
0x7e: {  	_ =	shalt  }
0x7f: {  	_ =	shalt  }
0x80: {  	_ =	shalt  }
0x81: {  	_ =	shalt  }
0x82: {  	_ =	shalt  }
0x83: {  	_ =	shalt  }
0x84: {  	_ =	shalt  }
0x85: {  	_ =	shalt  }
0x86: {  	_ =	shalt  }
0x87: {  	_ =	shalt  }
.Lfunc_end0:
.L_simem_size_0:
called_computation_lowered:
.L_overlay_start_0:
0x88: {  	s2 =	sld [smem:$0x3FD9]  }
0x89: {  	s3 =	sld [smem:$0x3FFE];
	_ =	sdelay $0x1  }
0x8a: {  	s1 =	srdreg.scid  }
0x8b: {  	s0 =	sand.u32 $0x1, s1  }
0x8c: {  	s17 =	sshll.u32 s0, $0xA;
	s2 =	sadd.s32 s3, s2  }
0x8d: {  	s2 =	sadd.s32 s2, s17  }
0x8e: {  	[smem:$0x3FB8] =	sst s2  }
0x8f: {  	_ = 	snop  }
0x90: {  	s2 =	sld [smem:$0x3FD0];
	(tm) =	ssettm $0x1  }
0x91: {  	s18 =	sld [smem:$0x3FFB];
	_ =	sdelay $0x3  }
0x92: {  	_ =	strace s18  }
0x93: {  	s3 =	sld [smem:$0x3FFC];
	_ =	sdelay $0x3  }
0x94: {  	_ =	strace s3  }
0x95: {  	s3 =	sld [smem:$0x3FFD];
	_ =	sdelay $0x3  }
0x96: {  	_ =	strace s3  }
0x97: {  	_ =	strace $0x8FFFFFFF  }
0x98: {  	s19 =	sld [smem:$0x3FDB];
	_ =	sdelay $0x1  }
0x99: {  	s4 =	simm.s32 $_scs_section_size  }
0x9a: {  	s5 =	simm.s32 $_size__tile_overlayer_lowered;
	s6 =	simm.s32 $_tile_overlayer_lowered  }
0x9b: {  	s22 =	simm.s32 $0x1BFF;
	s21 =	sshll.u32 s6, $0x1;
	s3 =	sadd.s32 s4, s19  }
0x9c: {  	s7 =	simm.s32 $0x0;
	s20 =	sshll.u32 s5, $0x1;
	s5 =	sadd.s32 s21, s3  }
0x9d: {  	[timem:s7], [sflag:s22] =	dma.local [hbm:s5], s20  }
0x9e: {  	_ =	swait.ge [sflag:s22], s20  }
0x9f: {  	s4 =	ssub.s32 $0x0, s20;
	[sflag:s22] =	ssyncset.done $0x0  }
0xa0: {  	[sflag:s22] =	ssyncadd.s32 s4;
	_ =	sdelay $0x1  }
0xa1: {  	s23 =	simm.s32 $0x1B8B  }
0xa2: {  	_ =	swait.ge [sflag:s23], $0x1  }
0xa3: {  	[sflag:s23] =	ssyncset.done $0x0  }
0xa4: {  	s25 =	simm.s32 $0x1B8E;
	s24 =	sld [smem:$0x3FFE];
	[sflag:s23] =	ssyncadd.s32 $0xFFFFFFFF  }
0xa5: {  	s26 =	simm.s32 $execute0_lowered;
	[smem:$0x3FD2] =	sst s25  }
0xa6: {  	s5 =	sshll.u32 s26, $0x1;
	_ =	strace $0x80000046;
	[dreg:$0x1] =	wrdreg $0xFFFFFFFF  }
0xa7: {  	s28 =	simm.s32 $_size_execute0_lowered;
	s3 =	sadd.s32 s3, s5;
	[dreg:$0x0] =	wrdreg $0x0  }
0xa8: {  	s5 =	sshll.u32 s28, $0x1;
	[dreg:$0x2] =	wrdreg s3  }
0xa9: {  	[dreg:$0x3] =	wrdreg s5  }
0xaa: {  	[dreg:$0x4] =	wrdreg $0xC0  }
0xab: {  	_ =	task [dreg:s7], $0x5FFFF  }
0xac: {  	[dreg:$0x1] =	wrdreg $0xFFFFFFFF  }
0xad: {  	[dreg:$0x0] =	wrdreg $0x60  }
0xae: {  	[dreg:$0x2] =	wrdreg s24  }
0xaf: {  	[dreg:$0x3] =	wrdreg s2  }
0xb0: {  	[dreg:$0x4] =	wrdreg $0x9  }
0xb1: {  	_ =	task.clear_ibuf [dreg:s7], $0x5FFFF;
	_ =	strace $0x90000046  }
0xb2: {  	s29 =	simm.s32 $0x9;
	_ =	strace $0x80000048  }
0xb3: {  	_ =	swait.ge [sflag:s29], $0x1  }
0xb4: {  	[sflag:s29] =	ssyncadd.s32 $0xFFFFFFFF  }
0xb5: {  	_ =	strace $0x90000048  }
0xb6: {  	_ =	sfence  }
0xb7: {  	s30 =	sld [smem:$0x0];
	_ =	sdelay $0x2  }
0xb8: {  	s31 =	sshll.u32 s1, $0xD;
	s1 =	sshrl.u32 s1, $0x2  }
0xb9: {  	s3 =	sand.u32 $0x4000, s31;
	s1 =	sadd.s32 s1, s30  }
0xba: {  	s0 =	sor.u32 s3, s0;
	s1 =	sshll.u32 s1, $0x11  }
0xbb: {  	s0 =	sor.u32 s1, s0  }
0xbc: {  	s0 =	sadd.s32 $0x8F2B, s0  }
0xbd: {  	[sflag:s0] =	ssyncadd.remote.s32 $0x1  }
0xbe: {  	_ =	sfence.sel $0xFFFF  }
0xbf: {  	[dreg:$0x0] =	wrdreg $0xFFFFFFFF;
	(pc) =	sbr.abs _section_cstart, $3  }
0xc0: {  	[dreg:$0x1] =	wrdreg $0xFFFFFFFF  }
0xc1: {  	_ =	task.clear_ibuf [dreg:s7], $0x2FFFF;
	_ =	strace $0x9FFFFFFF  }
0xc2: {  	(tm) =	ssettm $0x7FFFFFFF  }
0xc3: {  	_ =	shalt  }
tec
execute0_lowered:
.L_overlay_start_1:
0x0: {  	(tag) =	ssettag $0x1  }
0x1: {  	s0 =	rddreg [dreg:$0x0]  }
0x2: {  	s1 =	srdreg.scid;
	s2 =	stileid.u32  }
0x3: {  	s6 =	rddreg [dreg:$0x1];
	s13 =	simm.s32 $0x5;
	s17 =	simm.s32 $0x68  }
0x4: {  	s18 =	simm.s32 $0x7640;
	s15 =	simm.s32 $0x80;
	s16 =	simm.s32 $0x14640  }
0x5: {  	s28 =	simm.s32 $0x290;
	s29 =	simm.s32 $0x1F20;
	s30 =	simm.s32 $0x21B0  }
0x6: {  	s31 =	simm.s32 $0x4AB0;
	s19 =	simm.s32 $0x2;
	s21 =	simm.s32 $0x3  }
0x7: {  	s22 =	simm.s32 $0x0;
	s1 =	sand.u32 $0x1, s1;
	s3 =	sshll.u32 s2, $0x1  }
0x8: {  	s2 =	simm.s32 $0x0;
	s4 =	sadd.s32 $0x649200, s0;
	s5 =	sadd.s32 $0x67B200, s0  }
0x9: {  	s7 =	sadd.s32 $0x67E600, s0;
	s25 =	sadd.s32 $0x67E400, s0;
	s8 =	sor.u32 s1, s3  }
0xa: {  	[smem:$0x7FF] =	sst s2;
	s1 =	ssub.s32 $0x2, s1;
	s3 =	smul.u32 $0x1A0, s8  }
0xb: {  	_ =	strace $0x80000047;
	s10 =	smul.u32 $0x1A00, s8;
	[dreg:$0x3] =	wrdreg s7  }
0xc: {  	[dreg:$0x4] =	wrdreg s25;
	s11 =	sshrl.u32 s1, $0x1;
	s26 =	sshll.u32 s8, $0x4  }
0xd: {  	s1 =	ssub.s32 s1, s11;
	s9 =	sadd.s32 s3, s0;
	s3 =	sadd.s32 $0x9200, s0  }
0xe: {  	s0 =	sadd.s32 s10, s0;
	s10 =	sadd.s32 s6, s26;
	s12 =	smax.u32 s1, $0x1  }
0xf: {  	s26 =	simm.s32 $0x4;
	s1 =	simm.s32 $0x4D40;
	s8 =	sadd.s32 $0x2A00, s9  }
0x10: {  	v45 =	vlaneseq.u32;
	vm0 =	vmmov $0x3ff;
	s9 =	sadd.s32 $0x5E00, s9;
	s11 =	sadd.s32 $0x67E800, s0;
	s0 =	simm.s32 $0x1  }
.LBB2_1:
0x11: {  	[tilespmem:s2], [sflag:$0x5] =	stream.linear.gather [hbm4b:s8+s2], $0xD00, $0x38;
	[tilespmem:$0x153C0] =	vst v63  }
0x12: {  	_ =	swait.ge [sflag:s13], $0xD00  }
0x13: {  	[sflag:s13] =	ssyncset.done $0x0  }
0x14: {  	s7 =	simm.s32 $0xD00;
	[sflag:s13] =	ssyncadd.s32 $0xFFFFF300  }
0x15: {  	[tilespmem:s7], [sflag:$0x5] =	stream.linear.gather [hbm4b:s9+s2], $0xD00, $0x38;
	[tilespmem:$0x153C0] =	vst v63  }
0x16: {  	_ =	swait.ge [sflag:s13], $0xD00  }
0x17: {  	[sflag:s13] =	ssyncset.done $0x0  }
0x18: {  	s14 =	simm.s32 $0x1A00;
	s6 =	rddreg [dreg:$0x3];
	[sflag:s13] =	ssyncadd.s32 $0xFFFFF300  }
0x19: {  	[tilespmem:s14], [sflag:$0x5] =	stream.linear.gather [hbm4b:s6+s2], $0x290, $0x38;
	[tilespmem:$0x153C0] =	vst v63  }
0x1a: {  	_ =	swait.ge [sflag:s13], $0x290  }
0x1b: {  	[sflag:s13] =	ssyncset.done $0x0  }
0x1c: {  	s23 =	simm.s32 $0x1C90;
	s20 =	rddreg [dreg:$0x4];
	[sflag:s13] =	ssyncadd.s32 $0xFFFFFD70  }
0x1d: {  	[tilespmem:s23], [sflag:$0x5] =	stream.linear.gather [hbm4b:s20+s2], $0x290, $0x38;
	[tilespmem:$0x153C0] =	vst v63  }
0x1e: {  	_ =	swait.ge [sflag:s13], $0x290  }
0x1f: {  	[sflag:s13] =	ssyncset.done $0x0  }
0x20: {  	[sflag:s13] =	ssyncadd.s32 $0xFFFFFD70  }
0x21: {  	[tilespmem:s18], [sflag:$0x3] =	stream.indirect.gather [hbm4b:s4+s17], $0x10, s7, s17, $0xb8;
	[tilespmem:$0x153C0] =	vst v63  }
0x22: {  	s24 =	simm.s32 $0xD68;
	s25 =	simm.s32 $0x7CC0  }
0x23: {  	[tilespmem:s25], [sflag:$0x3] =	stream.indirect.gather [hbm4b:s4+s17], $0x10, s24, s17, $0xb8;
	[tilespmem:$0x153C0] =	vst v63  }
0x24: {  	s14 =	simm.s32 $0xDD0;
	s18 =	simm.s32 $0x8340  }
0x25: {  	[tilespmem:s18], [sflag:$0x3] =	stream.indirect.gather [hbm4b:s4+s17], $0x10, s14, s17, $0xb8;
	[tilespmem:$0x153C0] =	vst v63  }
0x26: {  	s20 =	simm.s32 $0xE38;
	s23 =	simm.s32 $0x89C0  }
0x27: {  	[tilespmem:s23], [sflag:$0x3] =	stream.indirect.gather [hbm4b:s4+s17], $0x10, s20, s17, $0xb8;
	[tilespmem:$0x153C0] =	vst v63  }
0x28: {  	s24 =	simm.s32 $0xEA0;
	s25 =	simm.s32 $0x9040  }
0x29: {  	[tilespmem:s25], [sflag:$0x3] =	stream.indirect.gather [hbm4b:s4+s17], $0x10, s24, s17, $0xb8;
	[tilespmem:$0x153C0] =	vst v63  }
0x2a: {  	s14 =	simm.s32 $0xF08;
	s18 =	simm.s32 $0x96C0  }
0x2b: {  	[tilespmem:s18], [sflag:$0x3] =	stream.indirect.gather [hbm4b:s4+s17], $0x10, s14, s17, $0xb8;
	[tilespmem:$0x153C0] =	vst v63  }
0x2c: {  	s20 =	simm.s32 $0xF70;
	s23 =	simm.s32 $0x9D40  }
0x2d: {  	[tilespmem:s23], [sflag:$0x3] =	stream.indirect.gather [hbm4b:s4+s17], $0x10, s20, s17, $0xb8;
	[tilespmem:$0x153C0] =	vst v63  }
0x2e: {  	s24 =	simm.s32 $0xFD8;
	s25 =	simm.s32 $0xA3C0  }
0x2f: {  	[tilespmem:s25], [sflag:$0x3] =	stream.indirect.gather [hbm4b:s4+s17], $0x10, s24, s17, $0xb8;
	[tilespmem:$0x153C0] =	vst v63  }
0x30: {  	s14 =	simm.s32 $0x1040;
	s18 =	simm.s32 $0xAA40  }
0x31: {  	[tilespmem:s18], [sflag:$0x3] =	stream.indirect.gather [hbm4b:s4+s17], $0x10, s14, s17, $0xb8;
	[tilespmem:$0x153C0] =	vst v63  }
0x32: {  	s20 =	simm.s32 $0x10A8;
	s23 =	simm.s32 $0xB0C0  }
0x33: {  	[tilespmem:s23], [sflag:$0x3] =	stream.indirect.gather [hbm4b:s4+s17], $0x10, s20, s17, $0xb8;
	[tilespmem:$0x153C0] =	vst v63  }
0x34: {  	s24 =	simm.s32 $0x1110;
	s25 =	simm.s32 $0xB740  }
0x35: {  	[tilespmem:s25], [sflag:$0x3] =	stream.indirect.gather [hbm4b:s4+s17], $0x10, s24, s17, $0xb8;
	[tilespmem:$0x153C0] =	vst v63  }
0x36: {  	s14 =	simm.s32 $0x1178;
	s18 =	simm.s32 $0xBDC0  }
0x37: {  	[tilespmem:s18], [sflag:$0x3] =	stream.indirect.gather [hbm4b:s4+s17], $0x10, s14, s17, $0xb8;
	[tilespmem:$0x153C0] =	vst v63  }
0x38: {  	s20 =	simm.s32 $0x11E0;
	s23 =	simm.s32 $0xC440  }
0x39: {  	[tilespmem:s23], [sflag:$0x3] =	stream.indirect.gather [hbm4b:s4+s17], $0x10, s20, s17, $0xb8;
	[tilespmem:$0x153C0] =	vst v63  }
0x3a: {  	s24 =	simm.s32 $0x1248;
	s25 =	simm.s32 $0xCAC0  }
0x3b: {  	[tilespmem:s25], [sflag:$0x3] =	stream.indirect.gather [hbm4b:s4+s17], $0x10, s24, s17, $0xb8;
	[tilespmem:$0x153C0] =	vst v63  }
0x3c: {  	s14 =	simm.s32 $0x12B0;
	s18 =	simm.s32 $0xD140  }
0x3d: {  	[tilespmem:s18], [sflag:$0x3] =	stream.indirect.gather [hbm4b:s4+s17], $0x10, s14, s17, $0xb8;
	[tilespmem:$0x153C0] =	vst v63  }
0x3e: {  	s20 =	simm.s32 $0x1318;
	s23 =	simm.s32 $0xD7C0  }
0x3f: {  	[tilespmem:s23], [sflag:$0x3] =	stream.indirect.gather [hbm4b:s4+s17], $0x10, s20, s17, $0xb8;
	[tilespmem:$0x153C0] =	vst v63  }
0x40: {  	s24 =	simm.s32 $0x1380;
	s25 =	simm.s32 $0xDE40  }
0x41: {  	[tilespmem:s25], [sflag:$0x3] =	stream.indirect.gather [hbm4b:s4+s17], $0x10, s24, s17, $0xb8;
	[tilespmem:$0x153C0] =	vst v63  }
0x42: {  	s14 =	simm.s32 $0x13E8;
	s18 =	simm.s32 $0xE4C0  }
0x43: {  	[tilespmem:s18], [sflag:$0x3] =	stream.indirect.gather [hbm4b:s4+s17], $0x10, s14, s17, $0xb8;
	[tilespmem:$0x153C0] =	vst v63  }
0x44: {  	s20 =	simm.s32 $0x1450;
	s23 =	simm.s32 $0xEB40  }
0x45: {  	[tilespmem:s23], [sflag:$0x3] =	stream.indirect.gather [hbm4b:s4+s17], $0x10, s20, s17, $0xb8;
	[tilespmem:$0x153C0] =	vst v63  }
0x46: {  	s24 =	simm.s32 $0x14B8;
	s25 =	simm.s32 $0xF1C0  }
0x47: {  	[tilespmem:s25], [sflag:$0x3] =	stream.indirect.gather [hbm4b:s4+s17], $0x10, s24, s17, $0xb8;
	[tilespmem:$0x153C0] =	vst v63  }
0x48: {  	s14 =	simm.s32 $0x1520;
	s18 =	simm.s32 $0xF840  }
0x49: {  	[tilespmem:s18], [sflag:$0x3] =	stream.indirect.gather [hbm4b:s4+s17], $0x10, s14, s17, $0xb8;
	[tilespmem:$0x153C0] =	vst v63  }
0x4a: {  	s20 =	simm.s32 $0x1588;
	s23 =	simm.s32 $0xFEC0  }
0x4b: {  	[tilespmem:s23], [sflag:$0x3] =	stream.indirect.gather [hbm4b:s4+s17], $0x10, s20, s17, $0xb8;
	[tilespmem:$0x153C0] =	vst v63  }
0x4c: {  	s24 =	simm.s32 $0x15F0;
	s25 =	simm.s32 $0x10540  }
0x4d: {  	[tilespmem:s25], [sflag:$0x3] =	stream.indirect.gather [hbm4b:s4+s17], $0x10, s24, s17, $0xb8;
	[tilespmem:$0x153C0] =	vst v63  }
0x4e: {  	s14 =	simm.s32 $0x1658;
	s18 =	simm.s32 $0x10BC0  }
0x4f: {  	[tilespmem:s18], [sflag:$0x3] =	stream.indirect.gather [hbm4b:s4+s17], $0x10, s14, s17, $0xb8;
	[tilespmem:$0x153C0] =	vst v63  }
0x50: {  	s20 =	simm.s32 $0x16C0;
	s23 =	simm.s32 $0x11240  }
0x51: {  	[tilespmem:s23], [sflag:$0x3] =	stream.indirect.gather [hbm4b:s4+s17], $0x10, s20, s17, $0xb8;
	[tilespmem:$0x153C0] =	vst v63  }
0x52: {  	s24 =	simm.s32 $0x1728;
	s25 =	simm.s32 $0x118C0  }
0x53: {  	[tilespmem:s25], [sflag:$0x3] =	stream.indirect.gather [hbm4b:s4+s17], $0x10, s24, s17, $0xb8;
	[tilespmem:$0x153C0] =	vst v63  }
0x54: {  	s14 =	simm.s32 $0x1790;
	s18 =	simm.s32 $0x11F40  }
0x55: {  	[tilespmem:s18], [sflag:$0x3] =	stream.indirect.gather [hbm4b:s4+s17], $0x10, s14, s17, $0xb8;
	[tilespmem:$0x153C0] =	vst v63  }
0x56: {  	s20 =	simm.s32 $0x17F8;
	s23 =	simm.s32 $0x125C0  }
0x57: {  	[tilespmem:s23], [sflag:$0x3] =	stream.indirect.gather [hbm4b:s4+s17], $0x10, s20, s17, $0xb8;
	[tilespmem:$0x153C0] =	vst v63  }
0x58: {  	s24 =	simm.s32 $0x1860;
	s25 =	simm.s32 $0x12C40  }
0x59: {  	[tilespmem:s25], [sflag:$0x3] =	stream.indirect.gather [hbm4b:s4+s17], $0x10, s24, s17, $0xb8;
	[tilespmem:$0x153C0] =	vst v63  }
0x5a: {  	s14 =	simm.s32 $0x18C8;
	s18 =	simm.s32 $0x132C0  }
0x5b: {  	[tilespmem:s18], [sflag:$0x3] =	stream.indirect.gather [hbm4b:s4+s17], $0x10, s14, s17, $0xb8;
	[tilespmem:$0x153C0] =	vst v63  }
0x5c: {  	s20 =	simm.s32 $0x1930;
	s23 =	simm.s32 $0x13940  }
0x5d: {  	[tilespmem:s23], [sflag:$0x3] =	stream.indirect.gather [hbm4b:s4+s17], $0x10, s20, s17, $0xb8;
	[tilespmem:$0x153C0] =	vst v63  }
0x5e: {  	s24 =	simm.s32 $0x1998;
	s25 =	simm.s32 $0x13FC0  }
0x5f: {  	[tilespmem:s25], [sflag:$0x3] =	stream.indirect.gather [hbm4b:s4+s17], $0x10, s24, s17, $0xb8;
	[tilespmem:$0x153C0] =	vst v63  }
0x60: {  	_ = 	snop  }
0x61: {  	[tilespmem:s16], [sflag:$0x4] =	stream.indirect.gather [hbm4b:s5+s15], $0x1, s2, s15, $0xb8;
	[tilespmem:$0x153C0] =	vst v63  }
0x62: {  	s7 =	simm.s32 $0x146C0  }
0x63: {  	[tilespmem:s7], [sflag:$0x4] =	stream.indirect.gather [hbm4b:s5+s15], $0x1, s15, s15, $0xb8;
	[tilespmem:$0x153C0] =	vst v63  }
0x64: {  	s14 =	simm.s32 $0x100;
	s18 =	simm.s32 $0x14740  }
0x65: {  	[tilespmem:s18], [sflag:$0x4] =	stream.indirect.gather [hbm4b:s5+s15], $0x1, s14, s15, $0xb8;
	[tilespmem:$0x153C0] =	vst v63  }
0x66: {  	s20 =	simm.s32 $0x180;
	s23 =	simm.s32 $0x147C0  }
0x67: {  	[tilespmem:s23], [sflag:$0x4] =	stream.indirect.gather [hbm4b:s5+s15], $0x1, s20, s15, $0xb8;
	[tilespmem:$0x153C0] =	vst v63  }
0x68: {  	s24 =	simm.s32 $0x200;
	s25 =	simm.s32 $0x14840  }
0x69: {  	[tilespmem:s25], [sflag:$0x4] =	stream.indirect.gather [hbm4b:s5+s15], $0x1, s24, s15, $0xb8;
	[tilespmem:$0x153C0] =	vst v63  }
0x6a: {  	s14 =	simm.s32 $0x280;
	s18 =	simm.s32 $0x148C0  }
0x6b: {  	[tilespmem:s18], [sflag:$0x4] =	stream.indirect.gather [hbm4b:s5+s15], $0x1, s14, s15, $0xb8;
	[tilespmem:$0x153C0] =	vst v63  }
0x6c: {  	s20 =	simm.s32 $0x300;
	s23 =	simm.s32 $0x14940  }
0x6d: {  	[tilespmem:s23], [sflag:$0x4] =	stream.indirect.gather [hbm4b:s5+s15], $0x1, s20, s15, $0xb8;
	[tilespmem:$0x153C0] =	vst v63  }
0x6e: {  	s24 =	simm.s32 $0x380;
	s25 =	simm.s32 $0x149C0  }
0x6f: {  	[tilespmem:s25], [sflag:$0x4] =	stream.indirect.gather [hbm4b:s5+s15], $0x1, s24, s15, $0xb8;
	[tilespmem:$0x153C0] =	vst v63  }
0x70: {  	s14 =	simm.s32 $0x400;
	s18 =	simm.s32 $0x14A40  }
0x71: {  	[tilespmem:s18], [sflag:$0x4] =	stream.indirect.gather [hbm4b:s5+s15], $0x1, s14, s15, $0xb8;
	[tilespmem:$0x153C0] =	vst v63  }
0x72: {  	s20 =	simm.s32 $0x480;
	s23 =	simm.s32 $0x14AC0  }
0x73: {  	[tilespmem:s23], [sflag:$0x4] =	stream.indirect.gather [hbm4b:s5+s15], $0x1, s20, s15, $0xb8;
	[tilespmem:$0x153C0] =	vst v63  }
0x74: {  	s24 =	simm.s32 $0x500;
	s25 =	simm.s32 $0x14B40  }
0x75: {  	[tilespmem:s25], [sflag:$0x4] =	stream.indirect.gather [hbm4b:s5+s15], $0x1, s24, s15, $0xb8;
	[tilespmem:$0x153C0] =	vst v63  }
0x76: {  	s14 =	simm.s32 $0x580;
	s18 =	simm.s32 $0x14BC0  }
0x77: {  	[tilespmem:s18], [sflag:$0x4] =	stream.indirect.gather [hbm4b:s5+s15], $0x1, s14, s15, $0xb8;
	[tilespmem:$0x153C0] =	vst v63  }
0x78: {  	s20 =	simm.s32 $0x600;
	s23 =	simm.s32 $0x14C40  }
0x79: {  	[tilespmem:s23], [sflag:$0x4] =	stream.indirect.gather [hbm4b:s5+s15], $0x1, s20, s15, $0xb8;
	[tilespmem:$0x153C0] =	vst v63  }
0x7a: {  	s24 =	simm.s32 $0x680;
	s25 =	simm.s32 $0x14CC0  }
0x7b: {  	[tilespmem:s25], [sflag:$0x4] =	stream.indirect.gather [hbm4b:s5+s15], $0x1, s24, s15, $0xb8;
	[tilespmem:$0x153C0] =	vst v63  }
0x7c: {  	s14 =	simm.s32 $0x700;
	s18 =	simm.s32 $0x14D40  }
0x7d: {  	[tilespmem:s18], [sflag:$0x4] =	stream.indirect.gather [hbm4b:s5+s15], $0x1, s14, s15, $0xb8;
	[tilespmem:$0x153C0] =	vst v63  }
0x7e: {  	s20 =	simm.s32 $0x780;
	s23 =	simm.s32 $0x14DC0  }
0x7f: {  	[tilespmem:s23], [sflag:$0x4] =	stream.indirect.gather [hbm4b:s5+s15], $0x1, s20, s15, $0xb8;
	[tilespmem:$0x153C0] =	vst v63  }
0x80: {  	s24 =	simm.s32 $0x800;
	s25 =	simm.s32 $0x14E40  }
0x81: {  	[tilespmem:s25], [sflag:$0x4] =	stream.indirect.gather [hbm4b:s5+s15], $0x1, s24, s15, $0xb8;
	[tilespmem:$0x153C0] =	vst v63  }
0x82: {  	s14 =	simm.s32 $0x880;
	s18 =	simm.s32 $0x14EC0  }
0x83: {  	[tilespmem:s18], [sflag:$0x4] =	stream.indirect.gather [hbm4b:s5+s15], $0x1, s14, s15, $0xb8;
	[tilespmem:$0x153C0] =	vst v63  }
0x84: {  	s20 =	simm.s32 $0x900;
	s23 =	simm.s32 $0x14F40  }
0x85: {  	[tilespmem:s23], [sflag:$0x4] =	stream.indirect.gather [hbm4b:s5+s15], $0x1, s20, s15, $0xb8;
	[tilespmem:$0x153C0] =	vst v63  }
0x86: {  	s24 =	simm.s32 $0x980;
	s25 =	simm.s32 $0x14FC0  }
0x87: {  	[tilespmem:s25], [sflag:$0x4] =	stream.indirect.gather [hbm4b:s5+s15], $0x1, s24, s15, $0xb8;
	[tilespmem:$0x153C0] =	vst v63  }
0x88: {  	s14 =	simm.s32 $0xA00;
	s18 =	simm.s32 $0x15040  }
0x89: {  	[tilespmem:s18], [sflag:$0x4] =	stream.indirect.gather [hbm4b:s5+s15], $0x1, s14, s15, $0xb8;
	[tilespmem:$0x153C0] =	vst v63  }
0x8a: {  	s20 =	simm.s32 $0xA80;
	s23 =	simm.s32 $0x150C0  }
0x8b: {  	[tilespmem:s23], [sflag:$0x4] =	stream.indirect.gather [hbm4b:s5+s15], $0x1, s20, s15, $0xb8;
	[tilespmem:$0x153C0] =	vst v63  }
0x8c: {  	s24 =	simm.s32 $0xB00;
	s25 =	simm.s32 $0x15140  }
0x8d: {  	[tilespmem:s25], [sflag:$0x4] =	stream.indirect.gather [hbm4b:s5+s15], $0x1, s24, s15, $0xb8;
	[tilespmem:$0x153C0] =	vst v63  }
0x8e: {  	s14 =	simm.s32 $0xB80;
	s18 =	simm.s32 $0x151C0  }
0x8f: {  	[tilespmem:s18], [sflag:$0x4] =	stream.indirect.gather [hbm4b:s5+s15], $0x1, s14, s15, $0xb8;
	[tilespmem:$0x153C0] =	vst v63  }
0x90: {  	s20 =	simm.s32 $0xC00;
	s23 =	simm.s32 $0x15240  }
0x91: {  	[tilespmem:s23], [sflag:$0x4] =	stream.indirect.gather [hbm4b:s5+s15], $0x1, s20, s15, $0xb8;
	[tilespmem:$0x153C0] =	vst v63  }
0x92: {  	s24 =	simm.s32 $0xC80;
	s25 =	simm.s32 $0x152C0  }
0x93: {  	[tilespmem:s25], [sflag:$0x4] =	stream.indirect.gather [hbm4b:s5+s15], $0x1, s24, s15, $0xb8;
	[tilespmem:$0x153C0] =	vst v63  }
0x94: {  	_ =	swait.ge [sflag:s26], $0x80  }
0x95: {  	[sflag:s26] =	ssyncset.done $0x0  }
0x96: {  	[sflag:s26] =	ssyncadd.s32 $0xFFFFFF80  }
0x97: {  	_ =	swait.ge [sflag:s26], $0x80  }
0x98: {  	[sflag:s26] =	ssyncset.done $0x0  }
0x99: {  	[sflag:s26] =	ssyncadd.s32 $0xFFFFFF80  }
0x9a: {  	_ =	swait.ge [sflag:s26], $0x80  }
0x9b: {  	[sflag:s26] =	ssyncset.done $0x0  }
0x9c: {  	[sflag:s26] =	ssyncadd.s32 $0xFFFFFF80  }
0x9d: {  	_ =	swait.ge [sflag:s26], $0x80  }
0x9e: {  	[sflag:s26] =	ssyncset.done $0x0  }
0x9f: {  	[sflag:s26] =	ssyncadd.s32 $0xFFFFFF80  }
0xa0: {  	_ =	swait.ge [sflag:s26], $0x80  }
0xa1: {  	[sflag:s26] =	ssyncset.done $0x0  }
0xa2: {  	[sflag:s26] =	ssyncadd.s32 $0xFFFFFF80  }
0xa3: {  	_ =	swait.ge [sflag:s26], $0x80  }
0xa4: {  	[sflag:s26] =	ssyncset.done $0x0  }
0xa5: {  	[sflag:s26] =	ssyncadd.s32 $0xFFFFFF80  }
0xa6: {  	_ =	swait.ge [sflag:s26], $0x80  }
0xa7: {  	[sflag:s26] =	ssyncset.done $0x0  }
0xa8: {  	[sflag:s26] =	ssyncadd.s32 $0xFFFFFF80  }
0xa9: {  	_ =	swait.ge [sflag:s26], $0x80  }
0xaa: {  	[sflag:s26] =	ssyncset.done $0x0  }
0xab: {  	[sflag:s26] =	ssyncadd.s32 $0xFFFFFF80  }
0xac: {  	_ =	swait.ge [sflag:s26], $0x80  }
0xad: {  	[sflag:s26] =	ssyncset.done $0x0  }
0xae: {  	[sflag:s26] =	ssyncadd.s32 $0xFFFFFF80  }
0xaf: {  	_ =	swait.ge [sflag:s26], $0x80  }
0xb0: {  	[sflag:s26] =	ssyncset.done $0x0  }
0xb1: {  	[sflag:s26] =	ssyncadd.s32 $0xFFFFFF80  }
0xb2: {  	_ =	swait.ge [sflag:s26], $0x80  }
0xb3: {  	[sflag:s26] =	ssyncset.done $0x0  }
0xb4: {  	[sflag:s26] =	ssyncadd.s32 $0xFFFFFF80  }
0xb5: {  	_ =	swait.ge [sflag:s26], $0x80  }
0xb6: {  	[sflag:s26] =	ssyncset.done $0x0  }
0xb7: {  	[sflag:s26] =	ssyncadd.s32 $0xFFFFFF80  }
0xb8: {  	_ =	swait.ge [sflag:s26], $0x80  }
0xb9: {  	[sflag:s26] =	ssyncset.done $0x0  }
0xba: {  	[sflag:s26] =	ssyncadd.s32 $0xFFFFFF80  }
0xbb: {  	_ =	swait.ge [sflag:s26], $0x80  }
0xbc: {  	[sflag:s26] =	ssyncset.done $0x0  }
0xbd: {  	[sflag:s26] =	ssyncadd.s32 $0xFFFFFF80  }
0xbe: {  	_ =	swait.ge [sflag:s26], $0x80  }
0xbf: {  	[sflag:s26] =	ssyncset.done $0x0  }
0xc0: {  	[sflag:s26] =	ssyncadd.s32 $0xFFFFFF80  }
0xc1: {  	_ =	swait.ge [sflag:s26], $0x80  }
0xc2: {  	[sflag:s26] =	ssyncset.done $0x0  }
0xc3: {  	[sflag:s26] =	ssyncadd.s32 $0xFFFFFF80  }
0xc4: {  	_ =	swait.ge [sflag:s26], $0x80  }
0xc5: {  	[sflag:s26] =	ssyncset.done $0x0  }
0xc6: {  	[sflag:s26] =	ssyncadd.s32 $0xFFFFFF80  }
0xc7: {  	_ =	swait.ge [sflag:s26], $0x80  }
0xc8: {  	[sflag:s26] =	ssyncset.done $0x0  }
0xc9: {  	[sflag:s26] =	ssyncadd.s32 $0xFFFFFF80  }
0xca: {  	_ =	swait.ge [sflag:s26], $0x80  }
0xcb: {  	[sflag:s26] =	ssyncset.done $0x0  }
0xcc: {  	[sflag:s26] =	ssyncadd.s32 $0xFFFFFF80  }
0xcd: {  	_ =	swait.ge [sflag:s26], $0x80  }
0xce: {  	[sflag:s26] =	ssyncset.done $0x0  }
0xcf: {  	[sflag:s26] =	ssyncadd.s32 $0xFFFFFF80  }
0xd0: {  	_ =	swait.ge [sflag:s26], $0x80  }
0xd1: {  	[sflag:s26] =	ssyncset.done $0x0  }
0xd2: {  	[sflag:s26] =	ssyncadd.s32 $0xFFFFFF80  }
0xd3: {  	_ =	swait.ge [sflag:s26], $0x80  }
0xd4: {  	[sflag:s26] =	ssyncset.done $0x0  }
0xd5: {  	[sflag:s26] =	ssyncadd.s32 $0xFFFFFF80  }
0xd6: {  	_ =	swait.ge [sflag:s26], $0x80  }
0xd7: {  	[sflag:s26] =	ssyncset.done $0x0  }
0xd8: {  	[sflag:s26] =	ssyncadd.s32 $0xFFFFFF80  }
0xd9: {  	_ =	swait.ge [sflag:s26], $0x80  }
0xda: {  	[sflag:s26] =	ssyncset.done $0x0  }
0xdb: {  	[sflag:s26] =	ssyncadd.s32 $0xFFFFFF80  }
0xdc: {  	_ =	swait.ge [sflag:s26], $0x80  }
0xdd: {  	[sflag:s26] =	ssyncset.done $0x0  }
0xde: {  	[sflag:s26] =	ssyncadd.s32 $0xFFFFFF80  }
0xdf: {  	_ =	swait.ge [sflag:s26], $0x80  }
0xe0: {  	[sflag:s26] =	ssyncset.done $0x0  }
0xe1: {  	[sflag:s26] =	ssyncadd.s32 $0xFFFFFF80  }
0xe2: {  	v0 =	vld [tilespmem:$0x1A00];
	_ =	sdelay $0x6  }
0xe3: {  	v1 =	vld [tilespmem:$0x1A10]  }
0xe4: {  	v0 =	vld.idx.msk [tilespmem:v0+s2+$0x0], $0xffff  }
0xe5: {  	v2 =	vld [tilespmem:$0x1C90];
	_ =	sdelay $0x3  }
0xe6: {  	v0 =	vshll.u32 v0, $0x3  }
0xe7: {  	v0 =	vadd.s32 v2, v0  }
0xe8: {  	[tilespmem:$0x1F20] =	vst v0  }
0xe9: {  	v0 =	vld.idx.msk [tilespmem:v1+s2+$0x0], $0xffff  }
0xea: {  	v1 =	vld [tilespmem:$0x1A20]  }
0xeb: {  	v2 =	vld [tilespmem:$0x1CA0];
	_ =	sdelay $0x3  }
0xec: {  	v0 =	vshll.u32 v0, $0x3  }
0xed: {  	v0 =	vadd.s32 v2, v0  }
0xee: {  	[tilespmem:$0x1F30] =	vst v0  }
0xef: {  	v0 =	vld.idx.msk [tilespmem:v1+s2+$0x0], $0xffff  }
0xf0: {  	v1 =	vld [tilespmem:$0x1A30]  }
0xf1: {  	v2 =	vld [tilespmem:$0x1CB0];
	_ =	sdelay $0x3  }
0xf2: {  	v0 =	vshll.u32 v0, $0x3  }
0xf3: {  	v0 =	vadd.s32 v2, v0  }
0xf4: {  	[tilespmem:$0x1F40] =	vst v0  }
0xf5: {  	v0 =	vld.idx.msk [tilespmem:v1+s2+$0x0], $0xffff  }
0xf6: {  	v1 =	vld [tilespmem:$0x1A40]  }
0xf7: {  	v2 =	vld [tilespmem:$0x1CC0];
	_ =	sdelay $0x3  }
0xf8: {  	v0 =	vshll.u32 v0, $0x3  }
0xf9: {  	v0 =	vadd.s32 v2, v0  }
0xfa: {  	[tilespmem:$0x1F50] =	vst v0  }
0xfb: {  	v0 =	vld.idx.msk [tilespmem:v1+s2+$0x0], $0xffff  }
0xfc: {  	v1 =	vld [tilespmem:$0x1A50]  }
0xfd: {  	v2 =	vld [tilespmem:$0x1CD0];
	_ =	sdelay $0x3  }
0xfe: {  	v0 =	vshll.u32 v0, $0x3  }
0xff: {  	v0 =	vadd.s32 v2, v0  }
0x100: {  	[tilespmem:$0x1F60] =	vst v0  }
0x101: {  	v0 =	vld.idx.msk [tilespmem:v1+s2+$0x0], $0xffff  }
0x102: {  	v1 =	vld [tilespmem:$0x1A60]  }
0x103: {  	v2 =	vld [tilespmem:$0x1CE0];
	_ =	sdelay $0x3  }
0x104: {  	v0 =	vshll.u32 v0, $0x3  }
0x105: {  	v0 =	vadd.s32 v2, v0  }
0x106: {  	[tilespmem:$0x1F70] =	vst v0  }
0x107: {  	v0 =	vld.idx.msk [tilespmem:v1+s2+$0x0], $0xffff  }
0x108: {  	v1 =	vld [tilespmem:$0x1A70]  }
0x109: {  	v2 =	vld [tilespmem:$0x1CF0];
	_ =	sdelay $0x3  }
0x10a: {  	v0 =	vshll.u32 v0, $0x3  }
0x10b: {  	v0 =	vadd.s32 v2, v0  }
0x10c: {  	[tilespmem:$0x1F80] =	vst v0  }
0x10d: {  	v0 =	vld.idx.msk [tilespmem:v1+s2+$0x0], $0xffff  }
0x10e: {  	v1 =	vld [tilespmem:$0x1A80]  }
0x10f: {  	v2 =	vld [tilespmem:$0x1D00];
	_ =	sdelay $0x3  }
0x110: {  	v0 =	vshll.u32 v0, $0x3  }
0x111: {  	v0 =	vadd.s32 v2, v0  }
0x112: {  	[tilespmem:$0x1F90] =	vst v0  }
0x113: {  	v0 =	vld.idx.msk [tilespmem:v1+s2+$0x0], $0xffff  }
0x114: {  	v1 =	vld [tilespmem:$0x1A90]  }
0x115: {  	v2 =	vld [tilespmem:$0x1D10];
	_ =	sdelay $0x3  }
0x116: {  	v0 =	vshll.u32 v0, $0x3  }
0x117: {  	v0 =	vadd.s32 v2, v0  }
0x118: {  	[tilespmem:$0x1FA0] =	vst v0  }
0x119: {  	v0 =	vld.idx.msk [tilespmem:v1+s2+$0x0], $0xffff  }
0x11a: {  	v1 =	vld [tilespmem:$0x1AA0]  }
0x11b: {  	v2 =	vld [tilespmem:$0x1D20];
	_ =	sdelay $0x3  }
0x11c: {  	v0 =	vshll.u32 v0, $0x3  }
0x11d: {  	v0 =	vadd.s32 v2, v0  }
0x11e: {  	[tilespmem:$0x1FB0] =	vst v0  }
0x11f: {  	v0 =	vld.idx.msk [tilespmem:v1+s2+$0x0], $0xffff  }
0x120: {  	v1 =	vld [tilespmem:$0x1AB0]  }
0x121: {  	v2 =	vld [tilespmem:$0x1D30];
	_ =	sdelay $0x3  }
0x122: {  	v0 =	vshll.u32 v0, $0x3  }
0x123: {  	v0 =	vadd.s32 v2, v0  }
0x124: {  	[tilespmem:$0x1FC0] =	vst v0  }
0x125: {  	v0 =	vld.idx.msk [tilespmem:v1+s2+$0x0], $0xffff  }
0x126: {  	v1 =	vld [tilespmem:$0x1AC0]  }
0x127: {  	v2 =	vld [tilespmem:$0x1D40];
	_ =	sdelay $0x3  }
0x128: {  	v0 =	vshll.u32 v0, $0x3  }
0x129: {  	v0 =	vadd.s32 v2, v0  }
0x12a: {  	[tilespmem:$0x1FD0] =	vst v0  }
0x12b: {  	v0 =	vld.idx.msk [tilespmem:v1+s2+$0x0], $0xffff  }
0x12c: {  	v1 =	vld [tilespmem:$0x1AD0]  }
0x12d: {  	v2 =	vld [tilespmem:$0x1D50];
	_ =	sdelay $0x3  }
0x12e: {  	v0 =	vshll.u32 v0, $0x3  }
0x12f: {  	v0 =	vadd.s32 v2, v0  }
0x130: {  	[tilespmem:$0x1FE0] =	vst v0  }
0x131: {  	v0 =	vld.idx.msk [tilespmem:v1+s2+$0x0], $0xffff  }
0x132: {  	v1 =	vld [tilespmem:$0x1AE0]  }
0x133: {  	v2 =	vld [tilespmem:$0x1D60];
	_ =	sdelay $0x3  }
0x134: {  	v0 =	vshll.u32 v0, $0x3  }
0x135: {  	v0 =	vadd.s32 v2, v0  }
0x136: {  	[tilespmem:$0x1FF0] =	vst v0  }
0x137: {  	v0 =	vld.idx.msk [tilespmem:v1+s2+$0x0], $0xffff  }
0x138: {  	v1 =	vld [tilespmem:$0x1AF0]  }
0x139: {  	v2 =	vld [tilespmem:$0x1D70];
	_ =	sdelay $0x3  }
0x13a: {  	v0 =	vshll.u32 v0, $0x3  }
0x13b: {  	v0 =	vadd.s32 v2, v0  }
0x13c: {  	[tilespmem:$0x2000] =	vst v0  }
0x13d: {  	v0 =	vld.idx.msk [tilespmem:v1+s2+$0x0], $0xffff  }
0x13e: {  	v1 =	vld [tilespmem:$0x1B00]  }
0x13f: {  	v2 =	vld [tilespmem:$0x1D80];
	_ =	sdelay $0x3  }
0x140: {  	v0 =	vshll.u32 v0, $0x3  }
0x141: {  	v0 =	vadd.s32 v2, v0  }
0x142: {  	[tilespmem:$0x2010] =	vst v0  }
0x143: {  	v0 =	vld.idx.msk [tilespmem:v1+s2+$0x0], $0xffff  }
0x144: {  	v1 =	vld [tilespmem:$0x1B10]  }
0x145: {  	v2 =	vld [tilespmem:$0x1D90];
	_ =	sdelay $0x3  }
0x146: {  	v0 =	vshll.u32 v0, $0x3  }
0x147: {  	v0 =	vadd.s32 v2, v0  }
0x148: {  	[tilespmem:$0x2020] =	vst v0  }
0x149: {  	v0 =	vld.idx.msk [tilespmem:v1+s2+$0x0], $0xffff  }
0x14a: {  	v1 =	vld [tilespmem:$0x1B20]  }
0x14b: {  	v2 =	vld [tilespmem:$0x1DA0];
	_ =	sdelay $0x3  }
0x14c: {  	v0 =	vshll.u32 v0, $0x3  }
0x14d: {  	v0 =	vadd.s32 v2, v0  }
0x14e: {  	[tilespmem:$0x2030] =	vst v0  }
0x14f: {  	v0 =	vld.idx.msk [tilespmem:v1+s2+$0x0], $0xffff  }
0x150: {  	v1 =	vld [tilespmem:$0x1B30]  }
0x151: {  	v2 =	vld [tilespmem:$0x1DB0];
	_ =	sdelay $0x3  }
0x152: {  	v0 =	vshll.u32 v0, $0x3  }
0x153: {  	v0 =	vadd.s32 v2, v0  }
0x154: {  	[tilespmem:$0x2040] =	vst v0  }
0x155: {  	v0 =	vld.idx.msk [tilespmem:v1+s2+$0x0], $0xffff  }
0x156: {  	v1 =	vld [tilespmem:$0x1B40]  }
0x157: {  	v2 =	vld [tilespmem:$0x1DC0];
	_ =	sdelay $0x3  }
0x158: {  	v0 =	vshll.u32 v0, $0x3  }
0x159: {  	v0 =	vadd.s32 v2, v0  }
0x15a: {  	[tilespmem:$0x2050] =	vst v0  }
0x15b: {  	v0 =	vld.idx.msk [tilespmem:v1+s2+$0x0], $0xffff  }
0x15c: {  	v1 =	vld [tilespmem:$0x1B50]  }
0x15d: {  	v2 =	vld [tilespmem:$0x1DD0];
	_ =	sdelay $0x3  }
0x15e: {  	v0 =	vshll.u32 v0, $0x3  }
0x15f: {  	v0 =	vadd.s32 v2, v0  }
0x160: {  	[tilespmem:$0x2060] =	vst v0  }
0x161: {  	v0 =	vld.idx.msk [tilespmem:v1+s2+$0x0], $0xffff  }
0x162: {  	v1 =	vld [tilespmem:$0x1B60]  }
0x163: {  	v2 =	vld [tilespmem:$0x1DE0];
	_ =	sdelay $0x3  }
0x164: {  	v0 =	vshll.u32 v0, $0x3  }
0x165: {  	v0 =	vadd.s32 v2, v0  }
0x166: {  	[tilespmem:$0x2070] =	vst v0  }
0x167: {  	v0 =	vld.idx.msk [tilespmem:v1+s2+$0x0], $0xffff  }
0x168: {  	v1 =	vld [tilespmem:$0x1B70]  }
0x169: {  	v2 =	vld [tilespmem:$0x1DF0];
	_ =	sdelay $0x3  }
0x16a: {  	v0 =	vshll.u32 v0, $0x3  }
0x16b: {  	v0 =	vadd.s32 v2, v0  }
0x16c: {  	[tilespmem:$0x2080] =	vst v0  }
0x16d: {  	v0 =	vld.idx.msk [tilespmem:v1+s2+$0x0], $0xffff  }
0x16e: {  	v1 =	vld [tilespmem:$0x1B80]  }
0x16f: {  	v2 =	vld [tilespmem:$0x1E00];
	_ =	sdelay $0x3  }
0x170: {  	v0 =	vshll.u32 v0, $0x3  }
0x171: {  	v0 =	vadd.s32 v2, v0  }
0x172: {  	[tilespmem:$0x2090] =	vst v0  }
0x173: {  	v0 =	vld.idx.msk [tilespmem:v1+s2+$0x0], $0xffff  }
0x174: {  	v1 =	vld [tilespmem:$0x1B90]  }
0x175: {  	v2 =	vld [tilespmem:$0x1E10];
	_ =	sdelay $0x3  }
0x176: {  	v0 =	vshll.u32 v0, $0x3  }
0x177: {  	v0 =	vadd.s32 v2, v0  }
0x178: {  	[tilespmem:$0x20A0] =	vst v0  }
0x179: {  	v0 =	vld.idx.msk [tilespmem:v1+s2+$0x0], $0xffff  }
0x17a: {  	v1 =	vld [tilespmem:$0x1BA0]  }
0x17b: {  	v2 =	vld [tilespmem:$0x1E20];
	_ =	sdelay $0x3  }
0x17c: {  	v0 =	vshll.u32 v0, $0x3  }
0x17d: {  	v0 =	vadd.s32 v2, v0  }
0x17e: {  	[tilespmem:$0x20B0] =	vst v0  }
0x17f: {  	v0 =	vld.idx.msk [tilespmem:v1+s2+$0x0], $0xffff  }
0x180: {  	v1 =	vld [tilespmem:$0x1BB0]  }
0x181: {  	v2 =	vld [tilespmem:$0x1E30];
	_ =	sdelay $0x3  }
0x182: {  	v0 =	vshll.u32 v0, $0x3  }
0x183: {  	v0 =	vadd.s32 v2, v0  }
0x184: {  	[tilespmem:$0x20C0] =	vst v0  }
0x185: {  	v0 =	vld.idx.msk [tilespmem:v1+s2+$0x0], $0xffff  }
0x186: {  	v1 =	vld [tilespmem:$0x1BC0]  }
0x187: {  	v2 =	vld [tilespmem:$0x1E40];
	_ =	sdelay $0x3  }
0x188: {  	v0 =	vshll.u32 v0, $0x3  }
0x189: {  	v0 =	vadd.s32 v2, v0  }
0x18a: {  	[tilespmem:$0x20D0] =	vst v0  }
0x18b: {  	v0 =	vld.idx.msk [tilespmem:v1+s2+$0x0], $0xffff  }
0x18c: {  	v1 =	vld [tilespmem:$0x1BD0]  }
0x18d: {  	v2 =	vld [tilespmem:$0x1E50];
	_ =	sdelay $0x3  }
0x18e: {  	v0 =	vshll.u32 v0, $0x3  }
0x18f: {  	v0 =	vadd.s32 v2, v0  }
0x190: {  	[tilespmem:$0x20E0] =	vst v0  }
0x191: {  	v0 =	vld.idx.msk [tilespmem:v1+s2+$0x0], $0xffff  }
0x192: {  	v1 =	vld [tilespmem:$0x1BE0]  }
0x193: {  	v2 =	vld [tilespmem:$0x1E60];
	_ =	sdelay $0x3  }
0x194: {  	v0 =	vshll.u32 v0, $0x3  }
0x195: {  	v0 =	vadd.s32 v2, v0  }
0x196: {  	[tilespmem:$0x20F0] =	vst v0  }
0x197: {  	v0 =	vld.idx.msk [tilespmem:v1+s2+$0x0], $0xffff  }
0x198: {  	v1 =	vld [tilespmem:$0x1BF0]  }
0x199: {  	v2 =	vld [tilespmem:$0x1E70];
	_ =	sdelay $0x3  }
0x19a: {  	v0 =	vshll.u32 v0, $0x3  }
0x19b: {  	v0 =	vadd.s32 v2, v0  }
0x19c: {  	[tilespmem:$0x2100] =	vst v0  }
0x19d: {  	v0 =	vld.idx.msk [tilespmem:v1+s2+$0x0], $0xffff  }
0x19e: {  	v1 =	vld [tilespmem:$0x1C00]  }
0x19f: {  	v2 =	vld [tilespmem:$0x1E80];
	_ =	sdelay $0x3  }
0x1a0: {  	v0 =	vshll.u32 v0, $0x3  }
0x1a1: {  	v0 =	vadd.s32 v2, v0  }
0x1a2: {  	[tilespmem:$0x2110] =	vst v0  }
0x1a3: {  	v0 =	vld.idx.msk [tilespmem:v1+s2+$0x0], $0xffff  }
0x1a4: {  	v1 =	vld [tilespmem:$0x1C10]  }
0x1a5: {  	v2 =	vld [tilespmem:$0x1E90];
	_ =	sdelay $0x3  }
0x1a6: {  	v0 =	vshll.u32 v0, $0x3  }
0x1a7: {  	v0 =	vadd.s32 v2, v0  }
0x1a8: {  	[tilespmem:$0x2120] =	vst v0  }
0x1a9: {  	v0 =	vld.idx.msk [tilespmem:v1+s2+$0x0], $0xffff  }
0x1aa: {  	v1 =	vld [tilespmem:$0x1C20]  }
0x1ab: {  	v2 =	vld [tilespmem:$0x1EA0];
	_ =	sdelay $0x3  }
0x1ac: {  	v0 =	vshll.u32 v0, $0x3  }
0x1ad: {  	v0 =	vadd.s32 v2, v0  }
0x1ae: {  	[tilespmem:$0x2130] =	vst v0  }
0x1af: {  	v0 =	vld.idx.msk [tilespmem:v1+s2+$0x0], $0xffff  }
0x1b0: {  	v1 =	vld [tilespmem:$0x1C30]  }
0x1b1: {  	v2 =	vld [tilespmem:$0x1EB0];
	_ =	sdelay $0x3  }
0x1b2: {  	v0 =	vshll.u32 v0, $0x3  }
0x1b3: {  	v0 =	vadd.s32 v2, v0  }
0x1b4: {  	[tilespmem:$0x2140] =	vst v0  }
0x1b5: {  	v0 =	vld.idx.msk [tilespmem:v1+s2+$0x0], $0xffff  }
0x1b6: {  	v1 =	vld [tilespmem:$0x1C40]  }
0x1b7: {  	v2 =	vld [tilespmem:$0x1EC0];
	_ =	sdelay $0x3  }
0x1b8: {  	v0 =	vshll.u32 v0, $0x3  }
0x1b9: {  	v0 =	vadd.s32 v2, v0  }
0x1ba: {  	[tilespmem:$0x2150] =	vst v0  }
0x1bb: {  	v0 =	vld.idx.msk [tilespmem:v1+s2+$0x0], $0xffff  }
0x1bc: {  	v1 =	vld [tilespmem:$0x1C50]  }
0x1bd: {  	v2 =	vld [tilespmem:$0x1ED0];
	_ =	sdelay $0x3  }
0x1be: {  	v0 =	vshll.u32 v0, $0x3  }
0x1bf: {  	v0 =	vadd.s32 v2, v0  }
0x1c0: {  	[tilespmem:$0x2160] =	vst v0  }
0x1c1: {  	v0 =	vld.idx.msk [tilespmem:v1+s2+$0x0], $0xffff  }
0x1c2: {  	v1 =	vld [tilespmem:$0x1C60]  }
0x1c3: {  	v2 =	vld [tilespmem:$0x1EE0];
	_ =	sdelay $0x3  }
0x1c4: {  	v0 =	vshll.u32 v0, $0x3  }
0x1c5: {  	v0 =	vadd.s32 v2, v0  }
0x1c6: {  	[tilespmem:$0x2170] =	vst v0  }
0x1c7: {  	v0 =	vld.idx.msk [tilespmem:v1+s2+$0x0], $0xffff  }
0x1c8: {  	v1 =	vld [tilespmem:$0x1C70]  }
0x1c9: {  	v2 =	vld [tilespmem:$0x1EF0];
	_ =	sdelay $0x3  }
0x1ca: {  	v0 =	vshll.u32 v0, $0x3  }
0x1cb: {  	v0 =	vadd.s32 v2, v0  }
0x1cc: {  	[tilespmem:$0x2180] =	vst v0  }
0x1cd: {  	v0 =	vld.idx.msk [tilespmem:v1+s2+$0x0], $0xffff  }
0x1ce: {  	v1 =	vld [tilespmem:$0x1C80]  }
0x1cf: {  	v2 =	vld [tilespmem:$0x1F00];
	_ =	sdelay $0x3  }
0x1d0: {  	v0 =	vshll.u32 v0, $0x3  }
0x1d1: {  	v0 =	vadd.s32 v2, v0  }
0x1d2: {  	[tilespmem:$0x2190] =	vst v0  }
0x1d3: {  	v0 =	vld.idx.msk [tilespmem:v1+s2+$0x0], $0xffff  }
0x1d4: {  	v1 =	vld [tilespmem:$0x1F10];
	_ =	sdelay $0x3  }
0x1d5: {  	v0 =	vshll.u32 v0, $0x3  }
0x1d6: {  	v0 =	vadd.s32 v1, v0  }
0x1d7: {  	s23 =	simm.s32 $0x0;
	[tilespmem:$0x21A0] =	vst v0  }
0x1d8: {  	v1 =	vimm.f32 $0.0e+00;
	[tilespmem:s30], [sflag:$0x1] =	stream.indirect.gather [hbm4b:s3+s28], $0x10, s29, s28, $0xb8;
	[tilespmem:$0x153C0] =	vst v63  }
.LBB2_2:
0x1d9: {  	v0 =	vld [tilespmem:$0x1A00];
	_ =	sdelay $0x1  }
0x1da: {  	s24 =	sshllo.u32 s23, $0x1  }
0x1db: {  	s25 =	smul.u32 $0x1A, s24;
	_ =	sdelay $0x1  }
0x1dc: {  	v0 =	vadd.s32 s25, v0;
	_ =	sdelay $0x2  }
0x1dd: {  	v42 =	vld [tilespmem:$0x1A10]  }
0x1de: {  	s14 =	simm.s32 $0x0  }
0x1df: {  	v0 =	vld.idx.msk [tilespmem:v0+s14+$0x0], $0xffff  }
0x1e0: {  	v2 =	vld [tilespmem:$0x1C90];
	_ =	sdelay $0x1  }
0x1e1: {  	[tilespmem:$0x1FFE0] =	vst v1;
	v1 =	vadd.s32 s25, v42;
	_ =	sdelay $0x1  }
0x1e2: {  	v0 =	vshll.u32 v0, $0x3  }
0x1e3: {  	v43 =	vld [tilespmem:$0x1A20];
	v0 =	vadd.s32 v2, v0  }
0x1e4: {  	[tilespmem:$0x4AB0] =	vst v0  }
0x1e5: {  	v0 =	vld.idx.msk [tilespmem:v1+s14+$0x0], $0xffff  }
0x1e6: {  	v44 =	vld [tilespmem:$0x1CA0];
	_ =	sdelay $0x1  }
0x1e7: {  	v2 =	vadd.s32 s25, v43;
	_ =	sdelay $0x1  }
0x1e8: {  	v0 =	vshll.u32 v0, $0x3  }
0x1e9: {  	v46 =	vld [tilespmem:$0x1A30];
	v0 =	vadd.s32 v44, v0  }
0x1ea: {  	[tilespmem:$0x4AC0] =	vst v0  }
0x1eb: {  	v0 =	vld.idx.msk [tilespmem:v2+s14+$0x0], $0xffff  }
0x1ec: {  	v47 =	vld [tilespmem:$0x1CB0];
	_ =	sdelay $0x1  }
0x1ed: {  	v1 =	vadd.s32 s25, v46;
	_ =	sdelay $0x1  }
0x1ee: {  	v0 =	vshll.u32 v0, $0x3  }
0x1ef: {  	v48 =	vld [tilespmem:$0x1A40];
	v0 =	vadd.s32 v47, v0  }
0x1f0: {  	[tilespmem:$0x4AD0] =	vst v0  }
0x1f1: {  	v0 =	vld.idx.msk [tilespmem:v1+s14+$0x0], $0xffff  }
0x1f2: {  	v49 =	vld [tilespmem:$0x1CC0];
	_ =	sdelay $0x1  }
0x1f3: {  	v2 =	vadd.s32 s25, v48;
	_ =	sdelay $0x1  }
0x1f4: {  	v0 =	vshll.u32 v0, $0x3  }
0x1f5: {  	v50 =	vld [tilespmem:$0x1A50];
	v0 =	vadd.s32 v49, v0  }
0x1f6: {  	[tilespmem:$0x4AE0] =	vst v0  }
0x1f7: {  	v0 =	vld.idx.msk [tilespmem:v2+s14+$0x0], $0xffff  }
0x1f8: {  	v51 =	vld [tilespmem:$0x1CD0];
	_ =	sdelay $0x1  }
0x1f9: {  	v1 =	vadd.s32 s25, v50;
	_ =	sdelay $0x1  }
0x1fa: {  	v0 =	vshll.u32 v0, $0x3  }
0x1fb: {  	v52 =	vld [tilespmem:$0x1A60];
	v0 =	vadd.s32 v51, v0  }
0x1fc: {  	[tilespmem:$0x4AF0] =	vst v0  }
0x1fd: {  	v0 =	vld.idx.msk [tilespmem:v1+s14+$0x0], $0xffff  }
0x1fe: {  	v53 =	vld [tilespmem:$0x1CE0];
	_ =	sdelay $0x1  }
0x1ff: {  	v2 =	vadd.s32 s25, v52;
	_ =	sdelay $0x1  }
0x200: {  	v0 =	vshll.u32 v0, $0x3  }
0x201: {  	v54 =	vld [tilespmem:$0x1A70];
	v0 =	vadd.s32 v53, v0  }
0x202: {  	[tilespmem:$0x4B00] =	vst v0  }
0x203: {  	v0 =	vld.idx.msk [tilespmem:v2+s14+$0x0], $0xffff  }
0x204: {  	v55 =	vld [tilespmem:$0x1CF0];
	_ =	sdelay $0x1  }
0x205: {  	v1 =	vadd.s32 s25, v54;
	_ =	sdelay $0x1  }
0x206: {  	v0 =	vshll.u32 v0, $0x3  }
0x207: {  	v56 =	vld [tilespmem:$0x1A80];
	v0 =	vadd.s32 v55, v0  }
0x208: {  	[tilespmem:$0x4B10] =	vst v0  }
0x209: {  	v0 =	vld.idx.msk [tilespmem:v1+s14+$0x0], $0xffff  }
0x20a: {  	v57 =	vld [tilespmem:$0x1D00];
	_ =	sdelay $0x1  }
0x20b: {  	v2 =	vadd.s32 s25, v56;
	_ =	sdelay $0x1  }
0x20c: {  	v0 =	vshll.u32 v0, $0x3  }
0x20d: {  	v58 =	vld [tilespmem:$0x1A90];
	v0 =	vadd.s32 v57, v0  }
0x20e: {  	[tilespmem:$0x4B20] =	vst v0  }
0x20f: {  	v0 =	vld.idx.msk [tilespmem:v2+s14+$0x0], $0xffff  }
0x210: {  	v59 =	vld [tilespmem:$0x1D10];
	_ =	sdelay $0x1  }
0x211: {  	v1 =	vadd.s32 s25, v58;
	_ =	sdelay $0x1  }
0x212: {  	v0 =	vshll.u32 v0, $0x3  }
0x213: {  	v60 =	vld [tilespmem:$0x1AA0];
	v0 =	vadd.s32 v59, v0  }
0x214: {  	[tilespmem:$0x4B30] =	vst v0  }
0x215: {  	v0 =	vld.idx.msk [tilespmem:v1+s14+$0x0], $0xffff  }
0x216: {  	v61 =	vld [tilespmem:$0x1D20];
	_ =	sdelay $0x1  }
0x217: {  	v2 =	vadd.s32 s25, v60;
	_ =	sdelay $0x1  }
0x218: {  	v0 =	vshll.u32 v0, $0x3  }
0x219: {  	v62 =	vld [tilespmem:$0x1AB0];
	v0 =	vadd.s32 v61, v0  }
0x21a: {  	[tilespmem:$0x4B40] =	vst v0  }
0x21b: {  	v0 =	vld.idx.msk [tilespmem:v2+s14+$0x0], $0xffff  }
0x21c: {  	v63 =	vld [tilespmem:$0x1D30];
	_ =	sdelay $0x1  }
0x21d: {  	v1 =	vadd.s32 s25, v62;
	_ =	sdelay $0x1  }
0x21e: {  	v0 =	vshll.u32 v0, $0x3  }
0x21f: {  	v32 =	vld [tilespmem:$0x1AC0];
	v0 =	vadd.s32 v63, v0  }
0x220: {  	[tilespmem:$0x4B50] =	vst v0  }
0x221: {  	v0 =	vld.idx.msk [tilespmem:v1+s14+$0x0], $0xffff  }
0x222: {  	v33 =	vld [tilespmem:$0x1D40];
	_ =	sdelay $0x1  }
0x223: {  	v2 =	vadd.s32 s25, v32;
	_ =	sdelay $0x1  }
0x224: {  	v0 =	vshll.u32 v0, $0x3  }
0x225: {  	v34 =	vld [tilespmem:$0x1AD0];
	v0 =	vadd.s32 v33, v0  }
0x226: {  	[tilespmem:$0x4B60] =	vst v0  }
0x227: {  	v0 =	vld.idx.msk [tilespmem:v2+s14+$0x0], $0xffff  }
0x228: {  	v35 =	vld [tilespmem:$0x1D50];
	_ =	sdelay $0x1  }
0x229: {  	v1 =	vadd.s32 s25, v34;
	_ =	sdelay $0x1  }
0x22a: {  	v0 =	vshll.u32 v0, $0x3  }
0x22b: {  	v36 =	vld [tilespmem:$0x1AE0];
	v0 =	vadd.s32 v35, v0  }
0x22c: {  	[tilespmem:$0x4B70] =	vst v0  }
0x22d: {  	v0 =	vld.idx.msk [tilespmem:v1+s14+$0x0], $0xffff  }
0x22e: {  	v37 =	vld [tilespmem:$0x1D60];
	_ =	sdelay $0x1  }
0x22f: {  	v2 =	vadd.s32 s25, v36;
	_ =	sdelay $0x1  }
0x230: {  	v0 =	vshll.u32 v0, $0x3  }
0x231: {  	v38 =	vld [tilespmem:$0x1AF0];
	v0 =	vadd.s32 v37, v0  }
0x232: {  	[tilespmem:$0x4B80] =	vst v0  }
0x233: {  	v0 =	vld.idx.msk [tilespmem:v2+s14+$0x0], $0xffff  }
0x234: {  	v39 =	vld [tilespmem:$0x1D70];
	_ =	sdelay $0x1  }
0x235: {  	v1 =	vadd.s32 s25, v38;
	_ =	sdelay $0x1  }
0x236: {  	v0 =	vshll.u32 v0, $0x3  }
0x237: {  	v40 =	vld [tilespmem:$0x1B00];
	v0 =	vadd.s32 v39, v0  }
0x238: {  	[tilespmem:$0x4B90] =	vst v0  }
0x239: {  	v0 =	vld.idx.msk [tilespmem:v1+s14+$0x0], $0xffff  }
0x23a: {  	v41 =	vld [tilespmem:$0x1D80];
	_ =	sdelay $0x1  }
0x23b: {  	v2 =	vadd.s32 s25, v40;
	_ =	sdelay $0x1  }
0x23c: {  	v0 =	vshll.u32 v0, $0x3  }
0x23d: {  	v42 =	vld [tilespmem:$0x1B10];
	v0 =	vadd.s32 v41, v0  }
0x23e: {  	[tilespmem:$0x4BA0] =	vst v0  }
0x23f: {  	v0 =	vld.idx.msk [tilespmem:v2+s14+$0x0], $0xffff  }
0x240: {  	v43 =	vld [tilespmem:$0x1D90];
	_ =	sdelay $0x1  }
0x241: {  	v1 =	vadd.s32 s25, v42;
	_ =	sdelay $0x1  }
0x242: {  	v0 =	vshll.u32 v0, $0x3  }
0x243: {  	v44 =	vld [tilespmem:$0x1B20];
	v0 =	vadd.s32 v43, v0  }
0x244: {  	[tilespmem:$0x4BB0] =	vst v0  }
0x245: {  	v0 =	vld.idx.msk [tilespmem:v1+s14+$0x0], $0xffff  }
0x246: {  	v46 =	vld [tilespmem:$0x1DA0];
	_ =	sdelay $0x1  }
0x247: {  	v2 =	vadd.s32 s25, v44;
	_ =	sdelay $0x1  }
0x248: {  	v0 =	vshll.u32 v0, $0x3  }
0x249: {  	v47 =	vld [tilespmem:$0x1B30];
	v0 =	vadd.s32 v46, v0  }
0x24a: {  	[tilespmem:$0x4BC0] =	vst v0  }
0x24b: {  	v0 =	vld.idx.msk [tilespmem:v2+s14+$0x0], $0xffff  }
0x24c: {  	v48 =	vld [tilespmem:$0x1DB0];
	_ =	sdelay $0x1  }
0x24d: {  	v1 =	vadd.s32 s25, v47;
	_ =	sdelay $0x1  }
0x24e: {  	v0 =	vshll.u32 v0, $0x3  }
0x24f: {  	v49 =	vld [tilespmem:$0x1B40];
	v0 =	vadd.s32 v48, v0  }
0x250: {  	[tilespmem:$0x4BD0] =	vst v0  }
0x251: {  	v0 =	vld.idx.msk [tilespmem:v1+s14+$0x0], $0xffff  }
0x252: {  	v50 =	vld [tilespmem:$0x1DC0];
	_ =	sdelay $0x1  }
0x253: {  	v2 =	vadd.s32 s25, v49;
	_ =	sdelay $0x1  }
0x254: {  	v0 =	vshll.u32 v0, $0x3  }
0x255: {  	v51 =	vld [tilespmem:$0x1B50];
	v0 =	vadd.s32 v50, v0  }
0x256: {  	[tilespmem:$0x4BE0] =	vst v0  }
0x257: {  	v0 =	vld.idx.msk [tilespmem:v2+s14+$0x0], $0xffff  }
0x258: {  	v52 =	vld [tilespmem:$0x1DD0];
	_ =	sdelay $0x1  }
0x259: {  	v1 =	vadd.s32 s25, v51;
	_ =	sdelay $0x1  }
0x25a: {  	v0 =	vshll.u32 v0, $0x3  }
0x25b: {  	v53 =	vld [tilespmem:$0x1B60];
	v0 =	vadd.s32 v52, v0  }
0x25c: {  	[tilespmem:$0x4BF0] =	vst v0  }
0x25d: {  	v0 =	vld.idx.msk [tilespmem:v1+s14+$0x0], $0xffff  }
0x25e: {  	v54 =	vld [tilespmem:$0x1DE0];
	_ =	sdelay $0x1  }
0x25f: {  	v2 =	vadd.s32 s25, v53;
	_ =	sdelay $0x1  }
0x260: {  	v0 =	vshll.u32 v0, $0x3  }
0x261: {  	v55 =	vld [tilespmem:$0x1B70];
	v0 =	vadd.s32 v54, v0  }
0x262: {  	[tilespmem:$0x4C00] =	vst v0  }
0x263: {  	v0 =	vld.idx.msk [tilespmem:v2+s14+$0x0], $0xffff  }
0x264: {  	v56 =	vld [tilespmem:$0x1DF0];
	_ =	sdelay $0x1  }
0x265: {  	v1 =	vadd.s32 s25, v55;
	_ =	sdelay $0x1  }
0x266: {  	v0 =	vshll.u32 v0, $0x3  }
0x267: {  	v57 =	vld [tilespmem:$0x1B80];
	v0 =	vadd.s32 v56, v0  }
0x268: {  	[tilespmem:$0x4C10] =	vst v0  }
0x269: {  	v0 =	vld.idx.msk [tilespmem:v1+s14+$0x0], $0xffff  }
0x26a: {  	v58 =	vld [tilespmem:$0x1E00];
	_ =	sdelay $0x1  }
0x26b: {  	v2 =	vadd.s32 s25, v57;
	_ =	sdelay $0x1  }
0x26c: {  	v0 =	vshll.u32 v0, $0x3  }
0x26d: {  	v59 =	vld [tilespmem:$0x1B90];
	v0 =	vadd.s32 v58, v0  }
0x26e: {  	[tilespmem:$0x4C20] =	vst v0  }
0x26f: {  	v0 =	vld.idx.msk [tilespmem:v2+s14+$0x0], $0xffff  }
0x270: {  	v60 =	vld [tilespmem:$0x1E10];
	_ =	sdelay $0x1  }
0x271: {  	v1 =	vadd.s32 s25, v59;
	_ =	sdelay $0x1  }
0x272: {  	v0 =	vshll.u32 v0, $0x3  }
0x273: {  	v61 =	vld [tilespmem:$0x1BA0];
	v0 =	vadd.s32 v60, v0  }
0x274: {  	[tilespmem:$0x4C30] =	vst v0  }
0x275: {  	v0 =	vld.idx.msk [tilespmem:v1+s14+$0x0], $0xffff  }
0x276: {  	v62 =	vld [tilespmem:$0x1E20];
	_ =	sdelay $0x1  }
0x277: {  	v2 =	vadd.s32 s25, v61;
	_ =	sdelay $0x1  }
0x278: {  	v0 =	vshll.u32 v0, $0x3  }
0x279: {  	v63 =	vld [tilespmem:$0x1BB0];
	v0 =	vadd.s32 v62, v0  }
0x27a: {  	[tilespmem:$0x4C40] =	vst v0  }
0x27b: {  	v0 =	vld.idx.msk [tilespmem:v2+s14+$0x0], $0xffff  }
0x27c: {  	v32 =	vld [tilespmem:$0x1E30];
	_ =	sdelay $0x1  }
0x27d: {  	v1 =	vadd.s32 s25, v63;
	_ =	sdelay $0x1  }
0x27e: {  	v0 =	vshll.u32 v0, $0x3  }
0x27f: {  	v33 =	vld [tilespmem:$0x1BC0];
	v0 =	vadd.s32 v32, v0  }
0x280: {  	[tilespmem:$0x4C50] =	vst v0  }
0x281: {  	v0 =	vld.idx.msk [tilespmem:v1+s14+$0x0], $0xffff  }
0x282: {  	v34 =	vld [tilespmem:$0x1E40];
	_ =	sdelay $0x1  }
0x283: {  	v2 =	vadd.s32 s25, v33;
	_ =	sdelay $0x1  }
0x284: {  	v0 =	vshll.u32 v0, $0x3  }
0x285: {  	v35 =	vld [tilespmem:$0x1BD0];
	v0 =	vadd.s32 v34, v0  }
0x286: {  	[tilespmem:$0x4C60] =	vst v0  }
0x287: {  	v0 =	vld.idx.msk [tilespmem:v2+s14+$0x0], $0xffff  }
0x288: {  	v36 =	vld [tilespmem:$0x1E50];
	_ =	sdelay $0x1  }
0x289: {  	v1 =	vadd.s32 s25, v35;
	_ =	sdelay $0x1  }
0x28a: {  	v0 =	vshll.u32 v0, $0x3  }
0x28b: {  	v37 =	vld [tilespmem:$0x1BE0];
	v0 =	vadd.s32 v36, v0  }
0x28c: {  	[tilespmem:$0x4C70] =	vst v0  }
0x28d: {  	v0 =	vld.idx.msk [tilespmem:v1+s14+$0x0], $0xffff  }
0x28e: {  	v38 =	vld [tilespmem:$0x1E60];
	_ =	sdelay $0x1  }
0x28f: {  	v2 =	vadd.s32 s25, v37;
	_ =	sdelay $0x1  }
0x290: {  	v0 =	vshll.u32 v0, $0x3  }
0x291: {  	v39 =	vld [tilespmem:$0x1BF0];
	v0 =	vadd.s32 v38, v0  }
0x292: {  	[tilespmem:$0x4C80] =	vst v0  }
0x293: {  	v0 =	vld.idx.msk [tilespmem:v2+s14+$0x0], $0xffff  }
0x294: {  	v40 =	vld [tilespmem:$0x1E70];
	_ =	sdelay $0x1  }
0x295: {  	v1 =	vadd.s32 s25, v39;
	_ =	sdelay $0x1  }
0x296: {  	v0 =	vshll.u32 v0, $0x3  }
0x297: {  	v41 =	vld [tilespmem:$0x1C00];
	v0 =	vadd.s32 v40, v0  }
0x298: {  	[tilespmem:$0x4C90] =	vst v0  }
0x299: {  	v0 =	vld.idx.msk [tilespmem:v1+s14+$0x0], $0xffff  }
0x29a: {  	v42 =	vld [tilespmem:$0x1E80];
	_ =	sdelay $0x1  }
0x29b: {  	v2 =	vadd.s32 s25, v41;
	_ =	sdelay $0x1  }
0x29c: {  	v0 =	vshll.u32 v0, $0x3  }
0x29d: {  	v43 =	vld [tilespmem:$0x1C10];
	v0 =	vadd.s32 v42, v0  }
0x29e: {  	[tilespmem:$0x4CA0] =	vst v0  }
0x29f: {  	v0 =	vld.idx.msk [tilespmem:v2+s14+$0x0], $0xffff  }
0x2a0: {  	v44 =	vld [tilespmem:$0x1E90];
	_ =	sdelay $0x1  }
0x2a1: {  	v1 =	vadd.s32 s25, v43;
	_ =	sdelay $0x1  }
0x2a2: {  	v0 =	vshll.u32 v0, $0x3  }
0x2a3: {  	v46 =	vld [tilespmem:$0x1C20];
	v0 =	vadd.s32 v44, v0  }
0x2a4: {  	[tilespmem:$0x4CB0] =	vst v0  }
0x2a5: {  	v0 =	vld.idx.msk [tilespmem:v1+s14+$0x0], $0xffff  }
0x2a6: {  	v47 =	vld [tilespmem:$0x1EA0];
	_ =	sdelay $0x1  }
0x2a7: {  	v2 =	vadd.s32 s25, v46;
	_ =	sdelay $0x1  }
0x2a8: {  	v0 =	vshll.u32 v0, $0x3  }
0x2a9: {  	v48 =	vld [tilespmem:$0x1C30];
	v0 =	vadd.s32 v47, v0  }
0x2aa: {  	[tilespmem:$0x4CC0] =	vst v0  }
0x2ab: {  	v0 =	vld.idx.msk [tilespmem:v2+s14+$0x0], $0xffff  }
0x2ac: {  	v49 =	vld [tilespmem:$0x1EB0];
	_ =	sdelay $0x1  }
0x2ad: {  	v1 =	vadd.s32 s25, v48;
	_ =	sdelay $0x1  }
0x2ae: {  	v0 =	vshll.u32 v0, $0x3  }
0x2af: {  	v50 =	vld [tilespmem:$0x1C40];
	v0 =	vadd.s32 v49, v0  }
0x2b0: {  	[tilespmem:$0x4CD0] =	vst v0  }
0x2b1: {  	v0 =	vld.idx.msk [tilespmem:v1+s14+$0x0], $0xffff  }
0x2b2: {  	v51 =	vld [tilespmem:$0x1EC0];
	_ =	sdelay $0x1  }
0x2b3: {  	v2 =	vadd.s32 s25, v50;
	_ =	sdelay $0x1  }
0x2b4: {  	v0 =	vshll.u32 v0, $0x3  }
0x2b5: {  	v52 =	vld [tilespmem:$0x1C50];
	v0 =	vadd.s32 v51, v0  }
0x2b6: {  	[tilespmem:$0x4CE0] =	vst v0  }
0x2b7: {  	v0 =	vld.idx.msk [tilespmem:v2+s14+$0x0], $0xffff  }
0x2b8: {  	v53 =	vld [tilespmem:$0x1ED0];
	_ =	sdelay $0x1  }
0x2b9: {  	v1 =	vadd.s32 s25, v52;
	_ =	sdelay $0x1  }
0x2ba: {  	v0 =	vshll.u32 v0, $0x3  }
0x2bb: {  	v54 =	vld [tilespmem:$0x1C60];
	v0 =	vadd.s32 v53, v0  }
0x2bc: {  	[tilespmem:$0x4CF0] =	vst v0  }
0x2bd: {  	v0 =	vld.idx.msk [tilespmem:v1+s14+$0x0], $0xffff  }
0x2be: {  	v55 =	vld [tilespmem:$0x1EE0];
	_ =	sdelay $0x1  }
0x2bf: {  	v2 =	vadd.s32 s25, v54;
	_ =	sdelay $0x1  }
0x2c0: {  	v0 =	vshll.u32 v0, $0x3  }
0x2c1: {  	v56 =	vld [tilespmem:$0x1C70];
	v0 =	vadd.s32 v55, v0  }
0x2c2: {  	[tilespmem:$0x4D00] =	vst v0  }
0x2c3: {  	v0 =	vld.idx.msk [tilespmem:v2+s14+$0x0], $0xffff  }
0x2c4: {  	v57 =	vld [tilespmem:$0x1EF0];
	_ =	sdelay $0x1  }
0x2c5: {  	v1 =	vadd.s32 s25, v56;
	_ =	sdelay $0x1  }
0x2c6: {  	v0 =	vshll.u32 v0, $0x3  }
0x2c7: {  	v58 =	vld [tilespmem:$0x1C80];
	v0 =	vadd.s32 v57, v0  }
0x2c8: {  	[tilespmem:$0x4D10] =	vst v0  }
0x2c9: {  	v0 =	vld.idx.msk [tilespmem:v1+s14+$0x0], $0xffff  }
0x2ca: {  	v59 =	vld [tilespmem:$0x1F00];
	_ =	sdelay $0x1  }
0x2cb: {  	v2 =	vadd.s32 s25, v58;
	_ =	sdelay $0x1  }
0x2cc: {  	v0 =	vshll.u32 v0, $0x3  }
0x2cd: {  	v0 =	vadd.s32 v59, v0  }
0x2ce: {  	[tilespmem:$0x4D20] =	vst v0  }
0x2cf: {  	v0 =	vld.idx.msk [tilespmem:v2+s14+$0x0], $0xffff  }
0x2d0: {  	v60 =	vld [tilespmem:$0x1F10];
	_ =	sdelay $0x3  }
0x2d1: {  	v0 =	vshll.u32 v0, $0x3  }
0x2d2: {  	v0 =	vadd.s32 v60, v0  }
0x2d3: {  	[tilespmem:$0x4D30] =	vst v0  }
0x2d4: {  	[tilespmem:s1], [sflag:$0x2] =	stream.indirect.gather [hbm4b:s3+s28], $0x10, s31, s28, $0xb8;
	[tilespmem:$0x153C0] =	vst v63  }
0x2d5: {  	_ =	swait.ge [sflag:s0], $0x2900  }
0x2d6: {  	[sflag:s0] =	ssyncset.done $0x0  }
0x2d7: {  	s6 =	simm.s32 $0x0;
	[sflag:s0] =	ssyncadd.s32 $0xFFFFD700  }
0x2d8: {  	v61 =	vld [tilespmem:s6+$0x2430]  }
0x2d9: {  	v62 =	vld [tilespmem:s6+$0x2440]  }
0x2da: {  	v63 =	vld [tilespmem:s6+$0x2450]  }
0x2db: {  	v3 =	vld [tilespmem:s6+$0x2460]  }
0x2dc: {  	v12 =	vld [tilespmem:s6+$0x2470]  }
0x2dd: {  	v16 =	vld [tilespmem:s6+$0x2480]  }
0x2de: {  	v6 =	vld [tilespmem:s6+$0x2490]  }
0x2df: {  	v7 =	vld [tilespmem:s6+$0x24A0]  }
0x2e0: {  	v20 =	vld [tilespmem:s6+$0x2390]  }
0x2e1: {  	v23 =	vld [tilespmem:s6+$0x23A0]  }
0x2e2: {  	v19 =	vld [tilespmem:s6+$0x23B0]  }
0x2e3: {  	v21 =	vld [tilespmem:s6+$0x23C0]  }
0x2e4: {  	v22 =	vld [tilespmem:s6+$0x23D0]  }
0x2e5: {  	v24 =	vld [tilespmem:s6+$0x23E0]  }
0x2e6: {  	v8 =	vld [tilespmem:s6+$0x23F0]  }
0x2e7: {  	v9 =	vld [tilespmem:s6+$0x2400]  }
0x2e8: {  	v4 =	vld [tilespmem:s6+$0x22F0]  }
0x2e9: {  	v5 =	vld [tilespmem:s6+$0x2300]  }
0x2ea: {  	v25 =	vld [tilespmem:s6+$0x2310]  }
0x2eb: {  	v26 =	vld [tilespmem:s6+$0x2320]  }
0x2ec: {  	v27 =	vld [tilespmem:s6+$0x2330]  }
0x2ed: {  	v28 =	vld [tilespmem:s6+$0x2340]  }
0x2ee: {  	v10 =	vld [tilespmem:s6+$0x2350]  }
0x2ef: {  	v11 =	vld [tilespmem:s6+$0x2360]  }
0x2f0: {  	v13 =	vld [tilespmem:s6+$0x2250]  }
0x2f1: {  	v14 =	vld [tilespmem:s6+$0x2260]  }
0x2f2: {  	v31 =	vld [tilespmem:s6+$0x2270]  }
0x2f3: {  	v32 =	vld [tilespmem:s6+$0x2280]  }
0x2f4: {  	v15 =	vld [tilespmem:s6+$0x21B0]  }
0x2f5: {  	v17 =	vld [tilespmem:s6+$0x21C0]  }
0x2f6: {  	v33 =	vld [tilespmem:s6+$0x2290]  }
0x2f7: {  	v34 =	vld [tilespmem:s6+$0x22A0]  }
0x2f8: {  	v29 =	vld [tilespmem:s6+$0x22B0]  }
0x2f9: {  	v30 =	vld [tilespmem:s6+$0x22C0]  }
0x2fa: {  	v35 =	vld [tilespmem:s6+$0x21D0]  }
0x2fb: {  	v36 =	vld [tilespmem:s6+$0x21E0]  }
0x2fc: {  	v37 =	vld [tilespmem:s6+$0x21F0];
	v15 =	vmul.f32 v17, v15  }
0x2fd: {  	v38 =	vld [tilespmem:s6+$0x2200];
	v17 =	vimm.f32 $0.0e+00;
	v13 =	vmul.f32 v14, v13;
	v14 =	vmov s25  }
0x2fe: {  	v39 =	vld [tilespmem:s6+$0x2210];
	v40 =	vmul.f32 v62, v61;
	v50 =	vmul.f32 v5, v4;
	v15 =	vadd.f32 v15, v17  }
0x2ff: {  	v41 =	vld [tilespmem:s6+$0x2220];
	v18 =	vmul.f32 v3, v63;
	[tilespmem:$0x1FFF0] =	vst v14;
	v14 =	vimm.f32 $0.0e+00;
	v17 =	vimm.f32 $0.0e+00  }
0x300: {  	s20 =	sshll.u32 s23, $0x1;
	s14 =	simm.s32 $0xC80;
	v42 =	vld [tilespmem:s6+$0x2230];
	v46 =	vadd.f32 v13, v15;
	v13 =	vimm.f32 $0.0e+00;
	v15 =	vimm.f32 $0.0e+00  }
.LBB2_3:
0x301: {  	p0 =	sne.s32 s14, $0x9600;
	v0 =	vld [tilespmem:s6+$0x2240];
	v1 =	vmul.f32 v23, v20;
	v2 =	vmul.f32 v16, v12  }
0x302: {  	v5 =	vmul.f32 v21, v19;
	v12 =	vmul.f32 v24, v22;
	v3 =	vld [tilespmem:s6+$0x22D0];
	v4 =	vadd.f32 v50, v46  }
0x303: {  	v19 =	vmul.f32 v26, v25;
	v20 =	vmul.f32 v28, v27;
	v16 =	vld [tilespmem:s6+$0x22E0]  }
0x304: {  	v21 =	vmul.f32 v32, v31;
	v22 =	vmul.f32 v34, v33;
	v23 =	vld [tilespmem:s6+$0x2370];
	v1 =	vadd.f32 v1, v4  }
0x305: {  	v24 =	vmul.f32 v38, v37;
	v4 =	vmul.f32 v36, v35;
	v25 =	vld [tilespmem:s6+$0x2380]  }
0x306: {  	v26 =	vmul.f32 v41, v39;
	v0 =	vmul.f32 v0, v42;
	v27 =	vld [tilespmem:s6+$0x2410];
	v1 =	vadd.f32 v40, v1  }
0x307: {  	v4 =	vadd.f32 v4, v13;
	v13 =	vadd.f32 v24, v17;
	v17 =	vmul.f32 v30, v29;
	v24 =	vld [tilespmem:s6+$0x2420]  }
0x308: {  	v14 =	vadd.f32 v26, v14;
	v0 =	vadd.f32 v0, v15;
	v3 =	vmul.f32 v16, v3;
	v15 =	vld [tilespmem:s6+$0x24B0]  }
0x309: {  	v10 =	vmul.f32 v11, v10;
	v4 =	vadd.f32 v21, v4;
	v13 =	vadd.f32 v22, v13;
	v11 =	vld [tilespmem:s6+$0x24C0];
	s6 =	sshra.s32 s14, $0x2  }
0x30a: {  	v14 =	vadd.f32 v17, v14;
	v40 =	vld [tilespmem:s6+$0x2430];
	v0 =	vadd.f32 v3, v0;
	v3 =	vmul.f32 v25, v23  }
0x30b: {  	v8 =	vmul.f32 v9, v8;
	v4 =	vadd.f32 v19, v4;
	v13 =	vadd.f32 v20, v13;
	v42 =	vld [tilespmem:s6+$0x2440]  }
0x30c: {  	v9 =	vadd.f32 v10, v14;
	v43 =	vld [tilespmem:s6+$0x2450];
	v0 =	vadd.f32 v3, v0;
	v3 =	vmul.f32 v24, v27  }
0x30d: {  	v7 =	vmul.f32 v7, v6;
	v4 =	vadd.f32 v5, v4;
	v5 =	vadd.f32 v12, v13;
	v44 =	vld [tilespmem:s6+$0x2460]  }
0x30e: {  	v8 =	vadd.f32 v8, v9;
	v12 =	vld [tilespmem:s6+$0x2470];
	v0 =	vadd.f32 v3, v0;
	v3 =	vmul.f32 v11, v15  }
0x30f: {  	v13 =	vadd.f32 v18, v4;
	v17 =	vadd.f32 v2, v5;
	v16 =	vld [tilespmem:s6+$0x2480]  }
0x310: {  	v14 =	vadd.f32 v7, v8;
	v6 =	vld [tilespmem:s6+$0x2490];
	v15 =	vadd.f32 v3, v0  }
0x311: {  	v7 =	vld [tilespmem:s6+$0x24A0]  }
0x312: {  	v20 =	vld [tilespmem:s6+$0x2390]  }
0x313: {  	v23 =	vld [tilespmem:s6+$0x23A0]  }
0x314: {  	v19 =	vld [tilespmem:s6+$0x23B0]  }
0x315: {  	v21 =	vld [tilespmem:s6+$0x23C0]  }
0x316: {  	v22 =	vld [tilespmem:s6+$0x23D0]  }
0x317: {  	v24 =	vld [tilespmem:s6+$0x23E0]  }
0x318: {  	v8 =	vld [tilespmem:s6+$0x23F0]  }
0x319: {  	v9 =	vld [tilespmem:s6+$0x2400]  }
0x31a: {  	v0 =	vld [tilespmem:s6+$0x22F0]  }
0x31b: {  	v2 =	vld [tilespmem:s6+$0x2300]  }
0x31c: {  	v25 =	vld [tilespmem:s6+$0x2310]  }
0x31d: {  	v26 =	vld [tilespmem:s6+$0x2320]  }
0x31e: {  	v27 =	vld [tilespmem:s6+$0x2330]  }
0x31f: {  	v28 =	vld [tilespmem:s6+$0x2340]  }
0x320: {  	v10 =	vld [tilespmem:s6+$0x2350]  }
0x321: {  	v11 =	vld [tilespmem:s6+$0x2360]  }
0x322: {  	v3 =	vld [tilespmem:s6+$0x2250]  }
0x323: {  	v4 =	vld [tilespmem:s6+$0x2260]  }
0x324: {  	v31 =	vld [tilespmem:s6+$0x2270]  }
0x325: {  	v32 =	vld [tilespmem:s6+$0x2280]  }
0x326: {  	v33 =	vld [tilespmem:s6+$0x2290]  }
0x327: {  	v34 =	vld [tilespmem:s6+$0x22A0]  }
0x328: {  	v5 =	vld [tilespmem:s6+$0x21B0]  }
0x329: {  	v18 =	vld [tilespmem:s6+$0x21C0]  }
0x32a: {  	v29 =	vld [tilespmem:s6+$0x22B0]  }
0x32b: {  	v30 =	vld [tilespmem:s6+$0x22C0]  }
0x32c: {  	v35 =	vld [tilespmem:s6+$0x21D0]  }
0x32d: {  	v36 =	vld [tilespmem:s6+$0x21E0]  }
.Ltmp0:
0x32e: {  	v5 =	vmul.f32 v18, v5;
	v37 =	vld [tilespmem:s6+$0x21F0];
	(pc) =	sbr.rel @p0 .LBB2_3-.Ltmp0, $4  }
0x32f: {  	v38 =	vld [tilespmem:s6+$0x2200]  }
0x330: {  	v3 =	vmul.f32 v4, v3;
	v1 =	vadd.f32 v5, v1;
	v39 =	vld [tilespmem:s6+$0x2210]  }
0x331: {  	v40 =	vmul.f32 v42, v40;
	v41 =	vld [tilespmem:s6+$0x2220]  }
0x332: {  	s14 =	sadd.s32 $0xC80, s14;
	v50 =	vmul.f32 v2, v0;
	v18 =	vmul.f32 v44, v43;
	v42 =	vld [tilespmem:s6+$0x2230];
	v46 =	vadd.f32 v3, v1  }
0x333: {  	v1 =	vld [tilespmem:s6+$0x2370];
	_ =	sdelay $0x4  }
0x334: {  	[tilespmem:$0x1FF80] =	vst v1;
	v1 =	vld [tilespmem:s6+$0x2380]  }
0x335: {  	v0 =	vld [tilespmem:$0x1A00];
	s18 =	smul.u32 $0x34, s23  }
0x336: {  	v3 =	vld [tilespmem:s6+$0x2420]  }
0x337: {  	s14 =	sadd.s32 $0x2, s20;
	v2 =	vadd.s32 s18, v45  }
0x338: {  	s14 =	sand.u32 $0x7E, s14  }
0x339: {  	s14 =	smul.u32 $0x1A, s14;
	[tilespmem:$0x1FF90] =	vst v1;
	v1 =	vld [tilespmem:s6+$0x2410]  }
0x33a: {  	s7 =	sadd.s32 $0x10, s18  }
0x33b: {  	v0 =	vadd.s32 s14, v0;
	[tilespmem:$0x1FFB0] =	vst v3;
	v3 =	vadd.s32 s7, v45  }
0x33c: {  	v3 =	vnsel vm0, $0x0, v3;
	v2 =	vld.idx.msk [tilespmem:v2+s16+$0x0], $0xffff  }
0x33d: {  	v4 =	vld [tilespmem:$0x1C90]  }
0x33e: {  	[tilespmem:$0x1FFA0] =	vst v1;
	v1 =	vld [tilespmem:$0x1A10]  }
0x33f: {  	v5 =	vld [tilespmem:s6+$0x24B0];
	s7 =	simm.s32 $0x0  }
0x340: {  	v0 =	vld.idx.msk [tilespmem:v0+s7+$0x0], $0xffff  }
0x341: {  	[tilespmem:$0x1FF60] =	vst v2;
	v2 =	vld.idx.msk [tilespmem:v3+s16+$0x0], $0xffff;
	_ =	sdelay $0x1  }
0x342: {  	v53 =	vld [tilespmem:s6+$0x2240];
	v1 =	vadd.s32 s14, v1  }
0x343: {  	v51 =	vld [tilespmem:s6+$0x22D0]  }
0x344: {  	v52 =	vld [tilespmem:s6+$0x22E0];
	[tilespmem:$0x1FFC0] =	vst v5;
	v0 =	vshll.u32 v0, $0x3  }
0x345: {  	v0 =	vadd.s32 v4, v0;
	[tilespmem:$0x1FF70] =	vst v2;
	v2 =	vld [tilespmem:$0x1A20]  }
0x346: {  	v5 =	vld [tilespmem:s6+$0x24C0];
	[tilespmem:$0x1F20] =	vst v0  }
0x347: {  	v0 =	vld.idx.msk [tilespmem:v1+s7+$0x0], $0xffff  }
0x348: {  	v1 =	vld [tilespmem:$0x1CA0];
	_ =	sdelay $0x1  }
0x349: {  	v2 =	vadd.s32 s14, v2;
	_ =	sdelay $0x1  }
0x34a: {  	v0 =	vshll.u32 v0, $0x3  }
0x34b: {  	v0 =	vadd.s32 v1, v0;
	v1 =	vld [tilespmem:$0x1A30]  }
0x34c: {  	[tilespmem:$0x1F30] =	vst v0  }
0x34d: {  	v0 =	vld.idx.msk [tilespmem:v2+s7+$0x0], $0xffff  }
0x34e: {  	v2 =	vld [tilespmem:$0x1CB0];
	_ =	sdelay $0x1  }
0x34f: {  	v1 =	vadd.s32 s14, v1;
	_ =	sdelay $0x1  }
0x350: {  	v0 =	vshll.u32 v0, $0x3  }
0x351: {  	v0 =	vadd.s32 v2, v0;
	v2 =	vld [tilespmem:$0x1A40]  }
0x352: {  	[tilespmem:$0x1F40] =	vst v0  }
0x353: {  	v0 =	vld.idx.msk [tilespmem:v1+s7+$0x0], $0xffff  }
0x354: {  	v1 =	vld [tilespmem:$0x1CC0];
	_ =	sdelay $0x1  }
0x355: {  	v2 =	vadd.s32 s14, v2;
	_ =	sdelay $0x1  }
0x356: {  	v0 =	vshll.u32 v0, $0x3  }
0x357: {  	v0 =	vadd.s32 v1, v0;
	v1 =	vld [tilespmem:$0x1A50]  }
0x358: {  	[tilespmem:$0x1F50] =	vst v0  }
0x359: {  	v0 =	vld.idx.msk [tilespmem:v2+s7+$0x0], $0xffff  }
0x35a: {  	v2 =	vld [tilespmem:$0x1CD0];
	_ =	sdelay $0x1  }
0x35b: {  	v1 =	vadd.s32 s14, v1;
	_ =	sdelay $0x1  }
0x35c: {  	v0 =	vshll.u32 v0, $0x3  }
0x35d: {  	v0 =	vadd.s32 v2, v0;
	v2 =	vld [tilespmem:$0x1A60]  }
0x35e: {  	[tilespmem:$0x1F60] =	vst v0  }
0x35f: {  	v0 =	vld.idx.msk [tilespmem:v1+s7+$0x0], $0xffff  }
0x360: {  	v1 =	vld [tilespmem:$0x1CE0];
	_ =	sdelay $0x1  }
0x361: {  	v2 =	vadd.s32 s14, v2;
	_ =	sdelay $0x1  }
0x362: {  	v0 =	vshll.u32 v0, $0x3  }
0x363: {  	v0 =	vadd.s32 v1, v0;
	v1 =	vld [tilespmem:$0x1A70]  }
0x364: {  	[tilespmem:$0x1F70] =	vst v0  }
0x365: {  	v0 =	vld.idx.msk [tilespmem:v2+s7+$0x0], $0xffff  }
0x366: {  	v2 =	vld [tilespmem:$0x1CF0];
	_ =	sdelay $0x1  }
0x367: {  	v1 =	vadd.s32 s14, v1;
	_ =	sdelay $0x1  }
0x368: {  	v0 =	vshll.u32 v0, $0x3  }
0x369: {  	v0 =	vadd.s32 v2, v0;
	v2 =	vld [tilespmem:$0x1A80]  }
0x36a: {  	[tilespmem:$0x1F80] =	vst v0  }
0x36b: {  	v0 =	vld.idx.msk [tilespmem:v1+s7+$0x0], $0xffff  }
0x36c: {  	v1 =	vld [tilespmem:$0x1D00];
	_ =	sdelay $0x1  }
0x36d: {  	v2 =	vadd.s32 s14, v2;
	_ =	sdelay $0x1  }
0x36e: {  	v0 =	vshll.u32 v0, $0x3  }
0x36f: {  	v0 =	vadd.s32 v1, v0;
	v1 =	vld [tilespmem:$0x1A90]  }
0x370: {  	[tilespmem:$0x1F90] =	vst v0  }
0x371: {  	v0 =	vld.idx.msk [tilespmem:v2+s7+$0x0], $0xffff  }
0x372: {  	v2 =	vld [tilespmem:$0x1D10];
	_ =	sdelay $0x1  }
0x373: {  	v1 =	vadd.s32 s14, v1;
	_ =	sdelay $0x1  }
0x374: {  	v0 =	vshll.u32 v0, $0x3  }
0x375: {  	v0 =	vadd.s32 v2, v0;
	v2 =	vld [tilespmem:$0x1AA0]  }
0x376: {  	[tilespmem:$0x1FA0] =	vst v0  }
0x377: {  	v0 =	vld.idx.msk [tilespmem:v1+s7+$0x0], $0xffff  }
0x378: {  	v1 =	vld [tilespmem:$0x1D20];
	_ =	sdelay $0x1  }
0x379: {  	v2 =	vadd.s32 s14, v2;
	_ =	sdelay $0x1  }
0x37a: {  	v0 =	vshll.u32 v0, $0x3  }
0x37b: {  	v0 =	vadd.s32 v1, v0;
	v1 =	vld [tilespmem:$0x1AB0]  }
0x37c: {  	[tilespmem:$0x1FB0] =	vst v0  }
0x37d: {  	v0 =	vld.idx.msk [tilespmem:v2+s7+$0x0], $0xffff  }
0x37e: {  	v2 =	vld [tilespmem:$0x1D30];
	_ =	sdelay $0x1  }
0x37f: {  	v1 =	vadd.s32 s14, v1;
	_ =	sdelay $0x1  }
0x380: {  	v0 =	vshll.u32 v0, $0x3  }
0x381: {  	v0 =	vadd.s32 v2, v0;
	v2 =	vld [tilespmem:$0x1AC0]  }
0x382: {  	[tilespmem:$0x1FC0] =	vst v0  }
0x383: {  	v0 =	vld.idx.msk [tilespmem:v1+s7+$0x0], $0xffff  }
0x384: {  	v1 =	vld [tilespmem:$0x1D40];
	_ =	sdelay $0x1  }
0x385: {  	v2 =	vadd.s32 s14, v2;
	_ =	sdelay $0x1  }
0x386: {  	v0 =	vshll.u32 v0, $0x3  }
0x387: {  	v0 =	vadd.s32 v1, v0;
	v1 =	vld [tilespmem:$0x1AD0]  }
0x388: {  	[tilespmem:$0x1FD0] =	vst v0  }
0x389: {  	v0 =	vld.idx.msk [tilespmem:v2+s7+$0x0], $0xffff  }
0x38a: {  	v2 =	vld [tilespmem:$0x1D50];
	_ =	sdelay $0x1  }
0x38b: {  	v1 =	vadd.s32 s14, v1;
	_ =	sdelay $0x1  }
0x38c: {  	v0 =	vshll.u32 v0, $0x3  }
0x38d: {  	v0 =	vadd.s32 v2, v0;
	v2 =	vld [tilespmem:$0x1AE0]  }
0x38e: {  	[tilespmem:$0x1FE0] =	vst v0  }
0x38f: {  	v0 =	vld.idx.msk [tilespmem:v1+s7+$0x0], $0xffff  }
0x390: {  	v1 =	vld [tilespmem:$0x1D60];
	_ =	sdelay $0x1  }
0x391: {  	v2 =	vadd.s32 s14, v2;
	_ =	sdelay $0x1  }
0x392: {  	v0 =	vshll.u32 v0, $0x3  }
0x393: {  	v0 =	vadd.s32 v1, v0;
	v1 =	vld [tilespmem:$0x1AF0]  }
0x394: {  	[tilespmem:$0x1FF0] =	vst v0  }
0x395: {  	v0 =	vld.idx.msk [tilespmem:v2+s7+$0x0], $0xffff  }
0x396: {  	v2 =	vld [tilespmem:$0x1D70];
	_ =	sdelay $0x1  }
0x397: {  	v1 =	vadd.s32 s14, v1;
	_ =	sdelay $0x1  }
0x398: {  	v0 =	vshll.u32 v0, $0x3  }
0x399: {  	v0 =	vadd.s32 v2, v0;
	v2 =	vld [tilespmem:$0x1B00]  }
0x39a: {  	[tilespmem:$0x2000] =	vst v0  }
0x39b: {  	v0 =	vld.idx.msk [tilespmem:v1+s7+$0x0], $0xffff  }
0x39c: {  	v1 =	vld [tilespmem:$0x1D80];
	_ =	sdelay $0x1  }
0x39d: {  	v2 =	vadd.s32 s14, v2;
	_ =	sdelay $0x1  }
0x39e: {  	v0 =	vshll.u32 v0, $0x3  }
0x39f: {  	v0 =	vadd.s32 v1, v0;
	v1 =	vld [tilespmem:$0x1B10]  }
0x3a0: {  	[tilespmem:$0x2010] =	vst v0  }
0x3a1: {  	v0 =	vld.idx.msk [tilespmem:v2+s7+$0x0], $0xffff  }
0x3a2: {  	v2 =	vld [tilespmem:$0x1D90];
	_ =	sdelay $0x1  }
0x3a3: {  	v1 =	vadd.s32 s14, v1;
	_ =	sdelay $0x1  }
0x3a4: {  	v0 =	vshll.u32 v0, $0x3  }
0x3a5: {  	v0 =	vadd.s32 v2, v0;
	v2 =	vld [tilespmem:$0x1B20]  }
0x3a6: {  	[tilespmem:$0x2020] =	vst v0  }
0x3a7: {  	v0 =	vld.idx.msk [tilespmem:v1+s7+$0x0], $0xffff  }
0x3a8: {  	v1 =	vld [tilespmem:$0x1DA0];
	_ =	sdelay $0x1  }
0x3a9: {  	v2 =	vadd.s32 s14, v2;
	_ =	sdelay $0x1  }
0x3aa: {  	v0 =	vshll.u32 v0, $0x3  }
0x3ab: {  	v0 =	vadd.s32 v1, v0;
	v1 =	vld [tilespmem:$0x1B30]  }
0x3ac: {  	[tilespmem:$0x2030] =	vst v0  }
0x3ad: {  	v0 =	vld.idx.msk [tilespmem:v2+s7+$0x0], $0xffff  }
0x3ae: {  	v2 =	vld [tilespmem:$0x1DB0];
	_ =	sdelay $0x1  }
0x3af: {  	v1 =	vadd.s32 s14, v1;
	_ =	sdelay $0x1  }
0x3b0: {  	v0 =	vshll.u32 v0, $0x3  }
0x3b1: {  	v0 =	vadd.s32 v2, v0;
	v2 =	vld [tilespmem:$0x1B40]  }
0x3b2: {  	[tilespmem:$0x2040] =	vst v0  }
0x3b3: {  	v0 =	vld.idx.msk [tilespmem:v1+s7+$0x0], $0xffff  }
0x3b4: {  	v1 =	vld [tilespmem:$0x1DC0];
	_ =	sdelay $0x1  }
0x3b5: {  	v2 =	vadd.s32 s14, v2;
	_ =	sdelay $0x1  }
0x3b6: {  	v0 =	vshll.u32 v0, $0x3  }
0x3b7: {  	v0 =	vadd.s32 v1, v0;
	v1 =	vld [tilespmem:$0x1B50]  }
0x3b8: {  	[tilespmem:$0x2050] =	vst v0  }
0x3b9: {  	v0 =	vld.idx.msk [tilespmem:v2+s7+$0x0], $0xffff  }
0x3ba: {  	v2 =	vld [tilespmem:$0x1DD0];
	_ =	sdelay $0x1  }
0x3bb: {  	v1 =	vadd.s32 s14, v1;
	_ =	sdelay $0x1  }
0x3bc: {  	v0 =	vshll.u32 v0, $0x3  }
0x3bd: {  	v0 =	vadd.s32 v2, v0;
	v2 =	vld [tilespmem:$0x1B60]  }
0x3be: {  	[tilespmem:$0x2060] =	vst v0  }
0x3bf: {  	v0 =	vld.idx.msk [tilespmem:v1+s7+$0x0], $0xffff  }
0x3c0: {  	v1 =	vld [tilespmem:$0x1DE0];
	_ =	sdelay $0x1  }
0x3c1: {  	v2 =	vadd.s32 s14, v2;
	_ =	sdelay $0x1  }
0x3c2: {  	v0 =	vshll.u32 v0, $0x3  }
0x3c3: {  	v0 =	vadd.s32 v1, v0;
	v1 =	vld [tilespmem:$0x1B70]  }
0x3c4: {  	[tilespmem:$0x2070] =	vst v0  }
0x3c5: {  	v0 =	vld.idx.msk [tilespmem:v2+s7+$0x0], $0xffff  }
0x3c6: {  	v2 =	vld [tilespmem:$0x1DF0];
	_ =	sdelay $0x1  }
0x3c7: {  	v1 =	vadd.s32 s14, v1;
	_ =	sdelay $0x1  }
0x3c8: {  	v0 =	vshll.u32 v0, $0x3  }
0x3c9: {  	v0 =	vadd.s32 v2, v0;
	v2 =	vld [tilespmem:$0x1B80]  }
0x3ca: {  	[tilespmem:$0x2080] =	vst v0  }
0x3cb: {  	v0 =	vld.idx.msk [tilespmem:v1+s7+$0x0], $0xffff  }
0x3cc: {  	v1 =	vld [tilespmem:$0x1E00];
	_ =	sdelay $0x1  }
0x3cd: {  	v2 =	vadd.s32 s14, v2;
	_ =	sdelay $0x1  }
0x3ce: {  	v0 =	vshll.u32 v0, $0x3  }
0x3cf: {  	v0 =	vadd.s32 v1, v0;
	v1 =	vld [tilespmem:$0x1B90]  }
0x3d0: {  	[tilespmem:$0x2090] =	vst v0  }
0x3d1: {  	v0 =	vld.idx.msk [tilespmem:v2+s7+$0x0], $0xffff  }
0x3d2: {  	v2 =	vld [tilespmem:$0x1E10];
	_ =	sdelay $0x1  }
0x3d3: {  	v1 =	vadd.s32 s14, v1;
	_ =	sdelay $0x1  }
0x3d4: {  	v0 =	vshll.u32 v0, $0x3  }
0x3d5: {  	v0 =	vadd.s32 v2, v0;
	v2 =	vld [tilespmem:$0x1BA0]  }
0x3d6: {  	[tilespmem:$0x20A0] =	vst v0  }
0x3d7: {  	v0 =	vld.idx.msk [tilespmem:v1+s7+$0x0], $0xffff  }
0x3d8: {  	v1 =	vld [tilespmem:$0x1E20];
	_ =	sdelay $0x1  }
0x3d9: {  	v2 =	vadd.s32 s14, v2;
	_ =	sdelay $0x1  }
0x3da: {  	v0 =	vshll.u32 v0, $0x3  }
0x3db: {  	v0 =	vadd.s32 v1, v0;
	v1 =	vld [tilespmem:$0x1BB0]  }
0x3dc: {  	[tilespmem:$0x20B0] =	vst v0  }
0x3dd: {  	v0 =	vld.idx.msk [tilespmem:v2+s7+$0x0], $0xffff  }
0x3de: {  	v2 =	vld [tilespmem:$0x1E30];
	_ =	sdelay $0x1  }
0x3df: {  	v1 =	vadd.s32 s14, v1;
	_ =	sdelay $0x1  }
0x3e0: {  	v0 =	vshll.u32 v0, $0x3  }
0x3e1: {  	v0 =	vadd.s32 v2, v0;
	v2 =	vld [tilespmem:$0x1BC0]  }
0x3e2: {  	[tilespmem:$0x20C0] =	vst v0  }
0x3e3: {  	v0 =	vld.idx.msk [tilespmem:v1+s7+$0x0], $0xffff  }
0x3e4: {  	v1 =	vld [tilespmem:$0x1E40];
	_ =	sdelay $0x1  }
0x3e5: {  	v2 =	vadd.s32 s14, v2;
	_ =	sdelay $0x1  }
0x3e6: {  	v0 =	vshll.u32 v0, $0x3  }
0x3e7: {  	v0 =	vadd.s32 v1, v0;
	v1 =	vld [tilespmem:$0x1BD0]  }
0x3e8: {  	[tilespmem:$0x20D0] =	vst v0  }
0x3e9: {  	v0 =	vld.idx.msk [tilespmem:v2+s7+$0x0], $0xffff  }
0x3ea: {  	v2 =	vld [tilespmem:$0x1E50];
	_ =	sdelay $0x1  }
0x3eb: {  	v1 =	vadd.s32 s14, v1;
	_ =	sdelay $0x1  }
0x3ec: {  	v0 =	vshll.u32 v0, $0x3  }
0x3ed: {  	v0 =	vadd.s32 v2, v0;
	v2 =	vld [tilespmem:$0x1BE0]  }
0x3ee: {  	[tilespmem:$0x20E0] =	vst v0  }
0x3ef: {  	v0 =	vld.idx.msk [tilespmem:v1+s7+$0x0], $0xffff  }
0x3f0: {  	v1 =	vld [tilespmem:$0x1E60];
	_ =	sdelay $0x1  }
0x3f1: {  	v2 =	vadd.s32 s14, v2;
	_ =	sdelay $0x1  }
0x3f2: {  	v0 =	vshll.u32 v0, $0x3  }
0x3f3: {  	v0 =	vadd.s32 v1, v0;
	v1 =	vld [tilespmem:$0x1BF0]  }
0x3f4: {  	[tilespmem:$0x20F0] =	vst v0  }
0x3f5: {  	v0 =	vld.idx.msk [tilespmem:v2+s7+$0x0], $0xffff  }
0x3f6: {  	v2 =	vld [tilespmem:$0x1E70];
	_ =	sdelay $0x1  }
0x3f7: {  	v1 =	vadd.s32 s14, v1;
	_ =	sdelay $0x1  }
0x3f8: {  	v0 =	vshll.u32 v0, $0x3  }
0x3f9: {  	v0 =	vadd.s32 v2, v0;
	v2 =	vld [tilespmem:$0x1C00]  }
0x3fa: {  	[tilespmem:$0x2100] =	vst v0  }
0x3fb: {  	v0 =	vld.idx.msk [tilespmem:v1+s7+$0x0], $0xffff  }
0x3fc: {  	v1 =	vld [tilespmem:$0x1E80];
	_ =	sdelay $0x1  }
0x3fd: {  	v2 =	vadd.s32 s14, v2;
	_ =	sdelay $0x1  }
0x3fe: {  	v0 =	vshll.u32 v0, $0x3  }
0x3ff: {  	v0 =	vadd.s32 v1, v0;
	v1 =	vld [tilespmem:$0x1C10]  }
0x400: {  	[tilespmem:$0x2110] =	vst v0  }
0x401: {  	v0 =	vld.idx.msk [tilespmem:v2+s7+$0x0], $0xffff  }
0x402: {  	v2 =	vld [tilespmem:$0x1E90];
	_ =	sdelay $0x1  }
0x403: {  	v1 =	vadd.s32 s14, v1;
	_ =	sdelay $0x1  }
0x404: {  	v0 =	vshll.u32 v0, $0x3  }
0x405: {  	v0 =	vadd.s32 v2, v0;
	v2 =	vld [tilespmem:$0x1C20]  }
0x406: {  	[tilespmem:$0x2120] =	vst v0  }
0x407: {  	v0 =	vld.idx.msk [tilespmem:v1+s7+$0x0], $0xffff  }
0x408: {  	v1 =	vld [tilespmem:$0x1EA0];
	_ =	sdelay $0x1  }
0x409: {  	v2 =	vadd.s32 s14, v2;
	_ =	sdelay $0x1  }
0x40a: {  	v0 =	vshll.u32 v0, $0x3  }
0x40b: {  	v0 =	vadd.s32 v1, v0;
	v1 =	vld [tilespmem:$0x1C30]  }
0x40c: {  	[tilespmem:$0x2130] =	vst v0  }
0x40d: {  	v0 =	vld.idx.msk [tilespmem:v2+s7+$0x0], $0xffff  }
0x40e: {  	v2 =	vld [tilespmem:$0x1EB0];
	_ =	sdelay $0x1  }
0x40f: {  	v1 =	vadd.s32 s14, v1;
	_ =	sdelay $0x1  }
0x410: {  	v0 =	vshll.u32 v0, $0x3  }
0x411: {  	v0 =	vadd.s32 v2, v0;
	v2 =	vld [tilespmem:$0x1C40]  }
0x412: {  	[tilespmem:$0x2140] =	vst v0  }
0x413: {  	v0 =	vld.idx.msk [tilespmem:v1+s7+$0x0], $0xffff  }
0x414: {  	v1 =	vld [tilespmem:$0x1EC0];
	_ =	sdelay $0x1  }
0x415: {  	v2 =	vadd.s32 s14, v2;
	_ =	sdelay $0x1  }
0x416: {  	v0 =	vshll.u32 v0, $0x3  }
0x417: {  	v0 =	vadd.s32 v1, v0;
	v1 =	vld [tilespmem:$0x1C50]  }
0x418: {  	[tilespmem:$0x2150] =	vst v0  }
0x419: {  	v0 =	vld.idx.msk [tilespmem:v2+s7+$0x0], $0xffff  }
0x41a: {  	v2 =	vld [tilespmem:$0x1ED0];
	_ =	sdelay $0x1  }
0x41b: {  	v1 =	vadd.s32 s14, v1;
	_ =	sdelay $0x1  }
0x41c: {  	v0 =	vshll.u32 v0, $0x3  }
0x41d: {  	v0 =	vadd.s32 v2, v0;
	v2 =	vld [tilespmem:$0x1C60]  }
0x41e: {  	[tilespmem:$0x2160] =	vst v0  }
0x41f: {  	v0 =	vld.idx.msk [tilespmem:v1+s7+$0x0], $0xffff  }
0x420: {  	v1 =	vld [tilespmem:$0x1EE0];
	_ =	sdelay $0x1  }
0x421: {  	v2 =	vadd.s32 s14, v2;
	_ =	sdelay $0x1  }
0x422: {  	v0 =	vshll.u32 v0, $0x3  }
0x423: {  	v0 =	vadd.s32 v1, v0;
	v1 =	vld [tilespmem:$0x1C70]  }
0x424: {  	[tilespmem:$0x2170] =	vst v0  }
0x425: {  	v0 =	vld.idx.msk [tilespmem:v2+s7+$0x0], $0xffff  }
0x426: {  	v2 =	vld [tilespmem:$0x1EF0];
	_ =	sdelay $0x1  }
0x427: {  	v1 =	vadd.s32 s14, v1;
	_ =	sdelay $0x1  }
0x428: {  	v0 =	vshll.u32 v0, $0x3  }
0x429: {  	v0 =	vadd.s32 v2, v0;
	v2 =	vld [tilespmem:$0x1C80]  }
0x42a: {  	[tilespmem:$0x2180] =	vst v0  }
0x42b: {  	v0 =	vld.idx.msk [tilespmem:v1+s7+$0x0], $0xffff  }
0x42c: {  	v1 =	vld [tilespmem:$0x1F00];
	_ =	sdelay $0x1  }
0x42d: {  	v2 =	vadd.s32 s14, v2;
	_ =	sdelay $0x1  }
0x42e: {  	v0 =	vshll.u32 v0, $0x3  }
0x42f: {  	v0 =	vadd.s32 v1, v0  }
0x430: {  	[tilespmem:$0x2190] =	vst v0  }
0x431: {  	v0 =	vld.idx.msk [tilespmem:v2+s7+$0x0], $0xffff  }
0x432: {  	v1 =	vld [tilespmem:$0x1F10];
	_ =	sdelay $0x1  }
0x433: {  	v20 =	vmul.f32 v23, v20;
	v23 =	vadd.f32 v50, v46;
	_ =	sdelay $0x1  }
0x434: {  	v46 =	vmul.f32 v21, v19;
	v21 =	vadd.f32 v20, v23;
	v0 =	vshll.u32 v0, $0x3  }
0x435: {  	v23 =	vmul.f32 v38, v37;
	v41 =	vmul.f32 v41, v39;
	[tilespmem:$0x1FFD0] =	vst v5;
	v0 =	vadd.s32 v1, v0  }
0x436: {  	v50 =	vmul.f32 v24, v22;
	v22 =	vmul.f32 v36, v35;
	[tilespmem:$0x21A0] =	vst v0  }
0x437: {  	v17 =	vadd.f32 v23, v17;
	v23 =	vmul.f32 v30, v29;
	v14 =	vadd.f32 v41, v14;
	[tilespmem:s30], [sflag:$0x1] =	stream.indirect.gather [hbm4b:s3+s28], $0x10, s29, s28, $0xb8;
	[tilespmem:$0x153C0] =	vst v63  }
0x438: {  	v24 =	vmul.f32 v32, v31;
	v13 =	vadd.f32 v22, v13;
	_ =	swait.ge [sflag:s19], $0x2900  }
0x439: {  	v10 =	vmul.f32 v11, v10;
	v14 =	vadd.f32 v23, v14;
	v23 =	vld [tilespmem:$0x1FF80]  }
0x43a: {  	v13 =	vadd.f32 v24, v13;
	v24 =	vld [tilespmem:$0x1FF90]  }
0x43b: {  	v8 =	vmul.f32 v9, v8;
	v9 =	vadd.f32 v10, v14;
	v14 =	vld [tilespmem:$0x1FFA0]  }
0x43c: {  	v6 =	vmul.f32 v7, v6;
	[sflag:s19] =	ssyncset.done $0x0;
	v7 =	vld [tilespmem:$0x1FFC0]  }
0x43d: {  	v9 =	vadd.f32 v8, v9;
	s14 =	simm.s32 $0x0;
	v8 =	vld [tilespmem:$0x1FFD0];
	[sflag:s19] =	ssyncadd.s32 $0xFFFFD700  }
0x43e: {  	v47 =	vld [tilespmem:s14+$0x4FC0]  }
0x43f: {  	v45 =	vld [tilespmem:s14+$0x4FD0]  }
0x440: {  	v49 =	vld [tilespmem:s14+$0x4FE0]  }
0x441: {  	v48 =	vld [tilespmem:s14+$0x4FF0]  }
0x442: {  	v58 =	vld [tilespmem:s14+$0x5000]  }
0x443: {  	v59 =	vld [tilespmem:s14+$0x5010]  }
0x444: {  	v54 =	vld [tilespmem:s14+$0x5020]  }
0x445: {  	v55 =	vld [tilespmem:s14+$0x5030]  }
0x446: {  	v61 =	vld [tilespmem:s14+$0x4F20]  }
0x447: {  	v1 =	vld [tilespmem:s14+$0x4F30]  }
0x448: {  	v60 =	vld [tilespmem:s14+$0x4F40]  }
0x449: {  	v63 =	vld [tilespmem:s14+$0x4F50]  }
0x44a: {  	v62 =	vld [tilespmem:s14+$0x4F60]  }
0x44b: {  	v0 =	vld [tilespmem:s14+$0x4F70]  }
0x44c: {  	v56 =	vld [tilespmem:s14+$0x4F80]  }
0x44d: {  	v57 =	vld [tilespmem:s14+$0x4F90]  }
0x44e: {  	v44 =	vld [tilespmem:s14+$0x4E80]  }
0x44f: {  	v43 =	vld [tilespmem:s14+$0x4E90]  }
0x450: {  	v3 =	vld [tilespmem:s14+$0x4EA0]  }
0x451: {  	v4 =	vld [tilespmem:s14+$0x4EB0]  }
0x452: {  	v5 =	vld [tilespmem:s14+$0x4EC0]  }
0x453: {  	v2 =	vld [tilespmem:s14+$0x4ED0]  }
0x454: {  	v12 =	vmul.f32 v16, v12;
	v16 =	vld [tilespmem:s14+$0x4EE0]  }
0x455: {  	v19 =	vld [tilespmem:s14+$0x4EF0]  }
0x456: {  	v25 =	vmul.f32 v26, v25;
	v26 =	vmul.f32 v28, v27;
	v27 =	vld [tilespmem:s14+$0x4DE0]  }
0x457: {  	v53 =	vmul.f32 v53, v42;
	v31 =	vld [tilespmem:s14+$0x4DF0]  }
0x458: {  	v28 =	vmul.f32 v34, v33;
	v20 =	vld [tilespmem:s14+$0x4E00]  }
0x459: {  	v34 =	vadd.f32 v40, v21;
	v29 =	vmul.f32 v52, v51;
	v15 =	vadd.f32 v53, v15;
	v21 =	vld [tilespmem:s14+$0x4E10]  }
0x45a: {  	v22 =	vld [tilespmem:s14+$0x4E20]  }
0x45b: {  	v15 =	vadd.f32 v29, v15;
	v30 =	vld [tilespmem:s14+$0x4D40];
	v23 =	vmul.f32 v24, v23  }
0x45c: {  	v17 =	vadd.f32 v28, v17;
	v11 =	vld [tilespmem:s14+$0x4D50]  }
0x45d: {  	v13 =	vadd.f32 v25, v13;
	v10 =	vadd.f32 v23, v15;
	v15 =	vld [tilespmem:$0x1FFB0]  }
0x45e: {  	v25 =	vadd.f32 v26, v17;
	v17 =	vld [tilespmem:s14+$0x4E40]  }
0x45f: {  	v13 =	vadd.f32 v46, v13;
	v26 =	vld [tilespmem:s14+$0x4D70]  }
0x460: {  	v24 =	vld [tilespmem:s14+$0x4E30]  }
0x461: {  	v28 =	vmul.f32 v8, v7;
	v7 =	vadd.f32 v18, v13;
	v18 =	vld [tilespmem:s14+$0x4D80]  }
0x462: {  	v9 =	vadd.f32 v6, v9;
	v23 =	vld [tilespmem:s14+$0x4E50];
	v14 =	vmul.f32 v15, v14  }
0x463: {  	v13 =	vimm.f32 $0.0e+00;
	v11 =	vmul.f32 v11, v30;
	v30 =	vld [tilespmem:s14+$0x4DB0];
	v15 =	vadd.f32 v50, v25  }
0x464: {  	v29 =	vmul.f32 v45, v47;
	v25 =	vld [tilespmem:s14+$0x4D60];
	v14 =	vadd.f32 v14, v10;
	v10 =	vimm.f32 $0.0e+00  }
0x465: {  	v8 =	vadd.f32 v12, v15;
	v12 =	vmul.f32 v31, v27;
	v27 =	vld [tilespmem:s14+$0x4D90];
	v11 =	vadd.f32 v11, v10  }
0x466: {  	v33 =	vmul.f32 v43, v44;
	v15 =	vmul.f32 v48, v49;
	v31 =	vld [tilespmem:s14+$0x4DC0];
	v6 =	vadd.f32 v28, v14  }
0x467: {  	s6 =	simm.s32 $0xC80;
	v28 =	vld [tilespmem:s14+$0x4DA0];
	v14 =	vimm.f32 $0.0e+00;
	v32 =	vadd.f32 v12, v11;
	v11 =	vimm.f32 $0.0e+00  }
.LBB2_5:
0x468: {  	p0 =	sne.s32 s6, $0x9600;
	v12 =	vld [tilespmem:s14+$0x4DD0];
	v1 =	vmul.f32 v1, v61;
	v35 =	vmul.f32 v59, v58  }
0x469: {  	v0 =	vmul.f32 v0, v62;
	v36 =	vld [tilespmem:s14+$0x4E60];
	v32 =	vadd.f32 v33, v32;
	v33 =	vmul.f32 v63, v60  }
0x46a: {  	v3 =	vmul.f32 v4, v3;
	v2 =	vmul.f32 v2, v5;
	v37 =	vld [tilespmem:s14+$0x4E70]  }
0x46b: {  	v4 =	vmul.f32 v21, v20;
	v5 =	vmul.f32 v24, v22;
	v20 =	vld [tilespmem:s14+$0x4F00];
	v1 =	vadd.f32 v1, v32  }
0x46c: {  	v21 =	vmul.f32 v26, v25;
	v18 =	vmul.f32 v27, v18;
	v22 =	vld [tilespmem:s14+$0x4F10]  }
0x46d: {  	v24 =	vmul.f32 v30, v28;
	v12 =	vmul.f32 v12, v31;
	v25 =	vld [tilespmem:s14+$0x4FA0];
	v28 =	vadd.f32 v29, v1  }
0x46e: {  	v1 =	vadd.f32 v21, v10;
	v10 =	vadd.f32 v18, v14;
	v14 =	vmul.f32 v23, v17;
	v17 =	vld [tilespmem:s14+$0x4FB0]  }
0x46f: {  	v11 =	vadd.f32 v24, v11;
	v12 =	vadd.f32 v12, v13;
	v13 =	vmul.f32 v37, v36;
	v18 =	vld [tilespmem:s14+$0x5040]  }
0x470: {  	v1 =	vadd.f32 v4, v1;
	v4 =	vadd.f32 v5, v10;
	v5 =	vmul.f32 v19, v16;
	v10 =	vld [tilespmem:s14+$0x5050];
	s14 =	sshra.s32 s6, $0x2  }
0x471: {  	v11 =	vadd.f32 v14, v11;
	v29 =	vld [tilespmem:s14+$0x4FC0];
	v12 =	vadd.f32 v13, v12;
	v13 =	vmul.f32 v22, v20  }
0x472: {  	v1 =	vadd.f32 v3, v1;
	v2 =	vadd.f32 v2, v4;
	v3 =	vmul.f32 v57, v56;
	v31 =	vld [tilespmem:s14+$0x4FD0]  }
0x473: {  	v4 =	vadd.f32 v5, v11;
	v36 =	vld [tilespmem:s14+$0x4FE0];
	v5 =	vadd.f32 v13, v12;
	v11 =	vmul.f32 v17, v25  }
0x474: {  	v1 =	vadd.f32 v33, v1;
	v0 =	vadd.f32 v0, v2;
	v2 =	vmul.f32 v55, v54;
	v12 =	vld [tilespmem:s14+$0x4FF0]  }
0x475: {  	v3 =	vadd.f32 v3, v4;
	v58 =	vld [tilespmem:s14+$0x5000];
	v4 =	vadd.f32 v11, v5;
	v5 =	vmul.f32 v10, v18  }
0x476: {  	v10 =	vadd.f32 v15, v1;
	v14 =	vadd.f32 v35, v0;
	v59 =	vld [tilespmem:s14+$0x5010]  }
0x477: {  	v11 =	vadd.f32 v2, v3;
	v54 =	vld [tilespmem:s14+$0x5020];
	v13 =	vadd.f32 v5, v4  }
0x478: {  	v55 =	vld [tilespmem:s14+$0x5030]  }
0x479: {  	v61 =	vld [tilespmem:s14+$0x4F20]  }
0x47a: {  	v1 =	vld [tilespmem:s14+$0x4F30]  }
0x47b: {  	v60 =	vld [tilespmem:s14+$0x4F40]  }
0x47c: {  	v63 =	vld [tilespmem:s14+$0x4F50]  }
0x47d: {  	v62 =	vld [tilespmem:s14+$0x4F60]  }
0x47e: {  	v0 =	vld [tilespmem:s14+$0x4F70]  }
0x47f: {  	v56 =	vld [tilespmem:s14+$0x4F80]  }
0x480: {  	v57 =	vld [tilespmem:s14+$0x4F90]  }
0x481: {  	v15 =	vld [tilespmem:s14+$0x4E80]  }
0x482: {  	v33 =	vld [tilespmem:s14+$0x4E90]  }
0x483: {  	v3 =	vld [tilespmem:s14+$0x4EA0]  }
0x484: {  	v4 =	vld [tilespmem:s14+$0x4EB0]  }
0x485: {  	v5 =	vld [tilespmem:s14+$0x4EC0]  }
0x486: {  	v2 =	vld [tilespmem:s14+$0x4ED0]  }
0x487: {  	v16 =	vld [tilespmem:s14+$0x4EE0]  }
0x488: {  	v19 =	vld [tilespmem:s14+$0x4EF0]  }
0x489: {  	v30 =	vld [tilespmem:s14+$0x4DE0]  }
0x48a: {  	v32 =	vld [tilespmem:s14+$0x4DF0]  }
0x48b: {  	v20 =	vld [tilespmem:s14+$0x4E00]  }
0x48c: {  	v21 =	vld [tilespmem:s14+$0x4E10]  }
0x48d: {  	v22 =	vld [tilespmem:s14+$0x4E20]  }
0x48e: {  	v24 =	vld [tilespmem:s14+$0x4E30]  }
0x48f: {  	v18 =	vld [tilespmem:s14+$0x4D40]  }
0x490: {  	v27 =	vld [tilespmem:s14+$0x4D50]  }
0x491: {  	v17 =	vld [tilespmem:s14+$0x4E40]  }
0x492: {  	v23 =	vld [tilespmem:s14+$0x4E50]  }
0x493: {  	v25 =	vld [tilespmem:s14+$0x4D60]  }
0x494: {  	v26 =	vld [tilespmem:s14+$0x4D70]  }
.Ltmp1:
0x495: {  	v35 =	vmul.f32 v27, v18;
	v18 =	vld [tilespmem:s14+$0x4D80];
	(pc) =	sbr.rel @p0 .LBB2_5-.Ltmp1, $4  }
0x496: {  	v27 =	vld [tilespmem:s14+$0x4D90]  }
0x497: {  	v32 =	vmul.f32 v32, v30;
	v35 =	vadd.f32 v35, v28;
	v28 =	vld [tilespmem:s14+$0x4DA0]  }
0x498: {  	v29 =	vmul.f32 v31, v29;
	v30 =	vld [tilespmem:s14+$0x4DB0]  }
0x499: {  	s6 =	sadd.s32 $0xC80, s6;
	v33 =	vmul.f32 v33, v15;
	v15 =	vmul.f32 v12, v36;
	v31 =	vld [tilespmem:s14+$0x4DC0];
	v32 =	vadd.f32 v32, v35  }
0x49a: {  	v1 =	vmul.f32 v1, v61;
	v35 =	vmul.f32 v59, v58  }
0x49b: {  	v36 =	vmul.f32 v63, v60;
	v18 =	vmul.f32 v27, v18  }
0x49c: {  	v2 =	vmul.f32 v2, v5;
	v40 =	vmul.f32 v26, v25  }
0x49d: {  	v38 =	vmul.f32 v24, v22;
	v42 =	vmul.f32 v30, v28;
	v14 =	vadd.f32 v18, v14  }
0x49e: {  	v32 =	vadd.f32 v33, v32;
	v33 =	vmul.f32 v21, v20;
	v10 =	vadd.f32 v40, v10  }
0x49f: {  	v12 =	vld [tilespmem:s14+$0x4DD0];
	v17 =	vmul.f32 v23, v17;
	v11 =	vadd.f32 v42, v11;
	v48 =	vadd.f32 v38, v14  }
0x4a0: {  	v37 =	vld [tilespmem:s14+$0x4E60];
	v0 =	vmul.f32 v0, v62;
	v3 =	vmul.f32 v4, v3;
	v5 =	vadd.f32 v33, v10  }
0x4a1: {  	v63 =	vld [tilespmem:s14+$0x4E70];
	v49 =	vmul.f32 v19, v16;
	v11 =	vadd.f32 v17, v11;
	v2 =	vadd.f32 v2, v48  }
0x4a2: {  	v39 =	vld [tilespmem:s14+$0x4F00];
	v53 =	vmul.f32 v57, v56;
	v1 =	vadd.f32 v1, v32;
	v3 =	vadd.f32 v3, v5  }
0x4a3: {  	v45 =	vlaneseq.u32;
	v11 =	vadd.f32 v49, v11;
	v0 =	vadd.f32 v0, v2;
	v2 =	vld [tilespmem:$0x1FFF0]  }
0x4a4: {  	v41 =	vld [tilespmem:s14+$0x4F10];
	s6 =	sadd.s32 $0x10, s25;
	v59 =	vmul.f32 v55, v54;
	v12 =	vmul.f32 v12, v31;
	v3 =	vadd.f32 v36, v3  }
0x4a5: {  	v43 =	vld [tilespmem:s14+$0x4FA0];
	v56 =	vadd.s32 s6, v45;
	v1 =	vadd.f32 v29, v1;
	v11 =	vadd.f32 v53, v11  }
0x4a6: {  	v50 =	vld [tilespmem:s14+$0x4FB0];
	v4 =	vmul.f32 v63, v37;
	v12 =	vadd.f32 v12, v13;
	v3 =	vadd.f32 v15, v3  }
0x4a7: {  	v52 =	vld [tilespmem:s14+$0x5040];
	v58 =	vnsel vm0, $0x0, v56;
	v0 =	vadd.f32 v35, v0;
	v60 =	vadd.f32 v59, v11  }
0x4a8: {  	v57 =	vld [tilespmem:s14+$0x5050];
	v4 =	vadd.f32 v4, v12;
	v2 =	vadd.s32 v45, v2  }
0x4a9: {  	v51 =	vmul.f32 v41, v39;
	v1 =	vadd.f32 v3, v1;
	v0 =	vadd.f32 v60, v0  }
0x4aa: {  	v7 =	vadd.f32 v7, v34;
	v8 =	vadd.f32 v9, v8;
	v63 =	vld [tilespmem:$0x1FF70]  }
0x4ab: {  	v10 =	vmul.f32 v50, v43;
	v4 =	vadd.f32 v51, v4;
	v0 =	vadd.f32 v0, v1;
	v1 =	vld [tilespmem:$0x1FF60]  }
0x4ac: {  	v61 =	vld.idx.msk [tilespmem:v58+s16+$0x0], $0xffff  }
0x4ad: {  	v7 =	vadd.f32 v8, v7;
	v5 =	vmul.f32 v57, v52;
	v4 =	vadd.f32 v10, v4;
	v2 =	vld.idx.msk [tilespmem:v2+s16+$0x0], $0xffff;
	_ =	sdelay $0x1  }
0x4ae: {  	v62 =	vadd.f32 v7, v6;
	v3 =	vadd.f32 v5, v4;
	v5 =	vnsel vm0, $0x0, v63  }
0x4af: {  	v1 =	vadd.f32 v5, v1  }
0x4b0: {  	(xrf2) =	vadd.scan.msk.f32 $0xffff, v62;
	v0 =	vadd.f32 v0, v3;
	v3 =	vnsel vm0, $0x0, v61  }
0x4b1: {  	(xrf2) =	vadd.scan.msk.f32 $0xffff, v1;
	v1 =	vadd.f32 v3, v2  }
0x4b2: {  	(xrf2) =	vadd.scan.msk.f32 $0xffff, v0  }
0x4b3: {  	(xrf2) =	vadd.scan.msk.f32 $0xffff, v1;
	_ =	sdelay $0x6  }
0x4b4: {  	v0, _, _ =	vpop (xrf2)  }
0x4b5: {  	(v2sf) =	vpush v0, $0xF;
	v1, _, _ =	vpop (xrf2)  }
0x4b6: {  	v0, _, _ =	vpop (xrf2);
	(v2sf) =	vpush v1, $0xF  }
0x4b7: {  	(v2sf) =	vpush v0, $0xF;
	v0, _, _ =	vpop (xrf2)  }
0x4b8: {  	(v2sf) =	vpush v0, $0xF;
	_ =	sdelay $0xa  }
0x4b9: {  	s6 =	sand.u32 $0xF, s24  }
0x4ba: {  	s23 =	sadd.s32 $0x1, s23;
	p0 =	sne.s32 s6, $0xF;
	v2 =	vld [tilespmem:$0x1FFE0];
	s7 =	spop (v2sf)  }
0x4bb: {  	s24 =	sand.u32 $0xE, s20;
	s18 =	sadd.s32 @!p0 $0xFFFFFFF2, s20;
	v0 =	vlaneseq.u32 @!p0;
	s25 =	spop (v2sf)  }
0x4bc: {  	p1 =	sne.s32 s23, $0x40;
	v0 =	vadd.s32 @!p0 s18, v0;
	s18 =	spop (v2sf);
	s7 =	sadd.f32 s25, s7  }
.Ltmp2:
0x4bd: {  	v1 =	vmov s24;
	s25 =	spop (v2sf);
	(pc) =	sbr.rel @p1 .LBB2_2-.Ltmp2, $4  }
0x4be: {  	vm1 =	veq.s32 v1, v45;
	v1 =	vmov s6;
	s14 =	sadd.f32 s25, s18  }
0x4bf: {  	v2 =	vsel vm1, s7, v2;
	vm1 =	veq.s32 v1, v45  }
0x4c0: {  	s6 =	simm.s32 @!p0 $0x15340;
	v1 =	vsel vm1, s14, v2  }
0x4c1: {  	[tilespmem:v0+s6+$0x0] =	vst.idx.msk @!p0 $0xffff, v1  }
0x4c2: {  	_ =	swait.ge [sflag:s0], $0x2900  }
0x4c3: {  	[sflag:s0] =	ssyncset.done $0x0  }
0x4c4: {  	s6 =	simm.s32 $0x15340;
	[sflag:s0] =	ssyncadd.s32 $0xFFFFD700  }
0x4c5: {  	[hbm4b:s10+s2] =	stream.linear.scatter [tilespmem:s6], [sflag:$0x5], $0x80, $0x38;
	[tilespmem:$0x153C0] =	vst v63  }
0x4c6: {  	_ =	swait.ge [sflag:s13], $0x80  }
0x4c7: {  	[sflag:s13] =	ssyncset.done $0x0  }
0x4c8: {  	[sflag:s13] =	ssyncadd.s32 $0xFFFFFF80  }
0x4c9: {  	_ =	swait.ge [sflag:s21], $0x680  }
0x4ca: {  	[sflag:s21] =	ssyncset.done $0x0  }
0x4cb: {  	[sflag:s21] =	ssyncadd.s32 $0xFFFFF980  }
0x4cc: {  	_ =	swait.ge [sflag:s21], $0x680  }
0x4cd: {  	[sflag:s21] =	ssyncset.done $0x0  }
0x4ce: {  	[sflag:s21] =	ssyncadd.s32 $0xFFFFF980  }
0x4cf: {  	_ =	swait.ge [sflag:s21], $0x680  }
0x4d0: {  	[sflag:s21] =	ssyncset.done $0x0  }
0x4d1: {  	[sflag:s21] =	ssyncadd.s32 $0xFFFFF980  }
0x4d2: {  	_ =	swait.ge [sflag:s21], $0x680  }
0x4d3: {  	[sflag:s21] =	ssyncset.done $0x0  }
0x4d4: {  	[sflag:s21] =	ssyncadd.s32 $0xFFFFF980  }
0x4d5: {  	_ =	swait.ge [sflag:s21], $0x680  }
0x4d6: {  	[sflag:s21] =	ssyncset.done $0x0  }
0x4d7: {  	[sflag:s21] =	ssyncadd.s32 $0xFFFFF980  }
0x4d8: {  	_ =	swait.ge [sflag:s21], $0x680  }
0x4d9: {  	[sflag:s21] =	ssyncset.done $0x0  }
0x4da: {  	[sflag:s21] =	ssyncadd.s32 $0xFFFFF980  }
0x4db: {  	_ =	swait.ge [sflag:s21], $0x680  }
0x4dc: {  	[sflag:s21] =	ssyncset.done $0x0  }
0x4dd: {  	[sflag:s21] =	ssyncadd.s32 $0xFFFFF980  }
0x4de: {  	_ =	swait.ge [sflag:s21], $0x680  }
0x4df: {  	[sflag:s21] =	ssyncset.done $0x0  }
0x4e0: {  	[sflag:s21] =	ssyncadd.s32 $0xFFFFF980  }
0x4e1: {  	_ =	swait.ge [sflag:s21], $0x680  }
0x4e2: {  	[sflag:s21] =	ssyncset.done $0x0  }
0x4e3: {  	[sflag:s21] =	ssyncadd.s32 $0xFFFFF980  }
0x4e4: {  	_ =	swait.ge [sflag:s21], $0x680  }
0x4e5: {  	[sflag:s21] =	ssyncset.done $0x0  }
0x4e6: {  	[sflag:s21] =	ssyncadd.s32 $0xFFFFF980  }
0x4e7: {  	_ =	swait.ge [sflag:s21], $0x680  }
0x4e8: {  	[sflag:s21] =	ssyncset.done $0x0  }
0x4e9: {  	[sflag:s21] =	ssyncadd.s32 $0xFFFFF980  }
0x4ea: {  	_ =	swait.ge [sflag:s21], $0x680  }
0x4eb: {  	[sflag:s21] =	ssyncset.done $0x0  }
0x4ec: {  	[sflag:s21] =	ssyncadd.s32 $0xFFFFF980  }
0x4ed: {  	_ =	swait.ge [sflag:s21], $0x680  }
0x4ee: {  	[sflag:s21] =	ssyncset.done $0x0  }
0x4ef: {  	[sflag:s21] =	ssyncadd.s32 $0xFFFFF980  }
0x4f0: {  	_ =	swait.ge [sflag:s21], $0x680  }
0x4f1: {  	[sflag:s21] =	ssyncset.done $0x0  }
0x4f2: {  	[sflag:s21] =	ssyncadd.s32 $0xFFFFF980  }
0x4f3: {  	_ =	swait.ge [sflag:s21], $0x680  }
0x4f4: {  	[sflag:s21] =	ssyncset.done $0x0  }
0x4f5: {  	[sflag:s21] =	ssyncadd.s32 $0xFFFFF980  }
0x4f6: {  	_ =	swait.ge [sflag:s21], $0x680  }
0x4f7: {  	[sflag:s21] =	ssyncset.done $0x0  }
0x4f8: {  	[sflag:s21] =	ssyncadd.s32 $0xFFFFF980  }
0x4f9: {  	_ =	swait.ge [sflag:s21], $0x680  }
0x4fa: {  	[sflag:s21] =	ssyncset.done $0x0  }
0x4fb: {  	[sflag:s21] =	ssyncadd.s32 $0xFFFFF980  }
0x4fc: {  	_ =	swait.ge [sflag:s21], $0x680  }
0x4fd: {  	[sflag:s21] =	ssyncset.done $0x0  }
0x4fe: {  	[sflag:s21] =	ssyncadd.s32 $0xFFFFF980  }
0x4ff: {  	_ =	swait.ge [sflag:s21], $0x680  }
0x500: {  	[sflag:s21] =	ssyncset.done $0x0  }
0x501: {  	[sflag:s21] =	ssyncadd.s32 $0xFFFFF980  }
0x502: {  	_ =	swait.ge [sflag:s21], $0x680  }
0x503: {  	[sflag:s21] =	ssyncset.done $0x0  }
0x504: {  	[sflag:s21] =	ssyncadd.s32 $0xFFFFF980  }
0x505: {  	_ =	swait.ge [sflag:s21], $0x680  }
0x506: {  	[sflag:s21] =	ssyncset.done $0x0  }
0x507: {  	[sflag:s21] =	ssyncadd.s32 $0xFFFFF980  }
0x508: {  	_ =	swait.ge [sflag:s21], $0x680  }
0x509: {  	[sflag:s21] =	ssyncset.done $0x0  }
0x50a: {  	[sflag:s21] =	ssyncadd.s32 $0xFFFFF980  }
0x50b: {  	_ =	swait.ge [sflag:s21], $0x680  }
0x50c: {  	[sflag:s21] =	ssyncset.done $0x0  }
0x50d: {  	[sflag:s21] =	ssyncadd.s32 $0xFFFFF980  }
0x50e: {  	_ =	swait.ge [sflag:s21], $0x680  }
0x50f: {  	[sflag:s21] =	ssyncset.done $0x0  }
0x510: {  	[sflag:s21] =	ssyncadd.s32 $0xFFFFF980  }
0x511: {  	_ =	swait.ge [sflag:s21], $0x680  }
0x512: {  	[sflag:s21] =	ssyncset.done $0x0  }
0x513: {  	[sflag:s21] =	ssyncadd.s32 $0xFFFFF980  }
0x514: {  	_ =	swait.ge [sflag:s21], $0x680  }
0x515: {  	[sflag:s21] =	ssyncset.done $0x0  }
0x516: {  	[sflag:s21] =	ssyncadd.s32 $0xFFFFF980  }
0x517: {  	_ =	swait.ge [sflag:s21], $0x680  }
0x518: {  	[sflag:s21] =	ssyncset.done $0x0  }
0x519: {  	[sflag:s21] =	ssyncadd.s32 $0xFFFFF980  }
0x51a: {  	_ =	swait.ge [sflag:s21], $0x680  }
0x51b: {  	[sflag:s21] =	ssyncset.done $0x0  }
0x51c: {  	[sflag:s21] =	ssyncadd.s32 $0xFFFFF980  }
0x51d: {  	_ =	swait.ge [sflag:s21], $0x680  }
0x51e: {  	[sflag:s21] =	ssyncset.done $0x0  }
0x51f: {  	[sflag:s21] =	ssyncadd.s32 $0xFFFFF980  }
0x520: {  	_ =	swait.ge [sflag:s21], $0x680  }
0x521: {  	[sflag:s21] =	ssyncset.done $0x0  }
0x522: {  	[sflag:s21] =	ssyncadd.s32 $0xFFFFF980  }
0x523: {  	_ =	swait.ge [sflag:s21], $0x680  }
0x524: {  	[sflag:s21] =	ssyncset.done $0x0  }
0x525: {  	[sflag:s21] =	ssyncadd.s32 $0xFFFFF980  }
0x526: {  	s22 =	sadd.s32 $0x1, s22;
	_ =	swait.ge [sflag:s21], $0x680  }
0x527: {  	p0 =	sne.s32 s22, s12;
	[sflag:s21] =	ssyncset.done $0x0  }
.Ltmp3:
0x528: {  	s18 =	simm.s32 $0x7640;
	[sflag:s21] =	ssyncadd.s32 $0xFFFFF980;
	(pc) =	sbr.rel @p0 .LBB2_1-.Ltmp3, $4  }
0x529: {  	[hbm4b:s11+s2] =	stream.linear.scatter [tilespmem:s18], [sflag:$0x5], $0xD000, $0x38;
	[tilespmem:$0x153C0] =	vst v63  }
0x52a: {  	_ =	swait.ge [sflag:s13], $0xD000  }
0x52b: {  	[sflag:s13] =	ssyncset.done $0x0  }
0x52c: {  	[sflag:s13] =	ssyncadd.s32 $0xFFFF3000  }
0x52d: {  	_ =	sfence.sel $0x180000  }
0x52e: {  	[bflag:$0x0] =	sbarrier.arrive $0xFFFF  }
0x52f: {  	_ =	strace $0x90000047  }
0x530: {  	s0 =	stileid.u32;
	[bflag:$0x2] =	sbarrier.arrive $0xFFFF  }
0x531: {  	p0 =	sne.s32 s0, $0x0;
	s0 =	rddreg [dreg:$0x2]  }
0x532: {  	s0 =	sadd.s32 @!p0 $0x100000, s0  }
0x533: {  	[sflag:s0] =	ssyncadd.tile.s32 @!p0 $0x1;
	_ =	shalt  }
.Lfunc_end2:
_tile_overlayer_lowered:
.L_overlay_start_2:
0x534: {  	(tag) =	ssettag $0x2  }
0x535: {  	s0 =	rddreg [dreg:$0x0];
	s2 =	stileid.u32  }
0x536: {  	s1 =	rddreg [dreg:$0x1];
	p0 =	sne.s32 s2, $0x0  }
0x537: {  	s3 =	rddreg [dreg:$0x2];
	[bflag:$0x3] =	sbarrier.arrive $0xFFFF;
	s2 =	simm.s32 @!p0 $0x1C05  }
0x538: {  	[timem:s3], [sflag:s2] =	dma.local @!p0 [hbm:s0], s1  }
0x539: {  	s0 =	simm.s32 @!p0 $0x5  }
0x53a: {  	_ =	swait.ge @!p0 [sflag:s0], s1  }
0x53b: {  	s1 =	ssub.s32 @!p0 $0x0, s1;
	[sflag:s0] =	ssyncset.done @!p0 $0x0  }
0x53c: {  	[sflag:s0] =	ssyncadd.s32 @!p0 s1  }
0x53d: {  	[bflag:$0x3] =	sbarrier.arrive $0xFFFF  }
0x53e: {  	_ =	shalt  }

</sc_bundles>
